<compile_context>
chip_gen: v7x
topology: tpu7x:2x2x1
jax: 0.10.2.dev20260603
libtpu: 0.0.44.dev20260713+nightly
codegen_flags: <defaults>
</compile_context>

<pallas_src>
import functools

import jax
import jax.numpy as jnp
from jax import lax
from jax.experimental import pallas as pl
from jax.experimental.pallas import tpu as pltpu
from jax.experimental.pallas import tpu_sc as plsc

EMBED = 64
BATCH = 16384

_info = plsc.get_sparse_core_info()
_NW = _info.num_cores * _info.num_subcores
_BPW = BATCH // _NW
_CH = 128

_mesh = plsc.VectorSubcoreMesh(core_axis_name="c", subcore_axis_name="s")


@functools.partial(
    pl.kernel,
    mesh=_mesh,
    out_type=jax.ShapeDtypeStruct((BATCH, EMBED), jnp.float32),
    scratch_types=[
        pltpu.VMEM((_BPW,), jnp.int32),
        [pltpu.VMEM((_CH, EMBED), jnp.float32) for _ in range(2)],
        [pltpu.SemaphoreType.DMA for _ in range(2)],
    ],
    compiler_params=pltpu.CompilerParams(use_tc_tiling_on_sc=True,
                                         needs_layout_passes=False),
    name="user_field",
)
def _user_field(uid, ut, out, idx_v, rows_v, sem):
    wid = lax.axis_index("s") * _info.num_cores + lax.axis_index("c")
    base = wid * _BPW
    pltpu.sync_copy(uid.at[pl.ds(base, _BPW)], idx_v)

    def issue(g, _, c, buf):
        v = idx_v[pl.ds(c * _CH + g * 16, 16)]
        for lane in range(16):
            pltpu.async_copy(
                ut.at[pl.ds(v[lane], 1), :],
                rows_v[buf].at[pl.ds(g * 16 + lane, 1), :],
                sem[buf])
        return 0

    def drain(g, _, buf):
        for lane in range(16):
            pltpu.make_async_copy(
                ut.at[pl.ds(0, 1), :],
                rows_v[0].at[pl.ds(0, 1), :],
                sem[buf]).wait()
        return 0

    def chunk(c):
        lax.fori_loop(0, _CH // 16, functools.partial(issue, c=c, buf=c % 2), 0)

    n_chunks = _BPW // _CH
    chunk(0)
    for c in range(n_chunks):
        if c + 1 < n_chunks:
            chunk(c + 1)
        lax.fori_loop(0, _CH // 16, functools.partial(drain, buf=c % 2), 0)
        pltpu.sync_copy(rows_v[c % 2], out.at[pl.ds(base + c * _CH, _CH), :])


@functools.partial(
    pl.kernel,
    mesh=_mesh,
    out_type=jax.ShapeDtypeStruct((BATCH, 4 * EMBED), jnp.float32),
    scratch_types=[
        [pltpu.VMEM((_BPW,), jnp.int32) for _ in range(4)],
        [pltpu.VMEM((_BPW, EMBED), jnp.float32) for _ in range(2)],
        pltpu.SemaphoreType.DMA,
    ],
    compiler_params=pltpu.CompilerParams(use_tc_tiling_on_sc=False),
    name="small_fields",
)
def _small_fields(ep, pop, yr, st, et, pt, yt, stt, out, idx_v, rows_v, gsem):
    wid = lax.axis_index("s") * _info.num_cores + lax.axis_index("c")
    base = wid * _BPW
    idx_hbm = [ep, pop, yr, st]
    tables = [et, pt, yt, stt]
    for t in range(4):
        pltpu.sync_copy(idx_hbm[t].at[pl.ds(base, _BPW)], idx_v[t])

    def start_gather(t, buf):
        return pltpu.async_copy(tables[t].at[idx_v[t]], rows_v[buf], gsem)

    cp = start_gather(0, 0)
    for t in range(4):
        cp.wait()
        if t + 1 < 4:
            nxt = start_gather(t + 1, (t + 1) % 2)
        pltpu.sync_copy(
            rows_v[t % 2],
            out.at[pl.ds(base, _BPW), pl.ds(t * EMBED, EMBED)])
        if t + 1 < 4:
            cp = nxt


def kernel(user_id, episodes, popularity, year, studio,
           user_table, episodes_table, popularity_table, year_table, studio_table):
    user_part = _user_field(user_id, user_table)
    small_part = _small_fields(episodes, popularity, year, studio,
                               episodes_table, popularity_table, year_table,
                               studio_table)
    return jnp.concatenate([user_part.T, small_part.T], axis=0).T

# --- scband reference (transcript-rebuilt; emitter-appended) ---
"""Pipeline reference for scband-user-model-9912784519630 (READ-ONLY COPY).

The authoritative reference and input builder live on the scoring server;
editing this copy changes nothing except your own understanding.
"""

import jax, jax.numpy as jnp
import numpy as np

EMBED_DIM = 64
USER_VOCAB = 100000
FEATURE_VOCABS = {"episodes": 2000, "popularity": 20000, "year": 100, "studio": 1000}
BATCH = 16384


def setup_inputs(seed: int = 0) -> dict:
    key = jax.random.key(seed)
    ks = jax.random.split(key, 12)
    inp = {}
    # index inputs (IntegerLookup/StringLookup output is an in-range index; we model it directly)
    inp["user_id"] = jax.random.randint(ks[0], (BATCH,), 0, USER_VOCAB, dtype=jnp.int64 if jax.config.jax_enable_x64 else jnp.int32).astype(jnp.int32)
    inp["episodes"] = jax.random.randint(ks[1], (BATCH,), 0, FEATURE_VOCABS["episodes"]).astype(jnp.int32)
    inp["popularity"] = jax.random.randint(ks[2], (BATCH,), 0, FEATURE_VOCABS["popularity"]).astype(jnp.int32)
    inp["year"] = jax.random.randint(ks[3], (BATCH,), 0, FEATURE_VOCABS["year"]).astype(jnp.int32)
    inp["studio"] = jax.random.randint(ks[4], (BATCH,), 0, FEATURE_VOCABS["studio"]).astype(jnp.int32)
    # learned embedding tables (vocab + 1 for OOV row, matching keras Embedding(len(vocab)+1, d))
    inp["user_table"] = jax.random.normal(ks[5], (USER_VOCAB + 1, EMBED_DIM), dtype=jnp.float32) * 0.05
    inp["episodes_table"] = jax.random.normal(ks[6], (FEATURE_VOCABS["episodes"] + 1, EMBED_DIM), dtype=jnp.float32) * 0.05
    inp["popularity_table"] = jax.random.normal(ks[7], (FEATURE_VOCABS["popularity"] + 1, EMBED_DIM), dtype=jnp.float32) * 0.05
    inp["year_table"] = jax.random.normal(ks[8], (FEATURE_VOCABS["year"] + 1, EMBED_DIM), dtype=jnp.float32) * 0.05
    inp["studio_table"] = jax.random.normal(ks[9], (FEATURE_VOCABS["studio"] + 1, EMBED_DIM), dtype=jnp.float32) * 0.05
    return inp


def reference(user_id, episodes, popularity, year, studio,
              user_table, episodes_table, popularity_table, year_table, studio_table):
    # UserModel.call: concat of per-field embedding lookups along the feature axis
    emb_user = jnp.take(user_table, user_id, axis=0)
    emb_ep = jnp.take(episodes_table, episodes, axis=0)
    emb_pop = jnp.take(popularity_table, popularity, axis=0)
    emb_year = jnp.take(year_table, year, axis=0)
    emb_studio = jnp.take(studio_table, studio, axis=0)
    return jnp.concatenate([emb_user, emb_ep, emb_pop, emb_year, emb_studio], axis=1)

if __name__ == "__main__":
    import jax
    _d = setup_inputs()
    print(jax.jit(kernel)(*tuple(_d.values())))

</pallas_src>

<mosaic_0001>
#map = affine_map<(d0, d1) -> (0)>
#map1 = affine_map<(d0, d1) -> (0, 0)>
module attributes {stable_mosaic.version = 14 : i64} {
  func.func @user_field(%arg0: i32, %arg1: i32, %arg2: memref<16384xi32, #tpu.memory_space<hbm>>, %arg3: memref<100001x64xf32, #tpu.memory_space<hbm>>, %arg4: memref<16384x64xf32, #tpu.memory_space<hbm>>, %arg5: memref<512xi32, #tpu.memory_space<vmem>>, %arg6: memref<128x64xf32, #tpu.memory_space<vmem>>, %arg7: memref<128x64xf32, #tpu.memory_space<vmem>>, %arg8: memref<!tpu.dma_semaphore, #tpu.memory_space<semaphore_mem>>, %arg9: memref<!tpu.dma_semaphore, #tpu.memory_space<semaphore_mem>>) attributes {dimension_semantics = [#tpu.dimension_semantics<core_parallel>, #tpu.dimension_semantics<subcore_parallel>], iteration_bounds = array<i64: 2, 16>, scalar_prefetch = 0 : i64, scratch_operands = 5 : i64, tpu.core_type = #tpu.core_type<sc_vector_subcore>, window_params = [{transform_indices = #map}, {transform_indices = #map1}, {transform_indices = #map1}]} {
    %mul3A = arith.constant 2 : i32
    %mul3A_0 = arith.muli %arg1, %mul3A : i32
    %add3A = arith.addi %mul3A_0, %arg0 : i32
    %mul3A_1 = arith.constant 512 : i32
    %mul3A_2 = arith.muli %add3A, %mul3A_1 : i32
    "tpu.region"() ({
      %run_scoped3A = tpu.sem_alloc : memref<!tpu.dma_semaphore, #tpu.memory_space<semaphore_mem>>
      %dma_start3A = tpu.memref_slice %arg2[%mul3A_2] : memref<16384xi32, #tpu.memory_space<hbm>> -> memref<512xi32, #tpu.memory_space<hbm>>
      %dma_start3A_66 = tpu.memref_slice %arg2[%mul3A_2] : memref<16384xi32, #tpu.memory_space<hbm>> -> memref<512xi32, #tpu.memory_space<hbm>>
      tpu.enqueue_dma source(%dma_start3A_66 : memref<512xi32, #tpu.memory_space<hbm>>) target(%arg5 : memref<512xi32, #tpu.memory_space<vmem>>) target_semaphore(%run_scoped3A : memref<!tpu.dma_semaphore, #tpu.memory_space<semaphore_mem>>)
      %dma_wait3A = tpu.memref_slice %arg2[%mul3A_2] : memref<16384xi32, #tpu.memory_space<hbm>> -> memref<512xi32, #tpu.memory_space<hbm>>
      %dma_wait3A_67 = tpu.memref_slice %arg2[%mul3A_2] : memref<16384xi32, #tpu.memory_space<hbm>> -> memref<512xi32, #tpu.memory_space<hbm>>
      tpu.wait_dma2 semaphore(%run_scoped3A : memref<!tpu.dma_semaphore, #tpu.memory_space<semaphore_mem>>) src(%dma_wait3A_67 : memref<512xi32, #tpu.memory_space<hbm>>) dst(%arg5 : memref<512xi32, #tpu.memory_space<vmem>>)
      tpu.yield
    }) : () -> ()
    %scan3A = arith.constant 0 : i32
    %scan3A_3 = arith.constant 0 : i32
    %scan3A_4 = arith.constant 8 : i32
    %scan3A_5 = arith.addi %scan3A_3, %scan3A_4 : i32
    %scan3A_6 = arith.constant 1 : i32
    %scan3A_7 = scf.for %scan3A_66 = %scan3A_3 to %scan3A_5 step %scan3A_6 iter_args(%scan3A_67 = %scan3A) -> (i32)  : i32 {
      %mul3A_68 = arith.constant 16 : i32
      %mul3A_69 = arith.muli %scan3A_66, %mul3A_68 : i32
      %add3A_70 = arith.constant 0 : i32
      %add3A_71 = arith.addi %add3A_70, %mul3A_69 : i32
      %get3A = arith.index_cast %add3A_71 : i32 to index
      %get3A_72 = tpu.vector_load %arg5[%get3A] {strides = array<i32>} : memref<512xi32, #tpu.memory_space<vmem>>, vector<16xi32>,
      %slice3A = vector.extract_strided_slice %get3A_72 {offsets = [0], sizes = [1], strides = [1]} : vector<16xi32> to vector<1xi32>
      %squeeze3A = vector.extract %slice3A[0] : i32 from vector<1xi32>
      %mul3A_73 = arith.constant 16 : i32
      %mul3A_74 = arith.muli %scan3A_66, %mul3A_73 : i32
      %add3A_75 = arith.constant 0 : i32
      %add3A_76 = arith.addi %mul3A_74, %add3A_75 : i32
      %dma_start3A = arith.constant 0 : i32
      %dma_start3A_77 = tpu.memref_slice %arg6[%add3A_76, %dma_start3A] : memref<128x64xf32, #tpu.memory_space<vmem>> -> memref<1x64xf32, #tpu.memory_space<vmem>>
      %dma_start3A_78 = arith.constant 0 : i32
      %dma_start3A_79 = tpu.memref_slice %arg3[%squeeze3A, %dma_start3A_78] : memref<100001x64xf32, #tpu.memory_space<hbm>> -> memref<1x64xf32, #tpu.memory_space<hbm>>
      %dma_start3A_80 = arith.constant 0 : i32
      %dma_start3A_81 = tpu.memref_slice %arg6[%add3A_76, %dma_start3A_80] : memref<128x64xf32, #tpu.memory_space<vmem>> -> memref<1x64xf32, #tpu.memory_space<vmem>>
      %dma_start3A_82 = arith.constant 0 : i32
      %dma_start3A_83 = tpu.memref_slice %arg3[%squeeze3A, %dma_start3A_82] : memref<100001x64xf32, #tpu.memory_space<hbm>> -> memref<1x64xf32, #tpu.memory_space<hbm>>
      tpu.enqueue_dma source(%dma_start3A_83 : memref<1x64xf32, #tpu.memory_space<hbm>>) target(%dma_start3A_81 : memref<1x64xf32, #tpu.memory_space<vmem>>) target_semaphore(%arg8 : memref<!tpu.dma_semaphore, #tpu.memory_space<semaphore_mem>>)
      %slice3A_84 = vector.extract_strided_slice %get3A_72 {offsets = [1], sizes = [1], strides = [1]} : vector<16xi32> to vector<1xi32>
      %squeeze3A_85 = vector.extract %slice3A_84[0] : i32 from vector<1xi32>
      %mul3A_86 = arith.constant 16 : i32
      %mul3A_87 = arith.muli %scan3A_66, %mul3A_86 : i32
      %add3A_88 = arith.constant 1 : i32
      %add3A_89 = arith.addi %mul3A_87, %add3A_88 : i32
      %dma_start3A_90 = arith.constant 0 : i32
      %dma_start3A_91 = tpu.memref_slice %arg6[%add3A_89, %dma_start3A_90] : memref<128x64xf32, #tpu.memory_space<vmem>> -> memref<1x64xf32, #tpu.memory_space<vmem>>
      %dma_start3A_92 = arith.constant 0 : i32
      %dma_start3A_93 = tpu.memref_slice %arg3[%squeeze3A_85, %dma_start3A_92] : memref<100001x64xf32, #tpu.memory_space<hbm>> -> memref<1x64xf32, #tpu.memory_space<hbm>>
      %dma_start3A_94 = arith.constant 0 : i32
      %dma_start3A_95 = tpu.memref_slice %arg6[%add3A_89, %dma_start3A_94] : memref<128x64xf32, #tpu.memory_space<vmem>> -> memref<1x64xf32, #tpu.memory_space<vmem>>
      %dma_start3A_96 = arith.constant 0 : i32
      %dma_start3A_97 = tpu.memref_slice %arg3[%squeeze3A_85, %dma_start3A_96] : memref<100001x64xf32, #tpu.memory_space<hbm>> -> memref<1x64xf32, #tpu.memory_space<hbm>>
      tpu.enqueue_dma source(%dma_start3A_97 : memref<1x64xf32, #tpu.memory_space<hbm>>) target(%dma_start3A_95 : memref<1x64xf32, #tpu.memory_space<vmem>>) target_semaphore(%arg8 : memref<!tpu.dma_semaphore, #tpu.memory_space<semaphore_mem>>)
      %slice3A_98 = vector.extract_strided_slice %get3A_72 {offsets = [2], sizes = [1], strides = [1]} : vector<16xi32> to vector<1xi32>
      %squeeze3A_99 = vector.extract %slice3A_98[0] : i32 from vector<1xi32>
      %mul3A_100 = arith.constant 16 : i32
      %mul3A_101 = arith.muli %scan3A_66, %mul3A_100 : i32
      %add3A_102 = arith.constant 2 : i32
      %add3A_103 = arith.addi %mul3A_101, %add3A_102 : i32
      %dma_start3A_104 = arith.constant 0 : i32
      %dma_start3A_105 = tpu.memref_slice %arg6[%add3A_103, %dma_start3A_104] : memref<128x64xf32, #tpu.memory_space<vmem>> -> memref<1x64xf32, #tpu.memory_space<vmem>>
      %dma_start3A_106 = arith.constant 0 : i32
      %dma_start3A_107 = tpu.memref_slice %arg3[%squeeze3A_99, %dma_start3A_106] : memref<100001x64xf32, #tpu.memory_space<hbm>> -> memref<1x64xf32, #tpu.memory_space<hbm>>
      %dma_start3A_108 = arith.constant 0 : i32
      %dma_start3A_109 = tpu.memref_slice %arg6[%add3A_103, %dma_start3A_108] : memref<128x64xf32, #tpu.memory_space<vmem>> -> memref<1x64xf32, #tpu.memory_space<vmem>>
      %dma_start3A_110 = arith.constant 0 : i32
      %dma_start3A_111 = tpu.memref_slice %arg3[%squeeze3A_99, %dma_start3A_110] : memref<100001x64xf32, #tpu.memory_space<hbm>> -> memref<1x64xf32, #tpu.memory_space<hbm>>
      tpu.enqueue_dma source(%dma_start3A_111 : memref<1x64xf32, #tpu.memory_space<hbm>>) target(%dma_start3A_109 : memref<1x64xf32, #tpu.memory_space<vmem>>) target_semaphore(%arg8 : memref<!tpu.dma_semaphore, #tpu.memory_space<semaphore_mem>>)
      %slice3A_112 = vector.extract_strided_slice %get3A_72 {offsets = [3], sizes = [1], strides = [1]} : vector<16xi32> to vector<1xi32>
      %squeeze3A_113 = vector.extract %slice3A_112[0] : i32 from vector<1xi32>
      %mul3A_114 = arith.constant 16 : i32
      %mul3A_115 = arith.muli %scan3A_66, %mul3A_114 : i32
      %add3A_116 = arith.constant 3 : i32
      %add3A_117 = arith.addi %mul3A_115, %add3A_116 : i32
      %dma_start3A_118 = arith.constant 0 : i32
      %dma_start3A_119 = tpu.memref_slice %arg6[%add3A_117, %dma_start3A_118] : memref<128x64xf32, #tpu.memory_space<vmem>> -> memref<1x64xf32, #tpu.memory_space<vmem>>
      %dma_start3A_120 = arith.constant 0 : i32
      %dma_start3A_121 = tpu.memref_slice %arg3[%squeeze3A_113, %dma_start3A_120] : memref<100001x64xf32, #tpu.memory_space<hbm>> -> memref<1x64xf32, #tpu.memory_space<hbm>>
      %dma_start3A_122 = arith.constant 0 : i32
      %dma_start3A_123 = tpu.memref_slice %arg6[%add3A_117, %dma_start3A_122] : memref<128x64xf32, #tpu.memory_space<vmem>> -> memref<1x64xf32, #tpu.memory_space<vmem>>
      %dma_start3A_124 = arith.constant 0 : i32
      %dma_start3A_125 = tpu.memref_slice %arg3[%squeeze3A_113, %dma_start3A_124] : memref<100001x64xf32, #tpu.memory_space<hbm>> -> memref<1x64xf32, #tpu.memory_space<hbm>>
      tpu.enqueue_dma source(%dma_start3A_125 : memref<1x64xf32, #tpu.memory_space<hbm>>) target(%dma_start3A_123 : memref<1x64xf32, #tpu.memory_space<vmem>>) target_semaphore(%arg8 : memref<!tpu.dma_semaphore, #tpu.memory_space<semaphore_mem>>)
      %slice3A_126 = vector.extract_strided_slice %get3A_72 {offsets = [4], sizes = [1], strides = [1]} : vector<16xi32> to vector<1xi32>
      %squeeze3A_127 = vector.extract %slice3A_126[0] : i32 from vector<1xi32>
      %mul3A_128 = arith.constant 16 : i32
      %mul3A_129 = arith.muli %scan3A_66, %mul3A_128 : i32
      %add3A_130 = arith.constant 4 : i32
      %add3A_131 = arith.addi %mul3A_129, %add3A_130 : i32
      %dma_start3A_132 = arith.constant 0 : i32
      %dma_start3A_133 = tpu.memref_slice %arg6[%add3A_131, %dma_start3A_132] : memref<128x64xf32, #tpu.memory_space<vmem>> -> memref<1x64xf32, #tpu.memory_space<vmem>>
      %dma_start3A_134 = arith.constant 0 : i32
      %dma_start3A_135 = tpu.memref_slice %arg3[%squeeze3A_127, %dma_start3A_134] : memref<100001x64xf32, #tpu.memory_space<hbm>> -> memref<1x64xf32, #tpu.memory_space<hbm>>
      %dma_start3A_136 = arith.constant 0 : i32
      %dma_start3A_137 = tpu.memref_slice %arg6[%add3A_131, %dma_start3A_136] : memref<128x64xf32, #tpu.memory_space<vmem>> -> memref<1x64xf32, #tpu.memory_space<vmem>>
      %dma_start3A_138 = arith.constant 0 : i32
      %dma_start3A_139 = tpu.memref_slice %arg3[%squeeze3A_127, %dma_start3A_138] : memref<100001x64xf32, #tpu.memory_space<hbm>> -> memref<1x64xf32, #tpu.memory_space<hbm>>
      tpu.enqueue_dma source(%dma_start3A_139 : memref<1x64xf32, #tpu.memory_space<hbm>>) target(%dma_start3A_137 : memref<1x64xf32, #tpu.memory_space<vmem>>) target_semaphore(%arg8 : memref<!tpu.dma_semaphore, #tpu.memory_space<semaphore_mem>>)
      %slice3A_140 = vector.extract_strided_slice %get3A_72 {offsets = [5], sizes = [1], strides = [1]} : vector<16xi32> to vector<1xi32>
      %squeeze3A_141 = vector.extract %slice3A_140[0] : i32 from vector<1xi32>
      %mul3A_142 = arith.constant 16 : i32
      %mul3A_143 = arith.muli %scan3A_66, %mul3A_142 : i32
      %add3A_144 = arith.constant 5 : i32
      %add3A_145 = arith.addi %mul3A_143, %add3A_144 : i32
      %dma_start3A_146 = arith.constant 0 : i32
      %dma_start3A_147 = tpu.memref_slice %arg6[%add3A_145, %dma_start3A_146] : memref<128x64xf32, #tpu.memory_space<vmem>> -> memref<1x64xf32, #tpu.memory_space<vmem>>
      %dma_start3A_148 = arith.constant 0 : i32
      %dma_start3A_149 = tpu.memref_slice %arg3[%squeeze3A_141, %dma_start3A_148] : memref<100001x64xf32, #tpu.memory_space<hbm>> -> memref<1x64xf32, #tpu.memory_space<hbm>>
      %dma_start3A_150 = arith.constant 0 : i32
      %dma_start3A_151 = tpu.memref_slice %arg6[%add3A_145, %dma_start3A_150] : memref<128x64xf32, #tpu.memory_space<vmem>> -> memref<1x64xf32, #tpu.memory_space<vmem>>
      %dma_start3A_152 = arith.constant 0 : i32
      %dma_start3A_153 = tpu.memref_slice %arg3[%squeeze3A_141, %dma_start3A_152] : memref<100001x64xf32, #tpu.memory_space<hbm>> -> memref<1x64xf32, #tpu.memory_space<hbm>>
      tpu.enqueue_dma source(%dma_start3A_153 : memref<1x64xf32, #tpu.memory_space<hbm>>) target(%dma_start3A_151 : memref<1x64xf32, #tpu.memory_space<vmem>>) target_semaphore(%arg8 : memref<!tpu.dma_semaphore, #tpu.memory_space<semaphore_mem>>)
      %slice3A_154 = vector.extract_strided_slice %get3A_72 {offsets = [6], sizes = [1], strides = [1]} : vector<16xi32> to vector<1xi32>
      %squeeze3A_155 = vector.extract %slice3A_154[0] : i32 from vector<1xi32>
      %mul3A_156 = arith.constant 16 : i32
      %mul3A_157 = arith.muli %scan3A_66, %mul3A_156 : i32
      %add3A_158 = arith.constant 6 : i32
      %add3A_159 = arith.addi %mul3A_157, %add3A_158 : i32
      %dma_start3A_160 = arith.constant 0 : i32
      %dma_start3A_161 = tpu.memref_slice %arg6[%add3A_159, %dma_start3A_160] : memref<128x64xf32, #tpu.memory_space<vmem>> -> memref<1x64xf32, #tpu.memory_space<vmem>>
      %dma_start3A_162 = arith.constant 0 : i32
      %dma_start3A_163 = tpu.memref_slice %arg3[%squeeze3A_155, %dma_start3A_162] : memref<100001x64xf32, #tpu.memory_space<hbm>> -> memref<1x64xf32, #tpu.memory_space<hbm>>
      %dma_start3A_164 = arith.constant 0 : i32
      %dma_start3A_165 = tpu.memref_slice %arg6[%add3A_159, %dma_start3A_164] : memref<128x64xf32, #tpu.memory_space<vmem>> -> memref<1x64xf32, #tpu.memory_space<vmem>>
      %dma_start3A_166 = arith.constant 0 : i32
      %dma_start3A_167 = tpu.memref_slice %arg3[%squeeze3A_155, %dma_start3A_166] : memref<100001x64xf32, #tpu.memory_space<hbm>> -> memref<1x64xf32, #tpu.memory_space<hbm>>
      tpu.enqueue_dma source(%dma_start3A_167 : memref<1x64xf32, #tpu.memory_space<hbm>>) target(%dma_start3A_165 : memref<1x64xf32, #tpu.memory_space<vmem>>) target_semaphore(%arg8 : memref<!tpu.dma_semaphore, #tpu.memory_space<semaphore_mem>>)
      %slice3A_168 = vector.extract_strided_slice %get3A_72 {offsets = [7], sizes = [1], strides = [1]} : vector<16xi32> to vector<1xi32>
      %squeeze3A_169 = vector.extract %slice3A_168[0] : i32 from vector<1xi32>
      %mul3A_170 = arith.constant 16 : i32
      %mul3A_171 = arith.muli %scan3A_66, %mul3A_170 : i32
      %add3A_172 = arith.constant 7 : i32
      %add3A_173 = arith.addi %mul3A_171, %add3A_172 : i32
      %dma_start3A_174 = arith.constant 0 : i32
      %dma_start3A_175 = tpu.memref_slice %arg6[%add3A_173, %dma_start3A_174] : memref<128x64xf32, #tpu.memory_space<vmem>> -> memref<1x64xf32, #tpu.memory_space<vmem>>
      %dma_start3A_176 = arith.constant 0 : i32
      %dma_start3A_177 = tpu.memref_slice %arg3[%squeeze3A_169, %dma_start3A_176] : memref<100001x64xf32, #tpu.memory_space<hbm>> -> memref<1x64xf32, #tpu.memory_space<hbm>>
      %dma_start3A_178 = arith.constant 0 : i32
      %dma_start3A_179 = tpu.memref_slice %arg6[%add3A_173, %dma_start3A_178] : memref<128x64xf32, #tpu.memory_space<vmem>> -> memref<1x64xf32, #tpu.memory_space<vmem>>
      %dma_start3A_180 = arith.constant 0 : i32
      %dma_start3A_181 = tpu.memref_slice %arg3[%squeeze3A_169, %dma_start3A_180] : memref<100001x64xf32, #tpu.memory_space<hbm>> -> memref<1x64xf32, #tpu.memory_space<hbm>>
      tpu.enqueue_dma source(%dma_start3A_181 : memref<1x64xf32, #tpu.memory_space<hbm>>) target(%dma_start3A_179 : memref<1x64xf32, #tpu.memory_space<vmem>>) target_semaphore(%arg8 : memref<!tpu.dma_semaphore, #tpu.memory_space<semaphore_mem>>)
      %slice3A_182 = vector.extract_strided_slice %get3A_72 {offsets = [8], sizes = [1], strides = [1]} : vector<16xi32> to vector<1xi32>
      %squeeze3A_183 = vector.extract %slice3A_182[0] : i32 from vector<1xi32>
      %mul3A_184 = arith.constant 16 : i32
      %mul3A_185 = arith.muli %scan3A_66, %mul3A_184 : i32
      %add3A_186 = arith.constant 8 : i32
      %add3A_187 = arith.addi %mul3A_185, %add3A_186 : i32
      %dma_start3A_188 = arith.constant 0 : i32
      %dma_start3A_189 = tpu.memref_slice %arg6[%add3A_187, %dma_start3A_188] : memref<128x64xf32, #tpu.memory_space<vmem>> -> memref<1x64xf32, #tpu.memory_space<vmem>>
      %dma_start3A_190 = arith.constant 0 : i32
      %dma_start3A_191 = tpu.memref_slice %arg3[%squeeze3A_183, %dma_start3A_190] : memref<100001x64xf32, #tpu.memory_space<hbm>> -> memref<1x64xf32, #tpu.memory_space<hbm>>
      %dma_start3A_192 = arith.constant 0 : i32
      %dma_start3A_193 = tpu.memref_slice %arg6[%add3A_187, %dma_start3A_192] : memref<128x64xf32, #tpu.memory_space<vmem>> -> memref<1x64xf32, #tpu.memory_space<vmem>>
      %dma_start3A_194 = arith.constant 0 : i32
      %dma_start3A_195 = tpu.memref_slice %arg3[%squeeze3A_183, %dma_start3A_194] : memref<100001x64xf32, #tpu.memory_space<hbm>> -> memref<1x64xf32, #tpu.memory_space<hbm>>
      tpu.enqueue_dma source(%dma_start3A_195 : memref<1x64xf32, #tpu.memory_space<hbm>>) target(%dma_start3A_193 : memref<1x64xf32, #tpu.memory_space<vmem>>) target_semaphore(%arg8 : memref<!tpu.dma_semaphore, #tpu.memory_space<semaphore_mem>>)
      %slice3A_196 = vector.extract_strided_slice %get3A_72 {offsets = [9], sizes = [1], strides = [1]} : vector<16xi32> to vector<1xi32>
      %squeeze3A_197 = vector.extract %slice3A_196[0] : i32 from vector<1xi32>
      %mul3A_198 = arith.constant 16 : i32
      %mul3A_199 = arith.muli %scan3A_66, %mul3A_198 : i32
      %add3A_200 = arith.constant 9 : i32
      %add3A_201 = arith.addi %mul3A_199, %add3A_200 : i32
      %dma_start3A_202 = arith.constant 0 : i32
      %dma_start3A_203 = tpu.memref_slice %arg6[%add3A_201, %dma_start3A_202] : memref<128x64xf32, #tpu.memory_space<vmem>> -> memref<1x64xf32, #tpu.memory_space<vmem>>
      %dma_start3A_204 = arith.constant 0 : i32
      %dma_start3A_205 = tpu.memref_slice %arg3[%squeeze3A_197, %dma_start3A_204] : memref<100001x64xf32, #tpu.memory_space<hbm>> -> memref<1x64xf32, #tpu.memory_space<hbm>>
      %dma_start3A_206 = arith.constant 0 : i32
      %dma_start3A_207 = tpu.memref_slice %arg6[%add3A_201, %dma_start3A_206] : memref<128x64xf32, #tpu.memory_space<vmem>> -> memref<1x64xf32, #tpu.memory_space<vmem>>
      %dma_start3A_208 = arith.constant 0 : i32
      %dma_start3A_209 = tpu.memref_slice %arg3[%squeeze3A_197, %dma_start3A_208] : memref<100001x64xf32, #tpu.memory_space<hbm>> -> memref<1x64xf32, #tpu.memory_space<hbm>>
      tpu.enqueue_dma source(%dma_start3A_209 : memref<1x64xf32, #tpu.memory_space<hbm>>) target(%dma_start3A_207 : memref<1x64xf32, #tpu.memory_space<vmem>>) target_semaphore(%arg8 : memref<!tpu.dma_semaphore, #tpu.memory_space<semaphore_mem>>)
      %slice3A_210 = vector.extract_strided_slice %get3A_72 {offsets = [10], sizes = [1], strides = [1]} : vector<16xi32> to vector<1xi32>
      %squeeze3A_211 = vector.extract %slice3A_210[0] : i32 from vector<1xi32>
      %mul3A_212 = arith.constant 16 : i32
      %mul3A_213 = arith.muli %scan3A_66, %mul3A_212 : i32
      %add3A_214 = arith.constant 10 : i32
      %add3A_215 = arith.addi %mul3A_213, %add3A_214 : i32
      %dma_start3A_216 = arith.constant 0 : i32
      %dma_start3A_217 = tpu.memref_slice %arg6[%add3A_215, %dma_start3A_216] : memref<128x64xf32, #tpu.memory_space<vmem>> -> memref<1x64xf32, #tpu.memory_space<vmem>>
      %dma_start3A_218 = arith.constant 0 : i32
      %dma_start3A_219 = tpu.memref_slice %arg3[%squeeze3A_211, %dma_start3A_218] : memref<100001x64xf32, #tpu.memory_space<hbm>> -> memref<1x64xf32, #tpu.memory_space<hbm>>
      %dma_start3A_220 = arith.constant 0 : i32
      %dma_start3A_221 = tpu.memref_slice %arg6[%add3A_215, %dma_start3A_220] : memref<128x64xf32, #tpu.memory_space<vmem>> -> memref<1x64xf32, #tpu.memory_space<vmem>>
      %dma_start3A_222 = arith.constant 0 : i32
      %dma_start3A_223 = tpu.memref_slice %arg3[%squeeze3A_211, %dma_start3A_222] : memref<100001x64xf32, #tpu.memory_space<hbm>> -> memref<1x64xf32, #tpu.memory_space<hbm>>
      tpu.enqueue_dma source(%dma_start3A_223 : memref<1x64xf32, #tpu.memory_space<hbm>>) target(%dma_start3A_221 : memref<1x64xf32, #tpu.memory_space<vmem>>) target_semaphore(%arg8 : memref<!tpu.dma_semaphore, #tpu.memory_space<semaphore_mem>>)
      %slice3A_224 = vector.extract_strided_slice %get3A_72 {offsets = [11], sizes = [1], strides = [1]} : vector<16xi32> to vector<1xi32>
      %squeeze3A_225 = vector.extract %slice3A_224[0] : i32 from vector<1xi32>
      %mul3A_226 = arith.constant 16 : i32
      %mul3A_227 = arith.muli %scan3A_66, %mul3A_226 : i32
      %add3A_228 = arith.constant 11 : i32
      %add3A_229 = arith.addi %mul3A_227, %add3A_228 : i32
      %dma_start3A_230 = arith.constant 0 : i32
      %dma_start3A_231 = tpu.memref_slice %arg6[%add3A_229, %dma_start3A_230] : memref<128x64xf32, #tpu.memory_space<vmem>> -> memref<1x64xf32, #tpu.memory_space<vmem>>
      %dma_start3A_232 = arith.constant 0 : i32
      %dma_start3A_233 = tpu.memref_slice %arg3[%squeeze3A_225, %dma_start3A_232] : memref<100001x64xf32, #tpu.memory_space<hbm>> -> memref<1x64xf32, #tpu.memory_space<hbm>>
      %dma_start3A_234 = arith.constant 0 : i32
      %dma_start3A_235 = tpu.memref_slice %arg6[%add3A_229, %dma_start3A_234] : memref<128x64xf32, #tpu.memory_space<vmem>> -> memref<1x64xf32, #tpu.memory_space<vmem>>
      %dma_start3A_236 = arith.constant 0 : i32
      %dma_start3A_237 = tpu.memref_slice %arg3[%squeeze3A_225, %dma_start3A_236] : memref<100001x64xf32, #tpu.memory_space<hbm>> -> memref<1x64xf32, #tpu.memory_space<hbm>>
      tpu.enqueue_dma source(%dma_start3A_237 : memref<1x64xf32, #tpu.memory_space<hbm>>) target(%dma_start3A_235 : memref<1x64xf32, #tpu.memory_space<vmem>>) target_semaphore(%arg8 : memref<!tpu.dma_semaphore, #tpu.memory_space<semaphore_mem>>)
      %slice3A_238 = vector.extract_strided_slice %get3A_72 {offsets = [12], sizes = [1], strides = [1]} : vector<16xi32> to vector<1xi32>
      %squeeze3A_239 = vector.extract %slice3A_238[0] : i32 from vector<1xi32>
      %mul3A_240 = arith.constant 16 : i32
      %mul3A_241 = arith.muli %scan3A_66, %mul3A_240 : i32
      %add3A_242 = arith.constant 12 : i32
      %add3A_243 = arith.addi %mul3A_241, %add3A_242 : i32
      %dma_start3A_244 = arith.constant 0 : i32
      %dma_start3A_245 = tpu.memref_slice %arg6[%add3A_243, %dma_start3A_244] : memref<128x64xf32, #tpu.memory_space<vmem>> -> memref<1x64xf32, #tpu.memory_space<vmem>>
      %dma_start3A_246 = arith.constant 0 : i32
      %dma_start3A_247 = tpu.memref_slice %arg3[%squeeze3A_239, %dma_start3A_246] : memref<100001x64xf32, #tpu.memory_space<hbm>> -> memref<1x64xf32, #tpu.memory_space<hbm>>
      %dma_start3A_248 = arith.constant 0 : i32
      %dma_start3A_249 = tpu.memref_slice %arg6[%add3A_243, %dma_start3A_248] : memref<128x64xf32, #tpu.memory_space<vmem>> -> memref<1x64xf32, #tpu.memory_space<vmem>>
      %dma_start3A_250 = arith.constant 0 : i32
      %dma_start3A_251 = tpu.memref_slice %arg3[%squeeze3A_239, %dma_start3A_250] : memref<100001x64xf32, #tpu.memory_space<hbm>> -> memref<1x64xf32, #tpu.memory_space<hbm>>
      tpu.enqueue_dma source(%dma_start3A_251 : memref<1x64xf32, #tpu.memory_space<hbm>>) target(%dma_start3A_249 : memref<1x64xf32, #tpu.memory_space<vmem>>) target_semaphore(%arg8 : memref<!tpu.dma_semaphore, #tpu.memory_space<semaphore_mem>>)
      %slice3A_252 = vector.extract_strided_slice %get3A_72 {offsets = [13], sizes = [1], strides = [1]} : vector<16xi32> to vector<1xi32>
      %squeeze3A_253 = vector.extract %slice3A_252[0] : i32 from vector<1xi32>
      %mul3A_254 = arith.constant 16 : i32
      %mul3A_255 = arith.muli %scan3A_66, %mul3A_254 : i32
      %add3A_256 = arith.constant 13 : i32
      %add3A_257 = arith.addi %mul3A_255, %add3A_256 : i32
      %dma_start3A_258 = arith.constant 0 : i32
      %dma_start3A_259 = tpu.memref_slice %arg6[%add3A_257, %dma_start3A_258] : memref<128x64xf32, #tpu.memory_space<vmem>> -> memref<1x64xf32, #tpu.memory_space<vmem>>
      %dma_start3A_260 = arith.constant 0 : i32
      %dma_start3A_261 = tpu.memref_slice %arg3[%squeeze3A_253, %dma_start3A_260] : memref<100001x64xf32, #tpu.memory_space<hbm>> -> memref<1x64xf32, #tpu.memory_space<hbm>>
      %dma_start3A_262 = arith.constant 0 : i32
      %dma_start3A_263 = tpu.memref_slice %arg6[%add3A_257, %dma_start3A_262] : memref<128x64xf32, #tpu.memory_space<vmem>> -> memref<1x64xf32, #tpu.memory_space<vmem>>
      %dma_start3A_264 = arith.constant 0 : i32
      %dma_start3A_265 = tpu.memref_slice %arg3[%squeeze3A_253, %dma_start3A_264] : memref<100001x64xf32, #tpu.memory_space<hbm>> -> memref<1x64xf32, #tpu.memory_space<hbm>>
      tpu.enqueue_dma source(%dma_start3A_265 : memref<1x64xf32, #tpu.memory_space<hbm>>) target(%dma_start3A_263 : memref<1x64xf32, #tpu.memory_space<vmem>>) target_semaphore(%arg8 : memref<!tpu.dma_semaphore, #tpu.memory_space<semaphore_mem>>)
      %slice3A_266 = vector.extract_strided_slice %get3A_72 {offsets = [14], sizes = [1], strides = [1]} : vector<16xi32> to vector<1xi32>
      %squeeze3A_267 = vector.extract %slice3A_266[0] : i32 from vector<1xi32>
      %mul3A_268 = arith.constant 16 : i32
      %mul3A_269 = arith.muli %scan3A_66, %mul3A_268 : i32
      %add3A_270 = arith.constant 14 : i32
      %add3A_271 = arith.addi %mul3A_269, %add3A_270 : i32
      %dma_start3A_272 = arith.constant 0 : i32
      %dma_start3A_273 = tpu.memref_slice %arg6[%add3A_271, %dma_start3A_272] : memref<128x64xf32, #tpu.memory_space<vmem>> -> memref<1x64xf32, #tpu.memory_space<vmem>>
      %dma_start3A_274 = arith.constant 0 : i32
      %dma_start3A_275 = tpu.memref_slice %arg3[%squeeze3A_267, %dma_start3A_274] : memref<100001x64xf32, #tpu.memory_space<hbm>> -> memref<1x64xf32, #tpu.memory_space<hbm>>
      %dma_start3A_276 = arith.constant 0 : i32
      %dma_start3A_277 = tpu.memref_slice %arg6[%add3A_271, %dma_start3A_276] : memref<128x64xf32, #tpu.memory_space<vmem>> -> memref<1x64xf32, #tpu.memory_space<vmem>>
      %dma_start3A_278 = arith.constant 0 : i32
      %dma_start3A_279 = tpu.memref_slice %arg3[%squeeze3A_267, %dma_start3A_278] : memref<100001x64xf32, #tpu.memory_space<hbm>> -> memref<1x64xf32, #tpu.memory_space<hbm>>
      tpu.enqueue_dma source(%dma_start3A_279 : memref<1x64xf32, #tpu.memory_space<hbm>>) target(%dma_start3A_277 : memref<1x64xf32, #tpu.memory_space<vmem>>) target_semaphore(%arg8 : memref<!tpu.dma_semaphore, #tpu.memory_space<semaphore_mem>>)
      %slice3A_280 = vector.extract_strided_slice %get3A_72 {offsets = [15], sizes = [1], strides = [1]} : vector<16xi32> to vector<1xi32>
      %squeeze3A_281 = vector.extract %slice3A_280[0] : i32 from vector<1xi32>
      %mul3A_282 = arith.constant 16 : i32
      %mul3A_283 = arith.muli %scan3A_66, %mul3A_282 : i32
      %add3A_284 = arith.constant 15 : i32
      %add3A_285 = arith.addi %mul3A_283, %add3A_284 : i32
      %dma_start3A_286 = arith.constant 0 : i32
      %dma_start3A_287 = tpu.memref_slice %arg6[%add3A_285, %dma_start3A_286] : memref<128x64xf32, #tpu.memory_space<vmem>> -> memref<1x64xf32, #tpu.memory_space<vmem>>
      %dma_start3A_288 = arith.constant 0 : i32
      %dma_start3A_289 = tpu.memref_slice %arg3[%squeeze3A_281, %dma_start3A_288] : memref<100001x64xf32, #tpu.memory_space<hbm>> -> memref<1x64xf32, #tpu.memory_space<hbm>>
      %dma_start3A_290 = arith.constant 0 : i32
      %dma_start3A_291 = tpu.memref_slice %arg6[%add3A_285, %dma_start3A_290] : memref<128x64xf32, #tpu.memory_space<vmem>> -> memref<1x64xf32, #tpu.memory_space<vmem>>
      %dma_start3A_292 = arith.constant 0 : i32
      %dma_start3A_293 = tpu.memref_slice %arg3[%squeeze3A_281, %dma_start3A_292] : memref<100001x64xf32, #tpu.memory_space<hbm>> -> memref<1x64xf32, #tpu.memory_space<hbm>>
      tpu.enqueue_dma source(%dma_start3A_293 : memref<1x64xf32, #tpu.memory_space<hbm>>) target(%dma_start3A_291 : memref<1x64xf32, #tpu.memory_space<vmem>>) target_semaphore(%arg8 : memref<!tpu.dma_semaphore, #tpu.memory_space<semaphore_mem>>)
      %scan3A_294 = arith.constant 0 : i32
      scf.yield %scan3A_294 : i32
    }
    %scan3A_8 = arith.constant 8 : i32
    %scan3A_9 = arith.constant 0 : i32
    %scan3A_10 = arith.constant 0 : i32
    %scan3A_11 = arith.constant 8 : i32
    %scan3A_12 = arith.addi %scan3A_10, %scan3A_11 : i32
    %scan3A_13 = arith.constant 1 : i32
    %scan3A_14 = scf.for %scan3A_66 = %scan3A_10 to %scan3A_12 step %scan3A_13 iter_args(%scan3A_67 = %scan3A_9) -> (i32)  : i32 {
      %mul3A_68 = arith.constant 16 : i32
      %mul3A_69 = arith.muli %scan3A_66, %mul3A_68 : i32
      %add3A_70 = arith.constant 128 : i32
      %add3A_71 = arith.addi %add3A_70, %mul3A_69 : i32
      %get3A = arith.index_cast %add3A_71 : i32 to index
      %get3A_72 = tpu.vector_load %arg5[%get3A] {strides = array<i32>} : memref<512xi32, #tpu.memory_space<vmem>>, vector<16xi32>,
      %slice3A = vector.extract_strided_slice %get3A_72 {offsets = [0], sizes = [1], strides = [1]} : vector<16xi32> to vector<1xi32>
      %squeeze3A = vector.extract %slice3A[0] : i32 from vector<1xi32>
      %mul3A_73 = arith.constant 16 : i32
      %mul3A_74 = arith.muli %scan3A_66, %mul3A_73 : i32
      %add3A_75 = arith.constant 0 : i32
      %add3A_76 = arith.addi %mul3A_74, %add3A_75 : i32
      %dma_start3A = arith.constant 0 : i32
      %dma_start3A_77 = tpu.memref_slice %arg7[%add3A_76, %dma_start3A] : memref<128x64xf32, #tpu.memory_space<vmem>> -> memref<1x64xf32, #tpu.memory_space<vmem>>
      %dma_start3A_78 = arith.constant 0 : i32
      %dma_start3A_79 = tpu.memref_slice %arg3[%squeeze3A, %dma_start3A_78] : memref<100001x64xf32, #tpu.memory_space<hbm>> -> memref<1x64xf32, #tpu.memory_space<hbm>>
      %dma_start3A_80 = arith.constant 0 : i32
      %dma_start3A_81 = tpu.memref_slice %arg7[%add3A_76, %dma_start3A_80] : memref<128x64xf32, #tpu.memory_space<vmem>> -> memref<1x64xf32, #tpu.memory_space<vmem>>
      %dma_start3A_82 = arith.constant 0 : i32
      %dma_start3A_83 = tpu.memref_slice %arg3[%squeeze3A, %dma_start3A_82] : memref<100001x64xf32, #tpu.memory_space<hbm>> -> memref<1x64xf32, #tpu.memory_space<hbm>>
      tpu.enqueue_dma source(%dma_start3A_83 : memref<1x64xf32, #tpu.memory_space<hbm>>) target(%dma_start3A_81 : memref<1x64xf32, #tpu.memory_space<vmem>>) target_semaphore(%arg9 : memref<!tpu.dma_semaphore, #tpu.memory_space<semaphore_mem>>)
      %slice3A_84 = vector.extract_strided_slice %get3A_72 {offsets = [1], sizes = [1], strides = [1]} : vector<16xi32> to vector<1xi32>
      %squeeze3A_85 = vector.extract %slice3A_84[0] : i32 from vector<1xi32>
      %mul3A_86 = arith.constant 16 : i32
      %mul3A_87 = arith.muli %scan3A_66, %mul3A_86 : i32
      %add3A_88 = arith.constant 1 : i32
      %add3A_89 = arith.addi %mul3A_87, %add3A_88 : i32
      %dma_start3A_90 = arith.constant 0 : i32
      %dma_start3A_91 = tpu.memref_slice %arg7[%add3A_89, %dma_start3A_90] : memref<128x64xf32, #tpu.memory_space<vmem>> -> memref<1x64xf32, #tpu.memory_space<vmem>>
      %dma_start3A_92 = arith.constant 0 : i32
      %dma_start3A_93 = tpu.memref_slice %arg3[%squeeze3A_85, %dma_start3A_92] : memref<100001x64xf32, #tpu.memory_space<hbm>> -> memref<1x64xf32, #tpu.memory_space<hbm>>
      %dma_start3A_94 = arith.constant 0 : i32
      %dma_start3A_95 = tpu.memref_slice %arg7[%add3A_89, %dma_start3A_94] : memref<128x64xf32, #tpu.memory_space<vmem>> -> memref<1x64xf32, #tpu.memory_space<vmem>>
      %dma_start3A_96 = arith.constant 0 : i32
      %dma_start3A_97 = tpu.memref_slice %arg3[%squeeze3A_85, %dma_start3A_96] : memref<100001x64xf32, #tpu.memory_space<hbm>> -> memref<1x64xf32, #tpu.memory_space<hbm>>
      tpu.enqueue_dma source(%dma_start3A_97 : memref<1x64xf32, #tpu.memory_space<hbm>>) target(%dma_start3A_95 : memref<1x64xf32, #tpu.memory_space<vmem>>) target_semaphore(%arg9 : memref<!tpu.dma_semaphore, #tpu.memory_space<semaphore_mem>>)
      %slice3A_98 = vector.extract_strided_slice %get3A_72 {offsets = [2], sizes = [1], strides = [1]} : vector<16xi32> to vector<1xi32>
      %squeeze3A_99 = vector.extract %slice3A_98[0] : i32 from vector<1xi32>
      %mul3A_100 = arith.constant 16 : i32
      %mul3A_101 = arith.muli %scan3A_66, %mul3A_100 : i32
      %add3A_102 = arith.constant 2 : i32
      %add3A_103 = arith.addi %mul3A_101, %add3A_102 : i32
      %dma_start3A_104 = arith.constant 0 : i32
      %dma_start3A_105 = tpu.memref_slice %arg7[%add3A_103, %dma_start3A_104] : memref<128x64xf32, #tpu.memory_space<vmem>> -> memref<1x64xf32, #tpu.memory_space<vmem>>
      %dma_start3A_106 = arith.constant 0 : i32
      %dma_start3A_107 = tpu.memref_slice %arg3[%squeeze3A_99, %dma_start3A_106] : memref<100001x64xf32, #tpu.memory_space<hbm>> -> memref<1x64xf32, #tpu.memory_space<hbm>>
      %dma_start3A_108 = arith.constant 0 : i32
      %dma_start3A_109 = tpu.memref_slice %arg7[%add3A_103, %dma_start3A_108] : memref<128x64xf32, #tpu.memory_space<vmem>> -> memref<1x64xf32, #tpu.memory_space<vmem>>
      %dma_start3A_110 = arith.constant 0 : i32
      %dma_start3A_111 = tpu.memref_slice %arg3[%squeeze3A_99, %dma_start3A_110] : memref<100001x64xf32, #tpu.memory_space<hbm>> -> memref<1x64xf32, #tpu.memory_space<hbm>>
      tpu.enqueue_dma source(%dma_start3A_111 : memref<1x64xf32, #tpu.memory_space<hbm>>) target(%dma_start3A_109 : memref<1x64xf32, #tpu.memory_space<vmem>>) target_semaphore(%arg9 : memref<!tpu.dma_semaphore, #tpu.memory_space<semaphore_mem>>)
      %slice3A_112 = vector.extract_strided_slice %get3A_72 {offsets = [3], sizes = [1], strides = [1]} : vector<16xi32> to vector<1xi32>
      %squeeze3A_113 = vector.extract %slice3A_112[0] : i32 from vector<1xi32>
      %mul3A_114 = arith.constant 16 : i32
      %mul3A_115 = arith.muli %scan3A_66, %mul3A_114 : i32
      %add3A_116 = arith.constant 3 : i32
      %add3A_117 = arith.addi %mul3A_115, %add3A_116 : i32
      %dma_start3A_118 = arith.constant 0 : i32
      %dma_start3A_119 = tpu.memref_slice %arg7[%add3A_117, %dma_start3A_118] : memref<128x64xf32, #tpu.memory_space<vmem>> -> memref<1x64xf32, #tpu.memory_space<vmem>>
      %dma_start3A_120 = arith.constant 0 : i32
      %dma_start3A_121 = tpu.memref_slice %arg3[%squeeze3A_113, %dma_start3A_120] : memref<100001x64xf32, #tpu.memory_space<hbm>> -> memref<1x64xf32, #tpu.memory_space<hbm>>
      %dma_start3A_122 = arith.constant 0 : i32
      %dma_start3A_123 = tpu.memref_slice %arg7[%add3A_117, %dma_start3A_122] : memref<128x64xf32, #tpu.memory_space<vmem>> -> memref<1x64xf32, #tpu.memory_space<vmem>>
      %dma_start3A_124 = arith.constant 0 : i32
      %dma_start3A_125 = tpu.memref_slice %arg3[%squeeze3A_113, %dma_start3A_124] : memref<100001x64xf32, #tpu.memory_space<hbm>> -> memref<1x64xf32, #tpu.memory_space<hbm>>
      tpu.enqueue_dma source(%dma_start3A_125 : memref<1x64xf32, #tpu.memory_space<hbm>>) target(%dma_start3A_123 : memref<1x64xf32, #tpu.memory_space<vmem>>) target_semaphore(%arg9 : memref<!tpu.dma_semaphore, #tpu.memory_space<semaphore_mem>>)
      %slice3A_126 = vector.extract_strided_slice %get3A_72 {offsets = [4], sizes = [1], strides = [1]} : vector<16xi32> to vector<1xi32>
      %squeeze3A_127 = vector.extract %slice3A_126[0] : i32 from vector<1xi32>
      %mul3A_128 = arith.constant 16 : i32
      %mul3A_129 = arith.muli %scan3A_66, %mul3A_128 : i32
      %add3A_130 = arith.constant 4 : i32
      %add3A_131 = arith.addi %mul3A_129, %add3A_130 : i32
      %dma_start3A_132 = arith.constant 0 : i32
      %dma_start3A_133 = tpu.memref_slice %arg7[%add3A_131, %dma_start3A_132] : memref<128x64xf32, #tpu.memory_space<vmem>> -> memref<1x64xf32, #tpu.memory_space<vmem>>
      %dma_start3A_134 = arith.constant 0 : i32
      %dma_start3A_135 = tpu.memref_slice %arg3[%squeeze3A_127, %dma_start3A_134] : memref<100001x64xf32, #tpu.memory_space<hbm>> -> memref<1x64xf32, #tpu.memory_space<hbm>>
      %dma_start3A_136 = arith.constant 0 : i32
      %dma_start3A_137 = tpu.memref_slice %arg7[%add3A_131, %dma_start3A_136] : memref<128x64xf32, #tpu.memory_space<vmem>> -> memref<1x64xf32, #tpu.memory_space<vmem>>
      %dma_start3A_138 = arith.constant 0 : i32
      %dma_start3A_139 = tpu.memref_slice %arg3[%squeeze3A_127, %dma_start3A_138] : memref<100001x64xf32, #tpu.memory_space<hbm>> -> memref<1x64xf32, #tpu.memory_space<hbm>>
      tpu.enqueue_dma source(%dma_start3A_139 : memref<1x64xf32, #tpu.memory_space<hbm>>) target(%dma_start3A_137 : memref<1x64xf32, #tpu.memory_space<vmem>>) target_semaphore(%arg9 : memref<!tpu.dma_semaphore, #tpu.memory_space<semaphore_mem>>)
      %slice3A_140 = vector.extract_strided_slice %get3A_72 {offsets = [5], sizes = [1], strides = [1]} : vector<16xi32> to vector<1xi32>
      %squeeze3A_141 = vector.extract %slice3A_140[0] : i32 from vector<1xi32>
      %mul3A_142 = arith.constant 16 : i32
      %mul3A_143 = arith.muli %scan3A_66, %mul3A_142 : i32
      %add3A_144 = arith.constant 5 : i32
      %add3A_145 = arith.addi %mul3A_143, %add3A_144 : i32
      %dma_start3A_146 = arith.constant 0 : i32
      %dma_start3A_147 = tpu.memref_slice %arg7[%add3A_145, %dma_start3A_146] : memref<128x64xf32, #tpu.memory_space<vmem>> -> memref<1x64xf32, #tpu.memory_space<vmem>>
      %dma_start3A_148 = arith.constant 0 : i32
      %dma_start3A_149 = tpu.memref_slice %arg3[%squeeze3A_141, %dma_start3A_148] : memref<100001x64xf32, #tpu.memory_space<hbm>> -> memref<1x64xf32, #tpu.memory_space<hbm>>
      %dma_start3A_150 = arith.constant 0 : i32
      %dma_start3A_151 = tpu.memref_slice %arg7[%add3A_145, %dma_start3A_150] : memref<128x64xf32, #tpu.memory_space<vmem>> -> memref<1x64xf32, #tpu.memory_space<vmem>>
      %dma_start3A_152 = arith.constant 0 : i32
      %dma_start3A_153 = tpu.memref_slice %arg3[%squeeze3A_141, %dma_start3A_152] : memref<100001x64xf32, #tpu.memory_space<hbm>> -> memref<1x64xf32, #tpu.memory_space<hbm>>
      tpu.enqueue_dma source(%dma_start3A_153 : memref<1x64xf32, #tpu.memory_space<hbm>>) target(%dma_start3A_151 : memref<1x64xf32, #tpu.memory_space<vmem>>) target_semaphore(%arg9 : memref<!tpu.dma_semaphore, #tpu.memory_space<semaphore_mem>>)
      %slice3A_154 = vector.extract_strided_slice %get3A_72 {offsets = [6], sizes = [1], strides = [1]} : vector<16xi32> to vector<1xi32>
      %squeeze3A_155 = vector.extract %slice3A_154[0] : i32 from vector<1xi32>
      %mul3A_156 = arith.constant 16 : i32
      %mul3A_157 = arith.muli %scan3A_66, %mul3A_156 : i32
      %add3A_158 = arith.constant 6 : i32
      %add3A_159 = arith.addi %mul3A_157, %add3A_158 : i32
      %dma_start3A_160 = arith.constant 0 : i32
      %dma_start3A_161 = tpu.memref_slice %arg7[%add3A_159, %dma_start3A_160] : memref<128x64xf32, #tpu.memory_space<vmem>> -> memref<1x64xf32, #tpu.memory_space<vmem>>
      %dma_start3A_162 = arith.constant 0 : i32
      %dma_start3A_163 = tpu.memref_slice %arg3[%squeeze3A_155, %dma_start3A_162] : memref<100001x64xf32, #tpu.memory_space<hbm>> -> memref<1x64xf32, #tpu.memory_space<hbm>>
      %dma_start3A_164 = arith.constant 0 : i32
      %dma_start3A_165 = tpu.memref_slice %arg7[%add3A_159, %dma_start3A_164] : memref<128x64xf32, #tpu.memory_space<vmem>> -> memref<1x64xf32, #tpu.memory_space<vmem>>
      %dma_start3A_166 = arith.constant 0 : i32
      %dma_start3A_167 = tpu.memref_slice %arg3[%squeeze3A_155, %dma_start3A_166] : memref<100001x64xf32, #tpu.memory_space<hbm>> -> memref<1x64xf32, #tpu.memory_space<hbm>>
      tpu.enqueue_dma source(%dma_start3A_167 : memref<1x64xf32, #tpu.memory_space<hbm>>) target(%dma_start3A_165 : memref<1x64xf32, #tpu.memory_space<vmem>>) target_semaphore(%arg9 : memref<!tpu.dma_semaphore, #tpu.memory_space<semaphore_mem>>)
      %slice3A_168 = vector.extract_strided_slice %get3A_72 {offsets = [7], sizes = [1], strides = [1]} : vector<16xi32> to vector<1xi32>
      %squeeze3A_169 = vector.extract %slice3A_168[0] : i32 from vector<1xi32>
      %mul3A_170 = arith.constant 16 : i32
      %mul3A_171 = arith.muli %scan3A_66, %mul3A_170 : i32
      %add3A_172 = arith.constant 7 : i32
      %add3A_173 = arith.addi %mul3A_171, %add3A_172 : i32
      %dma_start3A_174 = arith.constant 0 : i32
      %dma_start3A_175 = tpu.memref_slice %arg7[%add3A_173, %dma_start3A_174] : memref<128x64xf32, #tpu.memory_space<vmem>> -> memref<1x64xf32, #tpu.memory_space<vmem>>
      %dma_start3A_176 = arith.constant 0 : i32
      %dma_start3A_177 = tpu.memref_slice %arg3[%squeeze3A_169, %dma_start3A_176] : memref<100001x64xf32, #tpu.memory_space<hbm>> -> memref<1x64xf32, #tpu.memory_space<hbm>>
      %dma_start3A_178 = arith.constant 0 : i32
      %dma_start3A_179 = tpu.memref_slice %arg7[%add3A_173, %dma_start3A_178] : memref<128x64xf32, #tpu.memory_space<vmem>> -> memref<1x64xf32, #tpu.memory_space<vmem>>
      %dma_start3A_180 = arith.constant 0 : i32
      %dma_start3A_181 = tpu.memref_slice %arg3[%squeeze3A_169, %dma_start3A_180] : memref<100001x64xf32, #tpu.memory_space<hbm>> -> memref<1x64xf32, #tpu.memory_space<hbm>>
      tpu.enqueue_dma source(%dma_start3A_181 : memref<1x64xf32, #tpu.memory_space<hbm>>) target(%dma_start3A_179 : memref<1x64xf32, #tpu.memory_space<vmem>>) target_semaphore(%arg9 : memref<!tpu.dma_semaphore, #tpu.memory_space<semaphore_mem>>)
      %slice3A_182 = vector.extract_strided_slice %get3A_72 {offsets = [8], sizes = [1], strides = [1]} : vector<16xi32> to vector<1xi32>
      %squeeze3A_183 = vector.extract %slice3A_182[0] : i32 from vector<1xi32>
      %mul3A_184 = arith.constant 16 : i32
      %mul3A_185 = arith.muli %scan3A_66, %mul3A_184 : i32
      %add3A_186 = arith.constant 8 : i32
      %add3A_187 = arith.addi %mul3A_185, %add3A_186 : i32
      %dma_start3A_188 = arith.constant 0 : i32
      %dma_start3A_189 = tpu.memref_slice %arg7[%add3A_187, %dma_start3A_188] : memref<128x64xf32, #tpu.memory_space<vmem>> -> memref<1x64xf32, #tpu.memory_space<vmem>>
      %dma_start3A_190 = arith.constant 0 : i32
      %dma_start3A_191 = tpu.memref_slice %arg3[%squeeze3A_183, %dma_start3A_190] : memref<100001x64xf32, #tpu.memory_space<hbm>> -> memref<1x64xf32, #tpu.memory_space<hbm>>
      %dma_start3A_192 = arith.constant 0 : i32
      %dma_start3A_193 = tpu.memref_slice %arg7[%add3A_187, %dma_start3A_192] : memref<128x64xf32, #tpu.memory_space<vmem>> -> memref<1x64xf32, #tpu.memory_space<vmem>>
      %dma_start3A_194 = arith.constant 0 : i32
      %dma_start3A_195 = tpu.memref_slice %arg3[%squeeze3A_183, %dma_start3A_194] : memref<100001x64xf32, #tpu.memory_space<hbm>> -> memref<1x64xf32, #tpu.memory_space<hbm>>
      tpu.enqueue_dma source(%dma_start3A_195 : memref<1x64xf32, #tpu.memory_space<hbm>>) target(%dma_start3A_193 : memref<1x64xf32, #tpu.memory_space<vmem>>) target_semaphore(%arg9 : memref<!tpu.dma_semaphore, #tpu.memory_space<semaphore_mem>>)
      %slice3A_196 = vector.extract_strided_slice %get3A_72 {offsets = [9], sizes = [1], strides = [1]} : vector<16xi32> to vector<1xi32>
      %squeeze3A_197 = vector.extract %slice3A_196[0] : i32 from vector<1xi32>
      %mul3A_198 = arith.constant 16 : i32
      %mul3A_199 = arith.muli %scan3A_66, %mul3A_198 : i32
      %add3A_200 = arith.constant 9 : i32
      %add3A_201 = arith.addi %mul3A_199, %add3A_200 : i32
      %dma_start3A_202 = arith.constant 0 : i32
      %dma_start3A_203 = tpu.memref_slice %arg7[%add3A_201, %dma_start3A_202] : memref<128x64xf32, #tpu.memory_space<vmem>> -> memref<1x64xf32, #tpu.memory_space<vmem>>
      %dma_start3A_204 = arith.constant 0 : i32
      %dma_start3A_205 = tpu.memref_slice %arg3[%squeeze3A_197, %dma_start3A_204] : memref<100001x64xf32, #tpu.memory_space<hbm>> -> memref<1x64xf32, #tpu.memory_space<hbm>>
      %dma_start3A_206 = arith.constant 0 : i32
      %dma_start3A_207 = tpu.memref_slice %arg7[%add3A_201, %dma_start3A_206] : memref<128x64xf32, #tpu.memory_space<vmem>> -> memref<1x64xf32, #tpu.memory_space<vmem>>
      %dma_start3A_208 = arith.constant 0 : i32
      %dma_start3A_209 = tpu.memref_slice %arg3[%squeeze3A_197, %dma_start3A_208] : memref<100001x64xf32, #tpu.memory_space<hbm>> -> memref<1x64xf32, #tpu.memory_space<hbm>>
      tpu.enqueue_dma source(%dma_start3A_209 : memref<1x64xf32, #tpu.memory_space<hbm>>) target(%dma_start3A_207 : memref<1x64xf32, #tpu.memory_space<vmem>>) target_semaphore(%arg9 : memref<!tpu.dma_semaphore, #tpu.memory_space<semaphore_mem>>)
      %slice3A_210 = vector.extract_strided_slice %get3A_72 {offsets = [10], sizes = [1], strides = [1]} : vector<16xi32> to vector<1xi32>
      %squeeze3A_211 = vector.extract %slice3A_210[0] : i32 from vector<1xi32>
      %mul3A_212 = arith.constant 16 : i32
      %mul3A_213 = arith.muli %scan3A_66, %mul3A_212 : i32
      %add3A_214 = arith.constant 10 : i32
      %add3A_215 = arith.addi %mul3A_213, %add3A_214 : i32
      %dma_start3A_216 = arith.constant 0 : i32
      %dma_start3A_217 = tpu.memref_slice %arg7[%add3A_215, %dma_start3A_216] : memref<128x64xf32, #tpu.memory_space<vmem>> -> memref<1x64xf32, #tpu.memory_space<vmem>>
      %dma_start3A_218 = arith.constant 0 : i32
      %dma_start3A_219 = tpu.memref_slice %arg3[%squeeze3A_211, %dma_start3A_218] : memref<100001x64xf32, #tpu.memory_space<hbm>> -> memref<1x64xf32, #tpu.memory_space<hbm>>
      %dma_start3A_220 = arith.constant 0 : i32
      %dma_start3A_221 = tpu.memref_slice %arg7[%add3A_215, %dma_start3A_220] : memref<128x64xf32, #tpu.memory_space<vmem>> -> memref<1x64xf32, #tpu.memory_space<vmem>>
      %dma_start3A_222 = arith.constant 0 : i32
      %dma_start3A_223 = tpu.memref_slice %arg3[%squeeze3A_211, %dma_start3A_222] : memref<100001x64xf32, #tpu.memory_space<hbm>> -> memref<1x64xf32, #tpu.memory_space<hbm>>
      tpu.enqueue_dma source(%dma_start3A_223 : memref<1x64xf32, #tpu.memory_space<hbm>>) target(%dma_start3A_221 : memref<1x64xf32, #tpu.memory_space<vmem>>) target_semaphore(%arg9 : memref<!tpu.dma_semaphore, #tpu.memory_space<semaphore_mem>>)
      %slice3A_224 = vector.extract_strided_slice %get3A_72 {offsets = [11], sizes = [1], strides = [1]} : vector<16xi32> to vector<1xi32>
      %squeeze3A_225 = vector.extract %slice3A_224[0] : i32 from vector<1xi32>
      %mul3A_226 = arith.constant 16 : i32
      %mul3A_227 = arith.muli %scan3A_66, %mul3A_226 : i32
      %add3A_228 = arith.constant 11 : i32
      %add3A_229 = arith.addi %mul3A_227, %add3A_228 : i32
      %dma_start3A_230 = arith.constant 0 : i32
      %dma_start3A_231 = tpu.memref_slice %arg7[%add3A_229, %dma_start3A_230] : memref<128x64xf32, #tpu.memory_space<vmem>> -> memref<1x64xf32, #tpu.memory_space<vmem>>
      %dma_start3A_232 = arith.constant 0 : i32
      %dma_start3A_233 = tpu.memref_slice %arg3[%squeeze3A_225, %dma_start3A_232] : memref<100001x64xf32, #tpu.memory_space<hbm>> -> memref<1x64xf32, #tpu.memory_space<hbm>>
      %dma_start3A_234 = arith.constant 0 : i32
      %dma_start3A_235 = tpu.memref_slice %arg7[%add3A_229, %dma_start3A_234] : memref<128x64xf32, #tpu.memory_space<vmem>> -> memref<1x64xf32, #tpu.memory_space<vmem>>
      %dma_start3A_236 = arith.constant 0 : i32
      %dma_start3A_237 = tpu.memref_slice %arg3[%squeeze3A_225, %dma_start3A_236] : memref<100001x64xf32, #tpu.memory_space<hbm>> -> memref<1x64xf32, #tpu.memory_space<hbm>>
      tpu.enqueue_dma source(%dma_start3A_237 : memref<1x64xf32, #tpu.memory_space<hbm>>) target(%dma_start3A_235 : memref<1x64xf32, #tpu.memory_space<vmem>>) target_semaphore(%arg9 : memref<!tpu.dma_semaphore, #tpu.memory_space<semaphore_mem>>)
      %slice3A_238 = vector.extract_strided_slice %get3A_72 {offsets = [12], sizes = [1], strides = [1]} : vector<16xi32> to vector<1xi32>
      %squeeze3A_239 = vector.extract %slice3A_238[0] : i32 from vector<1xi32>
      %mul3A_240 = arith.constant 16 : i32
      %mul3A_241 = arith.muli %scan3A_66, %mul3A_240 : i32
      %add3A_242 = arith.constant 12 : i32
      %add3A_243 = arith.addi %mul3A_241, %add3A_242 : i32
      %dma_start3A_244 = arith.constant 0 : i32
      %dma_start3A_245 = tpu.memref_slice %arg7[%add3A_243, %dma_start3A_244] : memref<128x64xf32, #tpu.memory_space<vmem>> -> memref<1x64xf32, #tpu.memory_space<vmem>>
      %dma_start3A_246 = arith.constant 0 : i32
      %dma_start3A_247 = tpu.memref_slice %arg3[%squeeze3A_239, %dma_start3A_246] : memref<100001x64xf32, #tpu.memory_space<hbm>> -> memref<1x64xf32, #tpu.memory_space<hbm>>
      %dma_start3A_248 = arith.constant 0 : i32
      %dma_start3A_249 = tpu.memref_slice %arg7[%add3A_243, %dma_start3A_248] : memref<128x64xf32, #tpu.memory_space<vmem>> -> memref<1x64xf32, #tpu.memory_space<vmem>>
      %dma_start3A_250 = arith.constant 0 : i32
      %dma_start3A_251 = tpu.memref_slice %arg3[%squeeze3A_239, %dma_start3A_250] : memref<100001x64xf32, #tpu.memory_space<hbm>> -> memref<1x64xf32, #tpu.memory_space<hbm>>
      tpu.enqueue_dma source(%dma_start3A_251 : memref<1x64xf32, #tpu.memory_space<hbm>>) target(%dma_start3A_249 : memref<1x64xf32, #tpu.memory_space<vmem>>) target_semaphore(%arg9 : memref<!tpu.dma_semaphore, #tpu.memory_space<semaphore_mem>>)
      %slice3A_252 = vector.extract_strided_slice %get3A_72 {offsets = [13], sizes = [1], strides = [1]} : vector<16xi32> to vector<1xi32>
      %squeeze3A_253 = vector.extract %slice3A_252[0] : i32 from vector<1xi32>
      %mul3A_254 = arith.constant 16 : i32
      %mul3A_255 = arith.muli %scan3A_66, %mul3A_254 : i32
      %add3A_256 = arith.constant 13 : i32
      %add3A_257 = arith.addi %mul3A_255, %add3A_256 : i32
      %dma_start3A_258 = arith.constant 0 : i32
      %dma_start3A_259 = tpu.memref_slice %arg7[%add3A_257, %dma_start3A_258] : memref<128x64xf32, #tpu.memory_space<vmem>> -> memref<1x64xf32, #tpu.memory_space<vmem>>
      %dma_start3A_260 = arith.constant 0 : i32
      %dma_start3A_261 = tpu.memref_slice %arg3[%squeeze3A_253, %dma_start3A_260] : memref<100001x64xf32, #tpu.memory_space<hbm>> -> memref<1x64xf32, #tpu.memory_space<hbm>>
      %dma_start3A_262 = arith.constant 0 : i32
      %dma_start3A_263 = tpu.memref_slice %arg7[%add3A_257, %dma_start3A_262] : memref<128x64xf32, #tpu.memory_space<vmem>> -> memref<1x64xf32, #tpu.memory_space<vmem>>
      %dma_start3A_264 = arith.constant 0 : i32
      %dma_start3A_265 = tpu.memref_slice %arg3[%squeeze3A_253, %dma_start3A_264] : memref<100001x64xf32, #tpu.memory_space<hbm>> -> memref<1x64xf32, #tpu.memory_space<hbm>>
      tpu.enqueue_dma source(%dma_start3A_265 : memref<1x64xf32, #tpu.memory_space<hbm>>) target(%dma_start3A_263 : memref<1x64xf32, #tpu.memory_space<vmem>>) target_semaphore(%arg9 : memref<!tpu.dma_semaphore, #tpu.memory_space<semaphore_mem>>)
      %slice3A_266 = vector.extract_strided_slice %get3A_72 {offsets = [14], sizes = [1], strides = [1]} : vector<16xi32> to vector<1xi32>
      %squeeze3A_267 = vector.extract %slice3A_266[0] : i32 from vector<1xi32>
      %mul3A_268 = arith.constant 16 : i32
      %mul3A_269 = arith.muli %scan3A_66, %mul3A_268 : i32
      %add3A_270 = arith.constant 14 : i32
      %add3A_271 = arith.addi %mul3A_269, %add3A_270 : i32
      %dma_start3A_272 = arith.constant 0 : i32
      %dma_start3A_273 = tpu.memref_slice %arg7[%add3A_271, %dma_start3A_272] : memref<128x64xf32, #tpu.memory_space<vmem>> -> memref<1x64xf32, #tpu.memory_space<vmem>>
      %dma_start3A_274 = arith.constant 0 : i32
      %dma_start3A_275 = tpu.memref_slice %arg3[%squeeze3A_267, %dma_start3A_274] : memref<100001x64xf32, #tpu.memory_space<hbm>> -> memref<1x64xf32, #tpu.memory_space<hbm>>
      %dma_start3A_276 = arith.constant 0 : i32
      %dma_start3A_277 = tpu.memref_slice %arg7[%add3A_271, %dma_start3A_276] : memref<128x64xf32, #tpu.memory_space<vmem>> -> memref<1x64xf32, #tpu.memory_space<vmem>>
      %dma_start3A_278 = arith.constant 0 : i32
      %dma_start3A_279 = tpu.memref_slice %arg3[%squeeze3A_267, %dma_start3A_278] : memref<100001x64xf32, #tpu.memory_space<hbm>> -> memref<1x64xf32, #tpu.memory_space<hbm>>
      tpu.enqueue_dma source(%dma_start3A_279 : memref<1x64xf32, #tpu.memory_space<hbm>>) target(%dma_start3A_277 : memref<1x64xf32, #tpu.memory_space<vmem>>) target_semaphore(%arg9 : memref<!tpu.dma_semaphore, #tpu.memory_space<semaphore_mem>>)
      %slice3A_280 = vector.extract_strided_slice %get3A_72 {offsets = [15], sizes = [1], strides = [1]} : vector<16xi32> to vector<1xi32>
      %squeeze3A_281 = vector.extract %slice3A_280[0] : i32 from vector<1xi32>
      %mul3A_282 = arith.constant 16 : i32
      %mul3A_283 = arith.muli %scan3A_66, %mul3A_282 : i32
      %add3A_284 = arith.constant 15 : i32
      %add3A_285 = arith.addi %mul3A_283, %add3A_284 : i32
      %dma_start3A_286 = arith.constant 0 : i32
      %dma_start3A_287 = tpu.memref_slice %arg7[%add3A_285, %dma_start3A_286] : memref<128x64xf32, #tpu.memory_space<vmem>> -> memref<1x64xf32, #tpu.memory_space<vmem>>
      %dma_start3A_288 = arith.constant 0 : i32
      %dma_start3A_289 = tpu.memref_slice %arg3[%squeeze3A_281, %dma_start3A_288] : memref<100001x64xf32, #tpu.memory_space<hbm>> -> memref<1x64xf32, #tpu.memory_space<hbm>>
      %dma_start3A_290 = arith.constant 0 : i32
      %dma_start3A_291 = tpu.memref_slice %arg7[%add3A_285, %dma_start3A_290] : memref<128x64xf32, #tpu.memory_space<vmem>> -> memref<1x64xf32, #tpu.memory_space<vmem>>
      %dma_start3A_292 = arith.constant 0 : i32
      %dma_start3A_293 = tpu.memref_slice %arg3[%squeeze3A_281, %dma_start3A_292] : memref<100001x64xf32, #tpu.memory_space<hbm>> -> memref<1x64xf32, #tpu.memory_space<hbm>>
      tpu.enqueue_dma source(%dma_start3A_293 : memref<1x64xf32, #tpu.memory_space<hbm>>) target(%dma_start3A_291 : memref<1x64xf32, #tpu.memory_space<vmem>>) target_semaphore(%arg9 : memref<!tpu.dma_semaphore, #tpu.memory_space<semaphore_mem>>)
      %scan3A_294 = arith.constant 0 : i32
      scf.yield %scan3A_294 : i32
    }
    %scan3A_15 = arith.constant 8 : i32
    %scan3A_16 = arith.constant 0 : i32
    %scan3A_17 = arith.constant 0 : i32
    %scan3A_18 = arith.constant 8 : i32
    %scan3A_19 = arith.addi %scan3A_17, %scan3A_18 : i32
    %scan3A_20 = arith.constant 1 : i32
    %scan3A_21 = scf.for %scan3A_66 = %scan3A_17 to %scan3A_19 step %scan3A_20 iter_args(%scan3A_67 = %scan3A_16) -> (i32)  : i32 {
      %dma_wait3A = arith.constant 0 : i32
      %dma_wait3A_68 = arith.constant 0 : i32
      %dma_wait3A_69 = tpu.memref_slice %arg6[%dma_wait3A, %dma_wait3A_68] : memref<128x64xf32, #tpu.memory_space<vmem>> -> memref<1x64xf32, #tpu.memory_space<vmem>>
      %dma_wait3A_70 = arith.constant 0 : i32
      %dma_wait3A_71 = arith.constant 0 : i32
      %dma_wait3A_72 = tpu.memref_slice %arg3[%dma_wait3A_70, %dma_wait3A_71] : memref<100001x64xf32, #tpu.memory_space<hbm>> -> memref<1x64xf32, #tpu.memory_space<hbm>>
      %dma_wait3A_73 = arith.constant 0 : i32
      %dma_wait3A_74 = arith.constant 0 : i32
      %dma_wait3A_75 = tpu.memref_slice %arg6[%dma_wait3A_73, %dma_wait3A_74] : memref<128x64xf32, #tpu.memory_space<vmem>> -> memref<1x64xf32, #tpu.memory_space<vmem>>
      %dma_wait3A_76 = arith.constant 0 : i32
      %dma_wait3A_77 = arith.constant 0 : i32
      %dma_wait3A_78 = tpu.memref_slice %arg3[%dma_wait3A_76, %dma_wait3A_77] : memref<100001x64xf32, #tpu.memory_space<hbm>> -> memref<1x64xf32, #tpu.memory_space<hbm>>
      tpu.wait_dma2 semaphore(%arg8 : memref<!tpu.dma_semaphore, #tpu.memory_space<semaphore_mem>>) src(%dma_wait3A_78 : memref<1x64xf32, #tpu.memory_space<hbm>>) dst(%dma_wait3A_75 : memref<1x64xf32, #tpu.memory_space<vmem>>)
      %dma_wait3A_79 = arith.constant 0 : i32
      %dma_wait3A_80 = arith.constant 0 : i32
      %dma_wait3A_81 = tpu.memref_slice %arg6[%dma_wait3A_79, %dma_wait3A_80] : memref<128x64xf32, #tpu.memory_space<vmem>> -> memref<1x64xf32, #tpu.memory_space<vmem>>
      %dma_wait3A_82 = arith.constant 0 : i32
      %dma_wait3A_83 = arith.constant 0 : i32
      %dma_wait3A_84 = tpu.memref_slice %arg3[%dma_wait3A_82, %dma_wait3A_83] : memref<100001x64xf32, #tpu.memory_space<hbm>> -> memref<1x64xf32, #tpu.memory_space<hbm>>
      %dma_wait3A_85 = arith.constant 0 : i32
      %dma_wait3A_86 = arith.constant 0 : i32
      %dma_wait3A_87 = tpu.memref_slice %arg6[%dma_wait3A_85, %dma_wait3A_86] : memref<128x64xf32, #tpu.memory_space<vmem>> -> memref<1x64xf32, #tpu.memory_space<vmem>>
      %dma_wait3A_88 = arith.constant 0 : i32
      %dma_wait3A_89 = arith.constant 0 : i32
      %dma_wait3A_90 = tpu.memref_slice %arg3[%dma_wait3A_88, %dma_wait3A_89] : memref<100001x64xf32, #tpu.memory_space<hbm>> -> memref<1x64xf32, #tpu.memory_space<hbm>>
      tpu.wait_dma2 semaphore(%arg8 : memref<!tpu.dma_semaphore, #tpu.memory_space<semaphore_mem>>) src(%dma_wait3A_90 : memref<1x64xf32, #tpu.memory_space<hbm>>) dst(%dma_wait3A_87 : memref<1x64xf32, #tpu.memory_space<vmem>>)
      %dma_wait3A_91 = arith.constant 0 : i32
      %dma_wait3A_92 = arith.constant 0 : i32
      %dma_wait3A_93 = tpu.memref_slice %arg6[%dma_wait3A_91, %dma_wait3A_92] : memref<128x64xf32, #tpu.memory_space<vmem>> -> memref<1x64xf32, #tpu.memory_space<vmem>>
      %dma_wait3A_94 = arith.constant 0 : i32
      %dma_wait3A_95 = arith.constant 0 : i32
      %dma_wait3A_96 = tpu.memref_slice %arg3[%dma_wait3A_94, %dma_wait3A_95] : memref<100001x64xf32, #tpu.memory_space<hbm>> -> memref<1x64xf32, #tpu.memory_space<hbm>>
      %dma_wait3A_97 = arith.constant 0 : i32
      %dma_wait3A_98 = arith.constant 0 : i32
      %dma_wait3A_99 = tpu.memref_slice %arg6[%dma_wait3A_97, %dma_wait3A_98] : memref<128x64xf32, #tpu.memory_space<vmem>> -> memref<1x64xf32, #tpu.memory_space<vmem>>
      %dma_wait3A_100 = arith.constant 0 : i32
      %dma_wait3A_101 = arith.constant 0 : i32
      %dma_wait3A_102 = tpu.memref_slice %arg3[%dma_wait3A_100, %dma_wait3A_101] : memref<100001x64xf32, #tpu.memory_space<hbm>> -> memref<1x64xf32, #tpu.memory_space<hbm>>
      tpu.wait_dma2 semaphore(%arg8 : memref<!tpu.dma_semaphore, #tpu.memory_space<semaphore_mem>>) src(%dma_wait3A_102 : memref<1x64xf32, #tpu.memory_space<hbm>>) dst(%dma_wait3A_99 : memref<1x64xf32, #tpu.memory_space<vmem>>)
      %dma_wait3A_103 = arith.constant 0 : i32
      %dma_wait3A_104 = arith.constant 0 : i32
      %dma_wait3A_105 = tpu.memref_slice %arg6[%dma_wait3A_103, %dma_wait3A_104] : memref<128x64xf32, #tpu.memory_space<vmem>> -> memref<1x64xf32, #tpu.memory_space<vmem>>
      %dma_wait3A_106 = arith.constant 0 : i32
      %dma_wait3A_107 = arith.constant 0 : i32
      %dma_wait3A_108 = tpu.memref_slice %arg3[%dma_wait3A_106, %dma_wait3A_107] : memref<100001x64xf32, #tpu.memory_space<hbm>> -> memref<1x64xf32, #tpu.memory_space<hbm>>
      %dma_wait3A_109 = arith.constant 0 : i32
      %dma_wait3A_110 = arith.constant 0 : i32
      %dma_wait3A_111 = tpu.memref_slice %arg6[%dma_wait3A_109, %dma_wait3A_110] : memref<128x64xf32, #tpu.memory_space<vmem>> -> memref<1x64xf32, #tpu.memory_space<vmem>>
      %dma_wait3A_112 = arith.constant 0 : i32
      %dma_wait3A_113 = arith.constant 0 : i32
      %dma_wait3A_114 = tpu.memref_slice %arg3[%dma_wait3A_112, %dma_wait3A_113] : memref<100001x64xf32, #tpu.memory_space<hbm>> -> memref<1x64xf32, #tpu.memory_space<hbm>>
      tpu.wait_dma2 semaphore(%arg8 : memref<!tpu.dma_semaphore, #tpu.memory_space<semaphore_mem>>) src(%dma_wait3A_114 : memref<1x64xf32, #tpu.memory_space<hbm>>) dst(%dma_wait3A_111 : memref<1x64xf32, #tpu.memory_space<vmem>>)
      %dma_wait3A_115 = arith.constant 0 : i32
      %dma_wait3A_116 = arith.constant 0 : i32
      %dma_wait3A_117 = tpu.memref_slice %arg6[%dma_wait3A_115, %dma_wait3A_116] : memref<128x64xf32, #tpu.memory_space<vmem>> -> memref<1x64xf32, #tpu.memory_space<vmem>>
      %dma_wait3A_118 = arith.constant 0 : i32
      %dma_wait3A_119 = arith.constant 0 : i32
      %dma_wait3A_120 = tpu.memref_slice %arg3[%dma_wait3A_118, %dma_wait3A_119] : memref<100001x64xf32, #tpu.memory_space<hbm>> -> memref<1x64xf32, #tpu.memory_space<hbm>>
      %dma_wait3A_121 = arith.constant 0 : i32
      %dma_wait3A_122 = arith.constant 0 : i32
      %dma_wait3A_123 = tpu.memref_slice %arg6[%dma_wait3A_121, %dma_wait3A_122] : memref<128x64xf32, #tpu.memory_space<vmem>> -> memref<1x64xf32, #tpu.memory_space<vmem>>
      %dma_wait3A_124 = arith.constant 0 : i32
      %dma_wait3A_125 = arith.constant 0 : i32
      %dma_wait3A_126 = tpu.memref_slice %arg3[%dma_wait3A_124, %dma_wait3A_125] : memref<100001x64xf32, #tpu.memory_space<hbm>> -> memref<1x64xf32, #tpu.memory_space<hbm>>
      tpu.wait_dma2 semaphore(%arg8 : memref<!tpu.dma_semaphore, #tpu.memory_space<semaphore_mem>>) src(%dma_wait3A_126 : memref<1x64xf32, #tpu.memory_space<hbm>>) dst(%dma_wait3A_123 : memref<1x64xf32, #tpu.memory_space<vmem>>)
      %dma_wait3A_127 = arith.constant 0 : i32
      %dma_wait3A_128 = arith.constant 0 : i32
      %dma_wait3A_129 = tpu.memref_slice %arg6[%dma_wait3A_127, %dma_wait3A_128] : memref<128x64xf32, #tpu.memory_space<vmem>> -> memref<1x64xf32, #tpu.memory_space<vmem>>
      %dma_wait3A_130 = arith.constant 0 : i32
      %dma_wait3A_131 = arith.constant 0 : i32
      %dma_wait3A_132 = tpu.memref_slice %arg3[%dma_wait3A_130, %dma_wait3A_131] : memref<100001x64xf32, #tpu.memory_space<hbm>> -> memref<1x64xf32, #tpu.memory_space<hbm>>
      %dma_wait3A_133 = arith.constant 0 : i32
      %dma_wait3A_134 = arith.constant 0 : i32
      %dma_wait3A_135 = tpu.memref_slice %arg6[%dma_wait3A_133, %dma_wait3A_134] : memref<128x64xf32, #tpu.memory_space<vmem>> -> memref<1x64xf32, #tpu.memory_space<vmem>>
      %dma_wait3A_136 = arith.constant 0 : i32
      %dma_wait3A_137 = arith.constant 0 : i32
      %dma_wait3A_138 = tpu.memref_slice %arg3[%dma_wait3A_136, %dma_wait3A_137] : memref<100001x64xf32, #tpu.memory_space<hbm>> -> memref<1x64xf32, #tpu.memory_space<hbm>>
      tpu.wait_dma2 semaphore(%arg8 : memref<!tpu.dma_semaphore, #tpu.memory_space<semaphore_mem>>) src(%dma_wait3A_138 : memref<1x64xf32, #tpu.memory_space<hbm>>) dst(%dma_wait3A_135 : memref<1x64xf32, #tpu.memory_space<vmem>>)
      %dma_wait3A_139 = arith.constant 0 : i32
      %dma_wait3A_140 = arith.constant 0 : i32
      %dma_wait3A_141 = tpu.memref_slice %arg6[%dma_wait3A_139, %dma_wait3A_140] : memref<128x64xf32, #tpu.memory_space<vmem>> -> memref<1x64xf32, #tpu.memory_space<vmem>>
      %dma_wait3A_142 = arith.constant 0 : i32
      %dma_wait3A_143 = arith.constant 0 : i32
      %dma_wait3A_144 = tpu.memref_slice %arg3[%dma_wait3A_142, %dma_wait3A_143] : memref<100001x64xf32, #tpu.memory_space<hbm>> -> memref<1x64xf32, #tpu.memory_space<hbm>>
      %dma_wait3A_145 = arith.constant 0 : i32
      %dma_wait3A_146 = arith.constant 0 : i32
      %dma_wait3A_147 = tpu.memref_slice %arg6[%dma_wait3A_145, %dma_wait3A_146] : memref<128x64xf32, #tpu.memory_space<vmem>> -> memref<1x64xf32, #tpu.memory_space<vmem>>
      %dma_wait3A_148 = arith.constant 0 : i32
      %dma_wait3A_149 = arith.constant 0 : i32
      %dma_wait3A_150 = tpu.memref_slice %arg3[%dma_wait3A_148, %dma_wait3A_149] : memref<100001x64xf32, #tpu.memory_space<hbm>> -> memref<1x64xf32, #tpu.memory_space<hbm>>
      tpu.wait_dma2 semaphore(%arg8 : memref<!tpu.dma_semaphore, #tpu.memory_space<semaphore_mem>>) src(%dma_wait3A_150 : memref<1x64xf32, #tpu.memory_space<hbm>>) dst(%dma_wait3A_147 : memref<1x64xf32, #tpu.memory_space<vmem>>)
      %dma_wait3A_151 = arith.constant 0 : i32
      %dma_wait3A_152 = arith.constant 0 : i32
      %dma_wait3A_153 = tpu.memref_slice %arg6[%dma_wait3A_151, %dma_wait3A_152] : memref<128x64xf32, #tpu.memory_space<vmem>> -> memref<1x64xf32, #tpu.memory_space<vmem>>
      %dma_wait3A_154 = arith.constant 0 : i32
      %dma_wait3A_155 = arith.constant 0 : i32
      %dma_wait3A_156 = tpu.memref_slice %arg3[%dma_wait3A_154, %dma_wait3A_155] : memref<100001x64xf32, #tpu.memory_space<hbm>> -> memref<1x64xf32, #tpu.memory_space<hbm>>
      %dma_wait3A_157 = arith.constant 0 : i32
      %dma_wait3A_158 = arith.constant 0 : i32
      %dma_wait3A_159 = tpu.memref_slice %arg6[%dma_wait3A_157, %dma_wait3A_158] : memref<128x64xf32, #tpu.memory_space<vmem>> -> memref<1x64xf32, #tpu.memory_space<vmem>>
      %dma_wait3A_160 = arith.constant 0 : i32
      %dma_wait3A_161 = arith.constant 0 : i32
      %dma_wait3A_162 = tpu.memref_slice %arg3[%dma_wait3A_160, %dma_wait3A_161] : memref<100001x64xf32, #tpu.memory_space<hbm>> -> memref<1x64xf32, #tpu.memory_space<hbm>>
      tpu.wait_dma2 semaphore(%arg8 : memref<!tpu.dma_semaphore, #tpu.memory_space<semaphore_mem>>) src(%dma_wait3A_162 : memref<1x64xf32, #tpu.memory_space<hbm>>) dst(%dma_wait3A_159 : memref<1x64xf32, #tpu.memory_space<vmem>>)
      %dma_wait3A_163 = arith.constant 0 : i32
      %dma_wait3A_164 = arith.constant 0 : i32
      %dma_wait3A_165 = tpu.memref_slice %arg6[%dma_wait3A_163, %dma_wait3A_164] : memref<128x64xf32, #tpu.memory_space<vmem>> -> memref<1x64xf32, #tpu.memory_space<vmem>>
      %dma_wait3A_166 = arith.constant 0 : i32
      %dma_wait3A_167 = arith.constant 0 : i32
      %dma_wait3A_168 = tpu.memref_slice %arg3[%dma_wait3A_166, %dma_wait3A_167] : memref<100001x64xf32, #tpu.memory_space<hbm>> -> memref<1x64xf32, #tpu.memory_space<hbm>>
      %dma_wait3A_169 = arith.constant 0 : i32
      %dma_wait3A_170 = arith.constant 0 : i32
      %dma_wait3A_171 = tpu.memref_slice %arg6[%dma_wait3A_169, %dma_wait3A_170] : memref<128x64xf32, #tpu.memory_space<vmem>> -> memref<1x64xf32, #tpu.memory_space<vmem>>
      %dma_wait3A_172 = arith.constant 0 : i32
      %dma_wait3A_173 = arith.constant 0 : i32
      %dma_wait3A_174 = tpu.memref_slice %arg3[%dma_wait3A_172, %dma_wait3A_173] : memref<100001x64xf32, #tpu.memory_space<hbm>> -> memref<1x64xf32, #tpu.memory_space<hbm>>
      tpu.wait_dma2 semaphore(%arg8 : memref<!tpu.dma_semaphore, #tpu.memory_space<semaphore_mem>>) src(%dma_wait3A_174 : memref<1x64xf32, #tpu.memory_space<hbm>>) dst(%dma_wait3A_171 : memref<1x64xf32, #tpu.memory_space<vmem>>)
      %dma_wait3A_175 = arith.constant 0 : i32
      %dma_wait3A_176 = arith.constant 0 : i32
      %dma_wait3A_177 = tpu.memref_slice %arg6[%dma_wait3A_175, %dma_wait3A_176] : memref<128x64xf32, #tpu.memory_space<vmem>> -> memref<1x64xf32, #tpu.memory_space<vmem>>
      %dma_wait3A_178 = arith.constant 0 : i32
      %dma_wait3A_179 = arith.constant 0 : i32
      %dma_wait3A_180 = tpu.memref_slice %arg3[%dma_wait3A_178, %dma_wait3A_179] : memref<100001x64xf32, #tpu.memory_space<hbm>> -> memref<1x64xf32, #tpu.memory_space<hbm>>
      %dma_wait3A_181 = arith.constant 0 : i32
      %dma_wait3A_182 = arith.constant 0 : i32
      %dma_wait3A_183 = tpu.memref_slice %arg6[%dma_wait3A_181, %dma_wait3A_182] : memref<128x64xf32, #tpu.memory_space<vmem>> -> memref<1x64xf32, #tpu.memory_space<vmem>>
      %dma_wait3A_184 = arith.constant 0 : i32
      %dma_wait3A_185 = arith.constant 0 : i32
      %dma_wait3A_186 = tpu.memref_slice %arg3[%dma_wait3A_184, %dma_wait3A_185] : memref<100001x64xf32, #tpu.memory_space<hbm>> -> memref<1x64xf32, #tpu.memory_space<hbm>>
      tpu.wait_dma2 semaphore(%arg8 : memref<!tpu.dma_semaphore, #tpu.memory_space<semaphore_mem>>) src(%dma_wait3A_186 : memref<1x64xf32, #tpu.memory_space<hbm>>) dst(%dma_wait3A_183 : memref<1x64xf32, #tpu.memory_space<vmem>>)
      %dma_wait3A_187 = arith.constant 0 : i32
      %dma_wait3A_188 = arith.constant 0 : i32
      %dma_wait3A_189 = tpu.memref_slice %arg6[%dma_wait3A_187, %dma_wait3A_188] : memref<128x64xf32, #tpu.memory_space<vmem>> -> memref<1x64xf32, #tpu.memory_space<vmem>>
      %dma_wait3A_190 = arith.constant 0 : i32
      %dma_wait3A_191 = arith.constant 0 : i32
      %dma_wait3A_192 = tpu.memref_slice %arg3[%dma_wait3A_190, %dma_wait3A_191] : memref<100001x64xf32, #tpu.memory_space<hbm>> -> memref<1x64xf32, #tpu.memory_space<hbm>>
      %dma_wait3A_193 = arith.constant 0 : i32
      %dma_wait3A_194 = arith.constant 0 : i32
      %dma_wait3A_195 = tpu.memref_slice %arg6[%dma_wait3A_193, %dma_wait3A_194] : memref<128x64xf32, #tpu.memory_space<vmem>> -> memref<1x64xf32, #tpu.memory_space<vmem>>
      %dma_wait3A_196 = arith.constant 0 : i32
      %dma_wait3A_197 = arith.constant 0 : i32
      %dma_wait3A_198 = tpu.memref_slice %arg3[%dma_wait3A_196, %dma_wait3A_197] : memref<100001x64xf32, #tpu.memory_space<hbm>> -> memref<1x64xf32, #tpu.memory_space<hbm>>
      tpu.wait_dma2 semaphore(%arg8 : memref<!tpu.dma_semaphore, #tpu.memory_space<semaphore_mem>>) src(%dma_wait3A_198 : memref<1x64xf32, #tpu.memory_space<hbm>>) dst(%dma_wait3A_195 : memref<1x64xf32, #tpu.memory_space<vmem>>)
      %dma_wait3A_199 = arith.constant 0 : i32
      %dma_wait3A_200 = arith.constant 0 : i32
      %dma_wait3A_201 = tpu.memref_slice %arg6[%dma_wait3A_199, %dma_wait3A_200] : memref<128x64xf32, #tpu.memory_space<vmem>> -> memref<1x64xf32, #tpu.memory_space<vmem>>
      %dma_wait3A_202 = arith.constant 0 : i32
      %dma_wait3A_203 = arith.constant 0 : i32
      %dma_wait3A_204 = tpu.memref_slice %arg3[%dma_wait3A_202, %dma_wait3A_203] : memref<100001x64xf32, #tpu.memory_space<hbm>> -> memref<1x64xf32, #tpu.memory_space<hbm>>
      %dma_wait3A_205 = arith.constant 0 : i32
      %dma_wait3A_206 = arith.constant 0 : i32
      %dma_wait3A_207 = tpu.memref_slice %arg6[%dma_wait3A_205, %dma_wait3A_206] : memref<128x64xf32, #tpu.memory_space<vmem>> -> memref<1x64xf32, #tpu.memory_space<vmem>>
      %dma_wait3A_208 = arith.constant 0 : i32
      %dma_wait3A_209 = arith.constant 0 : i32
      %dma_wait3A_210 = tpu.memref_slice %arg3[%dma_wait3A_208, %dma_wait3A_209] : memref<100001x64xf32, #tpu.memory_space<hbm>> -> memref<1x64xf32, #tpu.memory_space<hbm>>
      tpu.wait_dma2 semaphore(%arg8 : memref<!tpu.dma_semaphore, #tpu.memory_space<semaphore_mem>>) src(%dma_wait3A_210 : memref<1x64xf32, #tpu.memory_space<hbm>>) dst(%dma_wait3A_207 : memref<1x64xf32, #tpu.memory_space<vmem>>)
      %dma_wait3A_211 = arith.constant 0 : i32
      %dma_wait3A_212 = arith.constant 0 : i32
      %dma_wait3A_213 = tpu.memref_slice %arg6[%dma_wait3A_211, %dma_wait3A_212] : memref<128x64xf32, #tpu.memory_space<vmem>> -> memref<1x64xf32, #tpu.memory_space<vmem>>
      %dma_wait3A_214 = arith.constant 0 : i32
      %dma_wait3A_215 = arith.constant 0 : i32
      %dma_wait3A_216 = tpu.memref_slice %arg3[%dma_wait3A_214, %dma_wait3A_215] : memref<100001x64xf32, #tpu.memory_space<hbm>> -> memref<1x64xf32, #tpu.memory_space<hbm>>
      %dma_wait3A_217 = arith.constant 0 : i32
      %dma_wait3A_218 = arith.constant 0 : i32
      %dma_wait3A_219 = tpu.memref_slice %arg6[%dma_wait3A_217, %dma_wait3A_218] : memref<128x64xf32, #tpu.memory_space<vmem>> -> memref<1x64xf32, #tpu.memory_space<vmem>>
      %dma_wait3A_220 = arith.constant 0 : i32
      %dma_wait3A_221 = arith.constant 0 : i32
      %dma_wait3A_222 = tpu.memref_slice %arg3[%dma_wait3A_220, %dma_wait3A_221] : memref<100001x64xf32, #tpu.memory_space<hbm>> -> memref<1x64xf32, #tpu.memory_space<hbm>>
      tpu.wait_dma2 semaphore(%arg8 : memref<!tpu.dma_semaphore, #tpu.memory_space<semaphore_mem>>) src(%dma_wait3A_222 : memref<1x64xf32, #tpu.memory_space<hbm>>) dst(%dma_wait3A_219 : memref<1x64xf32, #tpu.memory_space<vmem>>)
      %dma_wait3A_223 = arith.constant 0 : i32
      %dma_wait3A_224 = arith.constant 0 : i32
      %dma_wait3A_225 = tpu.memref_slice %arg6[%dma_wait3A_223, %dma_wait3A_224] : memref<128x64xf32, #tpu.memory_space<vmem>> -> memref<1x64xf32, #tpu.memory_space<vmem>>
      %dma_wait3A_226 = arith.constant 0 : i32
      %dma_wait3A_227 = arith.constant 0 : i32
      %dma_wait3A_228 = tpu.memref_slice %arg3[%dma_wait3A_226, %dma_wait3A_227] : memref<100001x64xf32, #tpu.memory_space<hbm>> -> memref<1x64xf32, #tpu.memory_space<hbm>>
      %dma_wait3A_229 = arith.constant 0 : i32
      %dma_wait3A_230 = arith.constant 0 : i32
      %dma_wait3A_231 = tpu.memref_slice %arg6[%dma_wait3A_229, %dma_wait3A_230] : memref<128x64xf32, #tpu.memory_space<vmem>> -> memref<1x64xf32, #tpu.memory_space<vmem>>
      %dma_wait3A_232 = arith.constant 0 : i32
      %dma_wait3A_233 = arith.constant 0 : i32
      %dma_wait3A_234 = tpu.memref_slice %arg3[%dma_wait3A_232, %dma_wait3A_233] : memref<100001x64xf32, #tpu.memory_space<hbm>> -> memref<1x64xf32, #tpu.memory_space<hbm>>
      tpu.wait_dma2 semaphore(%arg8 : memref<!tpu.dma_semaphore, #tpu.memory_space<semaphore_mem>>) src(%dma_wait3A_234 : memref<1x64xf32, #tpu.memory_space<hbm>>) dst(%dma_wait3A_231 : memref<1x64xf32, #tpu.memory_space<vmem>>)
      %dma_wait3A_235 = arith.constant 0 : i32
      %dma_wait3A_236 = arith.constant 0 : i32
      %dma_wait3A_237 = tpu.memref_slice %arg6[%dma_wait3A_235, %dma_wait3A_236] : memref<128x64xf32, #tpu.memory_space<vmem>> -> memref<1x64xf32, #tpu.memory_space<vmem>>
      %dma_wait3A_238 = arith.constant 0 : i32
      %dma_wait3A_239 = arith.constant 0 : i32
      %dma_wait3A_240 = tpu.memref_slice %arg3[%dma_wait3A_238, %dma_wait3A_239] : memref<100001x64xf32, #tpu.memory_space<hbm>> -> memref<1x64xf32, #tpu.memory_space<hbm>>
      %dma_wait3A_241 = arith.constant 0 : i32
      %dma_wait3A_242 = arith.constant 0 : i32
      %dma_wait3A_243 = tpu.memref_slice %arg6[%dma_wait3A_241, %dma_wait3A_242] : memref<128x64xf32, #tpu.memory_space<vmem>> -> memref<1x64xf32, #tpu.memory_space<vmem>>
      %dma_wait3A_244 = arith.constant 0 : i32
      %dma_wait3A_245 = arith.constant 0 : i32
      %dma_wait3A_246 = tpu.memref_slice %arg3[%dma_wait3A_244, %dma_wait3A_245] : memref<100001x64xf32, #tpu.memory_space<hbm>> -> memref<1x64xf32, #tpu.memory_space<hbm>>
      tpu.wait_dma2 semaphore(%arg8 : memref<!tpu.dma_semaphore, #tpu.memory_space<semaphore_mem>>) src(%dma_wait3A_246 : memref<1x64xf32, #tpu.memory_space<hbm>>) dst(%dma_wait3A_243 : memref<1x64xf32, #tpu.memory_space<vmem>>)
      %dma_wait3A_247 = arith.constant 0 : i32
      %dma_wait3A_248 = arith.constant 0 : i32
      %dma_wait3A_249 = tpu.memref_slice %arg6[%dma_wait3A_247, %dma_wait3A_248] : memref<128x64xf32, #tpu.memory_space<vmem>> -> memref<1x64xf32, #tpu.memory_space<vmem>>
      %dma_wait3A_250 = arith.constant 0 : i32
      %dma_wait3A_251 = arith.constant 0 : i32
      %dma_wait3A_252 = tpu.memref_slice %arg3[%dma_wait3A_250, %dma_wait3A_251] : memref<100001x64xf32, #tpu.memory_space<hbm>> -> memref<1x64xf32, #tpu.memory_space<hbm>>
      %dma_wait3A_253 = arith.constant 0 : i32
      %dma_wait3A_254 = arith.constant 0 : i32
      %dma_wait3A_255 = tpu.memref_slice %arg6[%dma_wait3A_253, %dma_wait3A_254] : memref<128x64xf32, #tpu.memory_space<vmem>> -> memref<1x64xf32, #tpu.memory_space<vmem>>
      %dma_wait3A_256 = arith.constant 0 : i32
      %dma_wait3A_257 = arith.constant 0 : i32
      %dma_wait3A_258 = tpu.memref_slice %arg3[%dma_wait3A_256, %dma_wait3A_257] : memref<100001x64xf32, #tpu.memory_space<hbm>> -> memref<1x64xf32, #tpu.memory_space<hbm>>
      tpu.wait_dma2 semaphore(%arg8 : memref<!tpu.dma_semaphore, #tpu.memory_space<semaphore_mem>>) src(%dma_wait3A_258 : memref<1x64xf32, #tpu.memory_space<hbm>>) dst(%dma_wait3A_255 : memref<1x64xf32, #tpu.memory_space<vmem>>)
      %scan3A_259 = arith.constant 0 : i32
      scf.yield %scan3A_259 : i32
    }
    %scan3A_22 = arith.constant 8 : i32
    %add3A_23 = arith.constant 0 : i32
    %add3A_24 = arith.addi %mul3A_2, %add3A_23 : i32
    "tpu.region"() ({
      %run_scoped3A = tpu.sem_alloc : memref<!tpu.dma_semaphore, #tpu.memory_space<semaphore_mem>>
      %dma_start3A = arith.constant 0 : i32
      %dma_start3A_66 = tpu.memref_slice %arg4[%add3A_24, %dma_start3A] : memref<16384x64xf32, #tpu.memory_space<hbm>> -> memref<128x64xf32, #tpu.memory_space<hbm>>
      %dma_start3A_67 = arith.constant 0 : i32
      %dma_start3A_68 = tpu.memref_slice %arg4[%add3A_24, %dma_start3A_67] : memref<16384x64xf32, #tpu.memory_space<hbm>> -> memref<128x64xf32, #tpu.memory_space<hbm>>
      tpu.enqueue_dma source(%arg6 : memref<128x64xf32, #tpu.memory_space<vmem>>) target(%dma_start3A_68 : memref<128x64xf32, #tpu.memory_space<hbm>>) target_semaphore(%run_scoped3A : memref<!tpu.dma_semaphore, #tpu.memory_space<semaphore_mem>>)
      %dma_wait3A = arith.constant 0 : i32
      %dma_wait3A_69 = tpu.memref_slice %arg4[%add3A_24, %dma_wait3A] : memref<16384x64xf32, #tpu.memory_space<hbm>> -> memref<128x64xf32, #tpu.memory_space<hbm>>
      %dma_wait3A_70 = arith.constant 0 : i32
      %dma_wait3A_71 = tpu.memref_slice %arg4[%add3A_24, %dma_wait3A_70] : memref<16384x64xf32, #tpu.memory_space<hbm>> -> memref<128x64xf32, #tpu.memory_space<hbm>>
      tpu.wait_dma2 semaphore(%run_scoped3A : memref<!tpu.dma_semaphore, #tpu.memory_space<semaphore_mem>>) src(%arg6 : memref<128x64xf32, #tpu.memory_space<vmem>>) dst(%dma_wait3A_71 : memref<128x64xf32, #tpu.memory_space<hbm>>)
      tpu.yield
    }) : () -> ()
    %scan3A_25 = arith.constant 0 : i32
    %scan3A_26 = arith.constant 0 : i32
    %scan3A_27 = arith.constant 8 : i32
    %scan3A_28 = arith.addi %scan3A_26, %scan3A_27 : i32
    %scan3A_29 = arith.constant 1 : i32
    %scan3A_30 = scf.for %scan3A_66 = %scan3A_26 to %scan3A_28 step %scan3A_29 iter_args(%scan3A_67 = %scan3A_25) -> (i32)  : i32 {
      %mul3A_68 = arith.constant 16 : i32
      %mul3A_69 = arith.muli %scan3A_66, %mul3A_68 : i32
      %add3A_70 = arith.constant 256 : i32
      %add3A_71 = arith.addi %add3A_70, %mul3A_69 : i32
      %get3A = arith.index_cast %add3A_71 : i32 to index
      %get3A_72 = tpu.vector_load %arg5[%get3A] {strides = array<i32>} : memref<512xi32, #tpu.memory_space<vmem>>, vector<16xi32>,
      %slice3A = vector.extract_strided_slice %get3A_72 {offsets = [0], sizes = [1], strides = [1]} : vector<16xi32> to vector<1xi32>
      %squeeze3A = vector.extract %slice3A[0] : i32 from vector<1xi32>
      %mul3A_73 = arith.constant 16 : i32
      %mul3A_74 = arith.muli %scan3A_66, %mul3A_73 : i32
      %add3A_75 = arith.constant 0 : i32
      %add3A_76 = arith.addi %mul3A_74, %add3A_75 : i32
      %dma_start3A = arith.constant 0 : i32
      %dma_start3A_77 = tpu.memref_slice %arg6[%add3A_76, %dma_start3A] : memref<128x64xf32, #tpu.memory_space<vmem>> -> memref<1x64xf32, #tpu.memory_space<vmem>>
      %dma_start3A_78 = arith.constant 0 : i32
      %dma_start3A_79 = tpu.memref_slice %arg3[%squeeze3A, %dma_start3A_78] : memref<100001x64xf32, #tpu.memory_space<hbm>> -> memref<1x64xf32, #tpu.memory_space<hbm>>
      %dma_start3A_80 = arith.constant 0 : i32
      %dma_start3A_81 = tpu.memref_slice %arg6[%add3A_76, %dma_start3A_80] : memref<128x64xf32, #tpu.memory_space<vmem>> -> memref<1x64xf32, #tpu.memory_space<vmem>>
      %dma_start3A_82 = arith.constant 0 : i32
      %dma_start3A_83 = tpu.memref_slice %arg3[%squeeze3A, %dma_start3A_82] : memref<100001x64xf32, #tpu.memory_space<hbm>> -> memref<1x64xf32, #tpu.memory_space<hbm>>
      tpu.enqueue_dma source(%dma_start3A_83 : memref<1x64xf32, #tpu.memory_space<hbm>>) target(%dma_start3A_81 : memref<1x64xf32, #tpu.memory_space<vmem>>) target_semaphore(%arg8 : memref<!tpu.dma_semaphore, #tpu.memory_space<semaphore_mem>>)
      %slice3A_84 = vector.extract_strided_slice %get3A_72 {offsets = [1], sizes = [1], strides = [1]} : vector<16xi32> to vector<1xi32>
      %squeeze3A_85 = vector.extract %slice3A_84[0] : i32 from vector<1xi32>
      %mul3A_86 = arith.constant 16 : i32
      %mul3A_87 = arith.muli %scan3A_66, %mul3A_86 : i32
      %add3A_88 = arith.constant 1 : i32
      %add3A_89 = arith.addi %mul3A_87, %add3A_88 : i32
      %dma_start3A_90 = arith.constant 0 : i32
      %dma_start3A_91 = tpu.memref_slice %arg6[%add3A_89, %dma_start3A_90] : memref<128x64xf32, #tpu.memory_space<vmem>> -> memref<1x64xf32, #tpu.memory_space<vmem>>
      %dma_start3A_92 = arith.constant 0 : i32
      %dma_start3A_93 = tpu.memref_slice %arg3[%squeeze3A_85, %dma_start3A_92] : memref<100001x64xf32, #tpu.memory_space<hbm>> -> memref<1x64xf32, #tpu.memory_space<hbm>>
      %dma_start3A_94 = arith.constant 0 : i32
      %dma_start3A_95 = tpu.memref_slice %arg6[%add3A_89, %dma_start3A_94] : memref<128x64xf32, #tpu.memory_space<vmem>> -> memref<1x64xf32, #tpu.memory_space<vmem>>
      %dma_start3A_96 = arith.constant 0 : i32
      %dma_start3A_97 = tpu.memref_slice %arg3[%squeeze3A_85, %dma_start3A_96] : memref<100001x64xf32, #tpu.memory_space<hbm>> -> memref<1x64xf32, #tpu.memory_space<hbm>>
      tpu.enqueue_dma source(%dma_start3A_97 : memref<1x64xf32, #tpu.memory_space<hbm>>) target(%dma_start3A_95 : memref<1x64xf32, #tpu.memory_space<vmem>>) target_semaphore(%arg8 : memref<!tpu.dma_semaphore, #tpu.memory_space<semaphore_mem>>)
      %slice3A_98 = vector.extract_strided_slice %get3A_72 {offsets = [2], sizes = [1], strides = [1]} : vector<16xi32> to vector<1xi32>
      %squeeze3A_99 = vector.extract %slice3A_98[0] : i32 from vector<1xi32>
      %mul3A_100 = arith.constant 16 : i32
      %mul3A_101 = arith.muli %scan3A_66, %mul3A_100 : i32
      %add3A_102 = arith.constant 2 : i32
      %add3A_103 = arith.addi %mul3A_101, %add3A_102 : i32
      %dma_start3A_104 = arith.constant 0 : i32
      %dma_start3A_105 = tpu.memref_slice %arg6[%add3A_103, %dma_start3A_104] : memref<128x64xf32, #tpu.memory_space<vmem>> -> memref<1x64xf32, #tpu.memory_space<vmem>>
      %dma_start3A_106 = arith.constant 0 : i32
      %dma_start3A_107 = tpu.memref_slice %arg3[%squeeze3A_99, %dma_start3A_106] : memref<100001x64xf32, #tpu.memory_space<hbm>> -> memref<1x64xf32, #tpu.memory_space<hbm>>
      %dma_start3A_108 = arith.constant 0 : i32
      %dma_start3A_109 = tpu.memref_slice %arg6[%add3A_103, %dma_start3A_108] : memref<128x64xf32, #tpu.memory_space<vmem>> -> memref<1x64xf32, #tpu.memory_space<vmem>>
      %dma_start3A_110 = arith.constant 0 : i32
      %dma_start3A_111 = tpu.memref_slice %arg3[%squeeze3A_99, %dma_start3A_110] : memref<100001x64xf32, #tpu.memory_space<hbm>> -> memref<1x64xf32, #tpu.memory_space<hbm>>
      tpu.enqueue_dma source(%dma_start3A_111 : memref<1x64xf32, #tpu.memory_space<hbm>>) target(%dma_start3A_109 : memref<1x64xf32, #tpu.memory_space<vmem>>) target_semaphore(%arg8 : memref<!tpu.dma_semaphore, #tpu.memory_space<semaphore_mem>>)
      %slice3A_112 = vector.extract_strided_slice %get3A_72 {offsets = [3], sizes = [1], strides = [1]} : vector<16xi32> to vector<1xi32>
      %squeeze3A_113 = vector.extract %slice3A_112[0] : i32 from vector<1xi32>
      %mul3A_114 = arith.constant 16 : i32
      %mul3A_115 = arith.muli %scan3A_66, %mul3A_114 : i32
      %add3A_116 = arith.constant 3 : i32
      %add3A_117 = arith.addi %mul3A_115, %add3A_116 : i32
      %dma_start3A_118 = arith.constant 0 : i32
      %dma_start3A_119 = tpu.memref_slice %arg6[%add3A_117, %dma_start3A_118] : memref<128x64xf32, #tpu.memory_space<vmem>> -> memref<1x64xf32, #tpu.memory_space<vmem>>
      %dma_start3A_120 = arith.constant 0 : i32
      %dma_start3A_121 = tpu.memref_slice %arg3[%squeeze3A_113, %dma_start3A_120] : memref<100001x64xf32, #tpu.memory_space<hbm>> -> memref<1x64xf32, #tpu.memory_space<hbm>>
      %dma_start3A_122 = arith.constant 0 : i32
      %dma_start3A_123 = tpu.memref_slice %arg6[%add3A_117, %dma_start3A_122] : memref<128x64xf32, #tpu.memory_space<vmem>> -> memref<1x64xf32, #tpu.memory_space<vmem>>
      %dma_start3A_124 = arith.constant 0 : i32
      %dma_start3A_125 = tpu.memref_slice %arg3[%squeeze3A_113, %dma_start3A_124] : memref<100001x64xf32, #tpu.memory_space<hbm>> -> memref<1x64xf32, #tpu.memory_space<hbm>>
      tpu.enqueue_dma source(%dma_start3A_125 : memref<1x64xf32, #tpu.memory_space<hbm>>) target(%dma_start3A_123 : memref<1x64xf32, #tpu.memory_space<vmem>>) target_semaphore(%arg8 : memref<!tpu.dma_semaphore, #tpu.memory_space<semaphore_mem>>)
      %slice3A_126 = vector.extract_strided_slice %get3A_72 {offsets = [4], sizes = [1], strides = [1]} : vector<16xi32> to vector<1xi32>
      %squeeze3A_127 = vector.extract %slice3A_126[0] : i32 from vector<1xi32>
      %mul3A_128 = arith.constant 16 : i32
      %mul3A_129 = arith.muli %scan3A_66, %mul3A_128 : i32
      %add3A_130 = arith.constant 4 : i32
      %add3A_131 = arith.addi %mul3A_129, %add3A_130 : i32
      %dma_start3A_132 = arith.constant 0 : i32
      %dma_start3A_133 = tpu.memref_slice %arg6[%add3A_131, %dma_start3A_132] : memref<128x64xf32, #tpu.memory_space<vmem>> -> memref<1x64xf32, #tpu.memory_space<vmem>>
      %dma_start3A_134 = arith.constant 0 : i32
      %dma_start3A_135 = tpu.memref_slice %arg3[%squeeze3A_127, %dma_start3A_134] : memref<100001x64xf32, #tpu.memory_space<hbm>> -> memref<1x64xf32, #tpu.memory_space<hbm>>
      %dma_start3A_136 = arith.constant 0 : i32
      %dma_start3A_137 = tpu.memref_slice %arg6[%add3A_131, %dma_start3A_136] : memref<128x64xf32, #tpu.memory_space<vmem>> -> memref<1x64xf32, #tpu.memory_space<vmem>>
      %dma_start3A_138 = arith.constant 0 : i32
      %dma_start3A_139 = tpu.memref_slice %arg3[%squeeze3A_127, %dma_start3A_138] : memref<100001x64xf32, #tpu.memory_space<hbm>> -> memref<1x64xf32, #tpu.memory_space<hbm>>
      tpu.enqueue_dma source(%dma_start3A_139 : memref<1x64xf32, #tpu.memory_space<hbm>>) target(%dma_start3A_137 : memref<1x64xf32, #tpu.memory_space<vmem>>) target_semaphore(%arg8 : memref<!tpu.dma_semaphore, #tpu.memory_space<semaphore_mem>>)
      %slice3A_140 = vector.extract_strided_slice %get3A_72 {offsets = [5], sizes = [1], strides = [1]} : vector<16xi32> to vector<1xi32>
      %squeeze3A_141 = vector.extract %slice3A_140[0] : i32 from vector<1xi32>
      %mul3A_142 = arith.constant 16 : i32
      %mul3A_143 = arith.muli %scan3A_66, %mul3A_142 : i32
      %add3A_144 = arith.constant 5 : i32
      %add3A_145 = arith.addi %mul3A_143, %add3A_144 : i32
      %dma_start3A_146 = arith.constant 0 : i32
      %dma_start3A_147 = tpu.memref_slice %arg6[%add3A_145, %dma_start3A_146] : memref<128x64xf32, #tpu.memory_space<vmem>> -> memref<1x64xf32, #tpu.memory_space<vmem>>
      %dma_start3A_148 = arith.constant 0 : i32
      %dma_start3A_149 = tpu.memref_slice %arg3[%squeeze3A_141, %dma_start3A_148] : memref<100001x64xf32, #tpu.memory_space<hbm>> -> memref<1x64xf32, #tpu.memory_space<hbm>>
      %dma_start3A_150 = arith.constant 0 : i32
      %dma_start3A_151 = tpu.memref_slice %arg6[%add3A_145, %dma_start3A_150] : memref<128x64xf32, #tpu.memory_space<vmem>> -> memref<1x64xf32, #tpu.memory_space<vmem>>
      %dma_start3A_152 = arith.constant 0 : i32
      %dma_start3A_153 = tpu.memref_slice %arg3[%squeeze3A_141, %dma_start3A_152] : memref<100001x64xf32, #tpu.memory_space<hbm>> -> memref<1x64xf32, #tpu.memory_space<hbm>>
      tpu.enqueue_dma source(%dma_start3A_153 : memref<1x64xf32, #tpu.memory_space<hbm>>) target(%dma_start3A_151 : memref<1x64xf32, #tpu.memory_space<vmem>>) target_semaphore(%arg8 : memref<!tpu.dma_semaphore, #tpu.memory_space<semaphore_mem>>)
      %slice3A_154 = vector.extract_strided_slice %get3A_72 {offsets = [6], sizes = [1], strides = [1]} : vector<16xi32> to vector<1xi32>
      %squeeze3A_155 = vector.extract %slice3A_154[0] : i32 from vector<1xi32>
      %mul3A_156 = arith.constant 16 : i32
      %mul3A_157 = arith.muli %scan3A_66, %mul3A_156 : i32
      %add3A_158 = arith.constant 6 : i32
      %add3A_159 = arith.addi %mul3A_157, %add3A_158 : i32
      %dma_start3A_160 = arith.constant 0 : i32
      %dma_start3A_161 = tpu.memref_slice %arg6[%add3A_159, %dma_start3A_160] : memref<128x64xf32, #tpu.memory_space<vmem>> -> memref<1x64xf32, #tpu.memory_space<vmem>>
      %dma_start3A_162 = arith.constant 0 : i32
      %dma_start3A_163 = tpu.memref_slice %arg3[%squeeze3A_155, %dma_start3A_162] : memref<100001x64xf32, #tpu.memory_space<hbm>> -> memref<1x64xf32, #tpu.memory_space<hbm>>
      %dma_start3A_164 = arith.constant 0 : i32
      %dma_start3A_165 = tpu.memref_slice %arg6[%add3A_159, %dma_start3A_164] : memref<128x64xf32, #tpu.memory_space<vmem>> -> memref<1x64xf32, #tpu.memory_space<vmem>>
      %dma_start3A_166 = arith.constant 0 : i32
      %dma_start3A_167 = tpu.memref_slice %arg3[%squeeze3A_155, %dma_start3A_166] : memref<100001x64xf32, #tpu.memory_space<hbm>> -> memref<1x64xf32, #tpu.memory_space<hbm>>
      tpu.enqueue_dma source(%dma_start3A_167 : memref<1x64xf32, #tpu.memory_space<hbm>>) target(%dma_start3A_165 : memref<1x64xf32, #tpu.memory_space<vmem>>) target_semaphore(%arg8 : memref<!tpu.dma_semaphore, #tpu.memory_space<semaphore_mem>>)
      %slice3A_168 = vector.extract_strided_slice %get3A_72 {offsets = [7], sizes = [1], strides = [1]} : vector<16xi32> to vector<1xi32>
      %squeeze3A_169 = vector.extract %slice3A_168[0] : i32 from vector<1xi32>
      %mul3A_170 = arith.constant 16 : i32
      %mul3A_171 = arith.muli %scan3A_66, %mul3A_170 : i32
      %add3A_172 = arith.constant 7 : i32
      %add3A_173 = arith.addi %mul3A_171, %add3A_172 : i32
      %dma_start3A_174 = arith.constant 0 : i32
      %dma_start3A_175 = tpu.memref_slice %arg6[%add3A_173, %dma_start3A_174] : memref<128x64xf32, #tpu.memory_space<vmem>> -> memref<1x64xf32, #tpu.memory_space<vmem>>
      %dma_start3A_176 = arith.constant 0 : i32
      %dma_start3A_177 = tpu.memref_slice %arg3[%squeeze3A_169, %dma_start3A_176] : memref<100001x64xf32, #tpu.memory_space<hbm>> -> memref<1x64xf32, #tpu.memory_space<hbm>>
      %dma_start3A_178 = arith.constant 0 : i32
      %dma_start3A_179 = tpu.memref_slice %arg6[%add3A_173, %dma_start3A_178] : memref<128x64xf32, #tpu.memory_space<vmem>> -> memref<1x64xf32, #tpu.memory_space<vmem>>
      %dma_start3A_180 = arith.constant 0 : i32
      %dma_start3A_181 = tpu.memref_slice %arg3[%squeeze3A_169, %dma_start3A_180] : memref<100001x64xf32, #tpu.memory_space<hbm>> -> memref<1x64xf32, #tpu.memory_space<hbm>>
      tpu.enqueue_dma source(%dma_start3A_181 : memref<1x64xf32, #tpu.memory_space<hbm>>) target(%dma_start3A_179 : memref<1x64xf32, #tpu.memory_space<vmem>>) target_semaphore(%arg8 : memref<!tpu.dma_semaphore, #tpu.memory_space<semaphore_mem>>)
      %slice3A_182 = vector.extract_strided_slice %get3A_72 {offsets = [8], sizes = [1], strides = [1]} : vector<16xi32> to vector<1xi32>
      %squeeze3A_183 = vector.extract %slice3A_182[0] : i32 from vector<1xi32>
      %mul3A_184 = arith.constant 16 : i32
      %mul3A_185 = arith.muli %scan3A_66, %mul3A_184 : i32
      %add3A_186 = arith.constant 8 : i32
      %add3A_187 = arith.addi %mul3A_185, %add3A_186 : i32
      %dma_start3A_188 = arith.constant 0 : i32
      %dma_start3A_189 = tpu.memref_slice %arg6[%add3A_187, %dma_start3A_188] : memref<128x64xf32, #tpu.memory_space<vmem>> -> memref<1x64xf32, #tpu.memory_space<vmem>>
      %dma_start3A_190 = arith.constant 0 : i32
      %dma_start3A_191 = tpu.memref_slice %arg3[%squeeze3A_183, %dma_start3A_190] : memref<100001x64xf32, #tpu.memory_space<hbm>> -> memref<1x64xf32, #tpu.memory_space<hbm>>
      %dma_start3A_192 = arith.constant 0 : i32
      %dma_start3A_193 = tpu.memref_slice %arg6[%add3A_187, %dma_start3A_192] : memref<128x64xf32, #tpu.memory_space<vmem>> -> memref<1x64xf32, #tpu.memory_space<vmem>>
      %dma_start3A_194 = arith.constant 0 : i32
      %dma_start3A_195 = tpu.memref_slice %arg3[%squeeze3A_183, %dma_start3A_194] : memref<100001x64xf32, #tpu.memory_space<hbm>> -> memref<1x64xf32, #tpu.memory_space<hbm>>
      tpu.enqueue_dma source(%dma_start3A_195 : memref<1x64xf32, #tpu.memory_space<hbm>>) target(%dma_start3A_193 : memref<1x64xf32, #tpu.memory_space<vmem>>) target_semaphore(%arg8 : memref<!tpu.dma_semaphore, #tpu.memory_space<semaphore_mem>>)
      %slice3A_196 = vector.extract_strided_slice %get3A_72 {offsets = [9], sizes = [1], strides = [1]} : vector<16xi32> to vector<1xi32>
      %squeeze3A_197 = vector.extract %slice3A_196[0] : i32 from vector<1xi32>
      %mul3A_198 = arith.constant 16 : i32
      %mul3A_199 = arith.muli %scan3A_66, %mul3A_198 : i32
      %add3A_200 = arith.constant 9 : i32
      %add3A_201 = arith.addi %mul3A_199, %add3A_200 : i32
      %dma_start3A_202 = arith.constant 0 : i32
      %dma_start3A_203 = tpu.memref_slice %arg6[%add3A_201, %dma_start3A_202] : memref<128x64xf32, #tpu.memory_space<vmem>> -> memref<1x64xf32, #tpu.memory_space<vmem>>
      %dma_start3A_204 = arith.constant 0 : i32
      %dma_start3A_205 = tpu.memref_slice %arg3[%squeeze3A_197, %dma_start3A_204] : memref<100001x64xf32, #tpu.memory_space<hbm>> -> memref<1x64xf32, #tpu.memory_space<hbm>>
      %dma_start3A_206 = arith.constant 0 : i32
      %dma_start3A_207 = tpu.memref_slice %arg6[%add3A_201, %dma_start3A_206] : memref<128x64xf32, #tpu.memory_space<vmem>> -> memref<1x64xf32, #tpu.memory_space<vmem>>
      %dma_start3A_208 = arith.constant 0 : i32
      %dma_start3A_209 = tpu.memref_slice %arg3[%squeeze3A_197, %dma_start3A_208] : memref<100001x64xf32, #tpu.memory_space<hbm>> -> memref<1x64xf32, #tpu.memory_space<hbm>>
      tpu.enqueue_dma source(%dma_start3A_209 : memref<1x64xf32, #tpu.memory_space<hbm>>) target(%dma_start3A_207 : memref<1x64xf32, #tpu.memory_space<vmem>>) target_semaphore(%arg8 : memref<!tpu.dma_semaphore, #tpu.memory_space<semaphore_mem>>)
      %slice3A_210 = vector.extract_strided_slice %get3A_72 {offsets = [10], sizes = [1], strides = [1]} : vector<16xi32> to vector<1xi32>
      %squeeze3A_211 = vector.extract %slice3A_210[0] : i32 from vector<1xi32>
      %mul3A_212 = arith.constant 16 : i32
      %mul3A_213 = arith.muli %scan3A_66, %mul3A_212 : i32
      %add3A_214 = arith.constant 10 : i32
      %add3A_215 = arith.addi %mul3A_213, %add3A_214 : i32
      %dma_start3A_216 = arith.constant 0 : i32
      %dma_start3A_217 = tpu.memref_slice %arg6[%add3A_215, %dma_start3A_216] : memref<128x64xf32, #tpu.memory_space<vmem>> -> memref<1x64xf32, #tpu.memory_space<vmem>>
      %dma_start3A_218 = arith.constant 0 : i32
      %dma_start3A_219 = tpu.memref_slice %arg3[%squeeze3A_211, %dma_start3A_218] : memref<100001x64xf32, #tpu.memory_space<hbm>> -> memref<1x64xf32, #tpu.memory_space<hbm>>
      %dma_start3A_220 = arith.constant 0 : i32
      %dma_start3A_221 = tpu.memref_slice %arg6[%add3A_215, %dma_start3A_220] : memref<128x64xf32, #tpu.memory_space<vmem>> -> memref<1x64xf32, #tpu.memory_space<vmem>>
      %dma_start3A_222 = arith.constant 0 : i32
      %dma_start3A_223 = tpu.memref_slice %arg3[%squeeze3A_211, %dma_start3A_222] : memref<100001x64xf32, #tpu.memory_space<hbm>> -> memref<1x64xf32, #tpu.memory_space<hbm>>
      tpu.enqueue_dma source(%dma_start3A_223 : memref<1x64xf32, #tpu.memory_space<hbm>>) target(%dma_start3A_221 : memref<1x64xf32, #tpu.memory_space<vmem>>) target_semaphore(%arg8 : memref<!tpu.dma_semaphore, #tpu.memory_space<semaphore_mem>>)
      %slice3A_224 = vector.extract_strided_slice %get3A_72 {offsets = [11], sizes = [1], strides = [1]} : vector<16xi32> to vector<1xi32>
      %squeeze3A_225 = vector.extract %slice3A_224[0] : i32 from vector<1xi32>
      %mul3A_226 = arith.constant 16 : i32
      %mul3A_227 = arith.muli %scan3A_66, %mul3A_226 : i32
      %add3A_228 = arith.constant 11 : i32
      %add3A_229 = arith.addi %mul3A_227, %add3A_228 : i32
      %dma_start3A_230 = arith.constant 0 : i32
      %dma_start3A_231 = tpu.memref_slice %arg6[%add3A_229, %dma_start3A_230] : memref<128x64xf32, #tpu.memory_space<vmem>> -> memref<1x64xf32, #tpu.memory_space<vmem>>
      %dma_start3A_232 = arith.constant 0 : i32
      %dma_start3A_233 = tpu.memref_slice %arg3[%squeeze3A_225, %dma_start3A_232] : memref<100001x64xf32, #tpu.memory_space<hbm>> -> memref<1x64xf32, #tpu.memory_space<hbm>>
      %dma_start3A_234 = arith.constant 0 : i32
      %dma_start3A_235 = tpu.memref_slice %arg6[%add3A_229, %dma_start3A_234] : memref<128x64xf32, #tpu.memory_space<vmem>> -> memref<1x64xf32, #tpu.memory_space<vmem>>
      %dma_start3A_236 = arith.constant 0 : i32
      %dma_start3A_237 = tpu.memref_slice %arg3[%squeeze3A_225, %dma_start3A_236] : memref<100001x64xf32, #tpu.memory_space<hbm>> -> memref<1x64xf32, #tpu.memory_space<hbm>>
      tpu.enqueue_dma source(%dma_start3A_237 : memref<1x64xf32, #tpu.memory_space<hbm>>) target(%dma_start3A_235 : memref<1x64xf32, #tpu.memory_space<vmem>>) target_semaphore(%arg8 : memref<!tpu.dma_semaphore, #tpu.memory_space<semaphore_mem>>)
      %slice3A_238 = vector.extract_strided_slice %get3A_72 {offsets = [12], sizes = [1], strides = [1]} : vector<16xi32> to vector<1xi32>
      %squeeze3A_239 = vector.extract %slice3A_238[0] : i32 from vector<1xi32>
      %mul3A_240 = arith.constant 16 : i32
      %mul3A_241 = arith.muli %scan3A_66, %mul3A_240 : i32
      %add3A_242 = arith.constant 12 : i32
      %add3A_243 = arith.addi %mul3A_241, %add3A_242 : i32
      %dma_start3A_244 = arith.constant 0 : i32
      %dma_start3A_245 = tpu.memref_slice %arg6[%add3A_243, %dma_start3A_244] : memref<128x64xf32, #tpu.memory_space<vmem>> -> memref<1x64xf32, #tpu.memory_space<vmem>>
      %dma_start3A_246 = arith.constant 0 : i32
      %dma_start3A_247 = tpu.memref_slice %arg3[%squeeze3A_239, %dma_start3A_246] : memref<100001x64xf32, #tpu.memory_space<hbm>> -> memref<1x64xf32, #tpu.memory_space<hbm>>
      %dma_start3A_248 = arith.constant 0 : i32
      %dma_start3A_249 = tpu.memref_slice %arg6[%add3A_243, %dma_start3A_248] : memref<128x64xf32, #tpu.memory_space<vmem>> -> memref<1x64xf32, #tpu.memory_space<vmem>>
      %dma_start3A_250 = arith.constant 0 : i32
      %dma_start3A_251 = tpu.memref_slice %arg3[%squeeze3A_239, %dma_start3A_250] : memref<100001x64xf32, #tpu.memory_space<hbm>> -> memref<1x64xf32, #tpu.memory_space<hbm>>
      tpu.enqueue_dma source(%dma_start3A_251 : memref<1x64xf32, #tpu.memory_space<hbm>>) target(%dma_start3A_249 : memref<1x64xf32, #tpu.memory_space<vmem>>) target_semaphore(%arg8 : memref<!tpu.dma_semaphore, #tpu.memory_space<semaphore_mem>>)
      %slice3A_252 = vector.extract_strided_slice %get3A_72 {offsets = [13], sizes = [1], strides = [1]} : vector<16xi32> to vector<1xi32>
      %squeeze3A_253 = vector.extract %slice3A_252[0] : i32 from vector<1xi32>
      %mul3A_254 = arith.constant 16 : i32
      %mul3A_255 = arith.muli %scan3A_66, %mul3A_254 : i32
      %add3A_256 = arith.constant 13 : i32
      %add3A_257 = arith.addi %mul3A_255, %add3A_256 : i32
      %dma_start3A_258 = arith.constant 0 : i32
      %dma_start3A_259 = tpu.memref_slice %arg6[%add3A_257, %dma_start3A_258] : memref<128x64xf32, #tpu.memory_space<vmem>> -> memref<1x64xf32, #tpu.memory_space<vmem>>
      %dma_start3A_260 = arith.constant 0 : i32
      %dma_start3A_261 = tpu.memref_slice %arg3[%squeeze3A_253, %dma_start3A_260] : memref<100001x64xf32, #tpu.memory_space<hbm>> -> memref<1x64xf32, #tpu.memory_space<hbm>>
      %dma_start3A_262 = arith.constant 0 : i32
      %dma_start3A_263 = tpu.memref_slice %arg6[%add3A_257, %dma_start3A_262] : memref<128x64xf32, #tpu.memory_space<vmem>> -> memref<1x64xf32, #tpu.memory_space<vmem>>
      %dma_start3A_264 = arith.constant 0 : i32
      %dma_start3A_265 = tpu.memref_slice %arg3[%squeeze3A_253, %dma_start3A_264] : memref<100001x64xf32, #tpu.memory_space<hbm>> -> memref<1x64xf32, #tpu.memory_space<hbm>>
      tpu.enqueue_dma source(%dma_start3A_265 : memref<1x64xf32, #tpu.memory_space<hbm>>) target(%dma_start3A_263 : memref<1x64xf32, #tpu.memory_space<vmem>>) target_semaphore(%arg8 : memref<!tpu.dma_semaphore, #tpu.memory_space<semaphore_mem>>)
      %slice3A_266 = vector.extract_strided_slice %get3A_72 {offsets = [14], sizes = [1], strides = [1]} : vector<16xi32> to vector<1xi32>
      %squeeze3A_267 = vector.extract %slice3A_266[0] : i32 from vector<1xi32>
      %mul3A_268 = arith.constant 16 : i32
      %mul3A_269 = arith.muli %scan3A_66, %mul3A_268 : i32
      %add3A_270 = arith.constant 14 : i32
      %add3A_271 = arith.addi %mul3A_269, %add3A_270 : i32
      %dma_start3A_272 = arith.constant 0 : i32
      %dma_start3A_273 = tpu.memref_slice %arg6[%add3A_271, %dma_start3A_272] : memref<128x64xf32, #tpu.memory_space<vmem>> -> memref<1x64xf32, #tpu.memory_space<vmem>>
      %dma_start3A_274 = arith.constant 0 : i32
      %dma_start3A_275 = tpu.memref_slice %arg3[%squeeze3A_267, %dma_start3A_274] : memref<100001x64xf32, #tpu.memory_space<hbm>> -> memref<1x64xf32, #tpu.memory_space<hbm>>
      %dma_start3A_276 = arith.constant 0 : i32
      %dma_start3A_277 = tpu.memref_slice %arg6[%add3A_271, %dma_start3A_276] : memref<128x64xf32, #tpu.memory_space<vmem>> -> memref<1x64xf32, #tpu.memory_space<vmem>>
      %dma_start3A_278 = arith.constant 0 : i32
      %dma_start3A_279 = tpu.memref_slice %arg3[%squeeze3A_267, %dma_start3A_278] : memref<100001x64xf32, #tpu.memory_space<hbm>> -> memref<1x64xf32, #tpu.memory_space<hbm>>
      tpu.enqueue_dma source(%dma_start3A_279 : memref<1x64xf32, #tpu.memory_space<hbm>>) target(%dma_start3A_277 : memref<1x64xf32, #tpu.memory_space<vmem>>) target_semaphore(%arg8 : memref<!tpu.dma_semaphore, #tpu.memory_space<semaphore_mem>>)
      %slice3A_280 = vector.extract_strided_slice %get3A_72 {offsets = [15], sizes = [1], strides = [1]} : vector<16xi32> to vector<1xi32>
      %squeeze3A_281 = vector.extract %slice3A_280[0] : i32 from vector<1xi32>
      %mul3A_282 = arith.constant 16 : i32
      %mul3A_283 = arith.muli %scan3A_66, %mul3A_282 : i32
      %add3A_284 = arith.constant 15 : i32
      %add3A_285 = arith.addi %mul3A_283, %add3A_284 : i32
      %dma_start3A_286 = arith.constant 0 : i32
      %dma_start3A_287 = tpu.memref_slice %arg6[%add3A_285, %dma_start3A_286] : memref<128x64xf32, #tpu.memory_space<vmem>> -> memref<1x64xf32, #tpu.memory_space<vmem>>
      %dma_start3A_288 = arith.constant 0 : i32
      %dma_start3A_289 = tpu.memref_slice %arg3[%squeeze3A_281, %dma_start3A_288] : memref<100001x64xf32, #tpu.memory_space<hbm>> -> memref<1x64xf32, #tpu.memory_space<hbm>>
      %dma_start3A_290 = arith.constant 0 : i32
      %dma_start3A_291 = tpu.memref_slice %arg6[%add3A_285, %dma_start3A_290] : memref<128x64xf32, #tpu.memory_space<vmem>> -> memref<1x64xf32, #tpu.memory_space<vmem>>
      %dma_start3A_292 = arith.constant 0 : i32
      %dma_start3A_293 = tpu.memref_slice %arg3[%squeeze3A_281, %dma_start3A_292] : memref<100001x64xf32, #tpu.memory_space<hbm>> -> memref<1x64xf32, #tpu.memory_space<hbm>>
      tpu.enqueue_dma source(%dma_start3A_293 : memref<1x64xf32, #tpu.memory_space<hbm>>) target(%dma_start3A_291 : memref<1x64xf32, #tpu.memory_space<vmem>>) target_semaphore(%arg8 : memref<!tpu.dma_semaphore, #tpu.memory_space<semaphore_mem>>)
      %scan3A_294 = arith.constant 0 : i32
      scf.yield %scan3A_294 : i32
    }
    %scan3A_31 = arith.constant 8 : i32
    %scan3A_32 = arith.constant 0 : i32
    %scan3A_33 = arith.constant 0 : i32
    %scan3A_34 = arith.constant 8 : i32
    %scan3A_35 = arith.addi %scan3A_33, %scan3A_34 : i32
    %scan3A_36 = arith.constant 1 : i32
    %scan3A_37 = scf.for %scan3A_66 = %scan3A_33 to %scan3A_35 step %scan3A_36 iter_args(%scan3A_67 = %scan3A_32) -> (i32)  : i32 {
      %dma_wait3A = arith.constant 0 : i32
      %dma_wait3A_68 = arith.constant 0 : i32
      %dma_wait3A_69 = tpu.memref_slice %arg6[%dma_wait3A, %dma_wait3A_68] : memref<128x64xf32, #tpu.memory_space<vmem>> -> memref<1x64xf32, #tpu.memory_space<vmem>>
      %dma_wait3A_70 = arith.constant 0 : i32
      %dma_wait3A_71 = arith.constant 0 : i32
      %dma_wait3A_72 = tpu.memref_slice %arg3[%dma_wait3A_70, %dma_wait3A_71] : memref<100001x64xf32, #tpu.memory_space<hbm>> -> memref<1x64xf32, #tpu.memory_space<hbm>>
      %dma_wait3A_73 = arith.constant 0 : i32
      %dma_wait3A_74 = arith.constant 0 : i32
      %dma_wait3A_75 = tpu.memref_slice %arg6[%dma_wait3A_73, %dma_wait3A_74] : memref<128x64xf32, #tpu.memory_space<vmem>> -> memref<1x64xf32, #tpu.memory_space<vmem>>
      %dma_wait3A_76 = arith.constant 0 : i32
      %dma_wait3A_77 = arith.constant 0 : i32
      %dma_wait3A_78 = tpu.memref_slice %arg3[%dma_wait3A_76, %dma_wait3A_77] : memref<100001x64xf32, #tpu.memory_space<hbm>> -> memref<1x64xf32, #tpu.memory_space<hbm>>
      tpu.wait_dma2 semaphore(%arg9 : memref<!tpu.dma_semaphore, #tpu.memory_space<semaphore_mem>>) src(%dma_wait3A_78 : memref<1x64xf32, #tpu.memory_space<hbm>>) dst(%dma_wait3A_75 : memref<1x64xf32, #tpu.memory_space<vmem>>)
      %dma_wait3A_79 = arith.constant 0 : i32
      %dma_wait3A_80 = arith.constant 0 : i32
      %dma_wait3A_81 = tpu.memref_slice %arg6[%dma_wait3A_79, %dma_wait3A_80] : memref<128x64xf32, #tpu.memory_space<vmem>> -> memref<1x64xf32, #tpu.memory_space<vmem>>
      %dma_wait3A_82 = arith.constant 0 : i32
      %dma_wait3A_83 = arith.constant 0 : i32
      %dma_wait3A_84 = tpu.memref_slice %arg3[%dma_wait3A_82, %dma_wait3A_83] : memref<100001x64xf32, #tpu.memory_space<hbm>> -> memref<1x64xf32, #tpu.memory_space<hbm>>
      %dma_wait3A_85 = arith.constant 0 : i32
      %dma_wait3A_86 = arith.constant 0 : i32
      %dma_wait3A_87 = tpu.memref_slice %arg6[%dma_wait3A_85, %dma_wait3A_86] : memref<128x64xf32, #tpu.memory_space<vmem>> -> memref<1x64xf32, #tpu.memory_space<vmem>>
      %dma_wait3A_88 = arith.constant 0 : i32
      %dma_wait3A_89 = arith.constant 0 : i32
      %dma_wait3A_90 = tpu.memref_slice %arg3[%dma_wait3A_88, %dma_wait3A_89] : memref<100001x64xf32, #tpu.memory_space<hbm>> -> memref<1x64xf32, #tpu.memory_space<hbm>>
      tpu.wait_dma2 semaphore(%arg9 : memref<!tpu.dma_semaphore, #tpu.memory_space<semaphore_mem>>) src(%dma_wait3A_90 : memref<1x64xf32, #tpu.memory_space<hbm>>) dst(%dma_wait3A_87 : memref<1x64xf32, #tpu.memory_space<vmem>>)
      %dma_wait3A_91 = arith.constant 0 : i32
      %dma_wait3A_92 = arith.constant 0 : i32
      %dma_wait3A_93 = tpu.memref_slice %arg6[%dma_wait3A_91, %dma_wait3A_92] : memref<128x64xf32, #tpu.memory_space<vmem>> -> memref<1x64xf32, #tpu.memory_space<vmem>>
      %dma_wait3A_94 = arith.constant 0 : i32
      %dma_wait3A_95 = arith.constant 0 : i32
      %dma_wait3A_96 = tpu.memref_slice %arg3[%dma_wait3A_94, %dma_wait3A_95] : memref<100001x64xf32, #tpu.memory_space<hbm>> -> memref<1x64xf32, #tpu.memory_space<hbm>>
      %dma_wait3A_97 = arith.constant 0 : i32
      %dma_wait3A_98 = arith.constant 0 : i32
      %dma_wait3A_99 = tpu.memref_slice %arg6[%dma_wait3A_97, %dma_wait3A_98] : memref<128x64xf32, #tpu.memory_space<vmem>> -> memref<1x64xf32, #tpu.memory_space<vmem>>
      %dma_wait3A_100 = arith.constant 0 : i32
      %dma_wait3A_101 = arith.constant 0 : i32
      %dma_wait3A_102 = tpu.memref_slice %arg3[%dma_wait3A_100, %dma_wait3A_101] : memref<100001x64xf32, #tpu.memory_space<hbm>> -> memref<1x64xf32, #tpu.memory_space<hbm>>
      tpu.wait_dma2 semaphore(%arg9 : memref<!tpu.dma_semaphore, #tpu.memory_space<semaphore_mem>>) src(%dma_wait3A_102 : memref<1x64xf32, #tpu.memory_space<hbm>>) dst(%dma_wait3A_99 : memref<1x64xf32, #tpu.memory_space<vmem>>)
      %dma_wait3A_103 = arith.constant 0 : i32
      %dma_wait3A_104 = arith.constant 0 : i32
      %dma_wait3A_105 = tpu.memref_slice %arg6[%dma_wait3A_103, %dma_wait3A_104] : memref<128x64xf32, #tpu.memory_space<vmem>> -> memref<1x64xf32, #tpu.memory_space<vmem>>
      %dma_wait3A_106 = arith.constant 0 : i32
      %dma_wait3A_107 = arith.constant 0 : i32
      %dma_wait3A_108 = tpu.memref_slice %arg3[%dma_wait3A_106, %dma_wait3A_107] : memref<100001x64xf32, #tpu.memory_space<hbm>> -> memref<1x64xf32, #tpu.memory_space<hbm>>
      %dma_wait3A_109 = arith.constant 0 : i32
      %dma_wait3A_110 = arith.constant 0 : i32
      %dma_wait3A_111 = tpu.memref_slice %arg6[%dma_wait3A_109, %dma_wait3A_110] : memref<128x64xf32, #tpu.memory_space<vmem>> -> memref<1x64xf32, #tpu.memory_space<vmem>>
      %dma_wait3A_112 = arith.constant 0 : i32
      %dma_wait3A_113 = arith.constant 0 : i32
      %dma_wait3A_114 = tpu.memref_slice %arg3[%dma_wait3A_112, %dma_wait3A_113] : memref<100001x64xf32, #tpu.memory_space<hbm>> -> memref<1x64xf32, #tpu.memory_space<hbm>>
      tpu.wait_dma2 semaphore(%arg9 : memref<!tpu.dma_semaphore, #tpu.memory_space<semaphore_mem>>) src(%dma_wait3A_114 : memref<1x64xf32, #tpu.memory_space<hbm>>) dst(%dma_wait3A_111 : memref<1x64xf32, #tpu.memory_space<vmem>>)
      %dma_wait3A_115 = arith.constant 0 : i32
      %dma_wait3A_116 = arith.constant 0 : i32
      %dma_wait3A_117 = tpu.memref_slice %arg6[%dma_wait3A_115, %dma_wait3A_116] : memref<128x64xf32, #tpu.memory_space<vmem>> -> memref<1x64xf32, #tpu.memory_space<vmem>>
      %dma_wait3A_118 = arith.constant 0 : i32
      %dma_wait3A_119 = arith.constant 0 : i32
      %dma_wait3A_120 = tpu.memref_slice %arg3[%dma_wait3A_118, %dma_wait3A_119] : memref<100001x64xf32, #tpu.memory_space<hbm>> -> memref<1x64xf32, #tpu.memory_space<hbm>>
      %dma_wait3A_121 = arith.constant 0 : i32
      %dma_wait3A_122 = arith.constant 0 : i32
      %dma_wait3A_123 = tpu.memref_slice %arg6[%dma_wait3A_121, %dma_wait3A_122] : memref<128x64xf32, #tpu.memory_space<vmem>> -> memref<1x64xf32, #tpu.memory_space<vmem>>
      %dma_wait3A_124 = arith.constant 0 : i32
      %dma_wait3A_125 = arith.constant 0 : i32
      %dma_wait3A_126 = tpu.memref_slice %arg3[%dma_wait3A_124, %dma_wait3A_125] : memref<100001x64xf32, #tpu.memory_space<hbm>> -> memref<1x64xf32, #tpu.memory_space<hbm>>
      tpu.wait_dma2 semaphore(%arg9 : memref<!tpu.dma_semaphore, #tpu.memory_space<semaphore_mem>>) src(%dma_wait3A_126 : memref<1x64xf32, #tpu.memory_space<hbm>>) dst(%dma_wait3A_123 : memref<1x64xf32, #tpu.memory_space<vmem>>)
      %dma_wait3A_127 = arith.constant 0 : i32
      %dma_wait3A_128 = arith.constant 0 : i32
      %dma_wait3A_129 = tpu.memref_slice %arg6[%dma_wait3A_127, %dma_wait3A_128] : memref<128x64xf32, #tpu.memory_space<vmem>> -> memref<1x64xf32, #tpu.memory_space<vmem>>
      %dma_wait3A_130 = arith.constant 0 : i32
      %dma_wait3A_131 = arith.constant 0 : i32
      %dma_wait3A_132 = tpu.memref_slice %arg3[%dma_wait3A_130, %dma_wait3A_131] : memref<100001x64xf32, #tpu.memory_space<hbm>> -> memref<1x64xf32, #tpu.memory_space<hbm>>
      %dma_wait3A_133 = arith.constant 0 : i32
      %dma_wait3A_134 = arith.constant 0 : i32
      %dma_wait3A_135 = tpu.memref_slice %arg6[%dma_wait3A_133, %dma_wait3A_134] : memref<128x64xf32, #tpu.memory_space<vmem>> -> memref<1x64xf32, #tpu.memory_space<vmem>>
      %dma_wait3A_136 = arith.constant 0 : i32
      %dma_wait3A_137 = arith.constant 0 : i32
      %dma_wait3A_138 = tpu.memref_slice %arg3[%dma_wait3A_136, %dma_wait3A_137] : memref<100001x64xf32, #tpu.memory_space<hbm>> -> memref<1x64xf32, #tpu.memory_space<hbm>>
      tpu.wait_dma2 semaphore(%arg9 : memref<!tpu.dma_semaphore, #tpu.memory_space<semaphore_mem>>) src(%dma_wait3A_138 : memref<1x64xf32, #tpu.memory_space<hbm>>) dst(%dma_wait3A_135 : memref<1x64xf32, #tpu.memory_space<vmem>>)
      %dma_wait3A_139 = arith.constant 0 : i32
      %dma_wait3A_140 = arith.constant 0 : i32
      %dma_wait3A_141 = tpu.memref_slice %arg6[%dma_wait3A_139, %dma_wait3A_140] : memref<128x64xf32, #tpu.memory_space<vmem>> -> memref<1x64xf32, #tpu.memory_space<vmem>>
      %dma_wait3A_142 = arith.constant 0 : i32
      %dma_wait3A_143 = arith.constant 0 : i32
      %dma_wait3A_144 = tpu.memref_slice %arg3[%dma_wait3A_142, %dma_wait3A_143] : memref<100001x64xf32, #tpu.memory_space<hbm>> -> memref<1x64xf32, #tpu.memory_space<hbm>>
      %dma_wait3A_145 = arith.constant 0 : i32
      %dma_wait3A_146 = arith.constant 0 : i32
      %dma_wait3A_147 = tpu.memref_slice %arg6[%dma_wait3A_145, %dma_wait3A_146] : memref<128x64xf32, #tpu.memory_space<vmem>> -> memref<1x64xf32, #tpu.memory_space<vmem>>
      %dma_wait3A_148 = arith.constant 0 : i32
      %dma_wait3A_149 = arith.constant 0 : i32
      %dma_wait3A_150 = tpu.memref_slice %arg3[%dma_wait3A_148, %dma_wait3A_149] : memref<100001x64xf32, #tpu.memory_space<hbm>> -> memref<1x64xf32, #tpu.memory_space<hbm>>
      tpu.wait_dma2 semaphore(%arg9 : memref<!tpu.dma_semaphore, #tpu.memory_space<semaphore_mem>>) src(%dma_wait3A_150 : memref<1x64xf32, #tpu.memory_space<hbm>>) dst(%dma_wait3A_147 : memref<1x64xf32, #tpu.memory_space<vmem>>)
      %dma_wait3A_151 = arith.constant 0 : i32
      %dma_wait3A_152 = arith.constant 0 : i32
      %dma_wait3A_153 = tpu.memref_slice %arg6[%dma_wait3A_151, %dma_wait3A_152] : memref<128x64xf32, #tpu.memory_space<vmem>> -> memref<1x64xf32, #tpu.memory_space<vmem>>
      %dma_wait3A_154 = arith.constant 0 : i32
      %dma_wait3A_155 = arith.constant 0 : i32
      %dma_wait3A_156 = tpu.memref_slice %arg3[%dma_wait3A_154, %dma_wait3A_155] : memref<100001x64xf32, #tpu.memory_space<hbm>> -> memref<1x64xf32, #tpu.memory_space<hbm>>
      %dma_wait3A_157 = arith.constant 0 : i32
      %dma_wait3A_158 = arith.constant 0 : i32
      %dma_wait3A_159 = tpu.memref_slice %arg6[%dma_wait3A_157, %dma_wait3A_158] : memref<128x64xf32, #tpu.memory_space<vmem>> -> memref<1x64xf32, #tpu.memory_space<vmem>>
      %dma_wait3A_160 = arith.constant 0 : i32
      %dma_wait3A_161 = arith.constant 0 : i32
      %dma_wait3A_162 = tpu.memref_slice %arg3[%dma_wait3A_160, %dma_wait3A_161] : memref<100001x64xf32, #tpu.memory_space<hbm>> -> memref<1x64xf32, #tpu.memory_space<hbm>>
      tpu.wait_dma2 semaphore(%arg9 : memref<!tpu.dma_semaphore, #tpu.memory_space<semaphore_mem>>) src(%dma_wait3A_162 : memref<1x64xf32, #tpu.memory_space<hbm>>) dst(%dma_wait3A_159 : memref<1x64xf32, #tpu.memory_space<vmem>>)
      %dma_wait3A_163 = arith.constant 0 : i32
      %dma_wait3A_164 = arith.constant 0 : i32
      %dma_wait3A_165 = tpu.memref_slice %arg6[%dma_wait3A_163, %dma_wait3A_164] : memref<128x64xf32, #tpu.memory_space<vmem>> -> memref<1x64xf32, #tpu.memory_space<vmem>>
      %dma_wait3A_166 = arith.constant 0 : i32
      %dma_wait3A_167 = arith.constant 0 : i32
      %dma_wait3A_168 = tpu.memref_slice %arg3[%dma_wait3A_166, %dma_wait3A_167] : memref<100001x64xf32, #tpu.memory_space<hbm>> -> memref<1x64xf32, #tpu.memory_space<hbm>>
      %dma_wait3A_169 = arith.constant 0 : i32
      %dma_wait3A_170 = arith.constant 0 : i32
      %dma_wait3A_171 = tpu.memref_slice %arg6[%dma_wait3A_169, %dma_wait3A_170] : memref<128x64xf32, #tpu.memory_space<vmem>> -> memref<1x64xf32, #tpu.memory_space<vmem>>
      %dma_wait3A_172 = arith.constant 0 : i32
      %dma_wait3A_173 = arith.constant 0 : i32
      %dma_wait3A_174 = tpu.memref_slice %arg3[%dma_wait3A_172, %dma_wait3A_173] : memref<100001x64xf32, #tpu.memory_space<hbm>> -> memref<1x64xf32, #tpu.memory_space<hbm>>
      tpu.wait_dma2 semaphore(%arg9 : memref<!tpu.dma_semaphore, #tpu.memory_space<semaphore_mem>>) src(%dma_wait3A_174 : memref<1x64xf32, #tpu.memory_space<hbm>>) dst(%dma_wait3A_171 : memref<1x64xf32, #tpu.memory_space<vmem>>)
      %dma_wait3A_175 = arith.constant 0 : i32
      %dma_wait3A_176 = arith.constant 0 : i32
      %dma_wait3A_177 = tpu.memref_slice %arg6[%dma_wait3A_175, %dma_wait3A_176] : memref<128x64xf32, #tpu.memory_space<vmem>> -> memref<1x64xf32, #tpu.memory_space<vmem>>
      %dma_wait3A_178 = arith.constant 0 : i32
      %dma_wait3A_179 = arith.constant 0 : i32
      %dma_wait3A_180 = tpu.memref_slice %arg3[%dma_wait3A_178, %dma_wait3A_179] : memref<100001x64xf32, #tpu.memory_space<hbm>> -> memref<1x64xf32, #tpu.memory_space<hbm>>
      %dma_wait3A_181 = arith.constant 0 : i32
      %dma_wait3A_182 = arith.constant 0 : i32
      %dma_wait3A_183 = tpu.memref_slice %arg6[%dma_wait3A_181, %dma_wait3A_182] : memref<128x64xf32, #tpu.memory_space<vmem>> -> memref<1x64xf32, #tpu.memory_space<vmem>>
      %dma_wait3A_184 = arith.constant 0 : i32
      %dma_wait3A_185 = arith.constant 0 : i32
      %dma_wait3A_186 = tpu.memref_slice %arg3[%dma_wait3A_184, %dma_wait3A_185] : memref<100001x64xf32, #tpu.memory_space<hbm>> -> memref<1x64xf32, #tpu.memory_space<hbm>>
      tpu.wait_dma2 semaphore(%arg9 : memref<!tpu.dma_semaphore, #tpu.memory_space<semaphore_mem>>) src(%dma_wait3A_186 : memref<1x64xf32, #tpu.memory_space<hbm>>) dst(%dma_wait3A_183 : memref<1x64xf32, #tpu.memory_space<vmem>>)
      %dma_wait3A_187 = arith.constant 0 : i32
      %dma_wait3A_188 = arith.constant 0 : i32
      %dma_wait3A_189 = tpu.memref_slice %arg6[%dma_wait3A_187, %dma_wait3A_188] : memref<128x64xf32, #tpu.memory_space<vmem>> -> memref<1x64xf32, #tpu.memory_space<vmem>>
      %dma_wait3A_190 = arith.constant 0 : i32
      %dma_wait3A_191 = arith.constant 0 : i32
      %dma_wait3A_192 = tpu.memref_slice %arg3[%dma_wait3A_190, %dma_wait3A_191] : memref<100001x64xf32, #tpu.memory_space<hbm>> -> memref<1x64xf32, #tpu.memory_space<hbm>>
      %dma_wait3A_193 = arith.constant 0 : i32
      %dma_wait3A_194 = arith.constant 0 : i32
      %dma_wait3A_195 = tpu.memref_slice %arg6[%dma_wait3A_193, %dma_wait3A_194] : memref<128x64xf32, #tpu.memory_space<vmem>> -> memref<1x64xf32, #tpu.memory_space<vmem>>
      %dma_wait3A_196 = arith.constant 0 : i32
      %dma_wait3A_197 = arith.constant 0 : i32
      %dma_wait3A_198 = tpu.memref_slice %arg3[%dma_wait3A_196, %dma_wait3A_197] : memref<100001x64xf32, #tpu.memory_space<hbm>> -> memref<1x64xf32, #tpu.memory_space<hbm>>
      tpu.wait_dma2 semaphore(%arg9 : memref<!tpu.dma_semaphore, #tpu.memory_space<semaphore_mem>>) src(%dma_wait3A_198 : memref<1x64xf32, #tpu.memory_space<hbm>>) dst(%dma_wait3A_195 : memref<1x64xf32, #tpu.memory_space<vmem>>)
      %dma_wait3A_199 = arith.constant 0 : i32
      %dma_wait3A_200 = arith.constant 0 : i32
      %dma_wait3A_201 = tpu.memref_slice %arg6[%dma_wait3A_199, %dma_wait3A_200] : memref<128x64xf32, #tpu.memory_space<vmem>> -> memref<1x64xf32, #tpu.memory_space<vmem>>
      %dma_wait3A_202 = arith.constant 0 : i32
      %dma_wait3A_203 = arith.constant 0 : i32
      %dma_wait3A_204 = tpu.memref_slice %arg3[%dma_wait3A_202, %dma_wait3A_203] : memref<100001x64xf32, #tpu.memory_space<hbm>> -> memref<1x64xf32, #tpu.memory_space<hbm>>
      %dma_wait3A_205 = arith.constant 0 : i32
      %dma_wait3A_206 = arith.constant 0 : i32
      %dma_wait3A_207 = tpu.memref_slice %arg6[%dma_wait3A_205, %dma_wait3A_206] : memref<128x64xf32, #tpu.memory_space<vmem>> -> memref<1x64xf32, #tpu.memory_space<vmem>>
      %dma_wait3A_208 = arith.constant 0 : i32
      %dma_wait3A_209 = arith.constant 0 : i32
      %dma_wait3A_210 = tpu.memref_slice %arg3[%dma_wait3A_208, %dma_wait3A_209] : memref<100001x64xf32, #tpu.memory_space<hbm>> -> memref<1x64xf32, #tpu.memory_space<hbm>>
      tpu.wait_dma2 semaphore(%arg9 : memref<!tpu.dma_semaphore, #tpu.memory_space<semaphore_mem>>) src(%dma_wait3A_210 : memref<1x64xf32, #tpu.memory_space<hbm>>) dst(%dma_wait3A_207 : memref<1x64xf32, #tpu.memory_space<vmem>>)
      %dma_wait3A_211 = arith.constant 0 : i32
      %dma_wait3A_212 = arith.constant 0 : i32
      %dma_wait3A_213 = tpu.memref_slice %arg6[%dma_wait3A_211, %dma_wait3A_212] : memref<128x64xf32, #tpu.memory_space<vmem>> -> memref<1x64xf32, #tpu.memory_space<vmem>>
      %dma_wait3A_214 = arith.constant 0 : i32
      %dma_wait3A_215 = arith.constant 0 : i32
      %dma_wait3A_216 = tpu.memref_slice %arg3[%dma_wait3A_214, %dma_wait3A_215] : memref<100001x64xf32, #tpu.memory_space<hbm>> -> memref<1x64xf32, #tpu.memory_space<hbm>>
      %dma_wait3A_217 = arith.constant 0 : i32
      %dma_wait3A_218 = arith.constant 0 : i32
      %dma_wait3A_219 = tpu.memref_slice %arg6[%dma_wait3A_217, %dma_wait3A_218] : memref<128x64xf32, #tpu.memory_space<vmem>> -> memref<1x64xf32, #tpu.memory_space<vmem>>
      %dma_wait3A_220 = arith.constant 0 : i32
      %dma_wait3A_221 = arith.constant 0 : i32
      %dma_wait3A_222 = tpu.memref_slice %arg3[%dma_wait3A_220, %dma_wait3A_221] : memref<100001x64xf32, #tpu.memory_space<hbm>> -> memref<1x64xf32, #tpu.memory_space<hbm>>
      tpu.wait_dma2 semaphore(%arg9 : memref<!tpu.dma_semaphore, #tpu.memory_space<semaphore_mem>>) src(%dma_wait3A_222 : memref<1x64xf32, #tpu.memory_space<hbm>>) dst(%dma_wait3A_219 : memref<1x64xf32, #tpu.memory_space<vmem>>)
      %dma_wait3A_223 = arith.constant 0 : i32
      %dma_wait3A_224 = arith.constant 0 : i32
      %dma_wait3A_225 = tpu.memref_slice %arg6[%dma_wait3A_223, %dma_wait3A_224] : memref<128x64xf32, #tpu.memory_space<vmem>> -> memref<1x64xf32, #tpu.memory_space<vmem>>
      %dma_wait3A_226 = arith.constant 0 : i32
      %dma_wait3A_227 = arith.constant 0 : i32
      %dma_wait3A_228 = tpu.memref_slice %arg3[%dma_wait3A_226, %dma_wait3A_227] : memref<100001x64xf32, #tpu.memory_space<hbm>> -> memref<1x64xf32, #tpu.memory_space<hbm>>
      %dma_wait3A_229 = arith.constant 0 : i32
      %dma_wait3A_230 = arith.constant 0 : i32
      %dma_wait3A_231 = tpu.memref_slice %arg6[%dma_wait3A_229, %dma_wait3A_230] : memref<128x64xf32, #tpu.memory_space<vmem>> -> memref<1x64xf32, #tpu.memory_space<vmem>>
      %dma_wait3A_232 = arith.constant 0 : i32
      %dma_wait3A_233 = arith.constant 0 : i32
      %dma_wait3A_234 = tpu.memref_slice %arg3[%dma_wait3A_232, %dma_wait3A_233] : memref<100001x64xf32, #tpu.memory_space<hbm>> -> memref<1x64xf32, #tpu.memory_space<hbm>>
      tpu.wait_dma2 semaphore(%arg9 : memref<!tpu.dma_semaphore, #tpu.memory_space<semaphore_mem>>) src(%dma_wait3A_234 : memref<1x64xf32, #tpu.memory_space<hbm>>) dst(%dma_wait3A_231 : memref<1x64xf32, #tpu.memory_space<vmem>>)
      %dma_wait3A_235 = arith.constant 0 : i32
      %dma_wait3A_236 = arith.constant 0 : i32
      %dma_wait3A_237 = tpu.memref_slice %arg6[%dma_wait3A_235, %dma_wait3A_236] : memref<128x64xf32, #tpu.memory_space<vmem>> -> memref<1x64xf32, #tpu.memory_space<vmem>>
      %dma_wait3A_238 = arith.constant 0 : i32
      %dma_wait3A_239 = arith.constant 0 : i32
      %dma_wait3A_240 = tpu.memref_slice %arg3[%dma_wait3A_238, %dma_wait3A_239] : memref<100001x64xf32, #tpu.memory_space<hbm>> -> memref<1x64xf32, #tpu.memory_space<hbm>>
      %dma_wait3A_241 = arith.constant 0 : i32
      %dma_wait3A_242 = arith.constant 0 : i32
      %dma_wait3A_243 = tpu.memref_slice %arg6[%dma_wait3A_241, %dma_wait3A_242] : memref<128x64xf32, #tpu.memory_space<vmem>> -> memref<1x64xf32, #tpu.memory_space<vmem>>
      %dma_wait3A_244 = arith.constant 0 : i32
      %dma_wait3A_245 = arith.constant 0 : i32
      %dma_wait3A_246 = tpu.memref_slice %arg3[%dma_wait3A_244, %dma_wait3A_245] : memref<100001x64xf32, #tpu.memory_space<hbm>> -> memref<1x64xf32, #tpu.memory_space<hbm>>
      tpu.wait_dma2 semaphore(%arg9 : memref<!tpu.dma_semaphore, #tpu.memory_space<semaphore_mem>>) src(%dma_wait3A_246 : memref<1x64xf32, #tpu.memory_space<hbm>>) dst(%dma_wait3A_243 : memref<1x64xf32, #tpu.memory_space<vmem>>)
      %dma_wait3A_247 = arith.constant 0 : i32
      %dma_wait3A_248 = arith.constant 0 : i32
      %dma_wait3A_249 = tpu.memref_slice %arg6[%dma_wait3A_247, %dma_wait3A_248] : memref<128x64xf32, #tpu.memory_space<vmem>> -> memref<1x64xf32, #tpu.memory_space<vmem>>
      %dma_wait3A_250 = arith.constant 0 : i32
      %dma_wait3A_251 = arith.constant 0 : i32
      %dma_wait3A_252 = tpu.memref_slice %arg3[%dma_wait3A_250, %dma_wait3A_251] : memref<100001x64xf32, #tpu.memory_space<hbm>> -> memref<1x64xf32, #tpu.memory_space<hbm>>
      %dma_wait3A_253 = arith.constant 0 : i32
      %dma_wait3A_254 = arith.constant 0 : i32
      %dma_wait3A_255 = tpu.memref_slice %arg6[%dma_wait3A_253, %dma_wait3A_254] : memref<128x64xf32, #tpu.memory_space<vmem>> -> memref<1x64xf32, #tpu.memory_space<vmem>>
      %dma_wait3A_256 = arith.constant 0 : i32
      %dma_wait3A_257 = arith.constant 0 : i32
      %dma_wait3A_258 = tpu.memref_slice %arg3[%dma_wait3A_256, %dma_wait3A_257] : memref<100001x64xf32, #tpu.memory_space<hbm>> -> memref<1x64xf32, #tpu.memory_space<hbm>>
      tpu.wait_dma2 semaphore(%arg9 : memref<!tpu.dma_semaphore, #tpu.memory_space<semaphore_mem>>) src(%dma_wait3A_258 : memref<1x64xf32, #tpu.memory_space<hbm>>) dst(%dma_wait3A_255 : memref<1x64xf32, #tpu.memory_space<vmem>>)
      %scan3A_259 = arith.constant 0 : i32
      scf.yield %scan3A_259 : i32
    }
    %scan3A_38 = arith.constant 8 : i32
    %add3A_39 = arith.constant 128 : i32
    %add3A_40 = arith.addi %mul3A_2, %add3A_39 : i32
    "tpu.region"() ({
      %run_scoped3A = tpu.sem_alloc : memref<!tpu.dma_semaphore, #tpu.memory_space<semaphore_mem>>
      %dma_start3A = arith.constant 0 : i32
      %dma_start3A_66 = tpu.memref_slice %arg4[%add3A_40, %dma_start3A] : memref<16384x64xf32, #tpu.memory_space<hbm>> -> memref<128x64xf32, #tpu.memory_space<hbm>>
      %dma_start3A_67 = arith.constant 0 : i32
      %dma_start3A_68 = tpu.memref_slice %arg4[%add3A_40, %dma_start3A_67] : memref<16384x64xf32, #tpu.memory_space<hbm>> -> memref<128x64xf32, #tpu.memory_space<hbm>>
      tpu.enqueue_dma source(%arg7 : memref<128x64xf32, #tpu.memory_space<vmem>>) target(%dma_start3A_68 : memref<128x64xf32, #tpu.memory_space<hbm>>) target_semaphore(%run_scoped3A : memref<!tpu.dma_semaphore, #tpu.memory_space<semaphore_mem>>)
      %dma_wait3A = arith.constant 0 : i32
      %dma_wait3A_69 = tpu.memref_slice %arg4[%add3A_40, %dma_wait3A] : memref<16384x64xf32, #tpu.memory_space<hbm>> -> memref<128x64xf32, #tpu.memory_space<hbm>>
      %dma_wait3A_70 = arith.constant 0 : i32
      %dma_wait3A_71 = tpu.memref_slice %arg4[%add3A_40, %dma_wait3A_70] : memref<16384x64xf32, #tpu.memory_space<hbm>> -> memref<128x64xf32, #tpu.memory_space<hbm>>
      tpu.wait_dma2 semaphore(%run_scoped3A : memref<!tpu.dma_semaphore, #tpu.memory_space<semaphore_mem>>) src(%arg7 : memref<128x64xf32, #tpu.memory_space<vmem>>) dst(%dma_wait3A_71 : memref<128x64xf32, #tpu.memory_space<hbm>>)
      tpu.yield
    }) : () -> ()
    %scan3A_41 = arith.constant 0 : i32
    %scan3A_42 = arith.constant 0 : i32
    %scan3A_43 = arith.constant 8 : i32
    %scan3A_44 = arith.addi %scan3A_42, %scan3A_43 : i32
    %scan3A_45 = arith.constant 1 : i32
    %scan3A_46 = scf.for %scan3A_66 = %scan3A_42 to %scan3A_44 step %scan3A_45 iter_args(%scan3A_67 = %scan3A_41) -> (i32)  : i32 {
      %mul3A_68 = arith.constant 16 : i32
      %mul3A_69 = arith.muli %scan3A_66, %mul3A_68 : i32
      %add3A_70 = arith.constant 384 : i32
      %add3A_71 = arith.addi %add3A_70, %mul3A_69 : i32
      %get3A = arith.index_cast %add3A_71 : i32 to index
      %get3A_72 = tpu.vector_load %arg5[%get3A] {strides = array<i32>} : memref<512xi32, #tpu.memory_space<vmem>>, vector<16xi32>,
      %slice3A = vector.extract_strided_slice %get3A_72 {offsets = [0], sizes = [1], strides = [1]} : vector<16xi32> to vector<1xi32>
      %squeeze3A = vector.extract %slice3A[0] : i32 from vector<1xi32>
      %mul3A_73 = arith.constant 16 : i32
      %mul3A_74 = arith.muli %scan3A_66, %mul3A_73 : i32
      %add3A_75 = arith.constant 0 : i32
      %add3A_76 = arith.addi %mul3A_74, %add3A_75 : i32
      %dma_start3A = arith.constant 0 : i32
      %dma_start3A_77 = tpu.memref_slice %arg7[%add3A_76, %dma_start3A] : memref<128x64xf32, #tpu.memory_space<vmem>> -> memref<1x64xf32, #tpu.memory_space<vmem>>
      %dma_start3A_78 = arith.constant 0 : i32
      %dma_start3A_79 = tpu.memref_slice %arg3[%squeeze3A, %dma_start3A_78] : memref<100001x64xf32, #tpu.memory_space<hbm>> -> memref<1x64xf32, #tpu.memory_space<hbm>>
      %dma_start3A_80 = arith.constant 0 : i32
      %dma_start3A_81 = tpu.memref_slice %arg7[%add3A_76, %dma_start3A_80] : memref<128x64xf32, #tpu.memory_space<vmem>> -> memref<1x64xf32, #tpu.memory_space<vmem>>
      %dma_start3A_82 = arith.constant 0 : i32
      %dma_start3A_83 = tpu.memref_slice %arg3[%squeeze3A, %dma_start3A_82] : memref<100001x64xf32, #tpu.memory_space<hbm>> -> memref<1x64xf32, #tpu.memory_space<hbm>>
      tpu.enqueue_dma source(%dma_start3A_83 : memref<1x64xf32, #tpu.memory_space<hbm>>) target(%dma_start3A_81 : memref<1x64xf32, #tpu.memory_space<vmem>>) target_semaphore(%arg9 : memref<!tpu.dma_semaphore, #tpu.memory_space<semaphore_mem>>)
      %slice3A_84 = vector.extract_strided_slice %get3A_72 {offsets = [1], sizes = [1], strides = [1]} : vector<16xi32> to vector<1xi32>
      %squeeze3A_85 = vector.extract %slice3A_84[0] : i32 from vector<1xi32>
      %mul3A_86 = arith.constant 16 : i32
      %mul3A_87 = arith.muli %scan3A_66, %mul3A_86 : i32
      %add3A_88 = arith.constant 1 : i32
      %add3A_89 = arith.addi %mul3A_87, %add3A_88 : i32
      %dma_start3A_90 = arith.constant 0 : i32
      %dma_start3A_91 = tpu.memref_slice %arg7[%add3A_89, %dma_start3A_90] : memref<128x64xf32, #tpu.memory_space<vmem>> -> memref<1x64xf32, #tpu.memory_space<vmem>>
      %dma_start3A_92 = arith.constant 0 : i32
      %dma_start3A_93 = tpu.memref_slice %arg3[%squeeze3A_85, %dma_start3A_92] : memref<100001x64xf32, #tpu.memory_space<hbm>> -> memref<1x64xf32, #tpu.memory_space<hbm>>
      %dma_start3A_94 = arith.constant 0 : i32
      %dma_start3A_95 = tpu.memref_slice %arg7[%add3A_89, %dma_start3A_94] : memref<128x64xf32, #tpu.memory_space<vmem>> -> memref<1x64xf32, #tpu.memory_space<vmem>>
      %dma_start3A_96 = arith.constant 0 : i32
      %dma_start3A_97 = tpu.memref_slice %arg3[%squeeze3A_85, %dma_start3A_96] : memref<100001x64xf32, #tpu.memory_space<hbm>> -> memref<1x64xf32, #tpu.memory_space<hbm>>
      tpu.enqueue_dma source(%dma_start3A_97 : memref<1x64xf32, #tpu.memory_space<hbm>>) target(%dma_start3A_95 : memref<1x64xf32, #tpu.memory_space<vmem>>) target_semaphore(%arg9 : memref<!tpu.dma_semaphore, #tpu.memory_space<semaphore_mem>>)
      %slice3A_98 = vector.extract_strided_slice %get3A_72 {offsets = [2], sizes = [1], strides = [1]} : vector<16xi32> to vector<1xi32>
      %squeeze3A_99 = vector.extract %slice3A_98[0] : i32 from vector<1xi32>
      %mul3A_100 = arith.constant 16 : i32
      %mul3A_101 = arith.muli %scan3A_66, %mul3A_100 : i32
      %add3A_102 = arith.constant 2 : i32
      %add3A_103 = arith.addi %mul3A_101, %add3A_102 : i32
      %dma_start3A_104 = arith.constant 0 : i32
      %dma_start3A_105 = tpu.memref_slice %arg7[%add3A_103, %dma_start3A_104] : memref<128x64xf32, #tpu.memory_space<vmem>> -> memref<1x64xf32, #tpu.memory_space<vmem>>
      %dma_start3A_106 = arith.constant 0 : i32
      %dma_start3A_107 = tpu.memref_slice %arg3[%squeeze3A_99, %dma_start3A_106] : memref<100001x64xf32, #tpu.memory_space<hbm>> -> memref<1x64xf32, #tpu.memory_space<hbm>>
      %dma_start3A_108 = arith.constant 0 : i32
      %dma_start3A_109 = tpu.memref_slice %arg7[%add3A_103, %dma_start3A_108] : memref<128x64xf32, #tpu.memory_space<vmem>> -> memref<1x64xf32, #tpu.memory_space<vmem>>
      %dma_start3A_110 = arith.constant 0 : i32
      %dma_start3A_111 = tpu.memref_slice %arg3[%squeeze3A_99, %dma_start3A_110] : memref<100001x64xf32, #tpu.memory_space<hbm>> -> memref<1x64xf32, #tpu.memory_space<hbm>>
      tpu.enqueue_dma source(%dma_start3A_111 : memref<1x64xf32, #tpu.memory_space<hbm>>) target(%dma_start3A_109 : memref<1x64xf32, #tpu.memory_space<vmem>>) target_semaphore(%arg9 : memref<!tpu.dma_semaphore, #tpu.memory_space<semaphore_mem>>)
      %slice3A_112 = vector.extract_strided_slice %get3A_72 {offsets = [3], sizes = [1], strides = [1]} : vector<16xi32> to vector<1xi32>
      %squeeze3A_113 = vector.extract %slice3A_112[0] : i32 from vector<1xi32>
      %mul3A_114 = arith.constant 16 : i32
      %mul3A_115 = arith.muli %scan3A_66, %mul3A_114 : i32
      %add3A_116 = arith.constant 3 : i32
      %add3A_117 = arith.addi %mul3A_115, %add3A_116 : i32
      %dma_start3A_118 = arith.constant 0 : i32
      %dma_start3A_119 = tpu.memref_slice %arg7[%add3A_117, %dma_start3A_118] : memref<128x64xf32, #tpu.memory_space<vmem>> -> memref<1x64xf32, #tpu.memory_space<vmem>>
      %dma_start3A_120 = arith.constant 0 : i32
      %dma_start3A_121 = tpu.memref_slice %arg3[%squeeze3A_113, %dma_start3A_120] : memref<100001x64xf32, #tpu.memory_space<hbm>> -> memref<1x64xf32, #tpu.memory_space<hbm>>
      %dma_start3A_122 = arith.constant 0 : i32
      %dma_start3A_123 = tpu.memref_slice %arg7[%add3A_117, %dma_start3A_122] : memref<128x64xf32, #tpu.memory_space<vmem>> -> memref<1x64xf32, #tpu.memory_space<vmem>>
      %dma_start3A_124 = arith.constant 0 : i32
      %dma_start3A_125 = tpu.memref_slice %arg3[%squeeze3A_113, %dma_start3A_124] : memref<100001x64xf32, #tpu.memory_space<hbm>> -> memref<1x64xf32, #tpu.memory_space<hbm>>
      tpu.enqueue_dma source(%dma_start3A_125 : memref<1x64xf32, #tpu.memory_space<hbm>>) target(%dma_start3A_123 : memref<1x64xf32, #tpu.memory_space<vmem>>) target_semaphore(%arg9 : memref<!tpu.dma_semaphore, #tpu.memory_space<semaphore_mem>>)
      %slice3A_126 = vector.extract_strided_slice %get3A_72 {offsets = [4], sizes = [1], strides = [1]} : vector<16xi32> to vector<1xi32>
      %squeeze3A_127 = vector.extract %slice3A_126[0] : i32 from vector<1xi32>
      %mul3A_128 = arith.constant 16 : i32
      %mul3A_129 = arith.muli %scan3A_66, %mul3A_128 : i32
      %add3A_130 = arith.constant 4 : i32
      %add3A_131 = arith.addi %mul3A_129, %add3A_130 : i32
      %dma_start3A_132 = arith.constant 0 : i32
      %dma_start3A_133 = tpu.memref_slice %arg7[%add3A_131, %dma_start3A_132] : memref<128x64xf32, #tpu.memory_space<vmem>> -> memref<1x64xf32, #tpu.memory_space<vmem>>
      %dma_start3A_134 = arith.constant 0 : i32
      %dma_start3A_135 = tpu.memref_slice %arg3[%squeeze3A_127, %dma_start3A_134] : memref<100001x64xf32, #tpu.memory_space<hbm>> -> memref<1x64xf32, #tpu.memory_space<hbm>>
      %dma_start3A_136 = arith.constant 0 : i32
      %dma_start3A_137 = tpu.memref_slice %arg7[%add3A_131, %dma_start3A_136] : memref<128x64xf32, #tpu.memory_space<vmem>> -> memref<1x64xf32, #tpu.memory_space<vmem>>
      %dma_start3A_138 = arith.constant 0 : i32
      %dma_start3A_139 = tpu.memref_slice %arg3[%squeeze3A_127, %dma_start3A_138] : memref<100001x64xf32, #tpu.memory_space<hbm>> -> memref<1x64xf32, #tpu.memory_space<hbm>>
      tpu.enqueue_dma source(%dma_start3A_139 : memref<1x64xf32, #tpu.memory_space<hbm>>) target(%dma_start3A_137 : memref<1x64xf32, #tpu.memory_space<vmem>>) target_semaphore(%arg9 : memref<!tpu.dma_semaphore, #tpu.memory_space<semaphore_mem>>)
      %slice3A_140 = vector.extract_strided_slice %get3A_72 {offsets = [5], sizes = [1], strides = [1]} : vector<16xi32> to vector<1xi32>
      %squeeze3A_141 = vector.extract %slice3A_140[0] : i32 from vector<1xi32>
      %mul3A_142 = arith.constant 16 : i32
      %mul3A_143 = arith.muli %scan3A_66, %mul3A_142 : i32
      %add3A_144 = arith.constant 5 : i32
      %add3A_145 = arith.addi %mul3A_143, %add3A_144 : i32
      %dma_start3A_146 = arith.constant 0 : i32
      %dma_start3A_147 = tpu.memref_slice %arg7[%add3A_145, %dma_start3A_146] : memref<128x64xf32, #tpu.memory_space<vmem>> -> memref<1x64xf32, #tpu.memory_space<vmem>>
      %dma_start3A_148 = arith.constant 0 : i32
      %dma_start3A_149 = tpu.memref_slice %arg3[%squeeze3A_141, %dma_start3A_148] : memref<100001x64xf32, #tpu.memory_space<hbm>> -> memref<1x64xf32, #tpu.memory_space<hbm>>
      %dma_start3A_150 = arith.constant 0 : i32
      %dma_start3A_151 = tpu.memref_slice %arg7[%add3A_145, %dma_start3A_150] : memref<128x64xf32, #tpu.memory_space<vmem>> -> memref<1x64xf32, #tpu.memory_space<vmem>>
      %dma_start3A_152 = arith.constant 0 : i32
      %dma_start3A_153 = tpu.memref_slice %arg3[%squeeze3A_141, %dma_start3A_152] : memref<100001x64xf32, #tpu.memory_space<hbm>> -> memref<1x64xf32, #tpu.memory_space<hbm>>
      tpu.enqueue_dma source(%dma_start3A_153 : memref<1x64xf32, #tpu.memory_space<hbm>>) target(%dma_start3A_151 : memref<1x64xf32, #tpu.memory_space<vmem>>) target_semaphore(%arg9 : memref<!tpu.dma_semaphore, #tpu.memory_space<semaphore_mem>>)
      %slice3A_154 = vector.extract_strided_slice %get3A_72 {offsets = [6], sizes = [1], strides = [1]} : vector<16xi32> to vector<1xi32>
      %squeeze3A_155 = vector.extract %slice3A_154[0] : i32 from vector<1xi32>
      %mul3A_156 = arith.constant 16 : i32
      %mul3A_157 = arith.muli %scan3A_66, %mul3A_156 : i32
      %add3A_158 = arith.constant 6 : i32
      %add3A_159 = arith.addi %mul3A_157, %add3A_158 : i32
      %dma_start3A_160 = arith.constant 0 : i32
      %dma_start3A_161 = tpu.memref_slice %arg7[%add3A_159, %dma_start3A_160] : memref<128x64xf32, #tpu.memory_space<vmem>> -> memref<1x64xf32, #tpu.memory_space<vmem>>
      %dma_start3A_162 = arith.constant 0 : i32
      %dma_start3A_163 = tpu.memref_slice %arg3[%squeeze3A_155, %dma_start3A_162] : memref<100001x64xf32, #tpu.memory_space<hbm>> -> memref<1x64xf32, #tpu.memory_space<hbm>>
      %dma_start3A_164 = arith.constant 0 : i32
      %dma_start3A_165 = tpu.memref_slice %arg7[%add3A_159, %dma_start3A_164] : memref<128x64xf32, #tpu.memory_space<vmem>> -> memref<1x64xf32, #tpu.memory_space<vmem>>
      %dma_start3A_166 = arith.constant 0 : i32
      %dma_start3A_167 = tpu.memref_slice %arg3[%squeeze3A_155, %dma_start3A_166] : memref<100001x64xf32, #tpu.memory_space<hbm>> -> memref<1x64xf32, #tpu.memory_space<hbm>>
      tpu.enqueue_dma source(%dma_start3A_167 : memref<1x64xf32, #tpu.memory_space<hbm>>) target(%dma_start3A_165 : memref<1x64xf32, #tpu.memory_space<vmem>>) target_semaphore(%arg9 : memref<!tpu.dma_semaphore, #tpu.memory_space<semaphore_mem>>)
      %slice3A_168 = vector.extract_strided_slice %get3A_72 {offsets = [7], sizes = [1], strides = [1]} : vector<16xi32> to vector<1xi32>
      %squeeze3A_169 = vector.extract %slice3A_168[0] : i32 from vector<1xi32>
      %mul3A_170 = arith.constant 16 : i32
      %mul3A_171 = arith.muli %scan3A_66, %mul3A_170 : i32
      %add3A_172 = arith.constant 7 : i32
      %add3A_173 = arith.addi %mul3A_171, %add3A_172 : i32
      %dma_start3A_174 = arith.constant 0 : i32
      %dma_start3A_175 = tpu.memref_slice %arg7[%add3A_173, %dma_start3A_174] : memref<128x64xf32, #tpu.memory_space<vmem>> -> memref<1x64xf32, #tpu.memory_space<vmem>>
      %dma_start3A_176 = arith.constant 0 : i32
      %dma_start3A_177 = tpu.memref_slice %arg3[%squeeze3A_169, %dma_start3A_176] : memref<100001x64xf32, #tpu.memory_space<hbm>> -> memref<1x64xf32, #tpu.memory_space<hbm>>
      %dma_start3A_178 = arith.constant 0 : i32
      %dma_start3A_179 = tpu.memref_slice %arg7[%add3A_173, %dma_start3A_178] : memref<128x64xf32, #tpu.memory_space<vmem>> -> memref<1x64xf32, #tpu.memory_space<vmem>>
      %dma_start3A_180 = arith.constant 0 : i32
      %dma_start3A_181 = tpu.memref_slice %arg3[%squeeze3A_169, %dma_start3A_180] : memref<100001x64xf32, #tpu.memory_space<hbm>> -> memref<1x64xf32, #tpu.memory_space<hbm>>
      tpu.enqueue_dma source(%dma_start3A_181 : memref<1x64xf32, #tpu.memory_space<hbm>>) target(%dma_start3A_179 : memref<1x64xf32, #tpu.memory_space<vmem>>) target_semaphore(%arg9 : memref<!tpu.dma_semaphore, #tpu.memory_space<semaphore_mem>>)
      %slice3A_182 = vector.extract_strided_slice %get3A_72 {offsets = [8], sizes = [1], strides = [1]} : vector<16xi32> to vector<1xi32>
      %squeeze3A_183 = vector.extract %slice3A_182[0] : i32 from vector<1xi32>
      %mul3A_184 = arith.constant 16 : i32
      %mul3A_185 = arith.muli %scan3A_66, %mul3A_184 : i32
      %add3A_186 = arith.constant 8 : i32
      %add3A_187 = arith.addi %mul3A_185, %add3A_186 : i32
      %dma_start3A_188 = arith.constant 0 : i32
      %dma_start3A_189 = tpu.memref_slice %arg7[%add3A_187, %dma_start3A_188] : memref<128x64xf32, #tpu.memory_space<vmem>> -> memref<1x64xf32, #tpu.memory_space<vmem>>
      %dma_start3A_190 = arith.constant 0 : i32
      %dma_start3A_191 = tpu.memref_slice %arg3[%squeeze3A_183, %dma_start3A_190] : memref<100001x64xf32, #tpu.memory_space<hbm>> -> memref<1x64xf32, #tpu.memory_space<hbm>>
      %dma_start3A_192 = arith.constant 0 : i32
      %dma_start3A_193 = tpu.memref_slice %arg7[%add3A_187, %dma_start3A_192] : memref<128x64xf32, #tpu.memory_space<vmem>> -> memref<1x64xf32, #tpu.memory_space<vmem>>
      %dma_start3A_194 = arith.constant 0 : i32
      %dma_start3A_195 = tpu.memref_slice %arg3[%squeeze3A_183, %dma_start3A_194] : memref<100001x64xf32, #tpu.memory_space<hbm>> -> memref<1x64xf32, #tpu.memory_space<hbm>>
      tpu.enqueue_dma source(%dma_start3A_195 : memref<1x64xf32, #tpu.memory_space<hbm>>) target(%dma_start3A_193 : memref<1x64xf32, #tpu.memory_space<vmem>>) target_semaphore(%arg9 : memref<!tpu.dma_semaphore, #tpu.memory_space<semaphore_mem>>)
      %slice3A_196 = vector.extract_strided_slice %get3A_72 {offsets = [9], sizes = [1], strides = [1]} : vector<16xi32> to vector<1xi32>
      %squeeze3A_197 = vector.extract %slice3A_196[0] : i32 from vector<1xi32>
      %mul3A_198 = arith.constant 16 : i32
      %mul3A_199 = arith.muli %scan3A_66, %mul3A_198 : i32
      %add3A_200 = arith.constant 9 : i32
      %add3A_201 = arith.addi %mul3A_199, %add3A_200 : i32
      %dma_start3A_202 = arith.constant 0 : i32
      %dma_start3A_203 = tpu.memref_slice %arg7[%add3A_201, %dma_start3A_202] : memref<128x64xf32, #tpu.memory_space<vmem>> -> memref<1x64xf32, #tpu.memory_space<vmem>>
      %dma_start3A_204 = arith.constant 0 : i32
      %dma_start3A_205 = tpu.memref_slice %arg3[%squeeze3A_197, %dma_start3A_204] : memref<100001x64xf32, #tpu.memory_space<hbm>> -> memref<1x64xf32, #tpu.memory_space<hbm>>
      %dma_start3A_206 = arith.constant 0 : i32
      %dma_start3A_207 = tpu.memref_slice %arg7[%add3A_201, %dma_start3A_206] : memref<128x64xf32, #tpu.memory_space<vmem>> -> memref<1x64xf32, #tpu.memory_space<vmem>>
      %dma_start3A_208 = arith.constant 0 : i32
      %dma_start3A_209 = tpu.memref_slice %arg3[%squeeze3A_197, %dma_start3A_208] : memref<100001x64xf32, #tpu.memory_space<hbm>> -> memref<1x64xf32, #tpu.memory_space<hbm>>
      tpu.enqueue_dma source(%dma_start3A_209 : memref<1x64xf32, #tpu.memory_space<hbm>>) target(%dma_start3A_207 : memref<1x64xf32, #tpu.memory_space<vmem>>) target_semaphore(%arg9 : memref<!tpu.dma_semaphore, #tpu.memory_space<semaphore_mem>>)
      %slice3A_210 = vector.extract_strided_slice %get3A_72 {offsets = [10], sizes = [1], strides = [1]} : vector<16xi32> to vector<1xi32>
      %squeeze3A_211 = vector.extract %slice3A_210[0] : i32 from vector<1xi32>
      %mul3A_212 = arith.constant 16 : i32
      %mul3A_213 = arith.muli %scan3A_66, %mul3A_212 : i32
      %add3A_214 = arith.constant 10 : i32
      %add3A_215 = arith.addi %mul3A_213, %add3A_214 : i32
      %dma_start3A_216 = arith.constant 0 : i32
      %dma_start3A_217 = tpu.memref_slice %arg7[%add3A_215, %dma_start3A_216] : memref<128x64xf32, #tpu.memory_space<vmem>> -> memref<1x64xf32, #tpu.memory_space<vmem>>
      %dma_start3A_218 = arith.constant 0 : i32
      %dma_start3A_219 = tpu.memref_slice %arg3[%squeeze3A_211, %dma_start3A_218] : memref<100001x64xf32, #tpu.memory_space<hbm>> -> memref<1x64xf32, #tpu.memory_space<hbm>>
      %dma_start3A_220 = arith.constant 0 : i32
      %dma_start3A_221 = tpu.memref_slice %arg7[%add3A_215, %dma_start3A_220] : memref<128x64xf32, #tpu.memory_space<vmem>> -> memref<1x64xf32, #tpu.memory_space<vmem>>
      %dma_start3A_222 = arith.constant 0 : i32
      %dma_start3A_223 = tpu.memref_slice %arg3[%squeeze3A_211, %dma_start3A_222] : memref<100001x64xf32, #tpu.memory_space<hbm>> -> memref<1x64xf32, #tpu.memory_space<hbm>>
      tpu.enqueue_dma source(%dma_start3A_223 : memref<1x64xf32, #tpu.memory_space<hbm>>) target(%dma_start3A_221 : memref<1x64xf32, #tpu.memory_space<vmem>>) target_semaphore(%arg9 : memref<!tpu.dma_semaphore, #tpu.memory_space<semaphore_mem>>)
      %slice3A_224 = vector.extract_strided_slice %get3A_72 {offsets = [11], sizes = [1], strides = [1]} : vector<16xi32> to vector<1xi32>
      %squeeze3A_225 = vector.extract %slice3A_224[0] : i32 from vector<1xi32>
      %mul3A_226 = arith.constant 16 : i32
      %mul3A_227 = arith.muli %scan3A_66, %mul3A_226 : i32
      %add3A_228 = arith.constant 11 : i32
      %add3A_229 = arith.addi %mul3A_227, %add3A_228 : i32
      %dma_start3A_230 = arith.constant 0 : i32
      %dma_start3A_231 = tpu.memref_slice %arg7[%add3A_229, %dma_start3A_230] : memref<128x64xf32, #tpu.memory_space<vmem>> -> memref<1x64xf32, #tpu.memory_space<vmem>>
      %dma_start3A_232 = arith.constant 0 : i32
      %dma_start3A_233 = tpu.memref_slice %arg3[%squeeze3A_225, %dma_start3A_232] : memref<100001x64xf32, #tpu.memory_space<hbm>> -> memref<1x64xf32, #tpu.memory_space<hbm>>
      %dma_start3A_234 = arith.constant 0 : i32
      %dma_start3A_235 = tpu.memref_slice %arg7[%add3A_229, %dma_start3A_234] : memref<128x64xf32, #tpu.memory_space<vmem>> -> memref<1x64xf32, #tpu.memory_space<vmem>>
      %dma_start3A_236 = arith.constant 0 : i32
      %dma_start3A_237 = tpu.memref_slice %arg3[%squeeze3A_225, %dma_start3A_236] : memref<100001x64xf32, #tpu.memory_space<hbm>> -> memref<1x64xf32, #tpu.memory_space<hbm>>
      tpu.enqueue_dma source(%dma_start3A_237 : memref<1x64xf32, #tpu.memory_space<hbm>>) target(%dma_start3A_235 : memref<1x64xf32, #tpu.memory_space<vmem>>) target_semaphore(%arg9 : memref<!tpu.dma_semaphore, #tpu.memory_space<semaphore_mem>>)
      %slice3A_238 = vector.extract_strided_slice %get3A_72 {offsets = [12], sizes = [1], strides = [1]} : vector<16xi32> to vector<1xi32>
      %squeeze3A_239 = vector.extract %slice3A_238[0] : i32 from vector<1xi32>
      %mul3A_240 = arith.constant 16 : i32
      %mul3A_241 = arith.muli %scan3A_66, %mul3A_240 : i32
      %add3A_242 = arith.constant 12 : i32
      %add3A_243 = arith.addi %mul3A_241, %add3A_242 : i32
      %dma_start3A_244 = arith.constant 0 : i32
      %dma_start3A_245 = tpu.memref_slice %arg7[%add3A_243, %dma_start3A_244] : memref<128x64xf32, #tpu.memory_space<vmem>> -> memref<1x64xf32, #tpu.memory_space<vmem>>
      %dma_start3A_246 = arith.constant 0 : i32
      %dma_start3A_247 = tpu.memref_slice %arg3[%squeeze3A_239, %dma_start3A_246] : memref<100001x64xf32, #tpu.memory_space<hbm>> -> memref<1x64xf32, #tpu.memory_space<hbm>>
      %dma_start3A_248 = arith.constant 0 : i32
      %dma_start3A_249 = tpu.memref_slice %arg7[%add3A_243, %dma_start3A_248] : memref<128x64xf32, #tpu.memory_space<vmem>> -> memref<1x64xf32, #tpu.memory_space<vmem>>
      %dma_start3A_250 = arith.constant 0 : i32
      %dma_start3A_251 = tpu.memref_slice %arg3[%squeeze3A_239, %dma_start3A_250] : memref<100001x64xf32, #tpu.memory_space<hbm>> -> memref<1x64xf32, #tpu.memory_space<hbm>>
      tpu.enqueue_dma source(%dma_start3A_251 : memref<1x64xf32, #tpu.memory_space<hbm>>) target(%dma_start3A_249 : memref<1x64xf32, #tpu.memory_space<vmem>>) target_semaphore(%arg9 : memref<!tpu.dma_semaphore, #tpu.memory_space<semaphore_mem>>)
      %slice3A_252 = vector.extract_strided_slice %get3A_72 {offsets = [13], sizes = [1], strides = [1]} : vector<16xi32> to vector<1xi32>
      %squeeze3A_253 = vector.extract %slice3A_252[0] : i32 from vector<1xi32>
      %mul3A_254 = arith.constant 16 : i32
      %mul3A_255 = arith.muli %scan3A_66, %mul3A_254 : i32
      %add3A_256 = arith.constant 13 : i32
      %add3A_257 = arith.addi %mul3A_255, %add3A_256 : i32
      %dma_start3A_258 = arith.constant 0 : i32
      %dma_start3A_259 = tpu.memref_slice %arg7[%add3A_257, %dma_start3A_258] : memref<128x64xf32, #tpu.memory_space<vmem>> -> memref<1x64xf32, #tpu.memory_space<vmem>>
      %dma_start3A_260 = arith.constant 0 : i32
      %dma_start3A_261 = tpu.memref_slice %arg3[%squeeze3A_253, %dma_start3A_260] : memref<100001x64xf32, #tpu.memory_space<hbm>> -> memref<1x64xf32, #tpu.memory_space<hbm>>
      %dma_start3A_262 = arith.constant 0 : i32
      %dma_start3A_263 = tpu.memref_slice %arg7[%add3A_257, %dma_start3A_262] : memref<128x64xf32, #tpu.memory_space<vmem>> -> memref<1x64xf32, #tpu.memory_space<vmem>>
      %dma_start3A_264 = arith.constant 0 : i32
      %dma_start3A_265 = tpu.memref_slice %arg3[%squeeze3A_253, %dma_start3A_264] : memref<100001x64xf32, #tpu.memory_space<hbm>> -> memref<1x64xf32, #tpu.memory_space<hbm>>
      tpu.enqueue_dma source(%dma_start3A_265 : memref<1x64xf32, #tpu.memory_space<hbm>>) target(%dma_start3A_263 : memref<1x64xf32, #tpu.memory_space<vmem>>) target_semaphore(%arg9 : memref<!tpu.dma_semaphore, #tpu.memory_space<semaphore_mem>>)
      %slice3A_266 = vector.extract_strided_slice %get3A_72 {offsets = [14], sizes = [1], strides = [1]} : vector<16xi32> to vector<1xi32>
      %squeeze3A_267 = vector.extract %slice3A_266[0] : i32 from vector<1xi32>
      %mul3A_268 = arith.constant 16 : i32
      %mul3A_269 = arith.muli %scan3A_66, %mul3A_268 : i32
      %add3A_270 = arith.constant 14 : i32
      %add3A_271 = arith.addi %mul3A_269, %add3A_270 : i32
      %dma_start3A_272 = arith.constant 0 : i32
      %dma_start3A_273 = tpu.memref_slice %arg7[%add3A_271, %dma_start3A_272] : memref<128x64xf32, #tpu.memory_space<vmem>> -> memref<1x64xf32, #tpu.memory_space<vmem>>
      %dma_start3A_274 = arith.constant 0 : i32
      %dma_start3A_275 = tpu.memref_slice %arg3[%squeeze3A_267, %dma_start3A_274] : memref<100001x64xf32, #tpu.memory_space<hbm>> -> memref<1x64xf32, #tpu.memory_space<hbm>>
      %dma_start3A_276 = arith.constant 0 : i32
      %dma_start3A_277 = tpu.memref_slice %arg7[%add3A_271, %dma_start3A_276] : memref<128x64xf32, #tpu.memory_space<vmem>> -> memref<1x64xf32, #tpu.memory_space<vmem>>
      %dma_start3A_278 = arith.constant 0 : i32
      %dma_start3A_279 = tpu.memref_slice %arg3[%squeeze3A_267, %dma_start3A_278] : memref<100001x64xf32, #tpu.memory_space<hbm>> -> memref<1x64xf32, #tpu.memory_space<hbm>>
      tpu.enqueue_dma source(%dma_start3A_279 : memref<1x64xf32, #tpu.memory_space<hbm>>) target(%dma_start3A_277 : memref<1x64xf32, #tpu.memory_space<vmem>>) target_semaphore(%arg9 : memref<!tpu.dma_semaphore, #tpu.memory_space<semaphore_mem>>)
      %slice3A_280 = vector.extract_strided_slice %get3A_72 {offsets = [15], sizes = [1], strides = [1]} : vector<16xi32> to vector<1xi32>
      %squeeze3A_281 = vector.extract %slice3A_280[0] : i32 from vector<1xi32>
      %mul3A_282 = arith.constant 16 : i32
      %mul3A_283 = arith.muli %scan3A_66, %mul3A_282 : i32
      %add3A_284 = arith.constant 15 : i32
      %add3A_285 = arith.addi %mul3A_283, %add3A_284 : i32
      %dma_start3A_286 = arith.constant 0 : i32
      %dma_start3A_287 = tpu.memref_slice %arg7[%add3A_285, %dma_start3A_286] : memref<128x64xf32, #tpu.memory_space<vmem>> -> memref<1x64xf32, #tpu.memory_space<vmem>>
      %dma_start3A_288 = arith.constant 0 : i32
      %dma_start3A_289 = tpu.memref_slice %arg3[%squeeze3A_281, %dma_start3A_288] : memref<100001x64xf32, #tpu.memory_space<hbm>> -> memref<1x64xf32, #tpu.memory_space<hbm>>
      %dma_start3A_290 = arith.constant 0 : i32
      %dma_start3A_291 = tpu.memref_slice %arg7[%add3A_285, %dma_start3A_290] : memref<128x64xf32, #tpu.memory_space<vmem>> -> memref<1x64xf32, #tpu.memory_space<vmem>>
      %dma_start3A_292 = arith.constant 0 : i32
      %dma_start3A_293 = tpu.memref_slice %arg3[%squeeze3A_281, %dma_start3A_292] : memref<100001x64xf32, #tpu.memory_space<hbm>> -> memref<1x64xf32, #tpu.memory_space<hbm>>
      tpu.enqueue_dma source(%dma_start3A_293 : memref<1x64xf32, #tpu.memory_space<hbm>>) target(%dma_start3A_291 : memref<1x64xf32, #tpu.memory_space<vmem>>) target_semaphore(%arg9 : memref<!tpu.dma_semaphore, #tpu.memory_space<semaphore_mem>>)
      %scan3A_294 = arith.constant 0 : i32
      scf.yield %scan3A_294 : i32
    }
    %scan3A_47 = arith.constant 8 : i32
    %scan3A_48 = arith.constant 0 : i32
    %scan3A_49 = arith.constant 0 : i32
    %scan3A_50 = arith.constant 8 : i32
    %scan3A_51 = arith.addi %scan3A_49, %scan3A_50 : i32
    %scan3A_52 = arith.constant 1 : i32
    %scan3A_53 = scf.for %scan3A_66 = %scan3A_49 to %scan3A_51 step %scan3A_52 iter_args(%scan3A_67 = %scan3A_48) -> (i32)  : i32 {
      %dma_wait3A = arith.constant 0 : i32
      %dma_wait3A_68 = arith.constant 0 : i32
      %dma_wait3A_69 = tpu.memref_slice %arg6[%dma_wait3A, %dma_wait3A_68] : memref<128x64xf32, #tpu.memory_space<vmem>> -> memref<1x64xf32, #tpu.memory_space<vmem>>
      %dma_wait3A_70 = arith.constant 0 : i32
      %dma_wait3A_71 = arith.constant 0 : i32
      %dma_wait3A_72 = tpu.memref_slice %arg3[%dma_wait3A_70, %dma_wait3A_71] : memref<100001x64xf32, #tpu.memory_space<hbm>> -> memref<1x64xf32, #tpu.memory_space<hbm>>
      %dma_wait3A_73 = arith.constant 0 : i32
      %dma_wait3A_74 = arith.constant 0 : i32
      %dma_wait3A_75 = tpu.memref_slice %arg6[%dma_wait3A_73, %dma_wait3A_74] : memref<128x64xf32, #tpu.memory_space<vmem>> -> memref<1x64xf32, #tpu.memory_space<vmem>>
      %dma_wait3A_76 = arith.constant 0 : i32
      %dma_wait3A_77 = arith.constant 0 : i32
      %dma_wait3A_78 = tpu.memref_slice %arg3[%dma_wait3A_76, %dma_wait3A_77] : memref<100001x64xf32, #tpu.memory_space<hbm>> -> memref<1x64xf32, #tpu.memory_space<hbm>>
      tpu.wait_dma2 semaphore(%arg8 : memref<!tpu.dma_semaphore, #tpu.memory_space<semaphore_mem>>) src(%dma_wait3A_78 : memref<1x64xf32, #tpu.memory_space<hbm>>) dst(%dma_wait3A_75 : memref<1x64xf32, #tpu.memory_space<vmem>>)
      %dma_wait3A_79 = arith.constant 0 : i32
      %dma_wait3A_80 = arith.constant 0 : i32
      %dma_wait3A_81 = tpu.memref_slice %arg6[%dma_wait3A_79, %dma_wait3A_80] : memref<128x64xf32, #tpu.memory_space<vmem>> -> memref<1x64xf32, #tpu.memory_space<vmem>>
      %dma_wait3A_82 = arith.constant 0 : i32
      %dma_wait3A_83 = arith.constant 0 : i32
      %dma_wait3A_84 = tpu.memref_slice %arg3[%dma_wait3A_82, %dma_wait3A_83] : memref<100001x64xf32, #tpu.memory_space<hbm>> -> memref<1x64xf32, #tpu.memory_space<hbm>>
      %dma_wait3A_85 = arith.constant 0 : i32
      %dma_wait3A_86 = arith.constant 0 : i32
      %dma_wait3A_87 = tpu.memref_slice %arg6[%dma_wait3A_85, %dma_wait3A_86] : memref<128x64xf32, #tpu.memory_space<vmem>> -> memref<1x64xf32, #tpu.memory_space<vmem>>
      %dma_wait3A_88 = arith.constant 0 : i32
      %dma_wait3A_89 = arith.constant 0 : i32
      %dma_wait3A_90 = tpu.memref_slice %arg3[%dma_wait3A_88, %dma_wait3A_89] : memref<100001x64xf32, #tpu.memory_space<hbm>> -> memref<1x64xf32, #tpu.memory_space<hbm>>
      tpu.wait_dma2 semaphore(%arg8 : memref<!tpu.dma_semaphore, #tpu.memory_space<semaphore_mem>>) src(%dma_wait3A_90 : memref<1x64xf32, #tpu.memory_space<hbm>>) dst(%dma_wait3A_87 : memref<1x64xf32, #tpu.memory_space<vmem>>)
      %dma_wait3A_91 = arith.constant 0 : i32
      %dma_wait3A_92 = arith.constant 0 : i32
      %dma_wait3A_93 = tpu.memref_slice %arg6[%dma_wait3A_91, %dma_wait3A_92] : memref<128x64xf32, #tpu.memory_space<vmem>> -> memref<1x64xf32, #tpu.memory_space<vmem>>
      %dma_wait3A_94 = arith.constant 0 : i32
      %dma_wait3A_95 = arith.constant 0 : i32
      %dma_wait3A_96 = tpu.memref_slice %arg3[%dma_wait3A_94, %dma_wait3A_95] : memref<100001x64xf32, #tpu.memory_space<hbm>> -> memref<1x64xf32, #tpu.memory_space<hbm>>
      %dma_wait3A_97 = arith.constant 0 : i32
      %dma_wait3A_98 = arith.constant 0 : i32
      %dma_wait3A_99 = tpu.memref_slice %arg6[%dma_wait3A_97, %dma_wait3A_98] : memref<128x64xf32, #tpu.memory_space<vmem>> -> memref<1x64xf32, #tpu.memory_space<vmem>>
      %dma_wait3A_100 = arith.constant 0 : i32
      %dma_wait3A_101 = arith.constant 0 : i32
      %dma_wait3A_102 = tpu.memref_slice %arg3[%dma_wait3A_100, %dma_wait3A_101] : memref<100001x64xf32, #tpu.memory_space<hbm>> -> memref<1x64xf32, #tpu.memory_space<hbm>>
      tpu.wait_dma2 semaphore(%arg8 : memref<!tpu.dma_semaphore, #tpu.memory_space<semaphore_mem>>) src(%dma_wait3A_102 : memref<1x64xf32, #tpu.memory_space<hbm>>) dst(%dma_wait3A_99 : memref<1x64xf32, #tpu.memory_space<vmem>>)
      %dma_wait3A_103 = arith.constant 0 : i32
      %dma_wait3A_104 = arith.constant 0 : i32
      %dma_wait3A_105 = tpu.memref_slice %arg6[%dma_wait3A_103, %dma_wait3A_104] : memref<128x64xf32, #tpu.memory_space<vmem>> -> memref<1x64xf32, #tpu.memory_space<vmem>>
      %dma_wait3A_106 = arith.constant 0 : i32
      %dma_wait3A_107 = arith.constant 0 : i32
      %dma_wait3A_108 = tpu.memref_slice %arg3[%dma_wait3A_106, %dma_wait3A_107] : memref<100001x64xf32, #tpu.memory_space<hbm>> -> memref<1x64xf32, #tpu.memory_space<hbm>>
      %dma_wait3A_109 = arith.constant 0 : i32
      %dma_wait3A_110 = arith.constant 0 : i32
      %dma_wait3A_111 = tpu.memref_slice %arg6[%dma_wait3A_109, %dma_wait3A_110] : memref<128x64xf32, #tpu.memory_space<vmem>> -> memref<1x64xf32, #tpu.memory_space<vmem>>
      %dma_wait3A_112 = arith.constant 0 : i32
      %dma_wait3A_113 = arith.constant 0 : i32
      %dma_wait3A_114 = tpu.memref_slice %arg3[%dma_wait3A_112, %dma_wait3A_113] : memref<100001x64xf32, #tpu.memory_space<hbm>> -> memref<1x64xf32, #tpu.memory_space<hbm>>
      tpu.wait_dma2 semaphore(%arg8 : memref<!tpu.dma_semaphore, #tpu.memory_space<semaphore_mem>>) src(%dma_wait3A_114 : memref<1x64xf32, #tpu.memory_space<hbm>>) dst(%dma_wait3A_111 : memref<1x64xf32, #tpu.memory_space<vmem>>)
      %dma_wait3A_115 = arith.constant 0 : i32
      %dma_wait3A_116 = arith.constant 0 : i32
      %dma_wait3A_117 = tpu.memref_slice %arg6[%dma_wait3A_115, %dma_wait3A_116] : memref<128x64xf32, #tpu.memory_space<vmem>> -> memref<1x64xf32, #tpu.memory_space<vmem>>
      %dma_wait3A_118 = arith.constant 0 : i32
      %dma_wait3A_119 = arith.constant 0 : i32
      %dma_wait3A_120 = tpu.memref_slice %arg3[%dma_wait3A_118, %dma_wait3A_119] : memref<100001x64xf32, #tpu.memory_space<hbm>> -> memref<1x64xf32, #tpu.memory_space<hbm>>
      %dma_wait3A_121 = arith.constant 0 : i32
      %dma_wait3A_122 = arith.constant 0 : i32
      %dma_wait3A_123 = tpu.memref_slice %arg6[%dma_wait3A_121, %dma_wait3A_122] : memref<128x64xf32, #tpu.memory_space<vmem>> -> memref<1x64xf32, #tpu.memory_space<vmem>>
      %dma_wait3A_124 = arith.constant 0 : i32
      %dma_wait3A_125 = arith.constant 0 : i32
      %dma_wait3A_126 = tpu.memref_slice %arg3[%dma_wait3A_124, %dma_wait3A_125] : memref<100001x64xf32, #tpu.memory_space<hbm>> -> memref<1x64xf32, #tpu.memory_space<hbm>>
      tpu.wait_dma2 semaphore(%arg8 : memref<!tpu.dma_semaphore, #tpu.memory_space<semaphore_mem>>) src(%dma_wait3A_126 : memref<1x64xf32, #tpu.memory_space<hbm>>) dst(%dma_wait3A_123 : memref<1x64xf32, #tpu.memory_space<vmem>>)
      %dma_wait3A_127 = arith.constant 0 : i32
      %dma_wait3A_128 = arith.constant 0 : i32
      %dma_wait3A_129 = tpu.memref_slice %arg6[%dma_wait3A_127, %dma_wait3A_128] : memref<128x64xf32, #tpu.memory_space<vmem>> -> memref<1x64xf32, #tpu.memory_space<vmem>>
      %dma_wait3A_130 = arith.constant 0 : i32
      %dma_wait3A_131 = arith.constant 0 : i32
      %dma_wait3A_132 = tpu.memref_slice %arg3[%dma_wait3A_130, %dma_wait3A_131] : memref<100001x64xf32, #tpu.memory_space<hbm>> -> memref<1x64xf32, #tpu.memory_space<hbm>>
      %dma_wait3A_133 = arith.constant 0 : i32
      %dma_wait3A_134 = arith.constant 0 : i32
      %dma_wait3A_135 = tpu.memref_slice %arg6[%dma_wait3A_133, %dma_wait3A_134] : memref<128x64xf32, #tpu.memory_space<vmem>> -> memref<1x64xf32, #tpu.memory_space<vmem>>
      %dma_wait3A_136 = arith.constant 0 : i32
      %dma_wait3A_137 = arith.constant 0 : i32
      %dma_wait3A_138 = tpu.memref_slice %arg3[%dma_wait3A_136, %dma_wait3A_137] : memref<100001x64xf32, #tpu.memory_space<hbm>> -> memref<1x64xf32, #tpu.memory_space<hbm>>
      tpu.wait_dma2 semaphore(%arg8 : memref<!tpu.dma_semaphore, #tpu.memory_space<semaphore_mem>>) src(%dma_wait3A_138 : memref<1x64xf32, #tpu.memory_space<hbm>>) dst(%dma_wait3A_135 : memref<1x64xf32, #tpu.memory_space<vmem>>)
      %dma_wait3A_139 = arith.constant 0 : i32
      %dma_wait3A_140 = arith.constant 0 : i32
      %dma_wait3A_141 = tpu.memref_slice %arg6[%dma_wait3A_139, %dma_wait3A_140] : memref<128x64xf32, #tpu.memory_space<vmem>> -> memref<1x64xf32, #tpu.memory_space<vmem>>
      %dma_wait3A_142 = arith.constant 0 : i32
      %dma_wait3A_143 = arith.constant 0 : i32
      %dma_wait3A_144 = tpu.memref_slice %arg3[%dma_wait3A_142, %dma_wait3A_143] : memref<100001x64xf32, #tpu.memory_space<hbm>> -> memref<1x64xf32, #tpu.memory_space<hbm>>
      %dma_wait3A_145 = arith.constant 0 : i32
      %dma_wait3A_146 = arith.constant 0 : i32
      %dma_wait3A_147 = tpu.memref_slice %arg6[%dma_wait3A_145, %dma_wait3A_146] : memref<128x64xf32, #tpu.memory_space<vmem>> -> memref<1x64xf32, #tpu.memory_space<vmem>>
      %dma_wait3A_148 = arith.constant 0 : i32
      %dma_wait3A_149 = arith.constant 0 : i32
      %dma_wait3A_150 = tpu.memref_slice %arg3[%dma_wait3A_148, %dma_wait3A_149] : memref<100001x64xf32, #tpu.memory_space<hbm>> -> memref<1x64xf32, #tpu.memory_space<hbm>>
      tpu.wait_dma2 semaphore(%arg8 : memref<!tpu.dma_semaphore, #tpu.memory_space<semaphore_mem>>) src(%dma_wait3A_150 : memref<1x64xf32, #tpu.memory_space<hbm>>) dst(%dma_wait3A_147 : memref<1x64xf32, #tpu.memory_space<vmem>>)
      %dma_wait3A_151 = arith.constant 0 : i32
      %dma_wait3A_152 = arith.constant 0 : i32
      %dma_wait3A_153 = tpu.memref_slice %arg6[%dma_wait3A_151, %dma_wait3A_152] : memref<128x64xf32, #tpu.memory_space<vmem>> -> memref<1x64xf32, #tpu.memory_space<vmem>>
      %dma_wait3A_154 = arith.constant 0 : i32
      %dma_wait3A_155 = arith.constant 0 : i32
      %dma_wait3A_156 = tpu.memref_slice %arg3[%dma_wait3A_154, %dma_wait3A_155] : memref<100001x64xf32, #tpu.memory_space<hbm>> -> memref<1x64xf32, #tpu.memory_space<hbm>>
      %dma_wait3A_157 = arith.constant 0 : i32
      %dma_wait3A_158 = arith.constant 0 : i32
      %dma_wait3A_159 = tpu.memref_slice %arg6[%dma_wait3A_157, %dma_wait3A_158] : memref<128x64xf32, #tpu.memory_space<vmem>> -> memref<1x64xf32, #tpu.memory_space<vmem>>
      %dma_wait3A_160 = arith.constant 0 : i32
      %dma_wait3A_161 = arith.constant 0 : i32
      %dma_wait3A_162 = tpu.memref_slice %arg3[%dma_wait3A_160, %dma_wait3A_161] : memref<100001x64xf32, #tpu.memory_space<hbm>> -> memref<1x64xf32, #tpu.memory_space<hbm>>
      tpu.wait_dma2 semaphore(%arg8 : memref<!tpu.dma_semaphore, #tpu.memory_space<semaphore_mem>>) src(%dma_wait3A_162 : memref<1x64xf32, #tpu.memory_space<hbm>>) dst(%dma_wait3A_159 : memref<1x64xf32, #tpu.memory_space<vmem>>)
      %dma_wait3A_163 = arith.constant 0 : i32
      %dma_wait3A_164 = arith.constant 0 : i32
      %dma_wait3A_165 = tpu.memref_slice %arg6[%dma_wait3A_163, %dma_wait3A_164] : memref<128x64xf32, #tpu.memory_space<vmem>> -> memref<1x64xf32, #tpu.memory_space<vmem>>
      %dma_wait3A_166 = arith.constant 0 : i32
      %dma_wait3A_167 = arith.constant 0 : i32
      %dma_wait3A_168 = tpu.memref_slice %arg3[%dma_wait3A_166, %dma_wait3A_167] : memref<100001x64xf32, #tpu.memory_space<hbm>> -> memref<1x64xf32, #tpu.memory_space<hbm>>
      %dma_wait3A_169 = arith.constant 0 : i32
      %dma_wait3A_170 = arith.constant 0 : i32
      %dma_wait3A_171 = tpu.memref_slice %arg6[%dma_wait3A_169, %dma_wait3A_170] : memref<128x64xf32, #tpu.memory_space<vmem>> -> memref<1x64xf32, #tpu.memory_space<vmem>>
      %dma_wait3A_172 = arith.constant 0 : i32
      %dma_wait3A_173 = arith.constant 0 : i32
      %dma_wait3A_174 = tpu.memref_slice %arg3[%dma_wait3A_172, %dma_wait3A_173] : memref<100001x64xf32, #tpu.memory_space<hbm>> -> memref<1x64xf32, #tpu.memory_space<hbm>>
      tpu.wait_dma2 semaphore(%arg8 : memref<!tpu.dma_semaphore, #tpu.memory_space<semaphore_mem>>) src(%dma_wait3A_174 : memref<1x64xf32, #tpu.memory_space<hbm>>) dst(%dma_wait3A_171 : memref<1x64xf32, #tpu.memory_space<vmem>>)
      %dma_wait3A_175 = arith.constant 0 : i32
      %dma_wait3A_176 = arith.constant 0 : i32
      %dma_wait3A_177 = tpu.memref_slice %arg6[%dma_wait3A_175, %dma_wait3A_176] : memref<128x64xf32, #tpu.memory_space<vmem>> -> memref<1x64xf32, #tpu.memory_space<vmem>>
      %dma_wait3A_178 = arith.constant 0 : i32
      %dma_wait3A_179 = arith.constant 0 : i32
      %dma_wait3A_180 = tpu.memref_slice %arg3[%dma_wait3A_178, %dma_wait3A_179] : memref<100001x64xf32, #tpu.memory_space<hbm>> -> memref<1x64xf32, #tpu.memory_space<hbm>>
      %dma_wait3A_181 = arith.constant 0 : i32
      %dma_wait3A_182 = arith.constant 0 : i32
      %dma_wait3A_183 = tpu.memref_slice %arg6[%dma_wait3A_181, %dma_wait3A_182] : memref<128x64xf32, #tpu.memory_space<vmem>> -> memref<1x64xf32, #tpu.memory_space<vmem>>
      %dma_wait3A_184 = arith.constant 0 : i32
      %dma_wait3A_185 = arith.constant 0 : i32
      %dma_wait3A_186 = tpu.memref_slice %arg3[%dma_wait3A_184, %dma_wait3A_185] : memref<100001x64xf32, #tpu.memory_space<hbm>> -> memref<1x64xf32, #tpu.memory_space<hbm>>
      tpu.wait_dma2 semaphore(%arg8 : memref<!tpu.dma_semaphore, #tpu.memory_space<semaphore_mem>>) src(%dma_wait3A_186 : memref<1x64xf32, #tpu.memory_space<hbm>>) dst(%dma_wait3A_183 : memref<1x64xf32, #tpu.memory_space<vmem>>)
      %dma_wait3A_187 = arith.constant 0 : i32
      %dma_wait3A_188 = arith.constant 0 : i32
      %dma_wait3A_189 = tpu.memref_slice %arg6[%dma_wait3A_187, %dma_wait3A_188] : memref<128x64xf32, #tpu.memory_space<vmem>> -> memref<1x64xf32, #tpu.memory_space<vmem>>
      %dma_wait3A_190 = arith.constant 0 : i32
      %dma_wait3A_191 = arith.constant 0 : i32
      %dma_wait3A_192 = tpu.memref_slice %arg3[%dma_wait3A_190, %dma_wait3A_191] : memref<100001x64xf32, #tpu.memory_space<hbm>> -> memref<1x64xf32, #tpu.memory_space<hbm>>
      %dma_wait3A_193 = arith.constant 0 : i32
      %dma_wait3A_194 = arith.constant 0 : i32
      %dma_wait3A_195 = tpu.memref_slice %arg6[%dma_wait3A_193, %dma_wait3A_194] : memref<128x64xf32, #tpu.memory_space<vmem>> -> memref<1x64xf32, #tpu.memory_space<vmem>>
      %dma_wait3A_196 = arith.constant 0 : i32
      %dma_wait3A_197 = arith.constant 0 : i32
      %dma_wait3A_198 = tpu.memref_slice %arg3[%dma_wait3A_196, %dma_wait3A_197] : memref<100001x64xf32, #tpu.memory_space<hbm>> -> memref<1x64xf32, #tpu.memory_space<hbm>>
      tpu.wait_dma2 semaphore(%arg8 : memref<!tpu.dma_semaphore, #tpu.memory_space<semaphore_mem>>) src(%dma_wait3A_198 : memref<1x64xf32, #tpu.memory_space<hbm>>) dst(%dma_wait3A_195 : memref<1x64xf32, #tpu.memory_space<vmem>>)
      %dma_wait3A_199 = arith.constant 0 : i32
      %dma_wait3A_200 = arith.constant 0 : i32
      %dma_wait3A_201 = tpu.memref_slice %arg6[%dma_wait3A_199, %dma_wait3A_200] : memref<128x64xf32, #tpu.memory_space<vmem>> -> memref<1x64xf32, #tpu.memory_space<vmem>>
      %dma_wait3A_202 = arith.constant 0 : i32
      %dma_wait3A_203 = arith.constant 0 : i32
      %dma_wait3A_204 = tpu.memref_slice %arg3[%dma_wait3A_202, %dma_wait3A_203] : memref<100001x64xf32, #tpu.memory_space<hbm>> -> memref<1x64xf32, #tpu.memory_space<hbm>>
      %dma_wait3A_205 = arith.constant 0 : i32
      %dma_wait3A_206 = arith.constant 0 : i32
      %dma_wait3A_207 = tpu.memref_slice %arg6[%dma_wait3A_205, %dma_wait3A_206] : memref<128x64xf32, #tpu.memory_space<vmem>> -> memref<1x64xf32, #tpu.memory_space<vmem>>
      %dma_wait3A_208 = arith.constant 0 : i32
      %dma_wait3A_209 = arith.constant 0 : i32
      %dma_wait3A_210 = tpu.memref_slice %arg3[%dma_wait3A_208, %dma_wait3A_209] : memref<100001x64xf32, #tpu.memory_space<hbm>> -> memref<1x64xf32, #tpu.memory_space<hbm>>
      tpu.wait_dma2 semaphore(%arg8 : memref<!tpu.dma_semaphore, #tpu.memory_space<semaphore_mem>>) src(%dma_wait3A_210 : memref<1x64xf32, #tpu.memory_space<hbm>>) dst(%dma_wait3A_207 : memref<1x64xf32, #tpu.memory_space<vmem>>)
      %dma_wait3A_211 = arith.constant 0 : i32
      %dma_wait3A_212 = arith.constant 0 : i32
      %dma_wait3A_213 = tpu.memref_slice %arg6[%dma_wait3A_211, %dma_wait3A_212] : memref<128x64xf32, #tpu.memory_space<vmem>> -> memref<1x64xf32, #tpu.memory_space<vmem>>
      %dma_wait3A_214 = arith.constant 0 : i32
      %dma_wait3A_215 = arith.constant 0 : i32
      %dma_wait3A_216 = tpu.memref_slice %arg3[%dma_wait3A_214, %dma_wait3A_215] : memref<100001x64xf32, #tpu.memory_space<hbm>> -> memref<1x64xf32, #tpu.memory_space<hbm>>
      %dma_wait3A_217 = arith.constant 0 : i32
      %dma_wait3A_218 = arith.constant 0 : i32
      %dma_wait3A_219 = tpu.memref_slice %arg6[%dma_wait3A_217, %dma_wait3A_218] : memref<128x64xf32, #tpu.memory_space<vmem>> -> memref<1x64xf32, #tpu.memory_space<vmem>>
      %dma_wait3A_220 = arith.constant 0 : i32
      %dma_wait3A_221 = arith.constant 0 : i32
      %dma_wait3A_222 = tpu.memref_slice %arg3[%dma_wait3A_220, %dma_wait3A_221] : memref<100001x64xf32, #tpu.memory_space<hbm>> -> memref<1x64xf32, #tpu.memory_space<hbm>>
      tpu.wait_dma2 semaphore(%arg8 : memref<!tpu.dma_semaphore, #tpu.memory_space<semaphore_mem>>) src(%dma_wait3A_222 : memref<1x64xf32, #tpu.memory_space<hbm>>) dst(%dma_wait3A_219 : memref<1x64xf32, #tpu.memory_space<vmem>>)
      %dma_wait3A_223 = arith.constant 0 : i32
      %dma_wait3A_224 = arith.constant 0 : i32
      %dma_wait3A_225 = tpu.memref_slice %arg6[%dma_wait3A_223, %dma_wait3A_224] : memref<128x64xf32, #tpu.memory_space<vmem>> -> memref<1x64xf32, #tpu.memory_space<vmem>>
      %dma_wait3A_226 = arith.constant 0 : i32
      %dma_wait3A_227 = arith.constant 0 : i32
      %dma_wait3A_228 = tpu.memref_slice %arg3[%dma_wait3A_226, %dma_wait3A_227] : memref<100001x64xf32, #tpu.memory_space<hbm>> -> memref<1x64xf32, #tpu.memory_space<hbm>>
      %dma_wait3A_229 = arith.constant 0 : i32
      %dma_wait3A_230 = arith.constant 0 : i32
      %dma_wait3A_231 = tpu.memref_slice %arg6[%dma_wait3A_229, %dma_wait3A_230] : memref<128x64xf32, #tpu.memory_space<vmem>> -> memref<1x64xf32, #tpu.memory_space<vmem>>
      %dma_wait3A_232 = arith.constant 0 : i32
      %dma_wait3A_233 = arith.constant 0 : i32
      %dma_wait3A_234 = tpu.memref_slice %arg3[%dma_wait3A_232, %dma_wait3A_233] : memref<100001x64xf32, #tpu.memory_space<hbm>> -> memref<1x64xf32, #tpu.memory_space<hbm>>
      tpu.wait_dma2 semaphore(%arg8 : memref<!tpu.dma_semaphore, #tpu.memory_space<semaphore_mem>>) src(%dma_wait3A_234 : memref<1x64xf32, #tpu.memory_space<hbm>>) dst(%dma_wait3A_231 : memref<1x64xf32, #tpu.memory_space<vmem>>)
      %dma_wait3A_235 = arith.constant 0 : i32
      %dma_wait3A_236 = arith.constant 0 : i32
      %dma_wait3A_237 = tpu.memref_slice %arg6[%dma_wait3A_235, %dma_wait3A_236] : memref<128x64xf32, #tpu.memory_space<vmem>> -> memref<1x64xf32, #tpu.memory_space<vmem>>
      %dma_wait3A_238 = arith.constant 0 : i32
      %dma_wait3A_239 = arith.constant 0 : i32
      %dma_wait3A_240 = tpu.memref_slice %arg3[%dma_wait3A_238, %dma_wait3A_239] : memref<100001x64xf32, #tpu.memory_space<hbm>> -> memref<1x64xf32, #tpu.memory_space<hbm>>
      %dma_wait3A_241 = arith.constant 0 : i32
      %dma_wait3A_242 = arith.constant 0 : i32
      %dma_wait3A_243 = tpu.memref_slice %arg6[%dma_wait3A_241, %dma_wait3A_242] : memref<128x64xf32, #tpu.memory_space<vmem>> -> memref<1x64xf32, #tpu.memory_space<vmem>>
      %dma_wait3A_244 = arith.constant 0 : i32
      %dma_wait3A_245 = arith.constant 0 : i32
      %dma_wait3A_246 = tpu.memref_slice %arg3[%dma_wait3A_244, %dma_wait3A_245] : memref<100001x64xf32, #tpu.memory_space<hbm>> -> memref<1x64xf32, #tpu.memory_space<hbm>>
      tpu.wait_dma2 semaphore(%arg8 : memref<!tpu.dma_semaphore, #tpu.memory_space<semaphore_mem>>) src(%dma_wait3A_246 : memref<1x64xf32, #tpu.memory_space<hbm>>) dst(%dma_wait3A_243 : memref<1x64xf32, #tpu.memory_space<vmem>>)
      %dma_wait3A_247 = arith.constant 0 : i32
      %dma_wait3A_248 = arith.constant 0 : i32
      %dma_wait3A_249 = tpu.memref_slice %arg6[%dma_wait3A_247, %dma_wait3A_248] : memref<128x64xf32, #tpu.memory_space<vmem>> -> memref<1x64xf32, #tpu.memory_space<vmem>>
      %dma_wait3A_250 = arith.constant 0 : i32
      %dma_wait3A_251 = arith.constant 0 : i32
      %dma_wait3A_252 = tpu.memref_slice %arg3[%dma_wait3A_250, %dma_wait3A_251] : memref<100001x64xf32, #tpu.memory_space<hbm>> -> memref<1x64xf32, #tpu.memory_space<hbm>>
      %dma_wait3A_253 = arith.constant 0 : i32
      %dma_wait3A_254 = arith.constant 0 : i32
      %dma_wait3A_255 = tpu.memref_slice %arg6[%dma_wait3A_253, %dma_wait3A_254] : memref<128x64xf32, #tpu.memory_space<vmem>> -> memref<1x64xf32, #tpu.memory_space<vmem>>
      %dma_wait3A_256 = arith.constant 0 : i32
      %dma_wait3A_257 = arith.constant 0 : i32
      %dma_wait3A_258 = tpu.memref_slice %arg3[%dma_wait3A_256, %dma_wait3A_257] : memref<100001x64xf32, #tpu.memory_space<hbm>> -> memref<1x64xf32, #tpu.memory_space<hbm>>
      tpu.wait_dma2 semaphore(%arg8 : memref<!tpu.dma_semaphore, #tpu.memory_space<semaphore_mem>>) src(%dma_wait3A_258 : memref<1x64xf32, #tpu.memory_space<hbm>>) dst(%dma_wait3A_255 : memref<1x64xf32, #tpu.memory_space<vmem>>)
      %scan3A_259 = arith.constant 0 : i32
      scf.yield %scan3A_259 : i32
    }
    %scan3A_54 = arith.constant 8 : i32
    %add3A_55 = arith.constant 256 : i32
    %add3A_56 = arith.addi %mul3A_2, %add3A_55 : i32
    "tpu.region"() ({
      %run_scoped3A = tpu.sem_alloc : memref<!tpu.dma_semaphore, #tpu.memory_space<semaphore_mem>>
      %dma_start3A = arith.constant 0 : i32
      %dma_start3A_66 = tpu.memref_slice %arg4[%add3A_56, %dma_start3A] : memref<16384x64xf32, #tpu.memory_space<hbm>> -> memref<128x64xf32, #tpu.memory_space<hbm>>
      %dma_start3A_67 = arith.constant 0 : i32
      %dma_start3A_68 = tpu.memref_slice %arg4[%add3A_56, %dma_start3A_67] : memref<16384x64xf32, #tpu.memory_space<hbm>> -> memref<128x64xf32, #tpu.memory_space<hbm>>
      tpu.enqueue_dma source(%arg6 : memref<128x64xf32, #tpu.memory_space<vmem>>) target(%dma_start3A_68 : memref<128x64xf32, #tpu.memory_space<hbm>>) target_semaphore(%run_scoped3A : memref<!tpu.dma_semaphore, #tpu.memory_space<semaphore_mem>>)
      %dma_wait3A = arith.constant 0 : i32
      %dma_wait3A_69 = tpu.memref_slice %arg4[%add3A_56, %dma_wait3A] : memref<16384x64xf32, #tpu.memory_space<hbm>> -> memref<128x64xf32, #tpu.memory_space<hbm>>
      %dma_wait3A_70 = arith.constant 0 : i32
      %dma_wait3A_71 = tpu.memref_slice %arg4[%add3A_56, %dma_wait3A_70] : memref<16384x64xf32, #tpu.memory_space<hbm>> -> memref<128x64xf32, #tpu.memory_space<hbm>>
      tpu.wait_dma2 semaphore(%run_scoped3A : memref<!tpu.dma_semaphore, #tpu.memory_space<semaphore_mem>>) src(%arg6 : memref<128x64xf32, #tpu.memory_space<vmem>>) dst(%dma_wait3A_71 : memref<128x64xf32, #tpu.memory_space<hbm>>)
      tpu.yield
    }) : () -> ()
    %scan3A_57 = arith.constant 0 : i32
    %scan3A_58 = arith.constant 0 : i32
    %scan3A_59 = arith.constant 8 : i32
    %scan3A_60 = arith.addi %scan3A_58, %scan3A_59 : i32
    %scan3A_61 = arith.constant 1 : i32
    %scan3A_62 = scf.for %scan3A_66 = %scan3A_58 to %scan3A_60 step %scan3A_61 iter_args(%scan3A_67 = %scan3A_57) -> (i32)  : i32 {
      %dma_wait3A = arith.constant 0 : i32
      %dma_wait3A_68 = arith.constant 0 : i32
      %dma_wait3A_69 = tpu.memref_slice %arg6[%dma_wait3A, %dma_wait3A_68] : memref<128x64xf32, #tpu.memory_space<vmem>> -> memref<1x64xf32, #tpu.memory_space<vmem>>
      %dma_wait3A_70 = arith.constant 0 : i32
      %dma_wait3A_71 = arith.constant 0 : i32
      %dma_wait3A_72 = tpu.memref_slice %arg3[%dma_wait3A_70, %dma_wait3A_71] : memref<100001x64xf32, #tpu.memory_space<hbm>> -> memref<1x64xf32, #tpu.memory_space<hbm>>
      %dma_wait3A_73 = arith.constant 0 : i32
      %dma_wait3A_74 = arith.constant 0 : i32
      %dma_wait3A_75 = tpu.memref_slice %arg6[%dma_wait3A_73, %dma_wait3A_74] : memref<128x64xf32, #tpu.memory_space<vmem>> -> memref<1x64xf32, #tpu.memory_space<vmem>>
      %dma_wait3A_76 = arith.constant 0 : i32
      %dma_wait3A_77 = arith.constant 0 : i32
      %dma_wait3A_78 = tpu.memref_slice %arg3[%dma_wait3A_76, %dma_wait3A_77] : memref<100001x64xf32, #tpu.memory_space<hbm>> -> memref<1x64xf32, #tpu.memory_space<hbm>>
      tpu.wait_dma2 semaphore(%arg9 : memref<!tpu.dma_semaphore, #tpu.memory_space<semaphore_mem>>) src(%dma_wait3A_78 : memref<1x64xf32, #tpu.memory_space<hbm>>) dst(%dma_wait3A_75 : memref<1x64xf32, #tpu.memory_space<vmem>>)
      %dma_wait3A_79 = arith.constant 0 : i32
      %dma_wait3A_80 = arith.constant 0 : i32
      %dma_wait3A_81 = tpu.memref_slice %arg6[%dma_wait3A_79, %dma_wait3A_80] : memref<128x64xf32, #tpu.memory_space<vmem>> -> memref<1x64xf32, #tpu.memory_space<vmem>>
      %dma_wait3A_82 = arith.constant 0 : i32
      %dma_wait3A_83 = arith.constant 0 : i32
      %dma_wait3A_84 = tpu.memref_slice %arg3[%dma_wait3A_82, %dma_wait3A_83] : memref<100001x64xf32, #tpu.memory_space<hbm>> -> memref<1x64xf32, #tpu.memory_space<hbm>>
      %dma_wait3A_85 = arith.constant 0 : i32
      %dma_wait3A_86 = arith.constant 0 : i32
      %dma_wait3A_87 = tpu.memref_slice %arg6[%dma_wait3A_85, %dma_wait3A_86] : memref<128x64xf32, #tpu.memory_space<vmem>> -> memref<1x64xf32, #tpu.memory_space<vmem>>
      %dma_wait3A_88 = arith.constant 0 : i32
      %dma_wait3A_89 = arith.constant 0 : i32
      %dma_wait3A_90 = tpu.memref_slice %arg3[%dma_wait3A_88, %dma_wait3A_89] : memref<100001x64xf32, #tpu.memory_space<hbm>> -> memref<1x64xf32, #tpu.memory_space<hbm>>
      tpu.wait_dma2 semaphore(%arg9 : memref<!tpu.dma_semaphore, #tpu.memory_space<semaphore_mem>>) src(%dma_wait3A_90 : memref<1x64xf32, #tpu.memory_space<hbm>>) dst(%dma_wait3A_87 : memref<1x64xf32, #tpu.memory_space<vmem>>)
      %dma_wait3A_91 = arith.constant 0 : i32
      %dma_wait3A_92 = arith.constant 0 : i32
      %dma_wait3A_93 = tpu.memref_slice %arg6[%dma_wait3A_91, %dma_wait3A_92] : memref<128x64xf32, #tpu.memory_space<vmem>> -> memref<1x64xf32, #tpu.memory_space<vmem>>
      %dma_wait3A_94 = arith.constant 0 : i32
      %dma_wait3A_95 = arith.constant 0 : i32
      %dma_wait3A_96 = tpu.memref_slice %arg3[%dma_wait3A_94, %dma_wait3A_95] : memref<100001x64xf32, #tpu.memory_space<hbm>> -> memref<1x64xf32, #tpu.memory_space<hbm>>
      %dma_wait3A_97 = arith.constant 0 : i32
      %dma_wait3A_98 = arith.constant 0 : i32
      %dma_wait3A_99 = tpu.memref_slice %arg6[%dma_wait3A_97, %dma_wait3A_98] : memref<128x64xf32, #tpu.memory_space<vmem>> -> memref<1x64xf32, #tpu.memory_space<vmem>>
      %dma_wait3A_100 = arith.constant 0 : i32
      %dma_wait3A_101 = arith.constant 0 : i32
      %dma_wait3A_102 = tpu.memref_slice %arg3[%dma_wait3A_100, %dma_wait3A_101] : memref<100001x64xf32, #tpu.memory_space<hbm>> -> memref<1x64xf32, #tpu.memory_space<hbm>>
      tpu.wait_dma2 semaphore(%arg9 : memref<!tpu.dma_semaphore, #tpu.memory_space<semaphore_mem>>) src(%dma_wait3A_102 : memref<1x64xf32, #tpu.memory_space<hbm>>) dst(%dma_wait3A_99 : memref<1x64xf32, #tpu.memory_space<vmem>>)
      %dma_wait3A_103 = arith.constant 0 : i32
      %dma_wait3A_104 = arith.constant 0 : i32
      %dma_wait3A_105 = tpu.memref_slice %arg6[%dma_wait3A_103, %dma_wait3A_104] : memref<128x64xf32, #tpu.memory_space<vmem>> -> memref<1x64xf32, #tpu.memory_space<vmem>>
      %dma_wait3A_106 = arith.constant 0 : i32
      %dma_wait3A_107 = arith.constant 0 : i32
      %dma_wait3A_108 = tpu.memref_slice %arg3[%dma_wait3A_106, %dma_wait3A_107] : memref<100001x64xf32, #tpu.memory_space<hbm>> -> memref<1x64xf32, #tpu.memory_space<hbm>>
      %dma_wait3A_109 = arith.constant 0 : i32
      %dma_wait3A_110 = arith.constant 0 : i32
      %dma_wait3A_111 = tpu.memref_slice %arg6[%dma_wait3A_109, %dma_wait3A_110] : memref<128x64xf32, #tpu.memory_space<vmem>> -> memref<1x64xf32, #tpu.memory_space<vmem>>
      %dma_wait3A_112 = arith.constant 0 : i32
      %dma_wait3A_113 = arith.constant 0 : i32
      %dma_wait3A_114 = tpu.memref_slice %arg3[%dma_wait3A_112, %dma_wait3A_113] : memref<100001x64xf32, #tpu.memory_space<hbm>> -> memref<1x64xf32, #tpu.memory_space<hbm>>
      tpu.wait_dma2 semaphore(%arg9 : memref<!tpu.dma_semaphore, #tpu.memory_space<semaphore_mem>>) src(%dma_wait3A_114 : memref<1x64xf32, #tpu.memory_space<hbm>>) dst(%dma_wait3A_111 : memref<1x64xf32, #tpu.memory_space<vmem>>)
      %dma_wait3A_115 = arith.constant 0 : i32
      %dma_wait3A_116 = arith.constant 0 : i32
      %dma_wait3A_117 = tpu.memref_slice %arg6[%dma_wait3A_115, %dma_wait3A_116] : memref<128x64xf32, #tpu.memory_space<vmem>> -> memref<1x64xf32, #tpu.memory_space<vmem>>
      %dma_wait3A_118 = arith.constant 0 : i32
      %dma_wait3A_119 = arith.constant 0 : i32
      %dma_wait3A_120 = tpu.memref_slice %arg3[%dma_wait3A_118, %dma_wait3A_119] : memref<100001x64xf32, #tpu.memory_space<hbm>> -> memref<1x64xf32, #tpu.memory_space<hbm>>
      %dma_wait3A_121 = arith.constant 0 : i32
      %dma_wait3A_122 = arith.constant 0 : i32
      %dma_wait3A_123 = tpu.memref_slice %arg6[%dma_wait3A_121, %dma_wait3A_122] : memref<128x64xf32, #tpu.memory_space<vmem>> -> memref<1x64xf32, #tpu.memory_space<vmem>>
      %dma_wait3A_124 = arith.constant 0 : i32
      %dma_wait3A_125 = arith.constant 0 : i32
      %dma_wait3A_126 = tpu.memref_slice %arg3[%dma_wait3A_124, %dma_wait3A_125] : memref<100001x64xf32, #tpu.memory_space<hbm>> -> memref<1x64xf32, #tpu.memory_space<hbm>>
      tpu.wait_dma2 semaphore(%arg9 : memref<!tpu.dma_semaphore, #tpu.memory_space<semaphore_mem>>) src(%dma_wait3A_126 : memref<1x64xf32, #tpu.memory_space<hbm>>) dst(%dma_wait3A_123 : memref<1x64xf32, #tpu.memory_space<vmem>>)
      %dma_wait3A_127 = arith.constant 0 : i32
      %dma_wait3A_128 = arith.constant 0 : i32
      %dma_wait3A_129 = tpu.memref_slice %arg6[%dma_wait3A_127, %dma_wait3A_128] : memref<128x64xf32, #tpu.memory_space<vmem>> -> memref<1x64xf32, #tpu.memory_space<vmem>>
      %dma_wait3A_130 = arith.constant 0 : i32
      %dma_wait3A_131 = arith.constant 0 : i32
      %dma_wait3A_132 = tpu.memref_slice %arg3[%dma_wait3A_130, %dma_wait3A_131] : memref<100001x64xf32, #tpu.memory_space<hbm>> -> memref<1x64xf32, #tpu.memory_space<hbm>>
      %dma_wait3A_133 = arith.constant 0 : i32
      %dma_wait3A_134 = arith.constant 0 : i32
      %dma_wait3A_135 = tpu.memref_slice %arg6[%dma_wait3A_133, %dma_wait3A_134] : memref<128x64xf32, #tpu.memory_space<vmem>> -> memref<1x64xf32, #tpu.memory_space<vmem>>
      %dma_wait3A_136 = arith.constant 0 : i32
      %dma_wait3A_137 = arith.constant 0 : i32
      %dma_wait3A_138 = tpu.memref_slice %arg3[%dma_wait3A_136, %dma_wait3A_137] : memref<100001x64xf32, #tpu.memory_space<hbm>> -> memref<1x64xf32, #tpu.memory_space<hbm>>
      tpu.wait_dma2 semaphore(%arg9 : memref<!tpu.dma_semaphore, #tpu.memory_space<semaphore_mem>>) src(%dma_wait3A_138 : memref<1x64xf32, #tpu.memory_space<hbm>>) dst(%dma_wait3A_135 : memref<1x64xf32, #tpu.memory_space<vmem>>)
      %dma_wait3A_139 = arith.constant 0 : i32
      %dma_wait3A_140 = arith.constant 0 : i32
      %dma_wait3A_141 = tpu.memref_slice %arg6[%dma_wait3A_139, %dma_wait3A_140] : memref<128x64xf32, #tpu.memory_space<vmem>> -> memref<1x64xf32, #tpu.memory_space<vmem>>
      %dma_wait3A_142 = arith.constant 0 : i32
      %dma_wait3A_143 = arith.constant 0 : i32
      %dma_wait3A_144 = tpu.memref_slice %arg3[%dma_wait3A_142, %dma_wait3A_143] : memref<100001x64xf32, #tpu.memory_space<hbm>> -> memref<1x64xf32, #tpu.memory_space<hbm>>
      %dma_wait3A_145 = arith.constant 0 : i32
      %dma_wait3A_146 = arith.constant 0 : i32
      %dma_wait3A_147 = tpu.memref_slice %arg6[%dma_wait3A_145, %dma_wait3A_146] : memref<128x64xf32, #tpu.memory_space<vmem>> -> memref<1x64xf32, #tpu.memory_space<vmem>>
      %dma_wait3A_148 = arith.constant 0 : i32
      %dma_wait3A_149 = arith.constant 0 : i32
      %dma_wait3A_150 = tpu.memref_slice %arg3[%dma_wait3A_148, %dma_wait3A_149] : memref<100001x64xf32, #tpu.memory_space<hbm>> -> memref<1x64xf32, #tpu.memory_space<hbm>>
      tpu.wait_dma2 semaphore(%arg9 : memref<!tpu.dma_semaphore, #tpu.memory_space<semaphore_mem>>) src(%dma_wait3A_150 : memref<1x64xf32, #tpu.memory_space<hbm>>) dst(%dma_wait3A_147 : memref<1x64xf32, #tpu.memory_space<vmem>>)
      %dma_wait3A_151 = arith.constant 0 : i32
      %dma_wait3A_152 = arith.constant 0 : i32
      %dma_wait3A_153 = tpu.memref_slice %arg6[%dma_wait3A_151, %dma_wait3A_152] : memref<128x64xf32, #tpu.memory_space<vmem>> -> memref<1x64xf32, #tpu.memory_space<vmem>>
      %dma_wait3A_154 = arith.constant 0 : i32
      %dma_wait3A_155 = arith.constant 0 : i32
      %dma_wait3A_156 = tpu.memref_slice %arg3[%dma_wait3A_154, %dma_wait3A_155] : memref<100001x64xf32, #tpu.memory_space<hbm>> -> memref<1x64xf32, #tpu.memory_space<hbm>>
      %dma_wait3A_157 = arith.constant 0 : i32
      %dma_wait3A_158 = arith.constant 0 : i32
      %dma_wait3A_159 = tpu.memref_slice %arg6[%dma_wait3A_157, %dma_wait3A_158] : memref<128x64xf32, #tpu.memory_space<vmem>> -> memref<1x64xf32, #tpu.memory_space<vmem>>
      %dma_wait3A_160 = arith.constant 0 : i32
      %dma_wait3A_161 = arith.constant 0 : i32
      %dma_wait3A_162 = tpu.memref_slice %arg3[%dma_wait3A_160, %dma_wait3A_161] : memref<100001x64xf32, #tpu.memory_space<hbm>> -> memref<1x64xf32, #tpu.memory_space<hbm>>
      tpu.wait_dma2 semaphore(%arg9 : memref<!tpu.dma_semaphore, #tpu.memory_space<semaphore_mem>>) src(%dma_wait3A_162 : memref<1x64xf32, #tpu.memory_space<hbm>>) dst(%dma_wait3A_159 : memref<1x64xf32, #tpu.memory_space<vmem>>)
      %dma_wait3A_163 = arith.constant 0 : i32
      %dma_wait3A_164 = arith.constant 0 : i32
      %dma_wait3A_165 = tpu.memref_slice %arg6[%dma_wait3A_163, %dma_wait3A_164] : memref<128x64xf32, #tpu.memory_space<vmem>> -> memref<1x64xf32, #tpu.memory_space<vmem>>
      %dma_wait3A_166 = arith.constant 0 : i32
      %dma_wait3A_167 = arith.constant 0 : i32
      %dma_wait3A_168 = tpu.memref_slice %arg3[%dma_wait3A_166, %dma_wait3A_167] : memref<100001x64xf32, #tpu.memory_space<hbm>> -> memref<1x64xf32, #tpu.memory_space<hbm>>
      %dma_wait3A_169 = arith.constant 0 : i32
      %dma_wait3A_170 = arith.constant 0 : i32
      %dma_wait3A_171 = tpu.memref_slice %arg6[%dma_wait3A_169, %dma_wait3A_170] : memref<128x64xf32, #tpu.memory_space<vmem>> -> memref<1x64xf32, #tpu.memory_space<vmem>>
      %dma_wait3A_172 = arith.constant 0 : i32
      %dma_wait3A_173 = arith.constant 0 : i32
      %dma_wait3A_174 = tpu.memref_slice %arg3[%dma_wait3A_172, %dma_wait3A_173] : memref<100001x64xf32, #tpu.memory_space<hbm>> -> memref<1x64xf32, #tpu.memory_space<hbm>>
      tpu.wait_dma2 semaphore(%arg9 : memref<!tpu.dma_semaphore, #tpu.memory_space<semaphore_mem>>) src(%dma_wait3A_174 : memref<1x64xf32, #tpu.memory_space<hbm>>) dst(%dma_wait3A_171 : memref<1x64xf32, #tpu.memory_space<vmem>>)
      %dma_wait3A_175 = arith.constant 0 : i32
      %dma_wait3A_176 = arith.constant 0 : i32
      %dma_wait3A_177 = tpu.memref_slice %arg6[%dma_wait3A_175, %dma_wait3A_176] : memref<128x64xf32, #tpu.memory_space<vmem>> -> memref<1x64xf32, #tpu.memory_space<vmem>>
      %dma_wait3A_178 = arith.constant 0 : i32
      %dma_wait3A_179 = arith.constant 0 : i32
      %dma_wait3A_180 = tpu.memref_slice %arg3[%dma_wait3A_178, %dma_wait3A_179] : memref<100001x64xf32, #tpu.memory_space<hbm>> -> memref<1x64xf32, #tpu.memory_space<hbm>>
      %dma_wait3A_181 = arith.constant 0 : i32
      %dma_wait3A_182 = arith.constant 0 : i32
      %dma_wait3A_183 = tpu.memref_slice %arg6[%dma_wait3A_181, %dma_wait3A_182] : memref<128x64xf32, #tpu.memory_space<vmem>> -> memref<1x64xf32, #tpu.memory_space<vmem>>
      %dma_wait3A_184 = arith.constant 0 : i32
      %dma_wait3A_185 = arith.constant 0 : i32
      %dma_wait3A_186 = tpu.memref_slice %arg3[%dma_wait3A_184, %dma_wait3A_185] : memref<100001x64xf32, #tpu.memory_space<hbm>> -> memref<1x64xf32, #tpu.memory_space<hbm>>
      tpu.wait_dma2 semaphore(%arg9 : memref<!tpu.dma_semaphore, #tpu.memory_space<semaphore_mem>>) src(%dma_wait3A_186 : memref<1x64xf32, #tpu.memory_space<hbm>>) dst(%dma_wait3A_183 : memref<1x64xf32, #tpu.memory_space<vmem>>)
      %dma_wait3A_187 = arith.constant 0 : i32
      %dma_wait3A_188 = arith.constant 0 : i32
      %dma_wait3A_189 = tpu.memref_slice %arg6[%dma_wait3A_187, %dma_wait3A_188] : memref<128x64xf32, #tpu.memory_space<vmem>> -> memref<1x64xf32, #tpu.memory_space<vmem>>
      %dma_wait3A_190 = arith.constant 0 : i32
      %dma_wait3A_191 = arith.constant 0 : i32
      %dma_wait3A_192 = tpu.memref_slice %arg3[%dma_wait3A_190, %dma_wait3A_191] : memref<100001x64xf32, #tpu.memory_space<hbm>> -> memref<1x64xf32, #tpu.memory_space<hbm>>
      %dma_wait3A_193 = arith.constant 0 : i32
      %dma_wait3A_194 = arith.constant 0 : i32
      %dma_wait3A_195 = tpu.memref_slice %arg6[%dma_wait3A_193, %dma_wait3A_194] : memref<128x64xf32, #tpu.memory_space<vmem>> -> memref<1x64xf32, #tpu.memory_space<vmem>>
      %dma_wait3A_196 = arith.constant 0 : i32
      %dma_wait3A_197 = arith.constant 0 : i32
      %dma_wait3A_198 = tpu.memref_slice %arg3[%dma_wait3A_196, %dma_wait3A_197] : memref<100001x64xf32, #tpu.memory_space<hbm>> -> memref<1x64xf32, #tpu.memory_space<hbm>>
      tpu.wait_dma2 semaphore(%arg9 : memref<!tpu.dma_semaphore, #tpu.memory_space<semaphore_mem>>) src(%dma_wait3A_198 : memref<1x64xf32, #tpu.memory_space<hbm>>) dst(%dma_wait3A_195 : memref<1x64xf32, #tpu.memory_space<vmem>>)
      %dma_wait3A_199 = arith.constant 0 : i32
      %dma_wait3A_200 = arith.constant 0 : i32
      %dma_wait3A_201 = tpu.memref_slice %arg6[%dma_wait3A_199, %dma_wait3A_200] : memref<128x64xf32, #tpu.memory_space<vmem>> -> memref<1x64xf32, #tpu.memory_space<vmem>>
      %dma_wait3A_202 = arith.constant 0 : i32
      %dma_wait3A_203 = arith.constant 0 : i32
      %dma_wait3A_204 = tpu.memref_slice %arg3[%dma_wait3A_202, %dma_wait3A_203] : memref<100001x64xf32, #tpu.memory_space<hbm>> -> memref<1x64xf32, #tpu.memory_space<hbm>>
      %dma_wait3A_205 = arith.constant 0 : i32
      %dma_wait3A_206 = arith.constant 0 : i32
      %dma_wait3A_207 = tpu.memref_slice %arg6[%dma_wait3A_205, %dma_wait3A_206] : memref<128x64xf32, #tpu.memory_space<vmem>> -> memref<1x64xf32, #tpu.memory_space<vmem>>
      %dma_wait3A_208 = arith.constant 0 : i32
      %dma_wait3A_209 = arith.constant 0 : i32
      %dma_wait3A_210 = tpu.memref_slice %arg3[%dma_wait3A_208, %dma_wait3A_209] : memref<100001x64xf32, #tpu.memory_space<hbm>> -> memref<1x64xf32, #tpu.memory_space<hbm>>
      tpu.wait_dma2 semaphore(%arg9 : memref<!tpu.dma_semaphore, #tpu.memory_space<semaphore_mem>>) src(%dma_wait3A_210 : memref<1x64xf32, #tpu.memory_space<hbm>>) dst(%dma_wait3A_207 : memref<1x64xf32, #tpu.memory_space<vmem>>)
      %dma_wait3A_211 = arith.constant 0 : i32
      %dma_wait3A_212 = arith.constant 0 : i32
      %dma_wait3A_213 = tpu.memref_slice %arg6[%dma_wait3A_211, %dma_wait3A_212] : memref<128x64xf32, #tpu.memory_space<vmem>> -> memref<1x64xf32, #tpu.memory_space<vmem>>
      %dma_wait3A_214 = arith.constant 0 : i32
      %dma_wait3A_215 = arith.constant 0 : i32
      %dma_wait3A_216 = tpu.memref_slice %arg3[%dma_wait3A_214, %dma_wait3A_215] : memref<100001x64xf32, #tpu.memory_space<hbm>> -> memref<1x64xf32, #tpu.memory_space<hbm>>
      %dma_wait3A_217 = arith.constant 0 : i32
      %dma_wait3A_218 = arith.constant 0 : i32
      %dma_wait3A_219 = tpu.memref_slice %arg6[%dma_wait3A_217, %dma_wait3A_218] : memref<128x64xf32, #tpu.memory_space<vmem>> -> memref<1x64xf32, #tpu.memory_space<vmem>>
      %dma_wait3A_220 = arith.constant 0 : i32
      %dma_wait3A_221 = arith.constant 0 : i32
      %dma_wait3A_222 = tpu.memref_slice %arg3[%dma_wait3A_220, %dma_wait3A_221] : memref<100001x64xf32, #tpu.memory_space<hbm>> -> memref<1x64xf32, #tpu.memory_space<hbm>>
      tpu.wait_dma2 semaphore(%arg9 : memref<!tpu.dma_semaphore, #tpu.memory_space<semaphore_mem>>) src(%dma_wait3A_222 : memref<1x64xf32, #tpu.memory_space<hbm>>) dst(%dma_wait3A_219 : memref<1x64xf32, #tpu.memory_space<vmem>>)
      %dma_wait3A_223 = arith.constant 0 : i32
      %dma_wait3A_224 = arith.constant 0 : i32
      %dma_wait3A_225 = tpu.memref_slice %arg6[%dma_wait3A_223, %dma_wait3A_224] : memref<128x64xf32, #tpu.memory_space<vmem>> -> memref<1x64xf32, #tpu.memory_space<vmem>>
      %dma_wait3A_226 = arith.constant 0 : i32
      %dma_wait3A_227 = arith.constant 0 : i32
      %dma_wait3A_228 = tpu.memref_slice %arg3[%dma_wait3A_226, %dma_wait3A_227] : memref<100001x64xf32, #tpu.memory_space<hbm>> -> memref<1x64xf32, #tpu.memory_space<hbm>>
      %dma_wait3A_229 = arith.constant 0 : i32
      %dma_wait3A_230 = arith.constant 0 : i32
      %dma_wait3A_231 = tpu.memref_slice %arg6[%dma_wait3A_229, %dma_wait3A_230] : memref<128x64xf32, #tpu.memory_space<vmem>> -> memref<1x64xf32, #tpu.memory_space<vmem>>
      %dma_wait3A_232 = arith.constant 0 : i32
      %dma_wait3A_233 = arith.constant 0 : i32
      %dma_wait3A_234 = tpu.memref_slice %arg3[%dma_wait3A_232, %dma_wait3A_233] : memref<100001x64xf32, #tpu.memory_space<hbm>> -> memref<1x64xf32, #tpu.memory_space<hbm>>
      tpu.wait_dma2 semaphore(%arg9 : memref<!tpu.dma_semaphore, #tpu.memory_space<semaphore_mem>>) src(%dma_wait3A_234 : memref<1x64xf32, #tpu.memory_space<hbm>>) dst(%dma_wait3A_231 : memref<1x64xf32, #tpu.memory_space<vmem>>)
      %dma_wait3A_235 = arith.constant 0 : i32
      %dma_wait3A_236 = arith.constant 0 : i32
      %dma_wait3A_237 = tpu.memref_slice %arg6[%dma_wait3A_235, %dma_wait3A_236] : memref<128x64xf32, #tpu.memory_space<vmem>> -> memref<1x64xf32, #tpu.memory_space<vmem>>
      %dma_wait3A_238 = arith.constant 0 : i32
      %dma_wait3A_239 = arith.constant 0 : i32
      %dma_wait3A_240 = tpu.memref_slice %arg3[%dma_wait3A_238, %dma_wait3A_239] : memref<100001x64xf32, #tpu.memory_space<hbm>> -> memref<1x64xf32, #tpu.memory_space<hbm>>
      %dma_wait3A_241 = arith.constant 0 : i32
      %dma_wait3A_242 = arith.constant 0 : i32
      %dma_wait3A_243 = tpu.memref_slice %arg6[%dma_wait3A_241, %dma_wait3A_242] : memref<128x64xf32, #tpu.memory_space<vmem>> -> memref<1x64xf32, #tpu.memory_space<vmem>>
      %dma_wait3A_244 = arith.constant 0 : i32
      %dma_wait3A_245 = arith.constant 0 : i32
      %dma_wait3A_246 = tpu.memref_slice %arg3[%dma_wait3A_244, %dma_wait3A_245] : memref<100001x64xf32, #tpu.memory_space<hbm>> -> memref<1x64xf32, #tpu.memory_space<hbm>>
      tpu.wait_dma2 semaphore(%arg9 : memref<!tpu.dma_semaphore, #tpu.memory_space<semaphore_mem>>) src(%dma_wait3A_246 : memref<1x64xf32, #tpu.memory_space<hbm>>) dst(%dma_wait3A_243 : memref<1x64xf32, #tpu.memory_space<vmem>>)
      %dma_wait3A_247 = arith.constant 0 : i32
      %dma_wait3A_248 = arith.constant 0 : i32
      %dma_wait3A_249 = tpu.memref_slice %arg6[%dma_wait3A_247, %dma_wait3A_248] : memref<128x64xf32, #tpu.memory_space<vmem>> -> memref<1x64xf32, #tpu.memory_space<vmem>>
      %dma_wait3A_250 = arith.constant 0 : i32
      %dma_wait3A_251 = arith.constant 0 : i32
      %dma_wait3A_252 = tpu.memref_slice %arg3[%dma_wait3A_250, %dma_wait3A_251] : memref<100001x64xf32, #tpu.memory_space<hbm>> -> memref<1x64xf32, #tpu.memory_space<hbm>>
      %dma_wait3A_253 = arith.constant 0 : i32
      %dma_wait3A_254 = arith.constant 0 : i32
      %dma_wait3A_255 = tpu.memref_slice %arg6[%dma_wait3A_253, %dma_wait3A_254] : memref<128x64xf32, #tpu.memory_space<vmem>> -> memref<1x64xf32, #tpu.memory_space<vmem>>
      %dma_wait3A_256 = arith.constant 0 : i32
      %dma_wait3A_257 = arith.constant 0 : i32
      %dma_wait3A_258 = tpu.memref_slice %arg3[%dma_wait3A_256, %dma_wait3A_257] : memref<100001x64xf32, #tpu.memory_space<hbm>> -> memref<1x64xf32, #tpu.memory_space<hbm>>
      tpu.wait_dma2 semaphore(%arg9 : memref<!tpu.dma_semaphore, #tpu.memory_space<semaphore_mem>>) src(%dma_wait3A_258 : memref<1x64xf32, #tpu.memory_space<hbm>>) dst(%dma_wait3A_255 : memref<1x64xf32, #tpu.memory_space<vmem>>)
      %scan3A_259 = arith.constant 0 : i32
      scf.yield %scan3A_259 : i32
    }
    %scan3A_63 = arith.constant 8 : i32
    %add3A_64 = arith.constant 384 : i32
    %add3A_65 = arith.addi %mul3A_2, %add3A_64 : i32
    "tpu.region"() ({
      %run_scoped3A = tpu.sem_alloc : memref<!tpu.dma_semaphore, #tpu.memory_space<semaphore_mem>>
      %dma_start3A = arith.constant 0 : i32
      %dma_start3A_66 = tpu.memref_slice %arg4[%add3A_65, %dma_start3A] : memref<16384x64xf32, #tpu.memory_space<hbm>> -> memref<128x64xf32, #tpu.memory_space<hbm>>
      %dma_start3A_67 = arith.constant 0 : i32
      %dma_start3A_68 = tpu.memref_slice %arg4[%add3A_65, %dma_start3A_67] : memref<16384x64xf32, #tpu.memory_space<hbm>> -> memref<128x64xf32, #tpu.memory_space<hbm>>
      tpu.enqueue_dma source(%arg7 : memref<128x64xf32, #tpu.memory_space<vmem>>) target(%dma_start3A_68 : memref<128x64xf32, #tpu.memory_space<hbm>>) target_semaphore(%run_scoped3A : memref<!tpu.dma_semaphore, #tpu.memory_space<semaphore_mem>>)
      %dma_wait3A = arith.constant 0 : i32
      %dma_wait3A_69 = tpu.memref_slice %arg4[%add3A_65, %dma_wait3A] : memref<16384x64xf32, #tpu.memory_space<hbm>> -> memref<128x64xf32, #tpu.memory_space<hbm>>
      %dma_wait3A_70 = arith.constant 0 : i32
      %dma_wait3A_71 = tpu.memref_slice %arg4[%add3A_65, %dma_wait3A_70] : memref<16384x64xf32, #tpu.memory_space<hbm>> -> memref<128x64xf32, #tpu.memory_space<hbm>>
      tpu.wait_dma2 semaphore(%run_scoped3A : memref<!tpu.dma_semaphore, #tpu.memory_space<semaphore_mem>>) src(%arg7 : memref<128x64xf32, #tpu.memory_space<vmem>>) dst(%dma_wait3A_71 : memref<128x64xf32, #tpu.memory_space<hbm>>)
      tpu.yield
    }) : () -> ()
    return
  }
}

#map = affine_map<(d0, d1) -> (0)>
#map1 = affine_map<(d0, d1) -> (0, 0)>
module attributes {stable_mosaic.version = 14 : i64} {
  func.func @small_fields(%arg0: i32, %arg1: i32, %arg2: memref<16384xi32, #tpu.memory_space<hbm>>, %arg3: memref<16384xi32, #tpu.memory_space<hbm>>, %arg4: memref<16384xi32, #tpu.memory_space<hbm>>, %arg5: memref<16384xi32, #tpu.memory_space<hbm>>, %arg6: memref<2001x64xf32, #tpu.memory_space<hbm>>, %arg7: memref<20001x64xf32, #tpu.memory_space<hbm>>, %arg8: memref<101x64xf32, #tpu.memory_space<hbm>>, %arg9: memref<1001x64xf32, #tpu.memory_space<hbm>>, %arg10: memref<16384x256xf32, #tpu.memory_space<hbm>>, %arg11: memref<512xi32, #tpu.memory_space<vmem>>, %arg12: memref<512xi32, #tpu.memory_space<vmem>>, %arg13: memref<512xi32, #tpu.memory_space<vmem>>, %arg14: memref<512xi32, #tpu.memory_space<vmem>>, %arg15: memref<512x64xf32, #tpu.memory_space<vmem>>, %arg16: memref<512x64xf32, #tpu.memory_space<vmem>>, %arg17: memref<!tpu.dma_semaphore, #tpu.memory_space<semaphore_mem>>) attributes {dimension_semantics = [#tpu.dimension_semantics<core_parallel>, #tpu.dimension_semantics<subcore_parallel>], iteration_bounds = array<i64: 2, 16>, scalar_prefetch = 0 : i64, scratch_operands = 7 : i64, tpu.core_type = #tpu.core_type<sc_vector_subcore>, window_params = [{transform_indices = #map}, {transform_indices = #map}, {transform_indices = #map}, {transform_indices = #map}, {transform_indices = #map1}, {transform_indices = #map1}, {transform_indices = #map1}, {transform_indices = #map1}, {transform_indices = #map1}]} {
    %mul3A = arith.constant 2 : i32
    %mul3A_0 = arith.muli %arg1, %mul3A : i32
    %add3A = arith.addi %mul3A_0, %arg0 : i32
    %mul3A_1 = arith.constant 512 : i32
    %mul3A_2 = arith.muli %add3A, %mul3A_1 : i32
    "tpu.region"() ({
      %run_scoped3A = tpu.sem_alloc : memref<!tpu.dma_semaphore, #tpu.memory_space<semaphore_mem>>
      %dma_start3A_25 = tpu.memref_slice %arg2[%mul3A_2] : memref<16384xi32, #tpu.memory_space<hbm>> -> memref<512xi32, #tpu.memory_space<hbm>>
      %dma_start3A_26 = tpu.memref_slice %arg2[%mul3A_2] : memref<16384xi32, #tpu.memory_space<hbm>> -> memref<512xi32, #tpu.memory_space<hbm>>
      tpu.enqueue_dma source(%dma_start3A_26 : memref<512xi32, #tpu.memory_space<hbm>>) target(%arg11 : memref<512xi32, #tpu.memory_space<vmem>>) target_semaphore(%run_scoped3A : memref<!tpu.dma_semaphore, #tpu.memory_space<semaphore_mem>>)
      %dma_wait3A_27 = tpu.memref_slice %arg2[%mul3A_2] : memref<16384xi32, #tpu.memory_space<hbm>> -> memref<512xi32, #tpu.memory_space<hbm>>
      %dma_wait3A_28 = tpu.memref_slice %arg2[%mul3A_2] : memref<16384xi32, #tpu.memory_space<hbm>> -> memref<512xi32, #tpu.memory_space<hbm>>
      tpu.wait_dma2 semaphore(%run_scoped3A : memref<!tpu.dma_semaphore, #tpu.memory_space<semaphore_mem>>) src(%dma_wait3A_28 : memref<512xi32, #tpu.memory_space<hbm>>) dst(%arg11 : memref<512xi32, #tpu.memory_space<vmem>>)
      tpu.yield
    }) : () -> ()
    "tpu.region"() ({
      %run_scoped3A = tpu.sem_alloc : memref<!tpu.dma_semaphore, #tpu.memory_space<semaphore_mem>>
      %dma_start3A_25 = tpu.memref_slice %arg3[%mul3A_2] : memref<16384xi32, #tpu.memory_space<hbm>> -> memref<512xi32, #tpu.memory_space<hbm>>
      %dma_start3A_26 = tpu.memref_slice %arg3[%mul3A_2] : memref<16384xi32, #tpu.memory_space<hbm>> -> memref<512xi32, #tpu.memory_space<hbm>>
      tpu.enqueue_dma source(%dma_start3A_26 : memref<512xi32, #tpu.memory_space<hbm>>) target(%arg12 : memref<512xi32, #tpu.memory_space<vmem>>) target_semaphore(%run_scoped3A : memref<!tpu.dma_semaphore, #tpu.memory_space<semaphore_mem>>)
      %dma_wait3A_27 = tpu.memref_slice %arg3[%mul3A_2] : memref<16384xi32, #tpu.memory_space<hbm>> -> memref<512xi32, #tpu.memory_space<hbm>>
      %dma_wait3A_28 = tpu.memref_slice %arg3[%mul3A_2] : memref<16384xi32, #tpu.memory_space<hbm>> -> memref<512xi32, #tpu.memory_space<hbm>>
      tpu.wait_dma2 semaphore(%run_scoped3A : memref<!tpu.dma_semaphore, #tpu.memory_space<semaphore_mem>>) src(%dma_wait3A_28 : memref<512xi32, #tpu.memory_space<hbm>>) dst(%arg12 : memref<512xi32, #tpu.memory_space<vmem>>)
      tpu.yield
    }) : () -> ()
    "tpu.region"() ({
      %run_scoped3A = tpu.sem_alloc : memref<!tpu.dma_semaphore, #tpu.memory_space<semaphore_mem>>
      %dma_start3A_25 = tpu.memref_slice %arg4[%mul3A_2] : memref<16384xi32, #tpu.memory_space<hbm>> -> memref<512xi32, #tpu.memory_space<hbm>>
      %dma_start3A_26 = tpu.memref_slice %arg4[%mul3A_2] : memref<16384xi32, #tpu.memory_space<hbm>> -> memref<512xi32, #tpu.memory_space<hbm>>
      tpu.enqueue_dma source(%dma_start3A_26 : memref<512xi32, #tpu.memory_space<hbm>>) target(%arg13 : memref<512xi32, #tpu.memory_space<vmem>>) target_semaphore(%run_scoped3A : memref<!tpu.dma_semaphore, #tpu.memory_space<semaphore_mem>>)
      %dma_wait3A_27 = tpu.memref_slice %arg4[%mul3A_2] : memref<16384xi32, #tpu.memory_space<hbm>> -> memref<512xi32, #tpu.memory_space<hbm>>
      %dma_wait3A_28 = tpu.memref_slice %arg4[%mul3A_2] : memref<16384xi32, #tpu.memory_space<hbm>> -> memref<512xi32, #tpu.memory_space<hbm>>
      tpu.wait_dma2 semaphore(%run_scoped3A : memref<!tpu.dma_semaphore, #tpu.memory_space<semaphore_mem>>) src(%dma_wait3A_28 : memref<512xi32, #tpu.memory_space<hbm>>) dst(%arg13 : memref<512xi32, #tpu.memory_space<vmem>>)
      tpu.yield
    }) : () -> ()
    "tpu.region"() ({
      %run_scoped3A = tpu.sem_alloc : memref<!tpu.dma_semaphore, #tpu.memory_space<semaphore_mem>>
      %dma_start3A_25 = tpu.memref_slice %arg5[%mul3A_2] : memref<16384xi32, #tpu.memory_space<hbm>> -> memref<512xi32, #tpu.memory_space<hbm>>
      %dma_start3A_26 = tpu.memref_slice %arg5[%mul3A_2] : memref<16384xi32, #tpu.memory_space<hbm>> -> memref<512xi32, #tpu.memory_space<hbm>>
      tpu.enqueue_dma source(%dma_start3A_26 : memref<512xi32, #tpu.memory_space<hbm>>) target(%arg14 : memref<512xi32, #tpu.memory_space<vmem>>) target_semaphore(%run_scoped3A : memref<!tpu.dma_semaphore, #tpu.memory_space<semaphore_mem>>)
      %dma_wait3A_27 = tpu.memref_slice %arg5[%mul3A_2] : memref<16384xi32, #tpu.memory_space<hbm>> -> memref<512xi32, #tpu.memory_space<hbm>>
      %dma_wait3A_28 = tpu.memref_slice %arg5[%mul3A_2] : memref<16384xi32, #tpu.memory_space<hbm>> -> memref<512xi32, #tpu.memory_space<hbm>>
      tpu.wait_dma2 semaphore(%run_scoped3A : memref<!tpu.dma_semaphore, #tpu.memory_space<semaphore_mem>>) src(%dma_wait3A_28 : memref<512xi32, #tpu.memory_space<hbm>>) dst(%arg14 : memref<512xi32, #tpu.memory_space<vmem>>)
      tpu.yield
    }) : () -> ()
    %dma_start3A = arith.constant 0 : i32
    %dma_start3A_3 = arith.constant 0 : i32
    %dma_start3A_4 = tpu.memref_slice %arg6[%dma_start3A, %dma_start3A_3] : memref<2001x64xf32, #tpu.memory_space<hbm>> -> memref<2001x64xf32, #tpu.memory_space<hbm>>
    tpu.enqueue_indirect_dma source(%dma_start3A_4 : memref<2001x64xf32, #tpu.memory_space<hbm>>) target(%arg15 : memref<512x64xf32, #tpu.memory_space<vmem>>) offsets(%arg11 : memref<512xi32, #tpu.memory_space<vmem>>) semaphore(%arg17 : memref<!tpu.dma_semaphore, #tpu.memory_space<semaphore_mem>>)
    %dma_wait3A = arith.constant 0 : i32
    %dma_wait3A_5 = arith.constant 0 : i32
    %dma_wait3A_6 = tpu.memref_slice %arg6[%dma_wait3A, %dma_wait3A_5] : memref<2001x64xf32, #tpu.memory_space<hbm>> -> memref<2001x64xf32, #tpu.memory_space<hbm>>
    tpu.wait_indirect_dma semaphore(%arg17 : memref<!tpu.dma_semaphore, #tpu.memory_space<semaphore_mem>>) src(%dma_wait3A_6 : memref<2001x64xf32, #tpu.memory_space<hbm>>) dst(%arg15 : memref<512x64xf32, #tpu.memory_space<vmem>>)
    %dma_start3A_7 = arith.constant 0 : i32
    %dma_start3A_8 = arith.constant 0 : i32
    %dma_start3A_9 = tpu.memref_slice %arg7[%dma_start3A_7, %dma_start3A_8] : memref<20001x64xf32, #tpu.memory_space<hbm>> -> memref<20001x64xf32, #tpu.memory_space<hbm>>
    tpu.enqueue_indirect_dma source(%dma_start3A_9 : memref<20001x64xf32, #tpu.memory_space<hbm>>) target(%arg16 : memref<512x64xf32, #tpu.memory_space<vmem>>) offsets(%arg12 : memref<512xi32, #tpu.memory_space<vmem>>) semaphore(%arg17 : memref<!tpu.dma_semaphore, #tpu.memory_space<semaphore_mem>>)
    "tpu.region"() ({
      %run_scoped3A = tpu.sem_alloc : memref<!tpu.dma_semaphore, #tpu.memory_space<semaphore_mem>>
      %dma_start3A_25 = arith.constant 0 : i32
      %dma_start3A_26 = tpu.memref_slice %arg10[%mul3A_2, %dma_start3A_25] : memref<16384x256xf32, #tpu.memory_space<hbm>> -> memref<512x64xf32, #tpu.memory_space<hbm>>
      %dma_start3A_27 = arith.constant 0 : i32
      %dma_start3A_28 = tpu.memref_slice %arg10[%mul3A_2, %dma_start3A_27] : memref<16384x256xf32, #tpu.memory_space<hbm>> -> memref<512x64xf32, #tpu.memory_space<hbm>>
      tpu.enqueue_dma source(%arg15 : memref<512x64xf32, #tpu.memory_space<vmem>>) target(%dma_start3A_28 : memref<512x64xf32, #tpu.memory_space<hbm>>) target_semaphore(%run_scoped3A : memref<!tpu.dma_semaphore, #tpu.memory_space<semaphore_mem>>)
      %dma_wait3A_29 = arith.constant 0 : i32
      %dma_wait3A_30 = tpu.memref_slice %arg10[%mul3A_2, %dma_wait3A_29] : memref<16384x256xf32, #tpu.memory_space<hbm>> -> memref<512x64xf32, #tpu.memory_space<hbm>>
      %dma_wait3A_31 = arith.constant 0 : i32
      %dma_wait3A_32 = tpu.memref_slice %arg10[%mul3A_2, %dma_wait3A_31] : memref<16384x256xf32, #tpu.memory_space<hbm>> -> memref<512x64xf32, #tpu.memory_space<hbm>>
      tpu.wait_dma2 semaphore(%run_scoped3A : memref<!tpu.dma_semaphore, #tpu.memory_space<semaphore_mem>>) src(%arg15 : memref<512x64xf32, #tpu.memory_space<vmem>>) dst(%dma_wait3A_32 : memref<512x64xf32, #tpu.memory_space<hbm>>)
      tpu.yield
    }) : () -> ()
    %dma_wait3A_10 = arith.constant 0 : i32
    %dma_wait3A_11 = arith.constant 0 : i32
    %dma_wait3A_12 = tpu.memref_slice %arg7[%dma_wait3A_10, %dma_wait3A_11] : memref<20001x64xf32, #tpu.memory_space<hbm>> -> memref<20001x64xf32, #tpu.memory_space<hbm>>
    tpu.wait_indirect_dma semaphore(%arg17 : memref<!tpu.dma_semaphore, #tpu.memory_space<semaphore_mem>>) src(%dma_wait3A_12 : memref<20001x64xf32, #tpu.memory_space<hbm>>) dst(%arg16 : memref<512x64xf32, #tpu.memory_space<vmem>>)
    %dma_start3A_13 = arith.constant 0 : i32
    %dma_start3A_14 = arith.constant 0 : i32
    %dma_start3A_15 = tpu.memref_slice %arg8[%dma_start3A_13, %dma_start3A_14] : memref<101x64xf32, #tpu.memory_space<hbm>> -> memref<101x64xf32, #tpu.memory_space<hbm>>
    tpu.enqueue_indirect_dma source(%dma_start3A_15 : memref<101x64xf32, #tpu.memory_space<hbm>>) target(%arg15 : memref<512x64xf32, #tpu.memory_space<vmem>>) offsets(%arg13 : memref<512xi32, #tpu.memory_space<vmem>>) semaphore(%arg17 : memref<!tpu.dma_semaphore, #tpu.memory_space<semaphore_mem>>)
    "tpu.region"() ({
      %run_scoped3A = tpu.sem_alloc : memref<!tpu.dma_semaphore, #tpu.memory_space<semaphore_mem>>
      %dma_start3A_25 = arith.constant 64 : i32
      %dma_start3A_26 = tpu.memref_slice %arg10[%mul3A_2, %dma_start3A_25] : memref<16384x256xf32, #tpu.memory_space<hbm>> -> memref<512x64xf32, #tpu.memory_space<hbm>>
      %dma_start3A_27 = arith.constant 64 : i32
      %dma_start3A_28 = tpu.memref_slice %arg10[%mul3A_2, %dma_start3A_27] : memref<16384x256xf32, #tpu.memory_space<hbm>> -> memref<512x64xf32, #tpu.memory_space<hbm>>
      tpu.enqueue_dma source(%arg16 : memref<512x64xf32, #tpu.memory_space<vmem>>) target(%dma_start3A_28 : memref<512x64xf32, #tpu.memory_space<hbm>>) target_semaphore(%run_scoped3A : memref<!tpu.dma_semaphore, #tpu.memory_space<semaphore_mem>>)
      %dma_wait3A_29 = arith.constant 64 : i32
      %dma_wait3A_30 = tpu.memref_slice %arg10[%mul3A_2, %dma_wait3A_29] : memref<16384x256xf32, #tpu.memory_space<hbm>> -> memref<512x64xf32, #tpu.memory_space<hbm>>
      %dma_wait3A_31 = arith.constant 64 : i32
      %dma_wait3A_32 = tpu.memref_slice %arg10[%mul3A_2, %dma_wait3A_31] : memref<16384x256xf32, #tpu.memory_space<hbm>> -> memref<512x64xf32, #tpu.memory_space<hbm>>
      tpu.wait_dma2 semaphore(%run_scoped3A : memref<!tpu.dma_semaphore, #tpu.memory_space<semaphore_mem>>) src(%arg16 : memref<512x64xf32, #tpu.memory_space<vmem>>) dst(%dma_wait3A_32 : memref<512x64xf32, #tpu.memory_space<hbm>>)
      tpu.yield
    }) : () -> ()
    %dma_wait3A_16 = arith.constant 0 : i32
    %dma_wait3A_17 = arith.constant 0 : i32
    %dma_wait3A_18 = tpu.memref_slice %arg8[%dma_wait3A_16, %dma_wait3A_17] : memref<101x64xf32, #tpu.memory_space<hbm>> -> memref<101x64xf32, #tpu.memory_space<hbm>>
    tpu.wait_indirect_dma semaphore(%arg17 : memref<!tpu.dma_semaphore, #tpu.memory_space<semaphore_mem>>) src(%dma_wait3A_18 : memref<101x64xf32, #tpu.memory_space<hbm>>) dst(%arg15 : memref<512x64xf32, #tpu.memory_space<vmem>>)
    %dma_start3A_19 = arith.constant 0 : i32
    %dma_start3A_20 = arith.constant 0 : i32
    %dma_start3A_21 = tpu.memref_slice %arg9[%dma_start3A_19, %dma_start3A_20] : memref<1001x64xf32, #tpu.memory_space<hbm>> -> memref<1001x64xf32, #tpu.memory_space<hbm>>
    tpu.enqueue_indirect_dma source(%dma_start3A_21 : memref<1001x64xf32, #tpu.memory_space<hbm>>) target(%arg16 : memref<512x64xf32, #tpu.memory_space<vmem>>) offsets(%arg14 : memref<512xi32, #tpu.memory_space<vmem>>) semaphore(%arg17 : memref<!tpu.dma_semaphore, #tpu.memory_space<semaphore_mem>>)
    "tpu.region"() ({
      %run_scoped3A = tpu.sem_alloc : memref<!tpu.dma_semaphore, #tpu.memory_space<semaphore_mem>>
      %dma_start3A_25 = arith.constant 128 : i32
      %dma_start3A_26 = tpu.memref_slice %arg10[%mul3A_2, %dma_start3A_25] : memref<16384x256xf32, #tpu.memory_space<hbm>> -> memref<512x64xf32, #tpu.memory_space<hbm>>
      %dma_start3A_27 = arith.constant 128 : i32
      %dma_start3A_28 = tpu.memref_slice %arg10[%mul3A_2, %dma_start3A_27] : memref<16384x256xf32, #tpu.memory_space<hbm>> -> memref<512x64xf32, #tpu.memory_space<hbm>>
      tpu.enqueue_dma source(%arg15 : memref<512x64xf32, #tpu.memory_space<vmem>>) target(%dma_start3A_28 : memref<512x64xf32, #tpu.memory_space<hbm>>) target_semaphore(%run_scoped3A : memref<!tpu.dma_semaphore, #tpu.memory_space<semaphore_mem>>)
      %dma_wait3A_29 = arith.constant 128 : i32
      %dma_wait3A_30 = tpu.memref_slice %arg10[%mul3A_2, %dma_wait3A_29] : memref<16384x256xf32, #tpu.memory_space<hbm>> -> memref<512x64xf32, #tpu.memory_space<hbm>>
      %dma_wait3A_31 = arith.constant 128 : i32
      %dma_wait3A_32 = tpu.memref_slice %arg10[%mul3A_2, %dma_wait3A_31] : memref<16384x256xf32, #tpu.memory_space<hbm>> -> memref<512x64xf32, #tpu.memory_space<hbm>>
      tpu.wait_dma2 semaphore(%run_scoped3A : memref<!tpu.dma_semaphore, #tpu.memory_space<semaphore_mem>>) src(%arg15 : memref<512x64xf32, #tpu.memory_space<vmem>>) dst(%dma_wait3A_32 : memref<512x64xf32, #tpu.memory_space<hbm>>)
      tpu.yield
    }) : () -> ()
    %dma_wait3A_22 = arith.constant 0 : i32
    %dma_wait3A_23 = arith.constant 0 : i32
    %dma_wait3A_24 = tpu.memref_slice %arg9[%dma_wait3A_22, %dma_wait3A_23] : memref<1001x64xf32, #tpu.memory_space<hbm>> -> memref<1001x64xf32, #tpu.memory_space<hbm>>
    tpu.wait_indirect_dma semaphore(%arg17 : memref<!tpu.dma_semaphore, #tpu.memory_space<semaphore_mem>>) src(%dma_wait3A_24 : memref<1001x64xf32, #tpu.memory_space<hbm>>) dst(%arg16 : memref<512x64xf32, #tpu.memory_space<vmem>>)
    "tpu.region"() ({
      %run_scoped3A = tpu.sem_alloc : memref<!tpu.dma_semaphore, #tpu.memory_space<semaphore_mem>>
      %dma_start3A_25 = arith.constant 192 : i32
      %dma_start3A_26 = tpu.memref_slice %arg10[%mul3A_2, %dma_start3A_25] : memref<16384x256xf32, #tpu.memory_space<hbm>> -> memref<512x64xf32, #tpu.memory_space<hbm>>
      %dma_start3A_27 = arith.constant 192 : i32
      %dma_start3A_28 = tpu.memref_slice %arg10[%mul3A_2, %dma_start3A_27] : memref<16384x256xf32, #tpu.memory_space<hbm>> -> memref<512x64xf32, #tpu.memory_space<hbm>>
      tpu.enqueue_dma source(%arg16 : memref<512x64xf32, #tpu.memory_space<vmem>>) target(%dma_start3A_28 : memref<512x64xf32, #tpu.memory_space<hbm>>) target_semaphore(%run_scoped3A : memref<!tpu.dma_semaphore, #tpu.memory_space<semaphore_mem>>)
      %dma_wait3A_29 = arith.constant 192 : i32
      %dma_wait3A_30 = tpu.memref_slice %arg10[%mul3A_2, %dma_wait3A_29] : memref<16384x256xf32, #tpu.memory_space<hbm>> -> memref<512x64xf32, #tpu.memory_space<hbm>>
      %dma_wait3A_31 = arith.constant 192 : i32
      %dma_wait3A_32 = tpu.memref_slice %arg10[%mul3A_2, %dma_wait3A_31] : memref<16384x256xf32, #tpu.memory_space<hbm>> -> memref<512x64xf32, #tpu.memory_space<hbm>>
      tpu.wait_dma2 semaphore(%run_scoped3A : memref<!tpu.dma_semaphore, #tpu.memory_space<semaphore_mem>>) src(%arg16 : memref<512x64xf32, #tpu.memory_space<vmem>>) dst(%dma_wait3A_32 : memref<512x64xf32, #tpu.memory_space<hbm>>)
      tpu.yield
    }) : () -> ()
    return
  }
}

</mosaic_0001>

<sc_bundles>
// kernel: small_fields.3.cloned.1.call-start
scs
__scs_entry_jumppad:
0x0: {  	(pc) =	sbr.rel $0x88, $3  }
0x1: {  	(tag) =	ssettag $0x0;
	lr =	simm.s32 $0x1  }
0x2: {  	[smem:$0x3F97] =	sst lr;
	_ =	strace $0xD0000000  }
0x3: {  	_ = 	snop  }
0x4: {  	_ = 	snop  }
0x5: {  	_ = 	snop  }
0x6: {  	_ = 	snop  }
0x7: {  	_ = 	snop  }
__scs_overlays_trampoline_lowered:
0x8: {  	[smem:$0x3FA6] =	sst s0  }
0x9: {  	[smem:$0x3FA7] =	sst s1  }
0xa: {  	[smem:$0x3FA8] =	sst s2  }
0xb: {  	[smem:$0x3FA9] =	sst s3  }
0xc: {  	[smem:$0x3FAA] =	sst s4  }
0xd: {  	[smem:$0x3FAB] =	sst s5  }
0xe: {  	[smem:$0x3FAC] =	sst s6  }
0xf: {  	[smem:$0x3FAD] =	sst s7  }
0x10: {  	[smem:$0x3FAE] =	sst s8  }
0x11: {  	[smem:$0x3FAF] =	sst s9;
	s0 =	simm.s32 @!p0 $0x0  }
0x12: {  	s1 =	sld [smem:$0x3F95];
	s0 =	simm.s32 @p0 $0x1  }
0x13: {  	[smem:$0x3FB0] =	sst s0;
	s0 =	simm.s32 @!p1 $0x0  }
0x14: {  	s2 =	sld [smem:$0x3F94];
	s0 =	simm.s32 @p1 $0x1  }
0x15: {  	[smem:$0x3FB1] =	sst s0;
	s0 =	simm.s32 @!p2 $0x0  }
0x16: {  	s3 =	sld [smem:$0x3FDB];
	s0 =	simm.s32 @p2 $0x1  }
0x17: {  	s4 =	simm.s32 $0x1BF5;
	[smem:$0x3FB3] =	sst s0  }
0x18: {  	s0 =	sld [smem:$0x3F96];
	_ =	swait.ge [sflag:s4], $0x0  }
0x19: {  	s7 =	sld [smem:$0x3F97]  }
0x1a: {  	s8 =	sadd.s32 $0xFFFFE003, lr  }
0x1b: {  	s9 =	sadd.s32 $0xFFFFFEF7, lr;
	s5 =	simm.s32 $0xFFFFFFFF;
	p2 =	slt.u32 s8, $0xFFFFF086  }
0x1c: {  	p1 =	slt.u32 s9, $0xF7A;
	s5 =	simm.s32 @!p2 $0x0  }
0x1d: {  	s5 =	simm.s32 @p1 $0x1;
	p0 =	seq.s32 s7, s2  }
0x1e: {  	s7 =	smul.u32 @!p0 $0xF7A, s2;
	p2 =	seq.s32 @!p0 s5, $0x0  }
0x1f: {  	s9 =	smul.u32 $0xF7A, s1;
	s8 =	simm.s32 @!p0 $0x1BF5;
	p2 =	por !p2, p0  }
0x20: {  	[sflag:s8] =	ssyncset.s32 @!p0 $0xFFFFF086;
	s6 =	sadd.s32 @!p0 s3, s7;
	s7 =	simm.s32 @!p0 $0x108  }
0x21: {  	s3 =	sadd.s32 s3, s9;
	s6 =	sadd.s32 @!p0 $0x88, s6;
	s7 =	simm.s32 @p2 $0x1082  }
0x22: {  	[simem:s7], [sflag:s8] =	dma.local @!p0 [hbm:s6], $0xF7A  }
0x23: {  	s9 =	sor.u32 $0xD0000000, s2;
	s6 =	simm.s32 $0x108;
	_ =	swait.ge @!p0 [sflag:s8], $0x0  }
0x24: {  	s3 =	sadd.s32 $0x88, s3;
	s6 =	simm.s32 @!p1 $0x1082;
	[sflag:s4] =	ssyncset.s32 $0xFFFFF086  }
0x25: {  	[simem:s6], [sflag:s4] =	dma.local [hbm:s3], $0xF7A  }
0x26: {  	[smem:$0x3F97] =	sst s1;
	(tag) =	ssettag s2;
	_ =	strace s9  }
0x27: {  	s1 =	sld [smem:$0x3FA7]  }
0x28: {  	s2 =	sld [smem:$0x3FA8]  }
0x29: {  	s4 =	sld [smem:$0x3FAA]  }
0x2a: {  	p0 =	seq.s32 s5, $0x0;
	s5 =	sld [smem:$0x3FAB]  }
0x2b: {  	s6 =	sld [smem:$0x3FAC]  }
0x2c: {  	s7 =	sld [smem:$0x3FAD]  }
0x2d: {  	s3 =	simm.s32 $0x108;
	s8 =	sld [smem:$0x3FAE]  }
0x2e: {  	s3 =	simm.s32 @!p0 $0x1082;
	s9 =	sld [smem:$0x3FAF]  }
0x2f: {  	lr =	sadd.s32 s0, s3;
	s0 =	sld [smem:$0x3FA6]  }
0x30: {  	s3 =	sld [smem:$0x3FA9]  }
0x31: {  	[smem:$0x3FB2] =	sst s10  }
0x32: {  	s10 =	sld [smem:$0x3FB0];
	_ =	sdelay $0x3  }
0x33: {  	p0 =	seq.s32 s10, $0x1;
	s10 =	sld [smem:$0x3FB2];
	_ =	sdelay $0x3  }
0x34: {  	[smem:$0x3FB2] =	sst s10  }
0x35: {  	s10 =	sld [smem:$0x3FB1];
	_ =	sdelay $0x3  }
0x36: {  	p1 =	seq.s32 s10, $0x1;
	s10 =	sld [smem:$0x3FB2];
	_ =	sdelay $0x3  }
0x37: {  	[smem:$0x3FB2] =	sst s10  }
0x38: {  	s10 =	sld [smem:$0x3FB3]  }
0x39: {  	_ = 	snop;
	(pc) =	sbr.ind lr, $3  }
0x3a: {  	_ = 	snop  }
0x3b: {  	_ = 	snop  }
0x3c: {  	p2 =	seq.s32 s10, $0x1;
	s10 =	sld [smem:$0x3FB2]  }
0x3d: {  	_ =	shalt  }
0x3e: {  	_ =	shalt  }
0x3f: {  	_ =	shalt  }
0x40: {  	_ =	shalt  }
0x41: {  	_ =	shalt  }
0x42: {  	_ =	shalt  }
0x43: {  	_ =	shalt  }
0x44: {  	_ =	shalt  }
0x45: {  	_ =	shalt  }
0x46: {  	_ =	shalt  }
0x47: {  	_ =	shalt  }
0x48: {  	_ =	shalt  }
0x49: {  	_ =	shalt  }
0x4a: {  	_ =	shalt  }
0x4b: {  	_ =	shalt  }
0x4c: {  	_ =	shalt  }
0x4d: {  	_ =	shalt  }
0x4e: {  	_ =	shalt  }
0x4f: {  	_ =	shalt  }
0x50: {  	_ =	shalt  }
0x51: {  	_ =	shalt  }
0x52: {  	_ =	shalt  }
0x53: {  	_ =	shalt  }
0x54: {  	_ =	shalt  }
0x55: {  	_ =	shalt  }
0x56: {  	_ =	shalt  }
0x57: {  	_ =	shalt  }
0x58: {  	_ =	shalt  }
0x59: {  	_ =	shalt  }
0x5a: {  	_ =	shalt  }
0x5b: {  	_ =	shalt  }
0x5c: {  	_ =	shalt  }
0x5d: {  	_ =	shalt  }
0x5e: {  	_ =	shalt  }
0x5f: {  	_ =	shalt  }
0x60: {  	_ =	shalt  }
0x61: {  	_ =	shalt  }
0x62: {  	_ =	shalt  }
0x63: {  	_ =	shalt  }
0x64: {  	_ =	shalt  }
0x65: {  	_ =	shalt  }
0x66: {  	_ =	shalt  }
0x67: {  	_ =	shalt  }
0x68: {  	_ =	shalt  }
0x69: {  	_ =	shalt  }
0x6a: {  	_ =	shalt  }
0x6b: {  	_ =	shalt  }
0x6c: {  	_ =	shalt  }
0x6d: {  	_ =	shalt  }
0x6e: {  	_ =	shalt  }
0x6f: {  	_ =	shalt  }
0x70: {  	_ =	shalt  }
0x71: {  	_ =	shalt  }
0x72: {  	_ =	shalt  }
0x73: {  	_ =	shalt  }
0x74: {  	_ =	shalt  }
0x75: {  	_ =	shalt  }
0x76: {  	_ =	shalt  }
0x77: {  	_ =	shalt  }
0x78: {  	_ =	shalt  }
0x79: {  	_ =	shalt  }
0x7a: {  	_ =	shalt  }
0x7b: {  	_ =	shalt  }
0x7c: {  	_ =	shalt  }
0x7d: {  	_ =	shalt  }
0x7e: {  	_ =	shalt  }
0x7f: {  	_ =	shalt  }
0x80: {  	_ =	shalt  }
0x81: {  	_ =	shalt  }
0x82: {  	_ =	shalt  }
0x83: {  	_ =	shalt  }
0x84: {  	_ =	shalt  }
0x85: {  	_ =	shalt  }
0x86: {  	_ =	shalt  }
0x87: {  	_ =	shalt  }
.Lfunc_end0:
.L_simem_size_0:
called_computation.1_lowered:
.L_overlay_start_0:
0x88: {  	s2 =	sld [smem:$0x3FD9]  }
0x89: {  	s3 =	sld [smem:$0x3FFE];
	_ =	sdelay $0x1  }
0x8a: {  	s1 =	srdreg.scid  }
0x8b: {  	s0 =	sand.u32 $0x1, s1  }
0x8c: {  	s17 =	sshll.u32 s0, $0xA;
	s2 =	sadd.s32 s3, s2  }
0x8d: {  	s2 =	sadd.s32 s2, s17  }
0x8e: {  	[smem:$0x3FBE] =	sst s2  }
0x8f: {  	_ = 	snop  }
0x90: {  	s2 =	sld [smem:$0x3FC8]  }
0x91: {  	s18 =	sld [smem:$0x3FC7]  }
0x92: {  	s4 =	sld [smem:$0x3FC6]  }
0x93: {  	s5 =	sld [smem:$0x3FC5]  }
0x94: {  	s6 =	sld [smem:$0x3FD0];
	(tm) =	ssettm $0x1  }
0x95: {  	s7 =	sld [smem:$0x3FFB];
	_ =	sdelay $0x3  }
0x96: {  	_ =	strace s7  }
0x97: {  	s7 =	sld [smem:$0x3FFC];
	_ =	sdelay $0x3  }
0x98: {  	_ =	strace s7  }
0x99: {  	s7 =	sld [smem:$0x3FFD];
	_ =	sdelay $0x3  }
0x9a: {  	_ =	strace s7  }
0x9b: {  	_ =	strace $0x8FFFFFFF  }
0x9c: {  	s19 =	sld [smem:$0x3FDB];
	_ =	sdelay $0x1  }
0x9d: {  	s8 =	simm.s32 $_scs_section_size  }
0x9e: {  	s9 =	simm.s32 $_size__tile_overlayer_lowered;
	s10 =	simm.s32 $_tile_overlayer_lowered  }
0x9f: {  	s22 =	simm.s32 $0x1BFF;
	s21 =	sshll.u32 s10, $0x1;
	s7 =	sadd.s32 s8, s19  }
0xa0: {  	s11 =	simm.s32 $0x0;
	s20 =	sshll.u32 s9, $0x1;
	s9 =	sadd.s32 s21, s7  }
0xa1: {  	[timem:s11], [sflag:s22] =	dma.local [hbm:s9], s20  }
0xa2: {  	_ =	swait.ge [sflag:s22], s20  }
0xa3: {  	s8 =	ssub.s32 $0x0, s20;
	[sflag:s22] =	ssyncset.done $0x0  }
0xa4: {  	[sflag:s22] =	ssyncadd.s32 s8;
	_ =	sdelay $0x1  }
0xa5: {  	s23 =	simm.s32 $0x1B8B  }
0xa6: {  	_ =	swait.ge [sflag:s23], $0x1  }
0xa7: {  	[sflag:s23] =	ssyncset.done $0x0  }
0xa8: {  	s25 =	simm.s32 $0x1B8E;
	s24 =	sld [smem:$0x3FFE];
	[sflag:s23] =	ssyncadd.s32 $0xFFFFFFFF  }
0xa9: {  	s26 =	simm.s32 $execute0_lowered;
	[smem:$0x3FD2] =	sst s25  }
0xaa: {  	s9 =	sshll.u32 s26, $0x1;
	_ =	strace $0x80000046;
	[dreg:$0x1] =	wrdreg $0xFFFFFFFF  }
0xab: {  	s28 =	simm.s32 $_size_execute0_lowered;
	s7 =	sadd.s32 s7, s9;
	[dreg:$0x0] =	wrdreg $0x0  }
0xac: {  	s9 =	sshll.u32 s28, $0x1;
	[dreg:$0x2] =	wrdreg s7  }
0xad: {  	[dreg:$0x3] =	wrdreg s9  }
0xae: {  	[dreg:$0x4] =	wrdreg $0xC0  }
0xaf: {  	_ =	task [dreg:s11], $0x5FFFF  }
0xb0: {  	[dreg:$0x1] =	wrdreg $0xFFFFFFFF  }
0xb1: {  	[dreg:$0x0] =	wrdreg $0x60  }
0xb2: {  	[dreg:$0x2] =	wrdreg s2  }
0xb3: {  	[dreg:$0x3] =	wrdreg s18  }
0xb4: {  	[dreg:$0x4] =	wrdreg s4  }
0xb5: {  	[dreg:$0x5] =	wrdreg s5  }
0xb6: {  	[dreg:$0x6] =	wrdreg s24  }
0xb7: {  	[dreg:$0x7] =	wrdreg s6  }
0xb8: {  	[dreg:$0x8] =	wrdreg $0xA  }
0xb9: {  	_ =	task.clear_ibuf [dreg:s11], $0x9FFFF;
	_ =	strace $0x90000046  }
0xba: {  	s29 =	simm.s32 $0xA;
	_ =	strace $0x80000048  }
0xbb: {  	_ =	swait.ge [sflag:s29], $0x1  }
0xbc: {  	[sflag:s29] =	ssyncadd.s32 $0xFFFFFFFF  }
0xbd: {  	_ =	strace $0x90000048  }
0xbe: {  	_ =	sfence  }
0xbf: {  	s30 =	sld [smem:$0x0];
	_ =	sdelay $0x2  }
0xc0: {  	s31 =	sshll.u32 s1, $0xD;
	s1 =	sshrl.u32 s1, $0x2  }
0xc1: {  	s3 =	sand.u32 $0x4000, s31;
	s1 =	sadd.s32 s1, s30  }
0xc2: {  	s0 =	sor.u32 s3, s0;
	s1 =	sshll.u32 s1, $0x11  }
0xc3: {  	s0 =	sor.u32 s1, s0  }
0xc4: {  	s0 =	sadd.s32 $0x8F2B, s0  }
0xc5: {  	[sflag:s0] =	ssyncadd.remote.s32 $0x1  }
0xc6: {  	_ =	sfence.sel $0xFFFF  }
0xc7: {  	[dreg:$0x0] =	wrdreg $0xFFFFFFFF;
	(pc) =	sbr.abs _section_cstart, $3  }
0xc8: {  	[dreg:$0x1] =	wrdreg $0xFFFFFFFF  }
0xc9: {  	_ =	task.clear_ibuf [dreg:s11], $0x2FFFF;
	_ =	strace $0x9FFFFFFF  }
0xca: {  	(tm) =	ssettm $0x7FFFFFFF  }
0xcb: {  	_ =	shalt  }
tec
execute0_lowered:
.L_overlay_start_1:
0x0: {  	(tag) =	ssettag $0x1  }
0x1: {  	s4 =	rddreg [dreg:$0x0]  }
0x2: {  	s6 =	rddreg [dreg:$0x1]  }
0x3: {  	s8 =	rddreg [dreg:$0x2]  }
0x4: {  	s10 =	rddreg [dreg:$0x3];
	s1 =	srdreg.scid  }
0x5: {  	s21 =	rddreg [dreg:$0x4];
	s0 =	stileid.u32;
	s23 =	sand.u32 $0x1, s1  }
0x6: {  	s2 =	rddreg [dreg:$0x5];
	s5 =	sshll.u32 s0, $0xA;
	s7 =	sshll.u32 s23, $0x9  }
0x7: {  	s3 =	simm.s32 $0x0;
	s1 =	rddreg [dreg:$0x6];
	s15 =	sor.u32 s7, s5  }
0x8: {  	[smem:$0x7FF] =	sst s3;
	s11 =	sshrl.u32 s15, $0x3  }
0x9: {  	_ =	strace $0x80000047;
	s5 =	sadd.s32 s4, s11;
	s4 =	simm.s32 $0x2  }
0xa: {  	[tilespmem:s3], [sflag:$0x2] =	stream.linear.gather [hbm4b:s5+s3], $0x200, $0x38;
	[tilespmem:$0x10800] =	vst v63  }
0xb: {  	_ =	swait.ge [sflag:s4], $0x200  }
0xc: {  	[sflag:s4] =	ssyncset.done $0x0  }
0xd: {  	s7 =	simm.s32 $0x200;
	s6 =	sadd.s32 s6, s11;
	[sflag:s4] =	ssyncadd.s32 $0xFFFFFE00  }
0xe: {  	[tilespmem:s7], [sflag:$0x2] =	stream.linear.gather [hbm4b:s6+s3], $0x200, $0x38;
	[tilespmem:$0x10800] =	vst v63  }
0xf: {  	_ =	swait.ge [sflag:s4], $0x200  }
0x10: {  	[sflag:s4] =	ssyncset.done $0x0  }
0x11: {  	s9 =	simm.s32 $0x400;
	s8 =	sadd.s32 s8, s11;
	[sflag:s4] =	ssyncadd.s32 $0xFFFFFE00  }
0x12: {  	[tilespmem:s9], [sflag:$0x2] =	stream.linear.gather [hbm4b:s8+s3], $0x200, $0x38;
	[tilespmem:$0x10800] =	vst v63  }
0x13: {  	_ =	swait.ge [sflag:s4], $0x200  }
0x14: {  	[sflag:s4] =	ssyncset.done $0x0  }
0x15: {  	s10 =	sadd.s32 s10, s11;
	s11 =	simm.s32 $0x600;
	[sflag:s4] =	ssyncadd.s32 $0xFFFFFE00  }
0x16: {  	[tilespmem:s11], [sflag:$0x2] =	stream.linear.gather [hbm4b:s10+s3], $0x200, $0x38;
	[tilespmem:$0x10800] =	vst v63  }
0x17: {  	_ =	swait.ge [sflag:s4], $0x200  }
0x18: {  	s13 =	simm.s32 $0x800;
	[sflag:s4] =	ssyncset.done $0x0  }
0x19: {  	s14 =	simm.s32 $0x1;
	s12 =	sadd.s32 $0x2A00, s21;
	[sflag:s4] =	ssyncadd.s32 $0xFFFFFE00  }
0x1a: {  	[tilespmem:s13], [sflag:$0x1] =	stream.indirect.gather [hbm4b:s12+s7], $0x40, s3, s7, $0xb8;
	[tilespmem:$0x10800] =	vst v63  }
0x1b: {  	_ =	swait.ge [sflag:s14], $0x8000  }
0x1c: {  	s15 =	sshll.u32 s15, $0x5;
	[sflag:s14] =	ssyncset.done $0x0  }
0x1d: {  	s24 =	sadd.s32 s15, s21;
	s15 =	simm.s32 $0x8800;
	[sflag:s14] =	ssyncadd.s32 $0xFFFF8000  }
0x1e: {  	[tilespmem:s15], [sflag:$0x1] =	stream.indirect.gather [hbm4b:s2+s7], $0x40, s7, s7, $0xb8;
	[tilespmem:$0x10800] =	vst v63  }
0x1f: {  	s17 =	simm.s32 $0x40;
	s18 =	simm.s32 $0x100;
	s16 =	sadd.s32 $0x8E00, s24  }
0x20: {  	[hbm4b:s16+s17] =	stream.strided.scatter [tilespmem:s13], [sflag:$0x2], $0x8000, s18, s17, $0x38;
	[tilespmem:$0x10800] =	vst v63  }
0x21: {  	_ =	swait.ge [sflag:s4], $0x8000  }
0x22: {  	[sflag:s4] =	ssyncset.done $0x0  }
0x23: {  	[sflag:s4] =	ssyncadd.s32 $0xFFFF8000  }
0x24: {  	_ =	swait.ge [sflag:s14], $0x8000  }
0x25: {  	[sflag:s14] =	ssyncset.done $0x0  }
0x26: {  	s19 =	sadd.s32 $0x8A00, s21;
	[sflag:s14] =	ssyncadd.s32 $0xFFFF8000  }
0x27: {  	[tilespmem:s13], [sflag:$0x1] =	stream.indirect.gather [hbm4b:s19+s7], $0x40, s9, s7, $0xb8;
	[tilespmem:$0x10800] =	vst v63  }
0x28: {  	s20 =	sadd.s32 $0x8E08, s24  }
0x29: {  	[hbm4b:s20+s17] =	stream.strided.scatter [tilespmem:s15], [sflag:$0x2], $0x8000, s18, s17, $0x38;
	[tilespmem:$0x10800] =	vst v63  }
0x2a: {  	_ =	swait.ge [sflag:s4], $0x8000  }
0x2b: {  	[sflag:s4] =	ssyncset.done $0x0  }
0x2c: {  	[sflag:s4] =	ssyncadd.s32 $0xFFFF8000  }
0x2d: {  	_ =	swait.ge [sflag:s14], $0x8000  }
0x2e: {  	[sflag:s14] =	ssyncset.done $0x0  }
0x2f: {  	s21 =	sadd.s32 $0x6A00, s21;
	[sflag:s14] =	ssyncadd.s32 $0xFFFF8000  }
0x30: {  	[tilespmem:s15], [sflag:$0x1] =	stream.indirect.gather [hbm4b:s21+s7], $0x40, s11, s7, $0xb8;
	[tilespmem:$0x10800] =	vst v63  }
0x31: {  	s23 =	ssub.s32 $0x2, s23;
	s22 =	sadd.s32 $0x8E10, s24  }
0x32: {  	[hbm4b:s22+s17] =	stream.strided.scatter [tilespmem:s13], [sflag:$0x2], $0x8000, s18, s17, $0x38;
	[tilespmem:$0x10800] =	vst v63  }
0x33: {  	s25 =	sshrl.u32 s23, $0x1;
	_ =	swait.ge [sflag:s4], $0x8000  }
0x34: {  	s25 =	ssub.s32 s23, s25;
	[sflag:s4] =	ssyncset.done $0x0  }
0x35: {  	s31 =	smax.u32 s25, $0x1;
	[sflag:s4] =	ssyncadd.s32 $0xFFFF8000  }
0x36: {  	p0 =	sne.s32 s31, $0x1;
	_ =	swait.ge [sflag:s14], $0x8000  }
.Ltmp0:
0x37: {  	[sflag:s14] =	ssyncset.done $0x0;
	(pc) =	sbr.rel @!p0 .LBB2_2-.Ltmp0, $4  }
0x38: {  	s23 =	sadd.s32 $0x8E18, s24;
	[sflag:s14] =	ssyncadd.s32 $0xFFFF8000  }
0x39: {  	[hbm4b:s23+s17] =	stream.strided.scatter [tilespmem:s15], [sflag:$0x2], $0x8000, s18, s17, $0x38;
	[tilespmem:$0x10800] =	vst v63  }
0x3a: {  	_ =	swait.ge [sflag:s4], $0x8000  }
0x3b: {  	s24 =	sadd.s32 $0xFFFFFFFF, s31;
	[sflag:s4] =	ssyncset.done $0x0  }
.LBB2_1:
0x3c: {  	p0 =	sne.s32 s24, $0x1;
	s24 =	sadd.s32 $0xFFFFFFFF, s24;
	[sflag:s4] =	ssyncadd.s32 $0xFFFF8000  }
0x3d: {  	[tilespmem:s3], [sflag:$0x2] =	stream.linear.gather [hbm4b:s5+s3], $0x200, $0x38;
	[tilespmem:$0x10800] =	vst v63  }
0x3e: {  	_ =	swait.ge [sflag:s4], $0x200  }
0x3f: {  	[sflag:s4] =	ssyncset.done $0x0  }
0x40: {  	[sflag:s4] =	ssyncadd.s32 $0xFFFFFE00  }
0x41: {  	[tilespmem:s7], [sflag:$0x2] =	stream.linear.gather [hbm4b:s6+s3], $0x200, $0x38;
	[tilespmem:$0x10800] =	vst v63  }
0x42: {  	_ =	swait.ge [sflag:s4], $0x200  }
0x43: {  	[sflag:s4] =	ssyncset.done $0x0  }
0x44: {  	[sflag:s4] =	ssyncadd.s32 $0xFFFFFE00  }
0x45: {  	[tilespmem:s9], [sflag:$0x2] =	stream.linear.gather [hbm4b:s8+s3], $0x200, $0x38;
	[tilespmem:$0x10800] =	vst v63  }
0x46: {  	_ =	swait.ge [sflag:s4], $0x200  }
0x47: {  	[sflag:s4] =	ssyncset.done $0x0  }
0x48: {  	[sflag:s4] =	ssyncadd.s32 $0xFFFFFE00  }
0x49: {  	[tilespmem:s11], [sflag:$0x2] =	stream.linear.gather [hbm4b:s10+s3], $0x200, $0x38;
	[tilespmem:$0x10800] =	vst v63  }
0x4a: {  	_ =	swait.ge [sflag:s4], $0x200  }
0x4b: {  	[sflag:s4] =	ssyncset.done $0x0  }
0x4c: {  	[sflag:s4] =	ssyncadd.s32 $0xFFFFFE00  }
0x4d: {  	[tilespmem:s13], [sflag:$0x1] =	stream.indirect.gather [hbm4b:s12+s7], $0x40, s3, s7, $0xb8;
	[tilespmem:$0x10800] =	vst v63  }
0x4e: {  	_ =	swait.ge [sflag:s14], $0x8000  }
0x4f: {  	[sflag:s14] =	ssyncset.done $0x0  }
0x50: {  	[sflag:s14] =	ssyncadd.s32 $0xFFFF8000  }
0x51: {  	[tilespmem:s15], [sflag:$0x1] =	stream.indirect.gather [hbm4b:s2+s7], $0x40, s7, s7, $0xb8;
	[tilespmem:$0x10800] =	vst v63  }
0x52: {  	_ = 	snop  }
0x53: {  	[hbm4b:s16+s17] =	stream.strided.scatter [tilespmem:s13], [sflag:$0x2], $0x8000, s18, s17, $0x38;
	[tilespmem:$0x10800] =	vst v63  }
0x54: {  	_ =	swait.ge [sflag:s4], $0x8000  }
0x55: {  	[sflag:s4] =	ssyncset.done $0x0  }
0x56: {  	[sflag:s4] =	ssyncadd.s32 $0xFFFF8000  }
0x57: {  	_ =	swait.ge [sflag:s14], $0x8000  }
0x58: {  	[sflag:s14] =	ssyncset.done $0x0  }
0x59: {  	[sflag:s14] =	ssyncadd.s32 $0xFFFF8000  }
0x5a: {  	[tilespmem:s13], [sflag:$0x1] =	stream.indirect.gather [hbm4b:s19+s7], $0x40, s9, s7, $0xb8;
	[tilespmem:$0x10800] =	vst v63  }
0x5b: {  	_ = 	snop  }
0x5c: {  	[hbm4b:s20+s17] =	stream.strided.scatter [tilespmem:s15], [sflag:$0x2], $0x8000, s18, s17, $0x38;
	[tilespmem:$0x10800] =	vst v63  }
0x5d: {  	_ =	swait.ge [sflag:s4], $0x8000  }
0x5e: {  	[sflag:s4] =	ssyncset.done $0x0  }
0x5f: {  	[sflag:s4] =	ssyncadd.s32 $0xFFFF8000  }
0x60: {  	_ =	swait.ge [sflag:s14], $0x8000  }
0x61: {  	[sflag:s14] =	ssyncset.done $0x0  }
0x62: {  	[sflag:s14] =	ssyncadd.s32 $0xFFFF8000  }
0x63: {  	[tilespmem:s15], [sflag:$0x1] =	stream.indirect.gather [hbm4b:s21+s7], $0x40, s11, s7, $0xb8;
	[tilespmem:$0x10800] =	vst v63  }
0x64: {  	_ = 	snop  }
0x65: {  	[hbm4b:s22+s17] =	stream.strided.scatter [tilespmem:s13], [sflag:$0x2], $0x8000, s18, s17, $0x38;
	[tilespmem:$0x10800] =	vst v63  }
0x66: {  	_ =	swait.ge [sflag:s4], $0x8000  }
0x67: {  	[sflag:s4] =	ssyncset.done $0x0  }
0x68: {  	[sflag:s4] =	ssyncadd.s32 $0xFFFF8000  }
0x69: {  	_ =	swait.ge [sflag:s14], $0x8000  }
.Ltmp1:
0x6a: {  	[sflag:s14] =	ssyncset.done $0x0;
	(pc) =	sbr.rel @p0 .LBB2_1-.Ltmp1, $4  }
0x6b: {  	[sflag:s14] =	ssyncadd.s32 $0xFFFF8000  }
0x6c: {  	[hbm4b:s23+s17] =	stream.strided.scatter [tilespmem:s15], [sflag:$0x2], $0x8000, s18, s17, $0x38;
	[tilespmem:$0x10800] =	vst v63  }
0x6d: {  	_ =	swait.ge [sflag:s4], $0x8000  }
0x6e: {  	[sflag:s4] =	ssyncset.done $0x0  }
.LBB2_2:
0x6f: {  	[sflag:s4] =	ssyncadd.s32 $0xFFFF8000  }
0x70: {  	_ =	sfence.sel $0x180000  }
0x71: {  	[bflag:$0x0] =	sbarrier.arrive $0xFFFF  }
0x72: {  	p0 =	sne.s32 s0, $0x0;
	_ =	strace $0x90000047  }
0x73: {  	s0 =	sadd.s32 @!p0 $0x100000, s1;
	[bflag:$0x2] =	sbarrier.arrive $0xFFFF  }
0x74: {  	[sflag:s0] =	ssyncadd.tile.s32 @!p0 $0x1;
	_ =	shalt  }
.Lfunc_end2:
_tile_overlayer_lowered:
.L_overlay_start_2:
0x75: {  	(tag) =	ssettag $0x2  }
0x76: {  	s0 =	rddreg [dreg:$0x0];
	s2 =	stileid.u32  }
0x77: {  	s1 =	rddreg [dreg:$0x1];
	p0 =	sne.s32 s2, $0x0  }
0x78: {  	s3 =	rddreg [dreg:$0x2];
	[bflag:$0x3] =	sbarrier.arrive $0xFFFF;
	s2 =	simm.s32 @!p0 $0x1C02  }
0x79: {  	[timem:s3], [sflag:s2] =	dma.local @!p0 [hbm:s0], s1  }
0x7a: {  	s0 =	simm.s32 @!p0 $0x2  }
0x7b: {  	_ =	swait.ge @!p0 [sflag:s0], s1  }
0x7c: {  	s1 =	ssub.s32 @!p0 $0x0, s1;
	[sflag:s0] =	ssyncset.done @!p0 $0x0  }
0x7d: {  	[sflag:s0] =	ssyncadd.s32 @!p0 s1  }
0x7e: {  	[bflag:$0x3] =	sbarrier.arrive $0xFFFF  }
0x7f: {  	_ =	shalt  }

// kernel: user_field.3.cloned.1.call-start
scs
__scs_entry_jumppad:
0x0: {  	(pc) =	sbr.rel $0x88, $3  }
0x1: {  	(tag) =	ssettag $0x0;
	lr =	simm.s32 $0x1  }
0x2: {  	[smem:$0x3F97] =	sst lr;
	_ =	strace $0xD0000000  }
0x3: {  	_ = 	snop  }
0x4: {  	_ = 	snop  }
0x5: {  	_ = 	snop  }
0x6: {  	_ = 	snop  }
0x7: {  	_ = 	snop  }
__scs_overlays_trampoline_lowered:
0x8: {  	[smem:$0x3FA6] =	sst s0  }
0x9: {  	[smem:$0x3FA7] =	sst s1  }
0xa: {  	[smem:$0x3FA8] =	sst s2  }
0xb: {  	[smem:$0x3FA9] =	sst s3  }
0xc: {  	[smem:$0x3FAA] =	sst s4  }
0xd: {  	[smem:$0x3FAB] =	sst s5  }
0xe: {  	[smem:$0x3FAC] =	sst s6  }
0xf: {  	[smem:$0x3FAD] =	sst s7  }
0x10: {  	[smem:$0x3FAE] =	sst s8  }
0x11: {  	[smem:$0x3FAF] =	sst s9;
	s0 =	simm.s32 @!p0 $0x0  }
0x12: {  	s1 =	sld [smem:$0x3F95];
	s0 =	simm.s32 @p0 $0x1  }
0x13: {  	[smem:$0x3FB0] =	sst s0;
	s0 =	simm.s32 @!p1 $0x0  }
0x14: {  	s2 =	sld [smem:$0x3F94];
	s0 =	simm.s32 @p1 $0x1  }
0x15: {  	[smem:$0x3FB1] =	sst s0;
	s0 =	simm.s32 @!p2 $0x0  }
0x16: {  	s3 =	sld [smem:$0x3FDB];
	s0 =	simm.s32 @p2 $0x1  }
0x17: {  	s4 =	simm.s32 $0x1BF5;
	[smem:$0x3FB3] =	sst s0  }
0x18: {  	s0 =	sld [smem:$0x3F96];
	_ =	swait.ge [sflag:s4], $0x0  }
0x19: {  	s7 =	sld [smem:$0x3F97]  }
0x1a: {  	s8 =	sadd.s32 $0xFFFFE003, lr  }
0x1b: {  	s9 =	sadd.s32 $0xFFFFFEF7, lr;
	s5 =	simm.s32 $0xFFFFFFFF;
	p2 =	slt.u32 s8, $0xFFFFF086  }
0x1c: {  	p1 =	slt.u32 s9, $0xF7A;
	s5 =	simm.s32 @!p2 $0x0  }
0x1d: {  	s5 =	simm.s32 @p1 $0x1;
	p0 =	seq.s32 s7, s2  }
0x1e: {  	s7 =	smul.u32 @!p0 $0xF7A, s2;
	p2 =	seq.s32 @!p0 s5, $0x0  }
0x1f: {  	s9 =	smul.u32 $0xF7A, s1;
	s8 =	simm.s32 @!p0 $0x1BF5;
	p2 =	por !p2, p0  }
0x20: {  	[sflag:s8] =	ssyncset.s32 @!p0 $0xFFFFF086;
	s6 =	sadd.s32 @!p0 s3, s7;
	s7 =	simm.s32 @!p0 $0x108  }
0x21: {  	s3 =	sadd.s32 s3, s9;
	s6 =	sadd.s32 @!p0 $0x88, s6;
	s7 =	simm.s32 @p2 $0x1082  }
0x22: {  	[simem:s7], [sflag:s8] =	dma.local @!p0 [hbm:s6], $0xF7A  }
0x23: {  	s9 =	sor.u32 $0xD0000000, s2;
	s6 =	simm.s32 $0x108;
	_ =	swait.ge @!p0 [sflag:s8], $0x0  }
0x24: {  	s3 =	sadd.s32 $0x88, s3;
	s6 =	simm.s32 @!p1 $0x1082;
	[sflag:s4] =	ssyncset.s32 $0xFFFFF086  }
0x25: {  	[simem:s6], [sflag:s4] =	dma.local [hbm:s3], $0xF7A  }
0x26: {  	[smem:$0x3F97] =	sst s1;
	(tag) =	ssettag s2;
	_ =	strace s9  }
0x27: {  	s1 =	sld [smem:$0x3FA7]  }
0x28: {  	s2 =	sld [smem:$0x3FA8]  }
0x29: {  	s4 =	sld [smem:$0x3FAA]  }
0x2a: {  	p0 =	seq.s32 s5, $0x0;
	s5 =	sld [smem:$0x3FAB]  }
0x2b: {  	s6 =	sld [smem:$0x3FAC]  }
0x2c: {  	s7 =	sld [smem:$0x3FAD]  }
0x2d: {  	s3 =	simm.s32 $0x108;
	s8 =	sld [smem:$0x3FAE]  }
0x2e: {  	s3 =	simm.s32 @!p0 $0x1082;
	s9 =	sld [smem:$0x3FAF]  }
0x2f: {  	lr =	sadd.s32 s0, s3;
	s0 =	sld [smem:$0x3FA6]  }
0x30: {  	s3 =	sld [smem:$0x3FA9]  }
0x31: {  	[smem:$0x3FB2] =	sst s10  }
0x32: {  	s10 =	sld [smem:$0x3FB0];
	_ =	sdelay $0x3  }
0x33: {  	p0 =	seq.s32 s10, $0x1;
	s10 =	sld [smem:$0x3FB2];
	_ =	sdelay $0x3  }
0x34: {  	[smem:$0x3FB2] =	sst s10  }
0x35: {  	s10 =	sld [smem:$0x3FB1];
	_ =	sdelay $0x3  }
0x36: {  	p1 =	seq.s32 s10, $0x1;
	s10 =	sld [smem:$0x3FB2];
	_ =	sdelay $0x3  }
0x37: {  	[smem:$0x3FB2] =	sst s10  }
0x38: {  	s10 =	sld [smem:$0x3FB3]  }
0x39: {  	_ = 	snop;
	(pc) =	sbr.ind lr, $3  }
0x3a: {  	_ = 	snop  }
0x3b: {  	_ = 	snop  }
0x3c: {  	p2 =	seq.s32 s10, $0x1;
	s10 =	sld [smem:$0x3FB2]  }
0x3d: {  	_ =	shalt  }
0x3e: {  	_ =	shalt  }
0x3f: {  	_ =	shalt  }
0x40: {  	_ =	shalt  }
0x41: {  	_ =	shalt  }
0x42: {  	_ =	shalt  }
0x43: {  	_ =	shalt  }
0x44: {  	_ =	shalt  }
0x45: {  	_ =	shalt  }
0x46: {  	_ =	shalt  }
0x47: {  	_ =	shalt  }
0x48: {  	_ =	shalt  }
0x49: {  	_ =	shalt  }
0x4a: {  	_ =	shalt  }
0x4b: {  	_ =	shalt  }
0x4c: {  	_ =	shalt  }
0x4d: {  	_ =	shalt  }
0x4e: {  	_ =	shalt  }
0x4f: {  	_ =	shalt  }
0x50: {  	_ =	shalt  }
0x51: {  	_ =	shalt  }
0x52: {  	_ =	shalt  }
0x53: {  	_ =	shalt  }
0x54: {  	_ =	shalt  }
0x55: {  	_ =	shalt  }
0x56: {  	_ =	shalt  }
0x57: {  	_ =	shalt  }
0x58: {  	_ =	shalt  }
0x59: {  	_ =	shalt  }
0x5a: {  	_ =	shalt  }
0x5b: {  	_ =	shalt  }
0x5c: {  	_ =	shalt  }
0x5d: {  	_ =	shalt  }
0x5e: {  	_ =	shalt  }
0x5f: {  	_ =	shalt  }
0x60: {  	_ =	shalt  }
0x61: {  	_ =	shalt  }
0x62: {  	_ =	shalt  }
0x63: {  	_ =	shalt  }
0x64: {  	_ =	shalt  }
0x65: {  	_ =	shalt  }
0x66: {  	_ =	shalt  }
0x67: {  	_ =	shalt  }
0x68: {  	_ =	shalt  }
0x69: {  	_ =	shalt  }
0x6a: {  	_ =	shalt  }
0x6b: {  	_ =	shalt  }
0x6c: {  	_ =	shalt  }
0x6d: {  	_ =	shalt  }
0x6e: {  	_ =	shalt  }
0x6f: {  	_ =	shalt  }
0x70: {  	_ =	shalt  }
0x71: {  	_ =	shalt  }
0x72: {  	_ =	shalt  }
0x73: {  	_ =	shalt  }
0x74: {  	_ =	shalt  }
0x75: {  	_ =	shalt  }
0x76: {  	_ =	shalt  }
0x77: {  	_ =	shalt  }
0x78: {  	_ =	shalt  }
0x79: {  	_ =	shalt  }
0x7a: {  	_ =	shalt  }
0x7b: {  	_ =	shalt  }
0x7c: {  	_ =	shalt  }
0x7d: {  	_ =	shalt  }
0x7e: {  	_ =	shalt  }
0x7f: {  	_ =	shalt  }
0x80: {  	_ =	shalt  }
0x81: {  	_ =	shalt  }
0x82: {  	_ =	shalt  }
0x83: {  	_ =	shalt  }
0x84: {  	_ =	shalt  }
0x85: {  	_ =	shalt  }
0x86: {  	_ =	shalt  }
0x87: {  	_ =	shalt  }
.Lfunc_end0:
.L_simem_size_0:
called_computation_lowered:
.L_overlay_start_0:
0x88: {  	s2 =	sld [smem:$0x3FD9]  }
0x89: {  	s3 =	sld [smem:$0x3FFE];
	_ =	sdelay $0x1  }
0x8a: {  	s1 =	srdreg.scid  }
0x8b: {  	s0 =	sand.u32 $0x1, s1  }
0x8c: {  	s17 =	sshll.u32 s0, $0xA;
	s2 =	sadd.s32 s3, s2  }
0x8d: {  	s2 =	sadd.s32 s2, s17  }
0x8e: {  	[smem:$0x3FBE] =	sst s2  }
0x8f: {  	_ = 	snop  }
0x90: {  	s18 =	sld [smem:$0x3FC9];
	(tm) =	ssettm $0x1  }
0x91: {  	s19 =	sld [smem:$0x3FFB];
	_ =	sdelay $0x3  }
0x92: {  	_ =	strace s19  }
0x93: {  	s2 =	sld [smem:$0x3FFC];
	_ =	sdelay $0x3  }
0x94: {  	_ =	strace s2  }
0x95: {  	s2 =	sld [smem:$0x3FFD];
	_ =	sdelay $0x3  }
0x96: {  	_ =	strace s2  }
0x97: {  	_ =	strace $0x8FFFFFFF  }
0x98: {  	s20 =	sld [smem:$0x3FDB];
	_ =	sdelay $0x1  }
0x99: {  	s4 =	simm.s32 $_scs_section_size  }
0x9a: {  	s5 =	simm.s32 $_size__tile_overlayer_lowered;
	s6 =	simm.s32 $_tile_overlayer_lowered  }
0x9b: {  	s7 =	simm.s32 $0x1BFF;
	s21 =	sshll.u32 s6, $0x1;
	s4 =	sadd.s32 s4, s20  }
0x9c: {  	s22 =	simm.s32 $0x0;
	s5 =	sshll.u32 s5, $0x1;
	s6 =	sadd.s32 s21, s4  }
0x9d: {  	[timem:s22], [sflag:s7] =	dma.local [hbm:s6], s5  }
0x9e: {  	_ =	swait.ge [sflag:s7], s5  }
0x9f: {  	s5 =	ssub.s32 $0x0, s5;
	[sflag:s7] =	ssyncset.done $0x0  }
0xa0: {  	[sflag:s7] =	ssyncadd.s32 s5;
	_ =	sdelay $0x1  }
0xa1: {  	s23 =	simm.s32 $0x1B8B  }
0xa2: {  	_ =	swait.ge [sflag:s23], $0x1  }
0xa3: {  	[sflag:s23] =	ssyncset.done $0x0  }
0xa4: {  	[sflag:s23] =	ssyncadd.s32 $0xFFFFFFFF  }
0xa5: {  	s5 =	sld [smem:$0x0]  }
0xa6: {  	s6 =	sand.u32 $0xFFFFFFFE, s1  }
0xa7: {  	p0 =	sne.s32 s1, s6  }
0xa8: {  	s6 =	sshll.u32 @p0 s6, $0xE  }
0xa9: {  	s6 =	sadd.s32 @p0 $0x11B8D, s6;
	s7 =	sshll.u32 @p0 s5, $0x11  }
0xaa: {  	s6 =	sor.u32 @p0 s7, s6  }
0xab: {  	[sflag:s6] =	ssyncadd.remote.s32 @p0 $0x1;
	_ =	sdelay $0x1  }
0xac: {  	s6 =	simm.s32 @p0 $0x1B8D  }
0xad: {  	_ =	swait.eq @p0 [sflag:s6], $0x1  }
0xae: {  	[sflag:s6] =	ssyncadd.s32 @p0 $0xFFFFFFFF  }
0xaf: {  	s7 =	sshll.u32 @!p0 s1, $0xE  }
0xb0: {  	s7 =	sor.u32 @!p0 $0x4000, s7;
	s6 =	simm.s32 @!p0 $0x1B8D  }
0xb1: {  	s5 =	sshll.u32 @!p0 s5, $0x11;
	s7 =	sadd.s32 @!p0 $0x11B8D, s7;
	_ =	swait.eq @!p0 [sflag:s6], $0x1  }
0xb2: {  	s5 =	sor.u32 @!p0 s5, s7;
	[sflag:s6] =	ssyncadd.s32 @!p0 $0xFFFFFFFF  }
0xb3: {  	s25 =	simm.s32 $0x1B8E;
	s24 =	sld [smem:$0x3FFE];
	[sflag:s5] =	ssyncadd.remote.s32 @!p0 $0x1  }
0xb4: {  	s26 =	simm.s32 $execute0_lowered;
	[smem:$0x3FD2] =	sst s25  }
0xb5: {  	s6 =	sshll.u32 s26, $0x1;
	_ =	strace $0x80000049;
	[dreg:$0x1] =	wrdreg $0xFFFFFFFF  }
0xb6: {  	s28 =	simm.s32 $_size_execute0_lowered;
	s4 =	sadd.s32 s4, s6;
	[dreg:$0x0] =	wrdreg $0x0  }
0xb7: {  	s6 =	sshll.u32 s28, $0x1;
	[dreg:$0x2] =	wrdreg s4  }
0xb8: {  	[dreg:$0x3] =	wrdreg s6  }
0xb9: {  	[dreg:$0x4] =	wrdreg $0xC0  }
0xba: {  	_ =	task [dreg:s22], $0x5FFFF  }
0xbb: {  	[dreg:$0x1] =	wrdreg $0xFFFFFFFF  }
0xbc: {  	[dreg:$0x0] =	wrdreg $0x60  }
0xbd: {  	[dreg:$0x2] =	wrdreg s18  }
0xbe: {  	[dreg:$0x3] =	wrdreg s24  }
0xbf: {  	[dreg:$0x4] =	wrdreg $0x9  }
0xc0: {  	_ =	task.clear_ibuf [dreg:s22], $0x5FFFF;
	_ =	strace $0x90000049  }
0xc1: {  	s29 =	simm.s32 $0x9;
	_ =	strace $0x8000004B  }
0xc2: {  	_ =	swait.ge [sflag:s29], $0x1  }
0xc3: {  	[sflag:s29] =	ssyncadd.s32 $0xFFFFFFFF  }
0xc4: {  	_ =	strace $0x9000004B  }
0xc5: {  	_ =	sfence  }
0xc6: {  	s30 =	sld [smem:$0x0];
	_ =	sdelay $0x2  }
0xc7: {  	s31 =	sshll.u32 s1, $0xD;
	s1 =	sshrl.u32 s1, $0x2  }
0xc8: {  	s4 =	sand.u32 $0x4000, s31;
	s1 =	sadd.s32 s1, s30  }
0xc9: {  	s0 =	sor.u32 s4, s0;
	s1 =	sshll.u32 s1, $0x11  }
0xca: {  	s0 =	sor.u32 s1, s0  }
0xcb: {  	s0 =	sadd.s32 $0x8F2B, s0  }
0xcc: {  	[sflag:s0] =	ssyncadd.remote.s32 $0x1  }
0xcd: {  	_ =	sfence.sel $0xFFFF  }
0xce: {  	[dreg:$0x0] =	wrdreg $0xFFFFFFFF;
	(pc) =	sbr.abs _section_cstart, $3  }
0xcf: {  	[dreg:$0x1] =	wrdreg $0xFFFFFFFF  }
0xd0: {  	_ =	task.clear_ibuf [dreg:s22], $0x2FFFF;
	_ =	strace $0x9FFFFFFF  }
0xd1: {  	(tm) =	ssettm $0x7FFFFFFF  }
tec
execute0_lowered:
.L_overlay_start_1:
0x0: {  	(tag) =	ssettag $0x1  }
0x1: {  	s4 =	rddreg [dreg:$0x0]  }
0x2: {  	s5 =	rddreg [dreg:$0x1];
	s3 =	srdreg.scid  }
0x3: {  	s2 =	simm.s32 $0x0;
	s0 =	stileid.u32;
	s10 =	simm.s32 $0x3  }
0x4: {  	s11 =	simm.s32 $0x1;
	s13 =	simm.s32 $0x2;
	s15 =	simm.s32 $0x0  }
0x5: {  	s3 =	sand.u32 $0x1, s3;
	[smem:$0x7FF] =	sst s2;
	s6 =	sshll.u32 s0, $0xA  }
0x6: {  	s7 =	sshll.u32 s3, $0x9;
	_ =	strace $0x8000004A;
	s28 =	ssub.s32 $0x2, s3  }
0x7: {  	s3 =	sadd.s32 $0x88E00, s5;
	s6 =	sor.u32 s7, s6;
	s9 =	sshrl.u32 s28, $0x1  }
0x8: {  	s8 =	sshll.u32 s6, $0x4;
	s9 =	ssub.s32 s28, s9;
	s29 =	sshrl.u32 s6, $0x3  }
0x9: {  	s8 =	sadd.s32 s8, s5;
	s30 =	sadd.s32 s4, s29;
	s9 =	smax.u32 s9, $0x1  }
0xa: {  	[dreg:$0x3] =	wrdreg s30;
	s31 =	sadd.s32 $0x20FA00, s8;
	s6 =	sadd.s32 $0x210200, s8  }
0xb: {  	s7 =	sadd.s32 $0x210A00, s8;
	s8 =	sadd.s32 $0x211200, s8;
	[dreg:$0x4] =	wrdreg s31  }
.LBB2_1:
0xc: {  	s0 =	rddreg [dreg:$0x3]  }
0xd: {  	[tilespmem:s2], [sflag:$0x3] =	stream.linear.gather [hbm4b:s0+s2], $0x200, $0x38;
	[tilespmem:$0x8200] =	vst v63  }
0xe: {  	_ =	swait.ge [sflag:s10], $0x200  }
0xf: {  	[sflag:s10] =	ssyncset.done $0x0  }
0x10: {  	[sflag:s10] =	ssyncadd.s32 $0xFFFFFE00  }
0x11: {  	v0 =	vld [tilespmem:s2+$0x0];
	_ =	sdelay $0x4  }
0x12: {  	v0 =	vshll.u32 v0, $0x4  }
0x13: {  	(v2sf) =	vpush v0, $0x0  }
0x14: {  	(v2sf) =	vpush v0, $0x1  }
0x15: {  	(v2sf) =	vpush v0, $0x2;
	_ =	sdelay $0x1  }
0x16: {  	(v2sf) =	vpush v0, $0x4;
	_ =	sdelay $0x1  }
0x17: {  	(v2sf) =	vpush v0, $0x3  }
0x18: {  	(v2sf) =	vpush v0, $0x5  }
0x19: {  	s18 =	simm.s32 $0x2000;
	s17 =	simm.s32 $0x0;
	s19 =	simm.s32 $0x0;
	(v2sf) =	vpush v0, $0x6  }
.LBB2_2:
0x1a: {  	p0 =	sne.s32 s18, $0xE000  }
0x1b: {  	s30 =	sadd.s32 $0x280, s17;
	s23 =	sadd.s32 $0x780, s17;
	s20 =	smov.u32 s18  }
0x1c: {  	s18 =	sadd.s32 $0x2000, s18;
	s26 =	sadd.s32 $0x580, s17;
	s21 =	sadd.s32 $0x800, s17;
	(v2sf) =	vpush v0, $0x7  }
0x1d: {  	s29 =	sadd.s32 $0x480, s17;
	s24 =	sadd.s32 $0x600, s17;
	s22 =	sadd.s32 $0x880, s17  }
0x1e: {  	s31 =	sadd.s32 $0x200, s17;
	s0 =	sadd.s32 $0x400, s17;
	(v2sf) =	vpush v0, $0x8  }
0x1f: {  	s16 =	simm.s32 $0x0;
	s1 =	sadd.s32 $0x500, s17;
	s19 =	sadd.s32 $0x10, s19  }
0x20: {  	s12 =	sadd.s32 $0x300, s17;
	s25 =	sadd.s32 $0x700, s17;
	s28 =	spop (v2sf);
	(v2sf) =	vpush v0, $0x9  }
0x21: {  	s14 =	sand.u32 $0x1FFFFFF0, s28;
	s28 =	sadd.s32 $0x680, s17;
	s4 =	spop (v2sf)  }
0x22: {  	s14 =	sadd.s32 s3, s14;
	s4 =	sand.u32 $0x1FFFFFF0, s4;
	s5 =	spop (v2sf);
	(v2sf) =	vpush v0, $0xA  }
0x23: {  	[tilespmem:s31], [sflag:$0x1] =	stream.linear.gather [hbm4b:s14+s16], $0x80, $0x38;
	[tilespmem:$0x8200] =	vst v63  }
0x24: {  	s4 =	sadd.s32 s3, s4;
	s14 =	sadd.s32 $0x380, s17;
	s31 =	spop (v2sf);
	(v2sf) =	vpush v0, $0xB  }
0x25: {  	[tilespmem:s30], [sflag:$0x1] =	stream.linear.gather [hbm4b:s4+s16], $0x80, $0x38;
	[tilespmem:$0x8200] =	vst v63  }
0x26: {  	s4 =	sand.u32 $0x1FFFFFF0, s5;
	s5 =	sand.u32 $0x1FFFFFF0, s31;
	s30 =	spop (v2sf);
	(v2sf) =	vpush v0, $0xC  }
0x27: {  	s4 =	sadd.s32 s3, s4;
	s30 =	sand.u32 $0x1FFFFFF0, s30;
	s31 =	spop (v2sf)  }
0x28: {  	[tilespmem:s12], [sflag:$0x1] =	stream.linear.gather [hbm4b:s4+s16], $0x80, $0x38;
	(v2sf) =	vpush v0, $0xD;
	[tilespmem:$0x8200] =	vst v63  }
0x29: {  	s4 =	sadd.s32 s3, s30;
	s12 =	sand.u32 $0x1FFFFFF0, s31;
	s30 =	spop (v2sf)  }
0x2a: {  	[tilespmem:s14], [sflag:$0x1] =	stream.linear.gather [hbm4b:s4+s16], $0x80, $0x38;
	(v2sf) =	vpush v0, $0xE;
	[tilespmem:$0x8200] =	vst v63  }
0x2b: {  	s4 =	sadd.s32 s3, s5;
	s5 =	sand.u32 $0x1FFFFFF0, s30;
	s14 =	spop (v2sf)  }
0x2c: {  	[tilespmem:s0], [sflag:$0x1] =	stream.linear.gather [hbm4b:s4+s16], $0x80, $0x38;
	(v2sf) =	vpush v0, $0xF;
	[tilespmem:$0x8200] =	vst v63  }
0x2d: {  	s0 =	sadd.s32 s3, s12;
	s4 =	sand.u32 $0x1FFFFFF0, s14;
	s12 =	spop (v2sf)  }
0x2e: {  	[tilespmem:s29], [sflag:$0x1] =	stream.linear.gather [hbm4b:s0+s16], $0x80, $0x38;
	[tilespmem:$0x8200] =	vst v63  }
0x2f: {  	s0 =	sadd.s32 s3, s5;
	s5 =	sand.u32 $0x1FFFFFF0, s12;
	s12 =	spop (v2sf)  }
0x30: {  	[tilespmem:s1], [sflag:$0x1] =	stream.linear.gather [hbm4b:s0+s16], $0x80, $0x38;
	[tilespmem:$0x8200] =	vst v63  }
0x31: {  	s0 =	sadd.s32 s3, s4;
	s1 =	sand.u32 $0x1FFFFFF0, s12;
	s4 =	spop (v2sf)  }
0x32: {  	[tilespmem:s26], [sflag:$0x1] =	stream.linear.gather [hbm4b:s0+s16], $0x80, $0x38;
	[tilespmem:$0x8200] =	vst v63  }
0x33: {  	s0 =	sadd.s32 s3, s5;
	s4 =	sand.u32 $0x1FFFFFF0, s4;
	s5 =	spop (v2sf)  }
0x34: {  	[tilespmem:s24], [sflag:$0x1] =	stream.linear.gather [hbm4b:s0+s16], $0x80, $0x38;
	[tilespmem:$0x8200] =	vst v63  }
0x35: {  	s0 =	sadd.s32 s3, s1;
	s1 =	sand.u32 $0x1FFFFFF0, s5;
	s5 =	spop (v2sf)  }
0x36: {  	[tilespmem:s28], [sflag:$0x1] =	stream.linear.gather [hbm4b:s0+s16], $0x80, $0x38;
	[tilespmem:$0x8200] =	vst v63  }
0x37: {  	s0 =	sadd.s32 s3, s4;
	s4 =	sand.u32 $0x1FFFFFF0, s5;
	s5 =	spop (v2sf)  }
0x38: {  	[tilespmem:s25], [sflag:$0x1] =	stream.linear.gather [hbm4b:s0+s16], $0x80, $0x38;
	[tilespmem:$0x8200] =	vst v63  }
0x39: {  	s0 =	sadd.s32 s3, s1;
	s1 =	sand.u32 $0x1FFFFFF0, s5;
	s5 =	spop (v2sf)  }
0x3a: {  	[tilespmem:s23], [sflag:$0x1] =	stream.linear.gather [hbm4b:s0+s16], $0x80, $0x38;
	[tilespmem:$0x8200] =	vst v63  }
0x3b: {  	s0 =	sadd.s32 s3, s4;
	s4 =	sand.u32 $0x1FFFFFF0, s5;
	s5 =	spop (v2sf)  }
0x3c: {  	[tilespmem:s21], [sflag:$0x1] =	stream.linear.gather [hbm4b:s0+s16], $0x80, $0x38;
	[tilespmem:$0x8200] =	vst v63  }
0x3d: {  	s0 =	sadd.s32 s3, s1;
	s1 =	sand.u32 $0x1FFFFFF0, s5  }
0x3e: {  	[tilespmem:s22], [sflag:$0x1] =	stream.linear.gather [hbm4b:s0+s16], $0x80, $0x38;
	[tilespmem:$0x8200] =	vst v63  }
0x3f: {  	s4 =	sadd.s32 s3, s4;
	s0 =	sadd.s32 $0x900, s17  }
0x40: {  	[tilespmem:s0], [sflag:$0x1] =	stream.linear.gather [hbm4b:s4+s16], $0x80, $0x38;
	[tilespmem:$0x8200] =	vst v63  }
0x41: {  	s1 =	sadd.s32 s3, s1;
	s0 =	sadd.s32 $0x980, s17  }
0x42: {  	[tilespmem:s0], [sflag:$0x1] =	stream.linear.gather [hbm4b:s1+s16], $0x80, $0x38;
	[tilespmem:$0x8200] =	vst v63  }
0x43: {  	v0 =	vld [tilespmem:s19+$0x0];
	_ =	sdelay $0x4  }
0x44: {  	v0 =	vshll.u32 v0, $0x4  }
0x45: {  	(v2sf) =	vpush v0, $0x0  }
0x46: {  	(v2sf) =	vpush v0, $0x1  }
0x47: {  	(v2sf) =	vpush v0, $0x2;
	_ =	sdelay $0x1  }
0x48: {  	(v2sf) =	vpush v0, $0x4  }
.Ltmp0:
0x49: {  	(pc) =	sbr.rel @p0 .LBB2_2-.Ltmp0, $3  }
0x4a: {  	(v2sf) =	vpush v0, $0x3  }
0x4b: {  	(v2sf) =	vpush v0, $0x5;
	_ =	sdelay $0x1  }
0x4c: {  	s17 =	sshra.s32 s20, $0x2;
	(v2sf) =	vpush v0, $0x6  }
0x4d: {  	_ =	sdelay $0x1  }
0x4e: {  	s0 =	sadd.s32 $0x280, s17;
	s20 =	sadd.s32 $0x780, s17  }
0x4f: {  	s1 =	sadd.s32 $0x580, s17;
	s18 =	sadd.s32 $0x800, s17;
	(v2sf) =	vpush v0, $0x7;
	s4 =	sadd.s32 $0x480, s17  }
0x50: {  	s5 =	sadd.s32 $0x600, s17;
	s19 =	sadd.s32 $0x880, s17;
	s12 =	sadd.s32 $0x200, s17  }
0x51: {  	s14 =	sadd.s32 $0x400, s17;
	s21 =	sadd.s32 $0x500, s17;
	(v2sf) =	vpush v0, $0x8;
	s22 =	spop (v2sf)  }
0x52: {  	s23 =	sadd.s32 $0x300, s17;
	s22 =	sand.u32 $0x1FFFFFF0, s22;
	s24 =	spop (v2sf)  }
0x53: {  	(v2sf) =	vpush v0, $0x9;
	s22 =	sadd.s32 s3, s22;
	s24 =	sand.u32 $0x1FFFFFF0, s24;
	s25 =	spop (v2sf)  }
0x54: {  	[tilespmem:s12], [sflag:$0x1] =	stream.linear.gather [hbm4b:s22+s16], $0x80, $0x38;
	[tilespmem:$0x8200] =	vst v63  }
0x55: {  	(v2sf) =	vpush v0, $0xA;
	s26 =	sadd.s32 s3, s24;
	s29 =	sand.u32 $0x1FFFFFF0, s25;
	s28 =	spop (v2sf)  }
0x56: {  	[tilespmem:s0], [sflag:$0x1] =	stream.linear.gather [hbm4b:s26+s16], $0x80, $0x38;
	[tilespmem:$0x8200] =	vst v63  }
0x57: {  	s12 =	sadd.s32 $0x700, s17;
	(v2sf) =	vpush v0, $0xB;
	s22 =	sadd.s32 s3, s29;
	s30 =	spop (v2sf)  }
0x58: {  	s0 =	sadd.s32 $0x680, s17;
	s26 =	sadd.s32 $0x380, s17;
	s25 =	sand.u32 $0x1FFFFFF0, s30  }
0x59: {  	(v2sf) =	vpush v0, $0xC;
	[tilespmem:s23], [sflag:$0x1] =	stream.linear.gather [hbm4b:s22+s16], $0x80, $0x38;
	[tilespmem:$0x8200] =	vst v63  }
0x5a: {  	s31 =	sand.u32 $0x1FFFFFF0, s28;
	s28 =	spop (v2sf);
	s29 =	sadd.s32 s3, s25  }
0x5b: {  	(v2sf) =	vpush v0, $0xD;
	[tilespmem:s26], [sflag:$0x1] =	stream.linear.gather [hbm4b:s29+s16], $0x80, $0x38;
	[tilespmem:$0x8200] =	vst v63  }
0x5c: {  	s22 =	sadd.s32 s3, s31;
	s23 =	sand.u32 $0x1FFFFFF0, s28;
	s30 =	spop (v2sf)  }
0x5d: {  	(v2sf) =	vpush v0, $0xE;
	[tilespmem:s14], [sflag:$0x1] =	stream.linear.gather [hbm4b:s22+s16], $0x80, $0x38;
	[tilespmem:$0x8200] =	vst v63  }
0x5e: {  	s23 =	sadd.s32 s3, s23;
	s31 =	sand.u32 $0x1FFFFFF0, s30;
	s24 =	spop (v2sf)  }
0x5f: {  	(v2sf) =	vpush v0, $0xF;
	[tilespmem:s4], [sflag:$0x1] =	stream.linear.gather [hbm4b:s23+s16], $0x80, $0x38;
	[tilespmem:$0x8200] =	vst v63  }
0x60: {  	s25 =	sand.u32 $0x1FFFFFF0, s24;
	s26 =	spop (v2sf);
	s14 =	sadd.s32 s3, s31  }
0x61: {  	[tilespmem:s21], [sflag:$0x1] =	stream.linear.gather [hbm4b:s14+s16], $0x80, $0x38;
	[tilespmem:$0x8200] =	vst v63  }
0x62: {  	s28 =	sand.u32 $0x1FFFFFF0, s26;
	s4 =	sadd.s32 s3, s25;
	s29 =	spop (v2sf)  }
0x63: {  	[tilespmem:s1], [sflag:$0x1] =	stream.linear.gather [hbm4b:s4+s16], $0x80, $0x38;
	[tilespmem:$0x8200] =	vst v63  }
0x64: {  	s14 =	sadd.s32 s3, s28;
	s30 =	sand.u32 $0x1FFFFFF0, s29;
	s31 =	spop (v2sf)  }
0x65: {  	[tilespmem:s5], [sflag:$0x1] =	stream.linear.gather [hbm4b:s14+s16], $0x80, $0x38;
	[tilespmem:$0x8200] =	vst v63  }
0x66: {  	s4 =	sand.u32 $0x1FFFFFF0, s31;
	s1 =	sadd.s32 s3, s30;
	s14 =	spop (v2sf)  }
0x67: {  	[tilespmem:s0], [sflag:$0x1] =	stream.linear.gather [hbm4b:s1+s16], $0x80, $0x38;
	[tilespmem:$0x8200] =	vst v63  }
0x68: {  	s4 =	sadd.s32 s3, s4;
	s21 =	sand.u32 $0x1FFFFFF0, s14;
	s22 =	spop (v2sf)  }
0x69: {  	[tilespmem:s12], [sflag:$0x1] =	stream.linear.gather [hbm4b:s4+s16], $0x80, $0x38;
	[tilespmem:$0x8200] =	vst v63  }
0x6a: {  	s0 =	sadd.s32 s3, s21;
	s1 =	sand.u32 $0x1FFFFFF0, s22;
	s23 =	spop (v2sf)  }
0x6b: {  	[tilespmem:s20], [sflag:$0x1] =	stream.linear.gather [hbm4b:s0+s16], $0x80, $0x38;
	[tilespmem:$0x8200] =	vst v63  }
0x6c: {  	s24 =	sand.u32 $0x1FFFFFF0, s23;
	s1 =	sadd.s32 s3, s1;
	s25 =	spop (v2sf)  }
0x6d: {  	[tilespmem:s18], [sflag:$0x1] =	stream.linear.gather [hbm4b:s1+s16], $0x80, $0x38;
	[tilespmem:$0x8200] =	vst v63  }
0x6e: {  	s26 =	sand.u32 $0x1FFFFFF0, s25;
	s28 =	spop (v2sf);
	s0 =	sadd.s32 s3, s24  }
0x6f: {  	[tilespmem:s19], [sflag:$0x1] =	stream.linear.gather [hbm4b:s0+s16], $0x80, $0x38;
	[tilespmem:$0x8200] =	vst v63  }
0x70: {  	s30 =	sadd.s32 $0x900, s17;
	s29 =	sand.u32 $0x1FFFFFF0, s28;
	s1 =	sadd.s32 s3, s26  }
0x71: {  	[tilespmem:s30], [sflag:$0x1] =	stream.linear.gather [hbm4b:s1+s16], $0x80, $0x38;
	[tilespmem:$0x8200] =	vst v63  }
0x72: {  	s31 =	sadd.s32 $0x980, s17;
	s17 =	simm.s32 $0x80;
	s0 =	sadd.s32 s3, s29  }
0x73: {  	[tilespmem:s31], [sflag:$0x1] =	stream.linear.gather [hbm4b:s0+s16], $0x80, $0x38;
	[tilespmem:$0x8200] =	vst v63  }
0x74: {  	v0 =	vld [tilespmem:s17+$0x0];
	_ =	sdelay $0x4  }
0x75: {  	v0 =	vshll.u32 v0, $0x4  }
0x76: {  	(v2sf) =	vpush v0, $0x0  }
0x77: {  	(v2sf) =	vpush v0, $0x1  }
0x78: {  	(v2sf) =	vpush v0, $0x2;
	_ =	sdelay $0x1  }
0x79: {  	(v2sf) =	vpush v0, $0x4;
	_ =	sdelay $0x1  }
0x7a: {  	(v2sf) =	vpush v0, $0x3  }
0x7b: {  	(v2sf) =	vpush v0, $0x5  }
0x7c: {  	s18 =	simm.s32 $0x2000;
	s16 =	simm.s32 $0x0;
	(v2sf) =	vpush v0, $0x6  }
.LBB2_4:
0x7d: {  	p0 =	sne.s32 s18, $0xE000  }
0x7e: {  	s0 =	sadd.s32 $0x4280, s16;
	s22 =	sadd.s32 $0x4780, s16;
	s19 =	smov.u32 s18  }
0x7f: {  	s18 =	sadd.s32 $0x2000, s18;
	s25 =	sadd.s32 $0x4580, s16;
	s20 =	sadd.s32 $0x4800, s16;
	(v2sf) =	vpush v0, $0x7  }
0x80: {  	s28 =	sadd.s32 $0x4480, s16;
	s24 =	sadd.s32 $0x4600, s16;
	s21 =	sadd.s32 $0x4880, s16  }
0x81: {  	s1 =	sadd.s32 $0x4200, s16;
	s4 =	sadd.s32 $0x4400, s16;
	(v2sf) =	vpush v0, $0x8  }
0x82: {  	s5 =	sadd.s32 $0x4500, s16;
	s17 =	sadd.s32 $0x10, s17  }
0x83: {  	s12 =	sadd.s32 $0x4300, s16;
	s23 =	sadd.s32 $0x4700, s16;
	s14 =	spop (v2sf);
	(v2sf) =	vpush v0, $0x9  }
0x84: {  	s26 =	sadd.s32 $0x4680, s16;
	s14 =	sand.u32 $0x1FFFFFF0, s14;
	s29 =	spop (v2sf)  }
0x85: {  	s14 =	sadd.s32 s3, s14;
	s29 =	sand.u32 $0x1FFFFFF0, s29;
	s30 =	spop (v2sf);
	(v2sf) =	vpush v0, $0xA  }
0x86: {  	[tilespmem:s1], [sflag:$0x2] =	stream.linear.gather [hbm4b:s14+s2], $0x80, $0x38;
	[tilespmem:$0x8200] =	vst v63  }
0x87: {  	s1 =	sadd.s32 s3, s29;
	s14 =	sadd.s32 $0x4380, s16;
	s29 =	spop (v2sf);
	(v2sf) =	vpush v0, $0xB  }
0x88: {  	[tilespmem:s0], [sflag:$0x2] =	stream.linear.gather [hbm4b:s1+s2], $0x80, $0x38;
	[tilespmem:$0x8200] =	vst v63  }
0x89: {  	s0 =	sand.u32 $0x1FFFFFF0, s30;
	s1 =	sand.u32 $0x1FFFFFF0, s29;
	s29 =	spop (v2sf);
	(v2sf) =	vpush v0, $0xC  }
0x8a: {  	s0 =	sadd.s32 s3, s0;
	s29 =	sand.u32 $0x1FFFFFF0, s29;
	s30 =	spop (v2sf)  }
0x8b: {  	[tilespmem:s12], [sflag:$0x2] =	stream.linear.gather [hbm4b:s0+s2], $0x80, $0x38;
	(v2sf) =	vpush v0, $0xD;
	[tilespmem:$0x8200] =	vst v63  }
0x8c: {  	s0 =	sadd.s32 s3, s29;
	s12 =	sand.u32 $0x1FFFFFF0, s30;
	s29 =	spop (v2sf)  }
0x8d: {  	[tilespmem:s14], [sflag:$0x2] =	stream.linear.gather [hbm4b:s0+s2], $0x80, $0x38;
	(v2sf) =	vpush v0, $0xE;
	[tilespmem:$0x8200] =	vst v63  }
0x8e: {  	s0 =	sadd.s32 s3, s1;
	s1 =	sand.u32 $0x1FFFFFF0, s29;
	s14 =	spop (v2sf)  }
0x8f: {  	[tilespmem:s4], [sflag:$0x2] =	stream.linear.gather [hbm4b:s0+s2], $0x80, $0x38;
	(v2sf) =	vpush v0, $0xF;
	[tilespmem:$0x8200] =	vst v63  }
0x90: {  	s0 =	sadd.s32 s3, s12;
	s4 =	sand.u32 $0x1FFFFFF0, s14;
	s12 =	spop (v2sf)  }
0x91: {  	[tilespmem:s28], [sflag:$0x2] =	stream.linear.gather [hbm4b:s0+s2], $0x80, $0x38;
	[tilespmem:$0x8200] =	vst v63  }
0x92: {  	s0 =	sadd.s32 s3, s1;
	s1 =	sand.u32 $0x1FFFFFF0, s12;
	s12 =	spop (v2sf)  }
0x93: {  	[tilespmem:s5], [sflag:$0x2] =	stream.linear.gather [hbm4b:s0+s2], $0x80, $0x38;
	[tilespmem:$0x8200] =	vst v63  }
0x94: {  	s0 =	sadd.s32 s3, s4;
	s4 =	sand.u32 $0x1FFFFFF0, s12;
	s5 =	spop (v2sf)  }
0x95: {  	[tilespmem:s25], [sflag:$0x2] =	stream.linear.gather [hbm4b:s0+s2], $0x80, $0x38;
	[tilespmem:$0x8200] =	vst v63  }
0x96: {  	s0 =	sadd.s32 s3, s1;
	s1 =	sand.u32 $0x1FFFFFF0, s5;
	s5 =	spop (v2sf)  }
0x97: {  	[tilespmem:s24], [sflag:$0x2] =	stream.linear.gather [hbm4b:s0+s2], $0x80, $0x38;
	[tilespmem:$0x8200] =	vst v63  }
0x98: {  	s0 =	sadd.s32 s3, s4;
	s4 =	sand.u32 $0x1FFFFFF0, s5;
	s5 =	spop (v2sf)  }
0x99: {  	[tilespmem:s26], [sflag:$0x2] =	stream.linear.gather [hbm4b:s0+s2], $0x80, $0x38;
	[tilespmem:$0x8200] =	vst v63  }
0x9a: {  	s0 =	sadd.s32 s3, s1;
	s1 =	sand.u32 $0x1FFFFFF0, s5;
	s5 =	spop (v2sf)  }
0x9b: {  	[tilespmem:s23], [sflag:$0x2] =	stream.linear.gather [hbm4b:s0+s2], $0x80, $0x38;
	[tilespmem:$0x8200] =	vst v63  }
0x9c: {  	s0 =	sadd.s32 s3, s4;
	s4 =	sand.u32 $0x1FFFFFF0, s5;
	s5 =	spop (v2sf)  }
0x9d: {  	[tilespmem:s22], [sflag:$0x2] =	stream.linear.gather [hbm4b:s0+s2], $0x80, $0x38;
	[tilespmem:$0x8200] =	vst v63  }
0x9e: {  	s0 =	sadd.s32 s3, s1;
	s1 =	sand.u32 $0x1FFFFFF0, s5;
	s5 =	spop (v2sf)  }
0x9f: {  	[tilespmem:s20], [sflag:$0x2] =	stream.linear.gather [hbm4b:s0+s2], $0x80, $0x38;
	[tilespmem:$0x8200] =	vst v63  }
0xa0: {  	s0 =	sadd.s32 s3, s4;
	s4 =	sand.u32 $0x1FFFFFF0, s5  }
0xa1: {  	[tilespmem:s21], [sflag:$0x2] =	stream.linear.gather [hbm4b:s0+s2], $0x80, $0x38;
	[tilespmem:$0x8200] =	vst v63  }
0xa2: {  	s1 =	sadd.s32 s3, s1;
	s0 =	sadd.s32 $0x4900, s16  }
0xa3: {  	[tilespmem:s0], [sflag:$0x2] =	stream.linear.gather [hbm4b:s1+s2], $0x80, $0x38;
	[tilespmem:$0x8200] =	vst v63  }
0xa4: {  	s0 =	sadd.s32 $0x4980, s16;
	s1 =	sadd.s32 s3, s4  }
0xa5: {  	[tilespmem:s0], [sflag:$0x2] =	stream.linear.gather [hbm4b:s1+s2], $0x80, $0x38;
	[tilespmem:$0x8200] =	vst v63  }
0xa6: {  	v0 =	vld [tilespmem:s17+$0x0];
	_ =	sdelay $0x4  }
0xa7: {  	v0 =	vshll.u32 v0, $0x4  }
0xa8: {  	(v2sf) =	vpush v0, $0x0  }
0xa9: {  	(v2sf) =	vpush v0, $0x1  }
0xaa: {  	(v2sf) =	vpush v0, $0x2;
	_ =	sdelay $0x1  }
0xab: {  	(v2sf) =	vpush v0, $0x4  }
.Ltmp1:
0xac: {  	(pc) =	sbr.rel @p0 .LBB2_4-.Ltmp1, $3  }
0xad: {  	(v2sf) =	vpush v0, $0x3  }
0xae: {  	(v2sf) =	vpush v0, $0x5;
	_ =	sdelay $0x1  }
0xaf: {  	s16 =	sshra.s32 s19, $0x2;
	(v2sf) =	vpush v0, $0x6  }
0xb0: {  	_ =	sdelay $0x1  }
0xb1: {  	s0 =	sadd.s32 $0x4280, s16;
	s19 =	sadd.s32 $0x4780, s16  }
0xb2: {  	s1 =	sadd.s32 $0x4580, s16;
	s17 =	sadd.s32 $0x4800, s16;
	(v2sf) =	vpush v0, $0x7;
	s4 =	sadd.s32 $0x4480, s16  }
0xb3: {  	s5 =	sadd.s32 $0x4600, s16;
	s18 =	sadd.s32 $0x4880, s16;
	s12 =	sadd.s32 $0x4200, s16  }
0xb4: {  	s14 =	sadd.s32 $0x4400, s16;
	s20 =	sadd.s32 $0x4500, s16;
	(v2sf) =	vpush v0, $0x8;
	s21 =	spop (v2sf)  }
0xb5: {  	s22 =	sadd.s32 $0x4300, s16;
	s21 =	sand.u32 $0x1FFFFFF0, s21;
	s23 =	spop (v2sf)  }
0xb6: {  	(v2sf) =	vpush v0, $0x9;
	s21 =	sadd.s32 s3, s21;
	s23 =	sand.u32 $0x1FFFFFF0, s23;
	s24 =	spop (v2sf)  }
0xb7: {  	[tilespmem:s12], [sflag:$0x2] =	stream.linear.gather [hbm4b:s21+s2], $0x80, $0x38;
	[tilespmem:$0x8200] =	vst v63  }
0xb8: {  	(v2sf) =	vpush v0, $0xA;
	s25 =	sadd.s32 s3, s23;
	s28 =	sand.u32 $0x1FFFFFF0, s24;
	s26 =	spop (v2sf)  }
0xb9: {  	[tilespmem:s0], [sflag:$0x2] =	stream.linear.gather [hbm4b:s25+s2], $0x80, $0x38;
	[tilespmem:$0x8200] =	vst v63  }
0xba: {  	s12 =	sadd.s32 $0x4700, s16;
	(v2sf) =	vpush v0, $0xB;
	s21 =	sadd.s32 s3, s28;
	s29 =	spop (v2sf)  }
0xbb: {  	s0 =	sadd.s32 $0x4680, s16;
	s25 =	sadd.s32 $0x4380, s16;
	s24 =	sand.u32 $0x1FFFFFF0, s29  }
0xbc: {  	(v2sf) =	vpush v0, $0xC;
	[tilespmem:s22], [sflag:$0x2] =	stream.linear.gather [hbm4b:s21+s2], $0x80, $0x38;
	[tilespmem:$0x8200] =	vst v63  }
0xbd: {  	s30 =	sand.u32 $0x1FFFFFF0, s26;
	s26 =	spop (v2sf);
	s28 =	sadd.s32 s3, s24  }
0xbe: {  	(v2sf) =	vpush v0, $0xD;
	[tilespmem:s25], [sflag:$0x2] =	stream.linear.gather [hbm4b:s28+s2], $0x80, $0x38;
	[tilespmem:$0x8200] =	vst v63  }
0xbf: {  	s21 =	sadd.s32 s3, s30;
	s22 =	sand.u32 $0x1FFFFFF0, s26;
	s29 =	spop (v2sf)  }
0xc0: {  	(v2sf) =	vpush v0, $0xE;
	[tilespmem:s14], [sflag:$0x2] =	stream.linear.gather [hbm4b:s21+s2], $0x80, $0x38;
	[tilespmem:$0x8200] =	vst v63  }
0xc1: {  	s22 =	sadd.s32 s3, s22;
	s30 =	sand.u32 $0x1FFFFFF0, s29;
	s23 =	spop (v2sf)  }
0xc2: {  	(v2sf) =	vpush v0, $0xF;
	[tilespmem:s4], [sflag:$0x2] =	stream.linear.gather [hbm4b:s22+s2], $0x80, $0x38;
	[tilespmem:$0x8200] =	vst v63  }
0xc3: {  	s24 =	sand.u32 $0x1FFFFFF0, s23;
	s25 =	spop (v2sf);
	s14 =	sadd.s32 s3, s30  }
0xc4: {  	[tilespmem:s20], [sflag:$0x2] =	stream.linear.gather [hbm4b:s14+s2], $0x80, $0x38;
	[tilespmem:$0x8200] =	vst v63  }
0xc5: {  	s26 =	sand.u32 $0x1FFFFFF0, s25;
	s4 =	sadd.s32 s3, s24;
	s28 =	spop (v2sf)  }
0xc6: {  	[tilespmem:s1], [sflag:$0x2] =	stream.linear.gather [hbm4b:s4+s2], $0x80, $0x38;
	[tilespmem:$0x8200] =	vst v63  }
0xc7: {  	s14 =	sadd.s32 s3, s26;
	s29 =	sand.u32 $0x1FFFFFF0, s28;
	s30 =	spop (v2sf)  }
0xc8: {  	[tilespmem:s5], [sflag:$0x2] =	stream.linear.gather [hbm4b:s14+s2], $0x80, $0x38;
	[tilespmem:$0x8200] =	vst v63  }
0xc9: {  	s4 =	sand.u32 $0x1FFFFFF0, s30;
	s1 =	sadd.s32 s3, s29;
	s14 =	spop (v2sf)  }
0xca: {  	[tilespmem:s0], [sflag:$0x2] =	stream.linear.gather [hbm4b:s1+s2], $0x80, $0x38;
	[tilespmem:$0x8200] =	vst v63  }
0xcb: {  	s4 =	sadd.s32 s3, s4;
	s20 =	sand.u32 $0x1FFFFFF0, s14;
	s21 =	spop (v2sf)  }
0xcc: {  	[tilespmem:s12], [sflag:$0x2] =	stream.linear.gather [hbm4b:s4+s2], $0x80, $0x38;
	[tilespmem:$0x8200] =	vst v63  }
0xcd: {  	s0 =	sadd.s32 s3, s20;
	s1 =	sand.u32 $0x1FFFFFF0, s21;
	s22 =	spop (v2sf)  }
0xce: {  	[tilespmem:s19], [sflag:$0x2] =	stream.linear.gather [hbm4b:s0+s2], $0x80, $0x38;
	[tilespmem:$0x8200] =	vst v63  }
0xcf: {  	s23 =	sand.u32 $0x1FFFFFF0, s22;
	s1 =	sadd.s32 s3, s1;
	s24 =	spop (v2sf)  }
0xd0: {  	[tilespmem:s17], [sflag:$0x2] =	stream.linear.gather [hbm4b:s1+s2], $0x80, $0x38;
	[tilespmem:$0x8200] =	vst v63  }
0xd1: {  	s25 =	sand.u32 $0x1FFFFFF0, s24;
	s26 =	spop (v2sf);
	s0 =	sadd.s32 s3, s23  }
0xd2: {  	[tilespmem:s18], [sflag:$0x2] =	stream.linear.gather [hbm4b:s0+s2], $0x80, $0x38;
	[tilespmem:$0x8200] =	vst v63  }
0xd3: {  	s29 =	sadd.s32 $0x4900, s16;
	s28 =	sand.u32 $0x1FFFFFF0, s26;
	s1 =	sadd.s32 s3, s25  }
0xd4: {  	[tilespmem:s29], [sflag:$0x2] =	stream.linear.gather [hbm4b:s1+s2], $0x80, $0x38;
	[tilespmem:$0x8200] =	vst v63  }
0xd5: {  	s30 =	sadd.s32 $0x4980, s16;
	s0 =	sadd.s32 s3, s28  }
0xd6: {  	[tilespmem:s30], [sflag:$0x2] =	stream.linear.gather [hbm4b:s0+s2], $0x80, $0x38;
	[tilespmem:$0x8200] =	vst v63  }
0xd7: {  	_ =	swait.ge [sflag:s11], $0x80  }
0xd8: {  	[sflag:s11] =	ssyncset.done $0x0  }
0xd9: {  	[sflag:s11] =	ssyncadd.s32 $0xFFFFFF80  }
0xda: {  	_ =	swait.ge [sflag:s11], $0x80  }
0xdb: {  	[sflag:s11] =	ssyncset.done $0x0  }
0xdc: {  	[sflag:s11] =	ssyncadd.s32 $0xFFFFFF80  }
0xdd: {  	_ =	swait.ge [sflag:s11], $0x80  }
0xde: {  	[sflag:s11] =	ssyncset.done $0x0  }
0xdf: {  	[sflag:s11] =	ssyncadd.s32 $0xFFFFFF80  }
0xe0: {  	_ =	swait.ge [sflag:s11], $0x80  }
0xe1: {  	[sflag:s11] =	ssyncset.done $0x0  }
0xe2: {  	[sflag:s11] =	ssyncadd.s32 $0xFFFFFF80  }
0xe3: {  	_ =	swait.ge [sflag:s11], $0x80  }
0xe4: {  	[sflag:s11] =	ssyncset.done $0x0  }
0xe5: {  	[sflag:s11] =	ssyncadd.s32 $0xFFFFFF80  }
0xe6: {  	_ =	swait.ge [sflag:s11], $0x80  }
0xe7: {  	[sflag:s11] =	ssyncset.done $0x0  }
0xe8: {  	[sflag:s11] =	ssyncadd.s32 $0xFFFFFF80  }
0xe9: {  	_ =	swait.ge [sflag:s11], $0x80  }
0xea: {  	[sflag:s11] =	ssyncset.done $0x0  }
0xeb: {  	[sflag:s11] =	ssyncadd.s32 $0xFFFFFF80  }
0xec: {  	_ =	swait.ge [sflag:s11], $0x80  }
0xed: {  	[sflag:s11] =	ssyncset.done $0x0  }
0xee: {  	[sflag:s11] =	ssyncadd.s32 $0xFFFFFF80  }
0xef: {  	_ =	swait.ge [sflag:s11], $0x80  }
0xf0: {  	[sflag:s11] =	ssyncset.done $0x0  }
0xf1: {  	[sflag:s11] =	ssyncadd.s32 $0xFFFFFF80  }
0xf2: {  	_ =	swait.ge [sflag:s11], $0x80  }
0xf3: {  	[sflag:s11] =	ssyncset.done $0x0  }
0xf4: {  	[sflag:s11] =	ssyncadd.s32 $0xFFFFFF80  }
0xf5: {  	_ =	swait.ge [sflag:s11], $0x80  }
0xf6: {  	[sflag:s11] =	ssyncset.done $0x0  }
0xf7: {  	[sflag:s11] =	ssyncadd.s32 $0xFFFFFF80  }
0xf8: {  	_ =	swait.ge [sflag:s11], $0x80  }
0xf9: {  	[sflag:s11] =	ssyncset.done $0x0  }
0xfa: {  	[sflag:s11] =	ssyncadd.s32 $0xFFFFFF80  }
0xfb: {  	_ =	swait.ge [sflag:s11], $0x80  }
0xfc: {  	[sflag:s11] =	ssyncset.done $0x0  }
0xfd: {  	[sflag:s11] =	ssyncadd.s32 $0xFFFFFF80  }
0xfe: {  	_ =	swait.ge [sflag:s11], $0x80  }
0xff: {  	[sflag:s11] =	ssyncset.done $0x0  }
0x100: {  	[sflag:s11] =	ssyncadd.s32 $0xFFFFFF80  }
0x101: {  	_ =	swait.ge [sflag:s11], $0x80  }
0x102: {  	[sflag:s11] =	ssyncset.done $0x0  }
0x103: {  	[sflag:s11] =	ssyncadd.s32 $0xFFFFFF80  }
0x104: {  	_ =	swait.ge [sflag:s11], $0x80  }
0x105: {  	s31 =	simm.s32 $0x200;
	s16 =	simm.s32 $0x7;
	[sflag:s11] =	ssyncset.done $0x0  }
.LBB2_6:
0x106: {  	p0 =	sne.s32 s16, $0x1;
	s16 =	sadd.s32 $0xFFFFFFFF, s16;
	[sflag:s11] =	ssyncadd.s32 $0xFFFFFF80  }
0x107: {  	_ =	swait.ge [sflag:s11], $0x80  }
0x108: {  	[sflag:s11] =	ssyncset.done $0x0  }
0x109: {  	[sflag:s11] =	ssyncadd.s32 $0xFFFFFF80  }
0x10a: {  	_ =	swait.ge [sflag:s11], $0x80  }
0x10b: {  	[sflag:s11] =	ssyncset.done $0x0  }
0x10c: {  	[sflag:s11] =	ssyncadd.s32 $0xFFFFFF80  }
0x10d: {  	_ =	swait.ge [sflag:s11], $0x80  }
0x10e: {  	[sflag:s11] =	ssyncset.done $0x0  }
0x10f: {  	[sflag:s11] =	ssyncadd.s32 $0xFFFFFF80  }
0x110: {  	_ =	swait.ge [sflag:s11], $0x80  }
0x111: {  	[sflag:s11] =	ssyncset.done $0x0  }
0x112: {  	[sflag:s11] =	ssyncadd.s32 $0xFFFFFF80  }
0x113: {  	_ =	swait.ge [sflag:s11], $0x80  }
0x114: {  	[sflag:s11] =	ssyncset.done $0x0  }
0x115: {  	[sflag:s11] =	ssyncadd.s32 $0xFFFFFF80  }
0x116: {  	_ =	swait.ge [sflag:s11], $0x80  }
0x117: {  	[sflag:s11] =	ssyncset.done $0x0  }
0x118: {  	[sflag:s11] =	ssyncadd.s32 $0xFFFFFF80  }
0x119: {  	_ =	swait.ge [sflag:s11], $0x80  }
0x11a: {  	[sflag:s11] =	ssyncset.done $0x0  }
0x11b: {  	[sflag:s11] =	ssyncadd.s32 $0xFFFFFF80  }
0x11c: {  	_ =	swait.ge [sflag:s11], $0x80  }
0x11d: {  	[sflag:s11] =	ssyncset.done $0x0  }
0x11e: {  	[sflag:s11] =	ssyncadd.s32 $0xFFFFFF80  }
0x11f: {  	_ =	swait.ge [sflag:s11], $0x80  }
0x120: {  	[sflag:s11] =	ssyncset.done $0x0  }
0x121: {  	[sflag:s11] =	ssyncadd.s32 $0xFFFFFF80  }
0x122: {  	_ =	swait.ge [sflag:s11], $0x80  }
0x123: {  	[sflag:s11] =	ssyncset.done $0x0  }
0x124: {  	[sflag:s11] =	ssyncadd.s32 $0xFFFFFF80  }
0x125: {  	_ =	swait.ge [sflag:s11], $0x80  }
0x126: {  	[sflag:s11] =	ssyncset.done $0x0  }
0x127: {  	[sflag:s11] =	ssyncadd.s32 $0xFFFFFF80  }
0x128: {  	_ =	swait.ge [sflag:s11], $0x80  }
0x129: {  	[sflag:s11] =	ssyncset.done $0x0  }
0x12a: {  	[sflag:s11] =	ssyncadd.s32 $0xFFFFFF80  }
0x12b: {  	_ =	swait.ge [sflag:s11], $0x80  }
0x12c: {  	[sflag:s11] =	ssyncset.done $0x0  }
0x12d: {  	[sflag:s11] =	ssyncadd.s32 $0xFFFFFF80  }
0x12e: {  	_ =	swait.ge [sflag:s11], $0x80  }
0x12f: {  	[sflag:s11] =	ssyncset.done $0x0  }
0x130: {  	[sflag:s11] =	ssyncadd.s32 $0xFFFFFF80  }
.Ltmp2:
0x131: {  	_ =	swait.ge [sflag:s11], $0x80;
	(pc) =	sbr.rel @p0 .LBB2_6-.Ltmp2, $4  }
0x132: {  	[sflag:s11] =	ssyncset.done $0x0  }
0x133: {  	[sflag:s11] =	ssyncadd.s32 $0xFFFFFF80  }
0x134: {  	_ =	swait.ge [sflag:s11], $0x80  }
0x135: {  	[sflag:s11] =	ssyncset.done $0x0  }
0x136: {  	[sflag:s11] =	ssyncadd.s32 $0xFFFFFF80;
	s0 =	simm.s32 $0x0;
	s1 =	rddreg [dreg:$0x4]  }
0x137: {  	[hbm4b:s1+s0] =	stream.linear.scatter [tilespmem:s31], [sflag:$0x3], $0x4000, $0x38;
	[tilespmem:$0x8200] =	vst v63  }
0x138: {  	_ =	swait.ge [sflag:s10], $0x4000  }
0x139: {  	[sflag:s10] =	ssyncset.done $0x0  }
0x13a: {  	s17 =	simm.s32 $0x100;
	[sflag:s10] =	ssyncadd.s32 $0xFFFFC000  }
0x13b: {  	v0 =	vld [tilespmem:s17+$0x0];
	_ =	sdelay $0x4  }
0x13c: {  	v0 =	vshll.u32 v0, $0x4  }
0x13d: {  	(v2sf) =	vpush v0, $0x0  }
0x13e: {  	(v2sf) =	vpush v0, $0x1  }
0x13f: {  	(v2sf) =	vpush v0, $0x2;
	_ =	sdelay $0x1  }
0x140: {  	(v2sf) =	vpush v0, $0x4;
	_ =	sdelay $0x1  }
0x141: {  	(v2sf) =	vpush v0, $0x3  }
0x142: {  	(v2sf) =	vpush v0, $0x5  }
0x143: {  	s18 =	simm.s32 $0x2000;
	s16 =	simm.s32 $0x0;
	(v2sf) =	vpush v0, $0x6  }
.LBB2_8:
0x144: {  	p0 =	sne.s32 s18, $0xE000  }
0x145: {  	s0 =	sadd.s32 $0x280, s16;
	s22 =	sadd.s32 $0x780, s16;
	s19 =	smov.u32 s18  }
0x146: {  	s18 =	sadd.s32 $0x2000, s18;
	s25 =	sadd.s32 $0x580, s16;
	s20 =	sadd.s32 $0x800, s16;
	(v2sf) =	vpush v0, $0x7  }
0x147: {  	s28 =	sadd.s32 $0x480, s16;
	s24 =	sadd.s32 $0x600, s16;
	s21 =	sadd.s32 $0x880, s16  }
0x148: {  	s1 =	sadd.s32 $0x200, s16;
	s4 =	sadd.s32 $0x400, s16;
	(v2sf) =	vpush v0, $0x8  }
0x149: {  	s5 =	sadd.s32 $0x500, s16;
	s17 =	sadd.s32 $0x10, s17  }
0x14a: {  	s12 =	sadd.s32 $0x300, s16;
	s23 =	sadd.s32 $0x700, s16;
	s14 =	spop (v2sf);
	(v2sf) =	vpush v0, $0x9  }
0x14b: {  	s26 =	sadd.s32 $0x680, s16;
	s14 =	sand.u32 $0x1FFFFFF0, s14;
	s29 =	spop (v2sf)  }
0x14c: {  	s14 =	sadd.s32 s3, s14;
	s29 =	sand.u32 $0x1FFFFFF0, s29;
	s30 =	spop (v2sf);
	(v2sf) =	vpush v0, $0xA  }
0x14d: {  	[tilespmem:s1], [sflag:$0x1] =	stream.linear.gather [hbm4b:s14+s2], $0x80, $0x38;
	[tilespmem:$0x8200] =	vst v63  }
0x14e: {  	s1 =	sadd.s32 s3, s29;
	s14 =	sadd.s32 $0x380, s16;
	s29 =	spop (v2sf);
	(v2sf) =	vpush v0, $0xB  }
0x14f: {  	[tilespmem:s0], [sflag:$0x1] =	stream.linear.gather [hbm4b:s1+s2], $0x80, $0x38;
	[tilespmem:$0x8200] =	vst v63  }
0x150: {  	s0 =	sand.u32 $0x1FFFFFF0, s30;
	s1 =	sand.u32 $0x1FFFFFF0, s29;
	s29 =	spop (v2sf);
	(v2sf) =	vpush v0, $0xC  }
0x151: {  	s0 =	sadd.s32 s3, s0;
	s29 =	sand.u32 $0x1FFFFFF0, s29;
	s30 =	spop (v2sf)  }
0x152: {  	[tilespmem:s12], [sflag:$0x1] =	stream.linear.gather [hbm4b:s0+s2], $0x80, $0x38;
	(v2sf) =	vpush v0, $0xD;
	[tilespmem:$0x8200] =	vst v63  }
0x153: {  	s0 =	sadd.s32 s3, s29;
	s12 =	sand.u32 $0x1FFFFFF0, s30;
	s29 =	spop (v2sf)  }
0x154: {  	[tilespmem:s14], [sflag:$0x1] =	stream.linear.gather [hbm4b:s0+s2], $0x80, $0x38;
	(v2sf) =	vpush v0, $0xE;
	[tilespmem:$0x8200] =	vst v63  }
0x155: {  	s0 =	sadd.s32 s3, s1;
	s1 =	sand.u32 $0x1FFFFFF0, s29;
	s14 =	spop (v2sf)  }
0x156: {  	[tilespmem:s4], [sflag:$0x1] =	stream.linear.gather [hbm4b:s0+s2], $0x80, $0x38;
	(v2sf) =	vpush v0, $0xF;
	[tilespmem:$0x8200] =	vst v63  }
0x157: {  	s0 =	sadd.s32 s3, s12;
	s4 =	sand.u32 $0x1FFFFFF0, s14;
	s12 =	spop (v2sf)  }
0x158: {  	[tilespmem:s28], [sflag:$0x1] =	stream.linear.gather [hbm4b:s0+s2], $0x80, $0x38;
	[tilespmem:$0x8200] =	vst v63  }
0x159: {  	s0 =	sadd.s32 s3, s1;
	s1 =	sand.u32 $0x1FFFFFF0, s12;
	s12 =	spop (v2sf)  }
0x15a: {  	[tilespmem:s5], [sflag:$0x1] =	stream.linear.gather [hbm4b:s0+s2], $0x80, $0x38;
	[tilespmem:$0x8200] =	vst v63  }
0x15b: {  	s0 =	sadd.s32 s3, s4;
	s4 =	sand.u32 $0x1FFFFFF0, s12;
	s5 =	spop (v2sf)  }
0x15c: {  	[tilespmem:s25], [sflag:$0x1] =	stream.linear.gather [hbm4b:s0+s2], $0x80, $0x38;
	[tilespmem:$0x8200] =	vst v63  }
0x15d: {  	s0 =	sadd.s32 s3, s1;
	s1 =	sand.u32 $0x1FFFFFF0, s5;
	s5 =	spop (v2sf)  }
0x15e: {  	[tilespmem:s24], [sflag:$0x1] =	stream.linear.gather [hbm4b:s0+s2], $0x80, $0x38;
	[tilespmem:$0x8200] =	vst v63  }
0x15f: {  	s0 =	sadd.s32 s3, s4;
	s4 =	sand.u32 $0x1FFFFFF0, s5;
	s5 =	spop (v2sf)  }
0x160: {  	[tilespmem:s26], [sflag:$0x1] =	stream.linear.gather [hbm4b:s0+s2], $0x80, $0x38;
	[tilespmem:$0x8200] =	vst v63  }
0x161: {  	s0 =	sadd.s32 s3, s1;
	s1 =	sand.u32 $0x1FFFFFF0, s5;
	s5 =	spop (v2sf)  }
0x162: {  	[tilespmem:s23], [sflag:$0x1] =	stream.linear.gather [hbm4b:s0+s2], $0x80, $0x38;
	[tilespmem:$0x8200] =	vst v63  }
0x163: {  	s0 =	sadd.s32 s3, s4;
	s4 =	sand.u32 $0x1FFFFFF0, s5;
	s5 =	spop (v2sf)  }
0x164: {  	[tilespmem:s22], [sflag:$0x1] =	stream.linear.gather [hbm4b:s0+s2], $0x80, $0x38;
	[tilespmem:$0x8200] =	vst v63  }
0x165: {  	s0 =	sadd.s32 s3, s1;
	s1 =	sand.u32 $0x1FFFFFF0, s5;
	s5 =	spop (v2sf)  }
0x166: {  	[tilespmem:s20], [sflag:$0x1] =	stream.linear.gather [hbm4b:s0+s2], $0x80, $0x38;
	[tilespmem:$0x8200] =	vst v63  }
0x167: {  	s0 =	sadd.s32 s3, s4;
	s4 =	sand.u32 $0x1FFFFFF0, s5  }
0x168: {  	[tilespmem:s21], [sflag:$0x1] =	stream.linear.gather [hbm4b:s0+s2], $0x80, $0x38;
	[tilespmem:$0x8200] =	vst v63  }
0x169: {  	s1 =	sadd.s32 s3, s1;
	s0 =	sadd.s32 $0x900, s16  }
0x16a: {  	[tilespmem:s0], [sflag:$0x1] =	stream.linear.gather [hbm4b:s1+s2], $0x80, $0x38;
	[tilespmem:$0x8200] =	vst v63  }
0x16b: {  	s0 =	sadd.s32 $0x980, s16;
	s1 =	sadd.s32 s3, s4  }
0x16c: {  	[tilespmem:s0], [sflag:$0x1] =	stream.linear.gather [hbm4b:s1+s2], $0x80, $0x38;
	[tilespmem:$0x8200] =	vst v63  }
0x16d: {  	v0 =	vld [tilespmem:s17+$0x0];
	_ =	sdelay $0x4  }
0x16e: {  	v0 =	vshll.u32 v0, $0x4  }
0x16f: {  	(v2sf) =	vpush v0, $0x0  }
0x170: {  	(v2sf) =	vpush v0, $0x1  }
0x171: {  	(v2sf) =	vpush v0, $0x2;
	_ =	sdelay $0x1  }
0x172: {  	(v2sf) =	vpush v0, $0x4  }
.Ltmp3:
0x173: {  	(pc) =	sbr.rel @p0 .LBB2_8-.Ltmp3, $3  }
0x174: {  	(v2sf) =	vpush v0, $0x3  }
0x175: {  	(v2sf) =	vpush v0, $0x5;
	_ =	sdelay $0x1  }
0x176: {  	s16 =	sshra.s32 s19, $0x2;
	(v2sf) =	vpush v0, $0x6  }
0x177: {  	_ =	sdelay $0x1  }
0x178: {  	s0 =	sadd.s32 $0x280, s16;
	s19 =	sadd.s32 $0x780, s16  }
0x179: {  	s1 =	sadd.s32 $0x580, s16;
	s17 =	sadd.s32 $0x800, s16;
	(v2sf) =	vpush v0, $0x7;
	s4 =	sadd.s32 $0x480, s16  }
0x17a: {  	s5 =	sadd.s32 $0x600, s16;
	s18 =	sadd.s32 $0x880, s16;
	s12 =	sadd.s32 $0x200, s16  }
0x17b: {  	s14 =	sadd.s32 $0x400, s16;
	s20 =	sadd.s32 $0x500, s16;
	(v2sf) =	vpush v0, $0x8;
	s21 =	spop (v2sf)  }
0x17c: {  	s22 =	sadd.s32 $0x300, s16;
	s21 =	sand.u32 $0x1FFFFFF0, s21;
	s23 =	spop (v2sf)  }
0x17d: {  	(v2sf) =	vpush v0, $0x9;
	s21 =	sadd.s32 s3, s21;
	s23 =	sand.u32 $0x1FFFFFF0, s23;
	s24 =	spop (v2sf)  }
0x17e: {  	[tilespmem:s12], [sflag:$0x1] =	stream.linear.gather [hbm4b:s21+s2], $0x80, $0x38;
	[tilespmem:$0x8200] =	vst v63  }
0x17f: {  	(v2sf) =	vpush v0, $0xA;
	s25 =	sadd.s32 s3, s23;
	s28 =	sand.u32 $0x1FFFFFF0, s24;
	s26 =	spop (v2sf)  }
0x180: {  	[tilespmem:s0], [sflag:$0x1] =	stream.linear.gather [hbm4b:s25+s2], $0x80, $0x38;
	[tilespmem:$0x8200] =	vst v63  }
0x181: {  	s12 =	sadd.s32 $0x700, s16;
	(v2sf) =	vpush v0, $0xB;
	s21 =	sadd.s32 s3, s28;
	s29 =	spop (v2sf)  }
0x182: {  	s0 =	sadd.s32 $0x680, s16;
	s25 =	sadd.s32 $0x380, s16;
	s24 =	sand.u32 $0x1FFFFFF0, s29  }
0x183: {  	(v2sf) =	vpush v0, $0xC;
	[tilespmem:s22], [sflag:$0x1] =	stream.linear.gather [hbm4b:s21+s2], $0x80, $0x38;
	[tilespmem:$0x8200] =	vst v63  }
0x184: {  	s30 =	sand.u32 $0x1FFFFFF0, s26;
	s26 =	spop (v2sf);
	s28 =	sadd.s32 s3, s24  }
0x185: {  	(v2sf) =	vpush v0, $0xD;
	[tilespmem:s25], [sflag:$0x1] =	stream.linear.gather [hbm4b:s28+s2], $0x80, $0x38;
	[tilespmem:$0x8200] =	vst v63  }
0x186: {  	s21 =	sadd.s32 s3, s30;
	s22 =	sand.u32 $0x1FFFFFF0, s26;
	s29 =	spop (v2sf)  }
0x187: {  	(v2sf) =	vpush v0, $0xE;
	[tilespmem:s14], [sflag:$0x1] =	stream.linear.gather [hbm4b:s21+s2], $0x80, $0x38;
	[tilespmem:$0x8200] =	vst v63  }
0x188: {  	s22 =	sadd.s32 s3, s22;
	s30 =	sand.u32 $0x1FFFFFF0, s29;
	s23 =	spop (v2sf)  }
0x189: {  	(v2sf) =	vpush v0, $0xF;
	[tilespmem:s4], [sflag:$0x1] =	stream.linear.gather [hbm4b:s22+s2], $0x80, $0x38;
	[tilespmem:$0x8200] =	vst v63  }
0x18a: {  	s24 =	sand.u32 $0x1FFFFFF0, s23;
	s25 =	spop (v2sf);
	s14 =	sadd.s32 s3, s30  }
0x18b: {  	[tilespmem:s20], [sflag:$0x1] =	stream.linear.gather [hbm4b:s14+s2], $0x80, $0x38;
	[tilespmem:$0x8200] =	vst v63  }
0x18c: {  	s26 =	sand.u32 $0x1FFFFFF0, s25;
	s4 =	sadd.s32 s3, s24;
	s28 =	spop (v2sf)  }
0x18d: {  	[tilespmem:s1], [sflag:$0x1] =	stream.linear.gather [hbm4b:s4+s2], $0x80, $0x38;
	[tilespmem:$0x8200] =	vst v63  }
0x18e: {  	s14 =	sadd.s32 s3, s26;
	s29 =	sand.u32 $0x1FFFFFF0, s28;
	s30 =	spop (v2sf)  }
0x18f: {  	[tilespmem:s5], [sflag:$0x1] =	stream.linear.gather [hbm4b:s14+s2], $0x80, $0x38;
	[tilespmem:$0x8200] =	vst v63  }
0x190: {  	s4 =	sand.u32 $0x1FFFFFF0, s30;
	s1 =	sadd.s32 s3, s29;
	s14 =	spop (v2sf)  }
0x191: {  	[tilespmem:s0], [sflag:$0x1] =	stream.linear.gather [hbm4b:s1+s2], $0x80, $0x38;
	[tilespmem:$0x8200] =	vst v63  }
0x192: {  	s4 =	sadd.s32 s3, s4;
	s20 =	sand.u32 $0x1FFFFFF0, s14;
	s21 =	spop (v2sf)  }
0x193: {  	[tilespmem:s12], [sflag:$0x1] =	stream.linear.gather [hbm4b:s4+s2], $0x80, $0x38;
	[tilespmem:$0x8200] =	vst v63  }
0x194: {  	s0 =	sadd.s32 s3, s20;
	s1 =	sand.u32 $0x1FFFFFF0, s21;
	s22 =	spop (v2sf)  }
0x195: {  	[tilespmem:s19], [sflag:$0x1] =	stream.linear.gather [hbm4b:s0+s2], $0x80, $0x38;
	[tilespmem:$0x8200] =	vst v63  }
0x196: {  	s23 =	sand.u32 $0x1FFFFFF0, s22;
	s1 =	sadd.s32 s3, s1;
	s24 =	spop (v2sf)  }
0x197: {  	[tilespmem:s17], [sflag:$0x1] =	stream.linear.gather [hbm4b:s1+s2], $0x80, $0x38;
	[tilespmem:$0x8200] =	vst v63  }
0x198: {  	s25 =	sand.u32 $0x1FFFFFF0, s24;
	s26 =	spop (v2sf);
	s0 =	sadd.s32 s3, s23  }
0x199: {  	[tilespmem:s18], [sflag:$0x1] =	stream.linear.gather [hbm4b:s0+s2], $0x80, $0x38;
	[tilespmem:$0x8200] =	vst v63  }
0x19a: {  	s29 =	sadd.s32 $0x900, s16;
	s28 =	sand.u32 $0x1FFFFFF0, s26;
	s1 =	sadd.s32 s3, s25  }
0x19b: {  	[tilespmem:s29], [sflag:$0x1] =	stream.linear.gather [hbm4b:s1+s2], $0x80, $0x38;
	[tilespmem:$0x8200] =	vst v63  }
0x19c: {  	s30 =	sadd.s32 $0x980, s16;
	s0 =	sadd.s32 s3, s28  }
0x19d: {  	[tilespmem:s30], [sflag:$0x1] =	stream.linear.gather [hbm4b:s0+s2], $0x80, $0x38;
	[tilespmem:$0x8200] =	vst v63  }
0x19e: {  	_ =	swait.ge [sflag:s13], $0x80  }
0x19f: {  	[sflag:s13] =	ssyncset.done $0x0  }
0x1a0: {  	[sflag:s13] =	ssyncadd.s32 $0xFFFFFF80  }
0x1a1: {  	_ =	swait.ge [sflag:s13], $0x80  }
0x1a2: {  	[sflag:s13] =	ssyncset.done $0x0  }
0x1a3: {  	[sflag:s13] =	ssyncadd.s32 $0xFFFFFF80  }
0x1a4: {  	_ =	swait.ge [sflag:s13], $0x80  }
0x1a5: {  	[sflag:s13] =	ssyncset.done $0x0  }
0x1a6: {  	[sflag:s13] =	ssyncadd.s32 $0xFFFFFF80  }
0x1a7: {  	_ =	swait.ge [sflag:s13], $0x80  }
0x1a8: {  	[sflag:s13] =	ssyncset.done $0x0  }
0x1a9: {  	[sflag:s13] =	ssyncadd.s32 $0xFFFFFF80  }
0x1aa: {  	_ =	swait.ge [sflag:s13], $0x80  }
0x1ab: {  	[sflag:s13] =	ssyncset.done $0x0  }
0x1ac: {  	[sflag:s13] =	ssyncadd.s32 $0xFFFFFF80  }
0x1ad: {  	_ =	swait.ge [sflag:s13], $0x80  }
0x1ae: {  	[sflag:s13] =	ssyncset.done $0x0  }
0x1af: {  	[sflag:s13] =	ssyncadd.s32 $0xFFFFFF80  }
0x1b0: {  	_ =	swait.ge [sflag:s13], $0x80  }
0x1b1: {  	[sflag:s13] =	ssyncset.done $0x0  }
0x1b2: {  	[sflag:s13] =	ssyncadd.s32 $0xFFFFFF80  }
0x1b3: {  	_ =	swait.ge [sflag:s13], $0x80  }
0x1b4: {  	[sflag:s13] =	ssyncset.done $0x0  }
0x1b5: {  	[sflag:s13] =	ssyncadd.s32 $0xFFFFFF80  }
0x1b6: {  	_ =	swait.ge [sflag:s13], $0x80  }
0x1b7: {  	[sflag:s13] =	ssyncset.done $0x0  }
0x1b8: {  	[sflag:s13] =	ssyncadd.s32 $0xFFFFFF80  }
0x1b9: {  	_ =	swait.ge [sflag:s13], $0x80  }
0x1ba: {  	[sflag:s13] =	ssyncset.done $0x0  }
0x1bb: {  	[sflag:s13] =	ssyncadd.s32 $0xFFFFFF80  }
0x1bc: {  	_ =	swait.ge [sflag:s13], $0x80  }
0x1bd: {  	[sflag:s13] =	ssyncset.done $0x0  }
0x1be: {  	[sflag:s13] =	ssyncadd.s32 $0xFFFFFF80  }
0x1bf: {  	_ =	swait.ge [sflag:s13], $0x80  }
0x1c0: {  	[sflag:s13] =	ssyncset.done $0x0  }
0x1c1: {  	[sflag:s13] =	ssyncadd.s32 $0xFFFFFF80  }
0x1c2: {  	_ =	swait.ge [sflag:s13], $0x80  }
0x1c3: {  	[sflag:s13] =	ssyncset.done $0x0  }
0x1c4: {  	[sflag:s13] =	ssyncadd.s32 $0xFFFFFF80  }
0x1c5: {  	_ =	swait.ge [sflag:s13], $0x80  }
0x1c6: {  	[sflag:s13] =	ssyncset.done $0x0  }
0x1c7: {  	[sflag:s13] =	ssyncadd.s32 $0xFFFFFF80  }
0x1c8: {  	_ =	swait.ge [sflag:s13], $0x80  }
0x1c9: {  	[sflag:s13] =	ssyncset.done $0x0  }
0x1ca: {  	[sflag:s13] =	ssyncadd.s32 $0xFFFFFF80  }
0x1cb: {  	_ =	swait.ge [sflag:s13], $0x80  }
0x1cc: {  	s16 =	simm.s32 $0x7;
	[sflag:s13] =	ssyncset.done $0x0  }
.LBB2_10:
0x1cd: {  	p0 =	sne.s32 s16, $0x1;
	s16 =	sadd.s32 $0xFFFFFFFF, s16;
	[sflag:s13] =	ssyncadd.s32 $0xFFFFFF80  }
0x1ce: {  	_ =	swait.ge [sflag:s13], $0x80  }
0x1cf: {  	[sflag:s13] =	ssyncset.done $0x0  }
0x1d0: {  	[sflag:s13] =	ssyncadd.s32 $0xFFFFFF80  }
0x1d1: {  	_ =	swait.ge [sflag:s13], $0x80  }
0x1d2: {  	[sflag:s13] =	ssyncset.done $0x0  }
0x1d3: {  	[sflag:s13] =	ssyncadd.s32 $0xFFFFFF80  }
0x1d4: {  	_ =	swait.ge [sflag:s13], $0x80  }
0x1d5: {  	[sflag:s13] =	ssyncset.done $0x0  }
0x1d6: {  	[sflag:s13] =	ssyncadd.s32 $0xFFFFFF80  }
0x1d7: {  	_ =	swait.ge [sflag:s13], $0x80  }
0x1d8: {  	[sflag:s13] =	ssyncset.done $0x0  }
0x1d9: {  	[sflag:s13] =	ssyncadd.s32 $0xFFFFFF80  }
0x1da: {  	_ =	swait.ge [sflag:s13], $0x80  }
0x1db: {  	[sflag:s13] =	ssyncset.done $0x0  }
0x1dc: {  	[sflag:s13] =	ssyncadd.s32 $0xFFFFFF80  }
0x1dd: {  	_ =	swait.ge [sflag:s13], $0x80  }
0x1de: {  	[sflag:s13] =	ssyncset.done $0x0  }
0x1df: {  	[sflag:s13] =	ssyncadd.s32 $0xFFFFFF80  }
0x1e0: {  	_ =	swait.ge [sflag:s13], $0x80  }
0x1e1: {  	[sflag:s13] =	ssyncset.done $0x0  }
0x1e2: {  	[sflag:s13] =	ssyncadd.s32 $0xFFFFFF80  }
0x1e3: {  	_ =	swait.ge [sflag:s13], $0x80  }
0x1e4: {  	[sflag:s13] =	ssyncset.done $0x0  }
0x1e5: {  	[sflag:s13] =	ssyncadd.s32 $0xFFFFFF80  }
0x1e6: {  	_ =	swait.ge [sflag:s13], $0x80  }
0x1e7: {  	[sflag:s13] =	ssyncset.done $0x0  }
0x1e8: {  	[sflag:s13] =	ssyncadd.s32 $0xFFFFFF80  }
0x1e9: {  	_ =	swait.ge [sflag:s13], $0x80  }
0x1ea: {  	[sflag:s13] =	ssyncset.done $0x0  }
0x1eb: {  	[sflag:s13] =	ssyncadd.s32 $0xFFFFFF80  }
0x1ec: {  	_ =	swait.ge [sflag:s13], $0x80  }
0x1ed: {  	[sflag:s13] =	ssyncset.done $0x0  }
0x1ee: {  	[sflag:s13] =	ssyncadd.s32 $0xFFFFFF80  }
0x1ef: {  	_ =	swait.ge [sflag:s13], $0x80  }
0x1f0: {  	[sflag:s13] =	ssyncset.done $0x0  }
0x1f1: {  	[sflag:s13] =	ssyncadd.s32 $0xFFFFFF80  }
0x1f2: {  	_ =	swait.ge [sflag:s13], $0x80  }
0x1f3: {  	[sflag:s13] =	ssyncset.done $0x0  }
0x1f4: {  	[sflag:s13] =	ssyncadd.s32 $0xFFFFFF80  }
0x1f5: {  	_ =	swait.ge [sflag:s13], $0x80  }
0x1f6: {  	[sflag:s13] =	ssyncset.done $0x0  }
0x1f7: {  	[sflag:s13] =	ssyncadd.s32 $0xFFFFFF80  }
.Ltmp4:
0x1f8: {  	_ =	swait.ge [sflag:s13], $0x80;
	(pc) =	sbr.rel @p0 .LBB2_10-.Ltmp4, $4  }
0x1f9: {  	[sflag:s13] =	ssyncset.done $0x0  }
0x1fa: {  	[sflag:s13] =	ssyncadd.s32 $0xFFFFFF80  }
0x1fb: {  	_ =	swait.ge [sflag:s13], $0x80  }
0x1fc: {  	[sflag:s13] =	ssyncset.done $0x0  }
0x1fd: {  	[sflag:s13] =	ssyncadd.s32 $0xFFFFFF80;
	s0 =	simm.s32 $0x0;
	s1 =	simm.s32 $0x4200  }
0x1fe: {  	[hbm4b:s6+s0] =	stream.linear.scatter [tilespmem:s1], [sflag:$0x3], $0x4000, $0x38;
	[tilespmem:$0x8200] =	vst v63  }
0x1ff: {  	_ =	swait.ge [sflag:s10], $0x4000  }
0x200: {  	[sflag:s10] =	ssyncset.done $0x0  }
0x201: {  	s17 =	simm.s32 $0x180;
	[sflag:s10] =	ssyncadd.s32 $0xFFFFC000  }
0x202: {  	v0 =	vld [tilespmem:s17+$0x0];
	_ =	sdelay $0x4  }
0x203: {  	v0 =	vshll.u32 v0, $0x4  }
0x204: {  	(v2sf) =	vpush v0, $0x0  }
0x205: {  	(v2sf) =	vpush v0, $0x1  }
0x206: {  	(v2sf) =	vpush v0, $0x2;
	_ =	sdelay $0x1  }
0x207: {  	(v2sf) =	vpush v0, $0x4;
	_ =	sdelay $0x1  }
0x208: {  	(v2sf) =	vpush v0, $0x3  }
0x209: {  	(v2sf) =	vpush v0, $0x5  }
0x20a: {  	s18 =	simm.s32 $0x2000;
	s16 =	simm.s32 $0x0;
	(v2sf) =	vpush v0, $0x6  }
.LBB2_12:
0x20b: {  	p0 =	sne.s32 s18, $0xE000  }
0x20c: {  	s0 =	sadd.s32 $0x4280, s16;
	s22 =	sadd.s32 $0x4780, s16;
	s19 =	smov.u32 s18  }
0x20d: {  	s18 =	sadd.s32 $0x2000, s18;
	s25 =	sadd.s32 $0x4580, s16;
	s20 =	sadd.s32 $0x4800, s16;
	(v2sf) =	vpush v0, $0x7  }
0x20e: {  	s28 =	sadd.s32 $0x4480, s16;
	s24 =	sadd.s32 $0x4600, s16;
	s21 =	sadd.s32 $0x4880, s16  }
0x20f: {  	s1 =	sadd.s32 $0x4200, s16;
	s4 =	sadd.s32 $0x4400, s16;
	(v2sf) =	vpush v0, $0x8  }
0x210: {  	s5 =	sadd.s32 $0x4500, s16;
	s17 =	sadd.s32 $0x10, s17  }
0x211: {  	s12 =	sadd.s32 $0x4300, s16;
	s23 =	sadd.s32 $0x4700, s16;
	s14 =	spop (v2sf);
	(v2sf) =	vpush v0, $0x9  }
0x212: {  	s26 =	sadd.s32 $0x4680, s16;
	s14 =	sand.u32 $0x1FFFFFF0, s14;
	s29 =	spop (v2sf)  }
0x213: {  	s14 =	sadd.s32 s3, s14;
	s29 =	sand.u32 $0x1FFFFFF0, s29;
	s30 =	spop (v2sf);
	(v2sf) =	vpush v0, $0xA  }
0x214: {  	[tilespmem:s1], [sflag:$0x2] =	stream.linear.gather [hbm4b:s14+s2], $0x80, $0x38;
	[tilespmem:$0x8200] =	vst v63  }
0x215: {  	s1 =	sadd.s32 s3, s29;
	s14 =	sadd.s32 $0x4380, s16;
	s29 =	spop (v2sf);
	(v2sf) =	vpush v0, $0xB  }
0x216: {  	[tilespmem:s0], [sflag:$0x2] =	stream.linear.gather [hbm4b:s1+s2], $0x80, $0x38;
	[tilespmem:$0x8200] =	vst v63  }
0x217: {  	s0 =	sand.u32 $0x1FFFFFF0, s30;
	s1 =	sand.u32 $0x1FFFFFF0, s29;
	s29 =	spop (v2sf);
	(v2sf) =	vpush v0, $0xC  }
0x218: {  	s0 =	sadd.s32 s3, s0;
	s29 =	sand.u32 $0x1FFFFFF0, s29;
	s30 =	spop (v2sf)  }
0x219: {  	[tilespmem:s12], [sflag:$0x2] =	stream.linear.gather [hbm4b:s0+s2], $0x80, $0x38;
	(v2sf) =	vpush v0, $0xD;
	[tilespmem:$0x8200] =	vst v63  }
0x21a: {  	s0 =	sadd.s32 s3, s29;
	s12 =	sand.u32 $0x1FFFFFF0, s30;
	s29 =	spop (v2sf)  }
0x21b: {  	[tilespmem:s14], [sflag:$0x2] =	stream.linear.gather [hbm4b:s0+s2], $0x80, $0x38;
	(v2sf) =	vpush v0, $0xE;
	[tilespmem:$0x8200] =	vst v63  }
0x21c: {  	s0 =	sadd.s32 s3, s1;
	s1 =	sand.u32 $0x1FFFFFF0, s29;
	s14 =	spop (v2sf)  }
0x21d: {  	[tilespmem:s4], [sflag:$0x2] =	stream.linear.gather [hbm4b:s0+s2], $0x80, $0x38;
	(v2sf) =	vpush v0, $0xF;
	[tilespmem:$0x8200] =	vst v63  }
0x21e: {  	s0 =	sadd.s32 s3, s12;
	s4 =	sand.u32 $0x1FFFFFF0, s14;
	s12 =	spop (v2sf)  }
0x21f: {  	[tilespmem:s28], [sflag:$0x2] =	stream.linear.gather [hbm4b:s0+s2], $0x80, $0x38;
	[tilespmem:$0x8200] =	vst v63  }
0x220: {  	s0 =	sadd.s32 s3, s1;
	s1 =	sand.u32 $0x1FFFFFF0, s12;
	s12 =	spop (v2sf)  }
0x221: {  	[tilespmem:s5], [sflag:$0x2] =	stream.linear.gather [hbm4b:s0+s2], $0x80, $0x38;
	[tilespmem:$0x8200] =	vst v63  }
0x222: {  	s0 =	sadd.s32 s3, s4;
	s4 =	sand.u32 $0x1FFFFFF0, s12;
	s5 =	spop (v2sf)  }
0x223: {  	[tilespmem:s25], [sflag:$0x2] =	stream.linear.gather [hbm4b:s0+s2], $0x80, $0x38;
	[tilespmem:$0x8200] =	vst v63  }
0x224: {  	s0 =	sadd.s32 s3, s1;
	s1 =	sand.u32 $0x1FFFFFF0, s5;
	s5 =	spop (v2sf)  }
0x225: {  	[tilespmem:s24], [sflag:$0x2] =	stream.linear.gather [hbm4b:s0+s2], $0x80, $0x38;
	[tilespmem:$0x8200] =	vst v63  }
0x226: {  	s0 =	sadd.s32 s3, s4;
	s4 =	sand.u32 $0x1FFFFFF0, s5;
	s5 =	spop (v2sf)  }
0x227: {  	[tilespmem:s26], [sflag:$0x2] =	stream.linear.gather [hbm4b:s0+s2], $0x80, $0x38;
	[tilespmem:$0x8200] =	vst v63  }
0x228: {  	s0 =	sadd.s32 s3, s1;
	s1 =	sand.u32 $0x1FFFFFF0, s5;
	s5 =	spop (v2sf)  }
0x229: {  	[tilespmem:s23], [sflag:$0x2] =	stream.linear.gather [hbm4b:s0+s2], $0x80, $0x38;
	[tilespmem:$0x8200] =	vst v63  }
0x22a: {  	s0 =	sadd.s32 s3, s4;
	s4 =	sand.u32 $0x1FFFFFF0, s5;
	s5 =	spop (v2sf)  }
0x22b: {  	[tilespmem:s22], [sflag:$0x2] =	stream.linear.gather [hbm4b:s0+s2], $0x80, $0x38;
	[tilespmem:$0x8200] =	vst v63  }
0x22c: {  	s0 =	sadd.s32 s3, s1;
	s1 =	sand.u32 $0x1FFFFFF0, s5;
	s5 =	spop (v2sf)  }
0x22d: {  	[tilespmem:s20], [sflag:$0x2] =	stream.linear.gather [hbm4b:s0+s2], $0x80, $0x38;
	[tilespmem:$0x8200] =	vst v63  }
0x22e: {  	s0 =	sadd.s32 s3, s4;
	s4 =	sand.u32 $0x1FFFFFF0, s5  }
0x22f: {  	[tilespmem:s21], [sflag:$0x2] =	stream.linear.gather [hbm4b:s0+s2], $0x80, $0x38;
	[tilespmem:$0x8200] =	vst v63  }
0x230: {  	s1 =	sadd.s32 s3, s1;
	s0 =	sadd.s32 $0x4900, s16  }
0x231: {  	[tilespmem:s0], [sflag:$0x2] =	stream.linear.gather [hbm4b:s1+s2], $0x80, $0x38;
	[tilespmem:$0x8200] =	vst v63  }
0x232: {  	s0 =	sadd.s32 $0x4980, s16;
	s1 =	sadd.s32 s3, s4  }
0x233: {  	[tilespmem:s0], [sflag:$0x2] =	stream.linear.gather [hbm4b:s1+s2], $0x80, $0x38;
	[tilespmem:$0x8200] =	vst v63  }
0x234: {  	v0 =	vld [tilespmem:s17+$0x0];
	_ =	sdelay $0x4  }
0x235: {  	v0 =	vshll.u32 v0, $0x4  }
0x236: {  	(v2sf) =	vpush v0, $0x0  }
0x237: {  	(v2sf) =	vpush v0, $0x1  }
0x238: {  	(v2sf) =	vpush v0, $0x2;
	_ =	sdelay $0x1  }
0x239: {  	(v2sf) =	vpush v0, $0x4  }
.Ltmp5:
0x23a: {  	(pc) =	sbr.rel @p0 .LBB2_12-.Ltmp5, $3  }
0x23b: {  	(v2sf) =	vpush v0, $0x3  }
0x23c: {  	(v2sf) =	vpush v0, $0x5;
	_ =	sdelay $0x1  }
0x23d: {  	s16 =	sshra.s32 s19, $0x2;
	(v2sf) =	vpush v0, $0x6  }
0x23e: {  	_ =	sdelay $0x1  }
0x23f: {  	s0 =	sadd.s32 $0x4280, s16;
	s19 =	sadd.s32 $0x4780, s16  }
0x240: {  	s1 =	sadd.s32 $0x4580, s16;
	s17 =	sadd.s32 $0x4800, s16;
	(v2sf) =	vpush v0, $0x7;
	s4 =	sadd.s32 $0x4480, s16  }
0x241: {  	s5 =	sadd.s32 $0x4600, s16;
	s18 =	sadd.s32 $0x4880, s16;
	s12 =	sadd.s32 $0x4200, s16  }
0x242: {  	s14 =	sadd.s32 $0x4400, s16;
	s20 =	sadd.s32 $0x4500, s16;
	(v2sf) =	vpush v0, $0x8;
	s21 =	spop (v2sf)  }
0x243: {  	s22 =	sadd.s32 $0x4300, s16;
	s21 =	sand.u32 $0x1FFFFFF0, s21;
	s23 =	spop (v2sf)  }
0x244: {  	(v2sf) =	vpush v0, $0x9;
	s21 =	sadd.s32 s3, s21;
	s23 =	sand.u32 $0x1FFFFFF0, s23;
	s24 =	spop (v2sf)  }
0x245: {  	[tilespmem:s12], [sflag:$0x2] =	stream.linear.gather [hbm4b:s21+s2], $0x80, $0x38;
	[tilespmem:$0x8200] =	vst v63  }
0x246: {  	(v2sf) =	vpush v0, $0xA;
	s25 =	sadd.s32 s3, s23;
	s28 =	sand.u32 $0x1FFFFFF0, s24;
	s26 =	spop (v2sf)  }
0x247: {  	[tilespmem:s0], [sflag:$0x2] =	stream.linear.gather [hbm4b:s25+s2], $0x80, $0x38;
	[tilespmem:$0x8200] =	vst v63  }
0x248: {  	s12 =	sadd.s32 $0x4700, s16;
	(v2sf) =	vpush v0, $0xB;
	s21 =	sadd.s32 s3, s28;
	s29 =	spop (v2sf)  }
0x249: {  	s0 =	sadd.s32 $0x4680, s16;
	s25 =	sadd.s32 $0x4380, s16;
	s24 =	sand.u32 $0x1FFFFFF0, s29  }
0x24a: {  	(v2sf) =	vpush v0, $0xC;
	[tilespmem:s22], [sflag:$0x2] =	stream.linear.gather [hbm4b:s21+s2], $0x80, $0x38;
	[tilespmem:$0x8200] =	vst v63  }
0x24b: {  	s30 =	sand.u32 $0x1FFFFFF0, s26;
	s26 =	spop (v2sf);
	s28 =	sadd.s32 s3, s24  }
0x24c: {  	(v2sf) =	vpush v0, $0xD;
	[tilespmem:s25], [sflag:$0x2] =	stream.linear.gather [hbm4b:s28+s2], $0x80, $0x38;
	[tilespmem:$0x8200] =	vst v63  }
0x24d: {  	s21 =	sadd.s32 s3, s30;
	s22 =	sand.u32 $0x1FFFFFF0, s26;
	s29 =	spop (v2sf)  }
0x24e: {  	(v2sf) =	vpush v0, $0xE;
	[tilespmem:s14], [sflag:$0x2] =	stream.linear.gather [hbm4b:s21+s2], $0x80, $0x38;
	[tilespmem:$0x8200] =	vst v63  }
0x24f: {  	s22 =	sadd.s32 s3, s22;
	s30 =	sand.u32 $0x1FFFFFF0, s29;
	s23 =	spop (v2sf)  }
0x250: {  	(v2sf) =	vpush v0, $0xF;
	[tilespmem:s4], [sflag:$0x2] =	stream.linear.gather [hbm4b:s22+s2], $0x80, $0x38;
	[tilespmem:$0x8200] =	vst v63  }
0x251: {  	s24 =	sand.u32 $0x1FFFFFF0, s23;
	s25 =	spop (v2sf);
	s14 =	sadd.s32 s3, s30  }
0x252: {  	[tilespmem:s20], [sflag:$0x2] =	stream.linear.gather [hbm4b:s14+s2], $0x80, $0x38;
	[tilespmem:$0x8200] =	vst v63  }
0x253: {  	s26 =	sand.u32 $0x1FFFFFF0, s25;
	s4 =	sadd.s32 s3, s24;
	s28 =	spop (v2sf)  }
0x254: {  	[tilespmem:s1], [sflag:$0x2] =	stream.linear.gather [hbm4b:s4+s2], $0x80, $0x38;
	[tilespmem:$0x8200] =	vst v63  }
0x255: {  	s14 =	sadd.s32 s3, s26;
	s29 =	sand.u32 $0x1FFFFFF0, s28;
	s30 =	spop (v2sf)  }
0x256: {  	[tilespmem:s5], [sflag:$0x2] =	stream.linear.gather [hbm4b:s14+s2], $0x80, $0x38;
	[tilespmem:$0x8200] =	vst v63  }
0x257: {  	s4 =	sand.u32 $0x1FFFFFF0, s30;
	s1 =	sadd.s32 s3, s29;
	s14 =	spop (v2sf)  }
0x258: {  	[tilespmem:s0], [sflag:$0x2] =	stream.linear.gather [hbm4b:s1+s2], $0x80, $0x38;
	[tilespmem:$0x8200] =	vst v63  }
0x259: {  	s4 =	sadd.s32 s3, s4;
	s20 =	sand.u32 $0x1FFFFFF0, s14;
	s21 =	spop (v2sf)  }
0x25a: {  	[tilespmem:s12], [sflag:$0x2] =	stream.linear.gather [hbm4b:s4+s2], $0x80, $0x38;
	[tilespmem:$0x8200] =	vst v63  }
0x25b: {  	s0 =	sadd.s32 s3, s20;
	s1 =	sand.u32 $0x1FFFFFF0, s21;
	s22 =	spop (v2sf)  }
0x25c: {  	[tilespmem:s19], [sflag:$0x2] =	stream.linear.gather [hbm4b:s0+s2], $0x80, $0x38;
	[tilespmem:$0x8200] =	vst v63  }
0x25d: {  	s23 =	sand.u32 $0x1FFFFFF0, s22;
	s1 =	sadd.s32 s3, s1;
	s24 =	spop (v2sf)  }
0x25e: {  	[tilespmem:s17], [sflag:$0x2] =	stream.linear.gather [hbm4b:s1+s2], $0x80, $0x38;
	[tilespmem:$0x8200] =	vst v63  }
0x25f: {  	s25 =	sand.u32 $0x1FFFFFF0, s24;
	s26 =	spop (v2sf);
	s0 =	sadd.s32 s3, s23  }
0x260: {  	[tilespmem:s18], [sflag:$0x2] =	stream.linear.gather [hbm4b:s0+s2], $0x80, $0x38;
	[tilespmem:$0x8200] =	vst v63  }
0x261: {  	s29 =	sadd.s32 $0x4900, s16;
	s28 =	sand.u32 $0x1FFFFFF0, s26;
	s1 =	sadd.s32 s3, s25  }
0x262: {  	[tilespmem:s29], [sflag:$0x2] =	stream.linear.gather [hbm4b:s1+s2], $0x80, $0x38;
	[tilespmem:$0x8200] =	vst v63  }
0x263: {  	s30 =	sadd.s32 $0x4980, s16;
	s0 =	sadd.s32 s3, s28  }
0x264: {  	[tilespmem:s30], [sflag:$0x2] =	stream.linear.gather [hbm4b:s0+s2], $0x80, $0x38;
	[tilespmem:$0x8200] =	vst v63  }
0x265: {  	_ =	swait.ge [sflag:s11], $0x80  }
0x266: {  	[sflag:s11] =	ssyncset.done $0x0  }
0x267: {  	[sflag:s11] =	ssyncadd.s32 $0xFFFFFF80  }
0x268: {  	_ =	swait.ge [sflag:s11], $0x80  }
0x269: {  	[sflag:s11] =	ssyncset.done $0x0  }
0x26a: {  	[sflag:s11] =	ssyncadd.s32 $0xFFFFFF80  }
0x26b: {  	_ =	swait.ge [sflag:s11], $0x80  }
0x26c: {  	[sflag:s11] =	ssyncset.done $0x0  }
0x26d: {  	[sflag:s11] =	ssyncadd.s32 $0xFFFFFF80  }
0x26e: {  	_ =	swait.ge [sflag:s11], $0x80  }
0x26f: {  	[sflag:s11] =	ssyncset.done $0x0  }
0x270: {  	[sflag:s11] =	ssyncadd.s32 $0xFFFFFF80  }
0x271: {  	_ =	swait.ge [sflag:s11], $0x80  }
0x272: {  	[sflag:s11] =	ssyncset.done $0x0  }
0x273: {  	[sflag:s11] =	ssyncadd.s32 $0xFFFFFF80  }
0x274: {  	_ =	swait.ge [sflag:s11], $0x80  }
0x275: {  	[sflag:s11] =	ssyncset.done $0x0  }
0x276: {  	[sflag:s11] =	ssyncadd.s32 $0xFFFFFF80  }
0x277: {  	_ =	swait.ge [sflag:s11], $0x80  }
0x278: {  	[sflag:s11] =	ssyncset.done $0x0  }
0x279: {  	[sflag:s11] =	ssyncadd.s32 $0xFFFFFF80  }
0x27a: {  	_ =	swait.ge [sflag:s11], $0x80  }
0x27b: {  	[sflag:s11] =	ssyncset.done $0x0  }
0x27c: {  	[sflag:s11] =	ssyncadd.s32 $0xFFFFFF80  }
0x27d: {  	_ =	swait.ge [sflag:s11], $0x80  }
0x27e: {  	[sflag:s11] =	ssyncset.done $0x0  }
0x27f: {  	[sflag:s11] =	ssyncadd.s32 $0xFFFFFF80  }
0x280: {  	_ =	swait.ge [sflag:s11], $0x80  }
0x281: {  	[sflag:s11] =	ssyncset.done $0x0  }
0x282: {  	[sflag:s11] =	ssyncadd.s32 $0xFFFFFF80  }
0x283: {  	_ =	swait.ge [sflag:s11], $0x80  }
0x284: {  	[sflag:s11] =	ssyncset.done $0x0  }
0x285: {  	[sflag:s11] =	ssyncadd.s32 $0xFFFFFF80  }
0x286: {  	_ =	swait.ge [sflag:s11], $0x80  }
0x287: {  	[sflag:s11] =	ssyncset.done $0x0  }
0x288: {  	[sflag:s11] =	ssyncadd.s32 $0xFFFFFF80  }
0x289: {  	_ =	swait.ge [sflag:s11], $0x80  }
0x28a: {  	[sflag:s11] =	ssyncset.done $0x0  }
0x28b: {  	[sflag:s11] =	ssyncadd.s32 $0xFFFFFF80  }
0x28c: {  	_ =	swait.ge [sflag:s11], $0x80  }
0x28d: {  	[sflag:s11] =	ssyncset.done $0x0  }
0x28e: {  	[sflag:s11] =	ssyncadd.s32 $0xFFFFFF80  }
0x28f: {  	_ =	swait.ge [sflag:s11], $0x80  }
0x290: {  	[sflag:s11] =	ssyncset.done $0x0  }
0x291: {  	[sflag:s11] =	ssyncadd.s32 $0xFFFFFF80  }
0x292: {  	_ =	swait.ge [sflag:s11], $0x80  }
0x293: {  	s16 =	simm.s32 $0x7;
	[sflag:s11] =	ssyncset.done $0x0  }
.LBB2_14:
0x294: {  	p0 =	sne.s32 s16, $0x1;
	s16 =	sadd.s32 $0xFFFFFFFF, s16;
	[sflag:s11] =	ssyncadd.s32 $0xFFFFFF80  }
0x295: {  	_ =	swait.ge [sflag:s11], $0x80  }
0x296: {  	[sflag:s11] =	ssyncset.done $0x0  }
0x297: {  	[sflag:s11] =	ssyncadd.s32 $0xFFFFFF80  }
0x298: {  	_ =	swait.ge [sflag:s11], $0x80  }
0x299: {  	[sflag:s11] =	ssyncset.done $0x0  }
0x29a: {  	[sflag:s11] =	ssyncadd.s32 $0xFFFFFF80  }
0x29b: {  	_ =	swait.ge [sflag:s11], $0x80  }
0x29c: {  	[sflag:s11] =	ssyncset.done $0x0  }
0x29d: {  	[sflag:s11] =	ssyncadd.s32 $0xFFFFFF80  }
0x29e: {  	_ =	swait.ge [sflag:s11], $0x80  }
0x29f: {  	[sflag:s11] =	ssyncset.done $0x0  }
0x2a0: {  	[sflag:s11] =	ssyncadd.s32 $0xFFFFFF80  }
0x2a1: {  	_ =	swait.ge [sflag:s11], $0x80  }
0x2a2: {  	[sflag:s11] =	ssyncset.done $0x0  }
0x2a3: {  	[sflag:s11] =	ssyncadd.s32 $0xFFFFFF80  }
0x2a4: {  	_ =	swait.ge [sflag:s11], $0x80  }
0x2a5: {  	[sflag:s11] =	ssyncset.done $0x0  }
0x2a6: {  	[sflag:s11] =	ssyncadd.s32 $0xFFFFFF80  }
0x2a7: {  	_ =	swait.ge [sflag:s11], $0x80  }
0x2a8: {  	[sflag:s11] =	ssyncset.done $0x0  }
0x2a9: {  	[sflag:s11] =	ssyncadd.s32 $0xFFFFFF80  }
0x2aa: {  	_ =	swait.ge [sflag:s11], $0x80  }
0x2ab: {  	[sflag:s11] =	ssyncset.done $0x0  }
0x2ac: {  	[sflag:s11] =	ssyncadd.s32 $0xFFFFFF80  }
0x2ad: {  	_ =	swait.ge [sflag:s11], $0x80  }
0x2ae: {  	[sflag:s11] =	ssyncset.done $0x0  }
0x2af: {  	[sflag:s11] =	ssyncadd.s32 $0xFFFFFF80  }
0x2b0: {  	_ =	swait.ge [sflag:s11], $0x80  }
0x2b1: {  	[sflag:s11] =	ssyncset.done $0x0  }
0x2b2: {  	[sflag:s11] =	ssyncadd.s32 $0xFFFFFF80  }
0x2b3: {  	_ =	swait.ge [sflag:s11], $0x80  }
0x2b4: {  	[sflag:s11] =	ssyncset.done $0x0  }
0x2b5: {  	[sflag:s11] =	ssyncadd.s32 $0xFFFFFF80  }
0x2b6: {  	_ =	swait.ge [sflag:s11], $0x80  }
0x2b7: {  	[sflag:s11] =	ssyncset.done $0x0  }
0x2b8: {  	[sflag:s11] =	ssyncadd.s32 $0xFFFFFF80  }
0x2b9: {  	_ =	swait.ge [sflag:s11], $0x80  }
0x2ba: {  	[sflag:s11] =	ssyncset.done $0x0  }
0x2bb: {  	[sflag:s11] =	ssyncadd.s32 $0xFFFFFF80  }
0x2bc: {  	_ =	swait.ge [sflag:s11], $0x80  }
0x2bd: {  	[sflag:s11] =	ssyncset.done $0x0  }
0x2be: {  	[sflag:s11] =	ssyncadd.s32 $0xFFFFFF80  }
.Ltmp6:
0x2bf: {  	_ =	swait.ge [sflag:s11], $0x80;
	(pc) =	sbr.rel @p0 .LBB2_14-.Ltmp6, $4  }
0x2c0: {  	[sflag:s11] =	ssyncset.done $0x0  }
0x2c1: {  	[sflag:s11] =	ssyncadd.s32 $0xFFFFFF80  }
0x2c2: {  	_ =	swait.ge [sflag:s11], $0x80  }
0x2c3: {  	[sflag:s11] =	ssyncset.done $0x0  }
0x2c4: {  	[sflag:s11] =	ssyncadd.s32 $0xFFFFFF80  }
0x2c5: {  	[hbm4b:s7+s2] =	stream.linear.scatter [tilespmem:s31], [sflag:$0x3], $0x4000, $0x38;
	[tilespmem:$0x8200] =	vst v63  }
0x2c6: {  	_ =	swait.ge [sflag:s10], $0x4000  }
0x2c7: {  	[sflag:s10] =	ssyncset.done $0x0  }
0x2c8: {  	[sflag:s10] =	ssyncadd.s32 $0xFFFFC000  }
0x2c9: {  	_ =	swait.ge [sflag:s13], $0x80  }
0x2ca: {  	[sflag:s13] =	ssyncset.done $0x0  }
0x2cb: {  	[sflag:s13] =	ssyncadd.s32 $0xFFFFFF80  }
0x2cc: {  	_ =	swait.ge [sflag:s13], $0x80  }
0x2cd: {  	[sflag:s13] =	ssyncset.done $0x0  }
0x2ce: {  	[sflag:s13] =	ssyncadd.s32 $0xFFFFFF80  }
0x2cf: {  	_ =	swait.ge [sflag:s13], $0x80  }
0x2d0: {  	[sflag:s13] =	ssyncset.done $0x0  }
0x2d1: {  	[sflag:s13] =	ssyncadd.s32 $0xFFFFFF80  }
0x2d2: {  	_ =	swait.ge [sflag:s13], $0x80  }
0x2d3: {  	[sflag:s13] =	ssyncset.done $0x0  }
0x2d4: {  	[sflag:s13] =	ssyncadd.s32 $0xFFFFFF80  }
0x2d5: {  	_ =	swait.ge [sflag:s13], $0x80  }
0x2d6: {  	[sflag:s13] =	ssyncset.done $0x0  }
0x2d7: {  	[sflag:s13] =	ssyncadd.s32 $0xFFFFFF80  }
0x2d8: {  	_ =	swait.ge [sflag:s13], $0x80  }
0x2d9: {  	[sflag:s13] =	ssyncset.done $0x0  }
0x2da: {  	[sflag:s13] =	ssyncadd.s32 $0xFFFFFF80  }
0x2db: {  	_ =	swait.ge [sflag:s13], $0x80  }
0x2dc: {  	[sflag:s13] =	ssyncset.done $0x0  }
0x2dd: {  	[sflag:s13] =	ssyncadd.s32 $0xFFFFFF80  }
0x2de: {  	_ =	swait.ge [sflag:s13], $0x80  }
0x2df: {  	[sflag:s13] =	ssyncset.done $0x0  }
0x2e0: {  	[sflag:s13] =	ssyncadd.s32 $0xFFFFFF80  }
0x2e1: {  	_ =	swait.ge [sflag:s13], $0x80  }
0x2e2: {  	[sflag:s13] =	ssyncset.done $0x0  }
0x2e3: {  	[sflag:s13] =	ssyncadd.s32 $0xFFFFFF80  }
0x2e4: {  	_ =	swait.ge [sflag:s13], $0x80  }
0x2e5: {  	[sflag:s13] =	ssyncset.done $0x0  }
0x2e6: {  	[sflag:s13] =	ssyncadd.s32 $0xFFFFFF80  }
0x2e7: {  	_ =	swait.ge [sflag:s13], $0x80  }
0x2e8: {  	[sflag:s13] =	ssyncset.done $0x0  }
0x2e9: {  	[sflag:s13] =	ssyncadd.s32 $0xFFFFFF80  }
0x2ea: {  	_ =	swait.ge [sflag:s13], $0x80  }
0x2eb: {  	[sflag:s13] =	ssyncset.done $0x0  }
0x2ec: {  	[sflag:s13] =	ssyncadd.s32 $0xFFFFFF80  }
0x2ed: {  	_ =	swait.ge [sflag:s13], $0x80  }
0x2ee: {  	[sflag:s13] =	ssyncset.done $0x0  }
0x2ef: {  	[sflag:s13] =	ssyncadd.s32 $0xFFFFFF80  }
0x2f0: {  	_ =	swait.ge [sflag:s13], $0x80  }
0x2f1: {  	[sflag:s13] =	ssyncset.done $0x0  }
0x2f2: {  	[sflag:s13] =	ssyncadd.s32 $0xFFFFFF80  }
0x2f3: {  	_ =	swait.ge [sflag:s13], $0x80  }
0x2f4: {  	[sflag:s13] =	ssyncset.done $0x0  }
0x2f5: {  	[sflag:s13] =	ssyncadd.s32 $0xFFFFFF80  }
0x2f6: {  	_ =	swait.ge [sflag:s13], $0x80  }
0x2f7: {  	s16 =	simm.s32 $0x7;
	[sflag:s13] =	ssyncset.done $0x0  }
.LBB2_16:
0x2f8: {  	p0 =	sne.s32 s16, $0x1;
	s16 =	sadd.s32 $0xFFFFFFFF, s16;
	[sflag:s13] =	ssyncadd.s32 $0xFFFFFF80  }
0x2f9: {  	_ =	swait.ge [sflag:s13], $0x80  }
0x2fa: {  	[sflag:s13] =	ssyncset.done $0x0  }
0x2fb: {  	[sflag:s13] =	ssyncadd.s32 $0xFFFFFF80  }
0x2fc: {  	_ =	swait.ge [sflag:s13], $0x80  }
0x2fd: {  	[sflag:s13] =	ssyncset.done $0x0  }
0x2fe: {  	[sflag:s13] =	ssyncadd.s32 $0xFFFFFF80  }
0x2ff: {  	_ =	swait.ge [sflag:s13], $0x80  }
0x300: {  	[sflag:s13] =	ssyncset.done $0x0  }
0x301: {  	[sflag:s13] =	ssyncadd.s32 $0xFFFFFF80  }
0x302: {  	_ =	swait.ge [sflag:s13], $0x80  }
0x303: {  	[sflag:s13] =	ssyncset.done $0x0  }
0x304: {  	[sflag:s13] =	ssyncadd.s32 $0xFFFFFF80  }
0x305: {  	_ =	swait.ge [sflag:s13], $0x80  }
0x306: {  	[sflag:s13] =	ssyncset.done $0x0  }
0x307: {  	[sflag:s13] =	ssyncadd.s32 $0xFFFFFF80  }
0x308: {  	_ =	swait.ge [sflag:s13], $0x80  }
0x309: {  	[sflag:s13] =	ssyncset.done $0x0  }
0x30a: {  	[sflag:s13] =	ssyncadd.s32 $0xFFFFFF80  }
0x30b: {  	_ =	swait.ge [sflag:s13], $0x80  }
0x30c: {  	[sflag:s13] =	ssyncset.done $0x0  }
0x30d: {  	[sflag:s13] =	ssyncadd.s32 $0xFFFFFF80  }
0x30e: {  	_ =	swait.ge [sflag:s13], $0x80  }
0x30f: {  	[sflag:s13] =	ssyncset.done $0x0  }
0x310: {  	[sflag:s13] =	ssyncadd.s32 $0xFFFFFF80  }
0x311: {  	_ =	swait.ge [sflag:s13], $0x80  }
0x312: {  	[sflag:s13] =	ssyncset.done $0x0  }
0x313: {  	[sflag:s13] =	ssyncadd.s32 $0xFFFFFF80  }
0x314: {  	_ =	swait.ge [sflag:s13], $0x80  }
0x315: {  	[sflag:s13] =	ssyncset.done $0x0  }
0x316: {  	[sflag:s13] =	ssyncadd.s32 $0xFFFFFF80  }
0x317: {  	_ =	swait.ge [sflag:s13], $0x80  }
0x318: {  	[sflag:s13] =	ssyncset.done $0x0  }
0x319: {  	[sflag:s13] =	ssyncadd.s32 $0xFFFFFF80  }
0x31a: {  	_ =	swait.ge [sflag:s13], $0x80  }
0x31b: {  	[sflag:s13] =	ssyncset.done $0x0  }
0x31c: {  	[sflag:s13] =	ssyncadd.s32 $0xFFFFFF80  }
0x31d: {  	_ =	swait.ge [sflag:s13], $0x80  }
0x31e: {  	[sflag:s13] =	ssyncset.done $0x0  }
0x31f: {  	[sflag:s13] =	ssyncadd.s32 $0xFFFFFF80  }
0x320: {  	_ =	swait.ge [sflag:s13], $0x80  }
0x321: {  	[sflag:s13] =	ssyncset.done $0x0  }
0x322: {  	[sflag:s13] =	ssyncadd.s32 $0xFFFFFF80  }
.Ltmp7:
0x323: {  	_ =	swait.ge [sflag:s13], $0x80;
	(pc) =	sbr.rel @p0 .LBB2_16-.Ltmp7, $4  }
0x324: {  	[sflag:s13] =	ssyncset.done $0x0  }
0x325: {  	[sflag:s13] =	ssyncadd.s32 $0xFFFFFF80  }
0x326: {  	_ =	swait.ge [sflag:s13], $0x80  }
0x327: {  	[sflag:s13] =	ssyncset.done $0x0  }
0x328: {  	s15 =	sadd.s32 $0x1, s15  }
0x329: {  	p0 =	sne.s32 s15, s9  }
.Ltmp8:
0x32a: {  	[sflag:s13] =	ssyncadd.s32 $0xFFFFFF80;
	s0 =	simm.s32 $0x4200;
	(pc) =	sbr.rel @p0 .LBB2_1-.Ltmp8, $4  }
0x32b: {  	[hbm4b:s8+s2] =	stream.linear.scatter [tilespmem:s0], [sflag:$0x3], $0x4000, $0x38;
	[tilespmem:$0x8200] =	vst v63  }
0x32c: {  	_ =	swait.ge [sflag:s10], $0x4000  }
0x32d: {  	[sflag:s10] =	ssyncset.done $0x0  }
0x32e: {  	[sflag:s10] =	ssyncadd.s32 $0xFFFFC000  }
0x32f: {  	_ =	sfence.sel $0x180000  }
0x330: {  	[bflag:$0x0] =	sbarrier.arrive $0xFFFF  }
0x331: {  	_ =	strace $0x9000004A  }
0x332: {  	s0 =	stileid.u32;
	[bflag:$0x2] =	sbarrier.arrive $0xFFFF  }
0x333: {  	p0 =	sne.s32 s0, $0x0;
	s0 =	rddreg [dreg:$0x2]  }
0x334: {  	s0 =	sadd.s32 @!p0 $0x100000, s0  }
0x335: {  	[sflag:s0] =	ssyncadd.tile.s32 @!p0 $0x1;
	_ =	shalt  }
.Lfunc_end2:
_tile_overlayer_lowered:
.L_overlay_start_2:
0x336: {  	(tag) =	ssettag $0x2  }
0x337: {  	s0 =	rddreg [dreg:$0x0];
	s2 =	stileid.u32  }
0x338: {  	s1 =	rddreg [dreg:$0x1];
	p0 =	sne.s32 s2, $0x0  }
0x339: {  	s3 =	rddreg [dreg:$0x2];
	[bflag:$0x3] =	sbarrier.arrive $0xFFFF;
	s2 =	simm.s32 @!p0 $0x1C03  }
0x33a: {  	[timem:s3], [sflag:s2] =	dma.local @!p0 [hbm:s0], s1  }
0x33b: {  	s0 =	simm.s32 @!p0 $0x3  }
0x33c: {  	_ =	swait.ge @!p0 [sflag:s0], s1  }
0x33d: {  	s1 =	ssub.s32 @!p0 $0x0, s1;
	[sflag:s0] =	ssyncset.done @!p0 $0x0  }
0x33e: {  	[sflag:s0] =	ssyncadd.s32 @!p0 s1  }
0x33f: {  	[bflag:$0x3] =	sbarrier.arrive $0xFFFF  }
0x340: {  	_ =	shalt  }

</sc_bundles>
